<compile_context>
chip_gen: v7x
topology: tpu7x:2x2x1
jax: 0.10.2.dev20260603
libtpu: 0.0.44.dev20260713+nightly
codegen_flags: <defaults>
</compile_context>

<pallas_src>
import functools

import jax
import jax.numpy as jnp
from jax import lax
from jax.experimental import pallas as pl
from jax.experimental.pallas import tpu as pltpu
from jax.experimental.pallas import tpu_sc as plsc

_NC = 2
_NS = 16
_NW = _NC * _NS
_CHUNK = 112
_DEPTH = 4


def _sc_gather_pair(ids_flat, elem_weight, hnet_weight):
    n = ids_flat.shape[0]
    emb = elem_weight.shape[1]
    per_w = n // _NW
    n_chunks = per_w // _CHUNK
    assert n_chunks % _DEPTH == 0
    mesh = plsc.VectorSubcoreMesh(core_axis_name="c", subcore_axis_name="s")

    buf_types = []
    for _ in range(_DEPTH):
        buf_types.append(pltpu.VMEM((_CHUNK, emb), jnp.float32))
        buf_types.append(pltpu.VMEM((_CHUNK, emb), jnp.float32))
        buf_types.append(pltpu.SemaphoreType.DMA)
        buf_types.append(pltpu.SemaphoreType.DMA)
        buf_types.append(pltpu.SemaphoreType.DMA)
        buf_types.append(pltpu.SemaphoreType.DMA)

    @functools.partial(
        pl.kernel,
        out_type=(
            jax.ShapeDtypeStruct((n, emb), jnp.float32),
            jax.ShapeDtypeStruct((n, emb), jnp.float32),
        ),
        mesh=mesh,
        scratch_types=[pltpu.VMEM((per_w,), jnp.int32)] + buf_types,
        compiler_params=pltpu.CompilerParams(use_tc_tiling_on_sc=True),
    )
    def sc_gather(ids_hbm, elem_hbm, hnet_hbm, out_e, out_h, idx_all, *bufs):
        ebuf = [bufs[6 * s] for s in range(_DEPTH)]
        hbuf = [bufs[6 * s + 1] for s in range(_DEPTH)]
        sem_ge = [bufs[6 * s + 2] for s in range(_DEPTH)]
        sem_gh = [bufs[6 * s + 3] for s in range(_DEPTH)]
        sem_we = [bufs[6 * s + 4] for s in range(_DEPTH)]
        sem_wh = [bufs[6 * s + 5] for s in range(_DEPTH)]

        wid = lax.axis_index("s") * _NC + lax.axis_index("c")
        base = wid * per_w
        pltpu.sync_copy(ids_hbm.at[pl.ds(base, per_w)], idx_all)

        def g_copies(s, chunk):
            isl = idx_all.at[pl.ds(chunk * _CHUNK, _CHUNK)]
            return (
                pltpu.make_async_copy(elem_hbm.at[isl], ebuf[s], sem_ge[s]),
                pltpu.make_async_copy(hnet_hbm.at[isl], hbuf[s], sem_gh[s]),
            )

        def w_copies(s, chunk):
            off = base + chunk * _CHUNK
            return (
                pltpu.make_async_copy(
                    ebuf[s], out_e.at[pl.ds(off, _CHUNK)], sem_we[s]),
                pltpu.make_async_copy(
                    hbuf[s], out_h.at[pl.ds(off, _CHUNK)], sem_wh[s]),
            )

        def fire_g(s, chunk):
            for cp in g_copies(s, chunk):
                cp.start()

        def wait_g(s, chunk):
            for cp in g_copies(s, chunk):
                cp.wait()

        def fire_w(s, chunk):
            for cp in w_copies(s, chunk):
                cp.start()

        def wait_w(s, chunk):
            for cp in w_copies(s, chunk):
                cp.wait()

        fire_g(0, 0)
        fire_g(1, 1)
        for c in (0, 1):
            wait_g(c % _DEPTH, c)
            fire_w(c % _DEPTH, c)
            fire_g((c + 2) % _DEPTH, c + 2)

        @pl.loop(0, (n_chunks - 4) // _DEPTH)
        def _(m):
            for s in range(_DEPTH):
                c = m * _DEPTH + s + 2
                sl = (s + 2) % _DEPTH
                wait_g(sl, c)
                fire_w(sl, c)
                wait_w(s, c - 2)
                fire_g(s, c + 2)

        for c in (n_chunks - 2, n_chunks - 1):
            sl = c % _DEPTH
            wait_g(sl, c)
            fire_w(sl, c)
            wait_w((c - 2) % _DEPTH, c - 2)
        wait_w((n_chunks - 2) % _DEPTH, n_chunks - 2)
        wait_w((n_chunks - 1) % _DEPTH, n_chunks - 1)

    return sc_gather(ids_flat, elem_weight, hnet_weight)


def _tc_combine(hnet3, erow3, hrow3, lin_weight, tb=128, interpret=False):
    b, l, nhp = hnet3.shape
    emb = lin_weight.shape[0]

    def body(hnet_ref, e_ref, h_ref, lin_ref, out_ref):
        for t in range(tb):
            scal = lax.dot_general(
                hnet_ref[t], lin_ref[...],
                (((1,), (1,)), ((), ())),
                preferred_element_type=jnp.float32,
            )
            out_ref[t] = e_ref[t, :l, :] + h_ref[t, :l, :] * scal

    lp = erow3.shape[1]
    return pl.pallas_call(
        body,
        grid=(b // tb,),
        in_specs=[
            pl.BlockSpec((tb, l, nhp), lambda i: (i, 0, 0)),
            pl.BlockSpec((tb, lp, emb), lambda i: (i, 0, 0)),
            pl.BlockSpec((tb, lp, emb), lambda i: (i, 0, 0)),
            pl.BlockSpec((emb, nhp), lambda i: (0, 0)),
        ],
        out_specs=pl.BlockSpec((tb, l, emb), lambda i: (i, 0, 0)),
        out_shape=jax.ShapeDtypeStruct((b, l, emb), jnp.float32),
        interpret=interpret,
    )(hnet3, erow3, hrow3, lin_weight)


def kernel(input_ids, hnet_tensor, elem_weight, hnet_weight, lin_weight):
    b, l = input_ids.shape
    emb = elem_weight.shape[1]
    lp = l + (-l) % 8
    n_table = elem_weight.shape[0]
    pad_ids = (jnp.arange(b * (lp - l), dtype=jnp.int32) % n_table).reshape(
        b, lp - l)
    ids_pad = jnp.concatenate([input_ids.astype(jnp.int32), pad_ids], axis=1)
    ids_flat = ids_pad.reshape(b * lp).astype(jnp.int32)
    erow, hrow = _sc_gather_pair(ids_flat, elem_weight, hnet_weight)
    erow3 = erow.reshape(b, lp, emb)
    hrow3 = hrow.reshape(b, lp, emb)
    return _tc_combine(hnet_tensor, erow3, hrow3, lin_weight)

# --- scband reference (transcript-rebuilt; emitter-appended) ---
"""Pipeline reference for scband-hyper-embedding-35313221108067 (READ-ONLY COPY).

The authoritative reference and input builder live on the scoring server;
editing this copy changes nothing except your own understanding.
"""

import jax, jax.numpy as jnp
import numpy as np

NUM_EMB = 100000
EMB = 128
NHP = 128
B = 4096
L = 50


def setup_inputs(seed: int = 0) -> dict:
    key = jax.random.key(seed)
    k1, k2, k3, k4, k5 = jax.random.split(key, 5)
    input_ids = jax.random.randint(k1, (B, L), 0, NUM_EMB)
    hnet_tensor = jax.random.normal(k2, (B, L, NHP), dtype=jnp.float32)
    # learned parameters per init_kwargs (matching torch init_params)
    elem_weight = jax.random.uniform(k3, (NUM_EMB, EMB), minval=-0.1, maxval=0.1, dtype=jnp.float32)
    hnet_weight = jax.random.uniform(k4, (NUM_EMB, EMB), minval=-0.1, maxval=0.1, dtype=jnp.float32)
    lin_weight = jax.random.normal(k5, (EMB, NHP), dtype=jnp.float32) * 0.01  # Linear(NHP -> EMB, bias=False), torch layout [out, in]
    return {
        "input_ids": input_ids,
        "hnet_tensor": hnet_tensor,
        "elem_weight": elem_weight,
        "hnet_weight": hnet_weight,
        "lin_weight": lin_weight,
    }


def reference(input_ids, hnet_tensor, elem_weight, hnet_weight, lin_weight):
    # dropoute == 0 path: weights used unmasked
    output = jnp.take(elem_weight, input_ids, axis=0)  # [B, L, EMB]
    # hnet_scalars = Linear(num_hparams -> embedding_size)(hnet_tensor)
    hnet_scalars = jnp.einsum('blh,eh->ble', hnet_tensor, lin_weight)  # [B, L, EMB]
    hnet_out = jnp.take(hnet_weight, input_ids, axis=0) * hnet_scalars
    return output + hnet_out

if __name__ == "__main__":
    import jax
    _d = setup_inputs()
    print(jax.jit(kernel)(*tuple(_d.values())))

</pallas_src>

<mosaic_0001>
#map = affine_map<(d0, d1) -> (0)>
#map1 = affine_map<(d0, d1) -> (0, 0)>
module attributes {stable_mosaic.version = 14 : i64} {
  func.func @sc_gather(%arg0: i32, %arg1: i32, %arg2: memref<229376xi32, #tpu.memory_space<hbm>>, %arg3: memref<100000x128xf32, #tpu.memory_space<hbm>>, %arg4: memref<100000x128xf32, #tpu.memory_space<hbm>>, %arg5: memref<229376x128xf32, #tpu.memory_space<hbm>>, %arg6: memref<229376x128xf32, #tpu.memory_space<hbm>>, %arg7: memref<7168xi32, #tpu.memory_space<vmem>>, %arg8: memref<112x128xf32, #tpu.memory_space<vmem>>, %arg9: memref<112x128xf32, #tpu.memory_space<vmem>>, %arg10: memref<!tpu.dma_semaphore, #tpu.memory_space<semaphore_mem>>, %arg11: memref<!tpu.dma_semaphore, #tpu.memory_space<semaphore_mem>>, %arg12: memref<!tpu.dma_semaphore, #tpu.memory_space<semaphore_mem>>, %arg13: memref<!tpu.dma_semaphore, #tpu.memory_space<semaphore_mem>>, %arg14: memref<112x128xf32, #tpu.memory_space<vmem>>, %arg15: memref<112x128xf32, #tpu.memory_space<vmem>>, %arg16: memref<!tpu.dma_semaphore, #tpu.memory_space<semaphore_mem>>, %arg17: memref<!tpu.dma_semaphore, #tpu.memory_space<semaphore_mem>>, %arg18: memref<!tpu.dma_semaphore, #tpu.memory_space<semaphore_mem>>, %arg19: memref<!tpu.dma_semaphore, #tpu.memory_space<semaphore_mem>>, %arg20: memref<112x128xf32, #tpu.memory_space<vmem>>, %arg21: memref<112x128xf32, #tpu.memory_space<vmem>>, %arg22: memref<!tpu.dma_semaphore, #tpu.memory_space<semaphore_mem>>, %arg23: memref<!tpu.dma_semaphore, #tpu.memory_space<semaphore_mem>>, %arg24: memref<!tpu.dma_semaphore, #tpu.memory_space<semaphore_mem>>, %arg25: memref<!tpu.dma_semaphore, #tpu.memory_space<semaphore_mem>>, %arg26: memref<112x128xf32, #tpu.memory_space<vmem>>, %arg27: memref<112x128xf32, #tpu.memory_space<vmem>>, %arg28: memref<!tpu.dma_semaphore, #tpu.memory_space<semaphore_mem>>, %arg29: memref<!tpu.dma_semaphore, #tpu.memory_space<semaphore_mem>>, %arg30: memref<!tpu.dma_semaphore, #tpu.memory_space<semaphore_mem>>, %arg31: memref<!tpu.dma_semaphore, #tpu.memory_space<semaphore_mem>>) attributes {dimension_semantics = [#tpu.dimension_semantics<core_parallel>, #tpu.dimension_semantics<subcore_parallel>], iteration_bounds = array<i64: 2, 16>, scalar_prefetch = 0 : i64, scratch_operands = 25 : i64, tpu.core_type = #tpu.core_type<sc_vector_subcore>, window_params = [{transform_indices = #map}, {transform_indices = #map1}, {transform_indices = #map1}, {transform_indices = #map1}, {transform_indices = #map1}]} {
    %mul3A = arith.constant 2 : i32
    %mul3A_0 = arith.muli %arg1, %mul3A : i32
    %add3A = arith.addi %mul3A_0, %arg0 : i32
    %mul3A_1 = arith.constant 7168 : i32
    %mul3A_2 = arith.muli %add3A, %mul3A_1 : i32
    "tpu.region"() ({
      %run_scoped3A = tpu.sem_alloc : memref<!tpu.dma_semaphore, #tpu.memory_space<semaphore_mem>>
      %dma_start3A_165 = tpu.memref_slice %arg2[%mul3A_2] : memref<229376xi32, #tpu.memory_space<hbm>> -> memref<7168xi32, #tpu.memory_space<hbm>>
      %dma_start3A_166 = tpu.memref_slice %arg2[%mul3A_2] : memref<229376xi32, #tpu.memory_space<hbm>> -> memref<7168xi32, #tpu.memory_space<hbm>>
      tpu.enqueue_dma source(%dma_start3A_166 : memref<7168xi32, #tpu.memory_space<hbm>>) target(%arg7 : memref<7168xi32, #tpu.memory_space<vmem>>) target_semaphore(%run_scoped3A : memref<!tpu.dma_semaphore, #tpu.memory_space<semaphore_mem>>)
      %dma_wait3A_167 = tpu.memref_slice %arg2[%mul3A_2] : memref<229376xi32, #tpu.memory_space<hbm>> -> memref<7168xi32, #tpu.memory_space<hbm>>
      %dma_wait3A_168 = tpu.memref_slice %arg2[%mul3A_2] : memref<229376xi32, #tpu.memory_space<hbm>> -> memref<7168xi32, #tpu.memory_space<hbm>>
      tpu.wait_dma2 semaphore(%run_scoped3A : memref<!tpu.dma_semaphore, #tpu.memory_space<semaphore_mem>>) src(%dma_wait3A_168 : memref<7168xi32, #tpu.memory_space<hbm>>) dst(%arg7 : memref<7168xi32, #tpu.memory_space<vmem>>)
      tpu.yield
    }) : () -> ()
    %dma_start3A = arith.constant 0 : i32
    %dma_start3A_3 = tpu.memref_slice %arg7[%dma_start3A] : memref<7168xi32, #tpu.memory_space<vmem>> -> memref<112xi32, #tpu.memory_space<vmem>>
    %dma_start3A_4 = arith.constant 0 : i32
    %dma_start3A_5 = arith.constant 0 : i32
    %dma_start3A_6 = tpu.memref_slice %arg3[%dma_start3A_4, %dma_start3A_5] : memref<100000x128xf32, #tpu.memory_space<hbm>> -> memref<100000x128xf32, #tpu.memory_space<hbm>>
    tpu.enqueue_indirect_dma source(%dma_start3A_6 : memref<100000x128xf32, #tpu.memory_space<hbm>>) target(%arg8 : memref<112x128xf32, #tpu.memory_space<vmem>>) offsets(%dma_start3A_3 : memref<112xi32, #tpu.memory_space<vmem>>) semaphore(%arg10 : memref<!tpu.dma_semaphore, #tpu.memory_space<semaphore_mem>>)
    %dma_start3A_7 = arith.constant 0 : i32
    %dma_start3A_8 = tpu.memref_slice %arg7[%dma_start3A_7] : memref<7168xi32, #tpu.memory_space<vmem>> -> memref<112xi32, #tpu.memory_space<vmem>>
    %dma_start3A_9 = arith.constant 0 : i32
    %dma_start3A_10 = arith.constant 0 : i32
    %dma_start3A_11 = tpu.memref_slice %arg4[%dma_start3A_9, %dma_start3A_10] : memref<100000x128xf32, #tpu.memory_space<hbm>> -> memref<100000x128xf32, #tpu.memory_space<hbm>>
    tpu.enqueue_indirect_dma source(%dma_start3A_11 : memref<100000x128xf32, #tpu.memory_space<hbm>>) target(%arg9 : memref<112x128xf32, #tpu.memory_space<vmem>>) offsets(%dma_start3A_8 : memref<112xi32, #tpu.memory_space<vmem>>) semaphore(%arg11 : memref<!tpu.dma_semaphore, #tpu.memory_space<semaphore_mem>>)
    %dma_start3A_12 = arith.constant 112 : i32
    %dma_start3A_13 = tpu.memref_slice %arg7[%dma_start3A_12] : memref<7168xi32, #tpu.memory_space<vmem>> -> memref<112xi32, #tpu.memory_space<vmem>>
    %dma_start3A_14 = arith.constant 0 : i32
    %dma_start3A_15 = arith.constant 0 : i32
    %dma_start3A_16 = tpu.memref_slice %arg3[%dma_start3A_14, %dma_start3A_15] : memref<100000x128xf32, #tpu.memory_space<hbm>> -> memref<100000x128xf32, #tpu.memory_space<hbm>>
    tpu.enqueue_indirect_dma source(%dma_start3A_16 : memref<100000x128xf32, #tpu.memory_space<hbm>>) target(%arg14 : memref<112x128xf32, #tpu.memory_space<vmem>>) offsets(%dma_start3A_13 : memref<112xi32, #tpu.memory_space<vmem>>) semaphore(%arg16 : memref<!tpu.dma_semaphore, #tpu.memory_space<semaphore_mem>>)
    %dma_start3A_17 = arith.constant 112 : i32
    %dma_start3A_18 = tpu.memref_slice %arg7[%dma_start3A_17] : memref<7168xi32, #tpu.memory_space<vmem>> -> memref<112xi32, #tpu.memory_space<vmem>>
    %dma_start3A_19 = arith.constant 0 : i32
    %dma_start3A_20 = arith.constant 0 : i32
    %dma_start3A_21 = tpu.memref_slice %arg4[%dma_start3A_19, %dma_start3A_20] : memref<100000x128xf32, #tpu.memory_space<hbm>> -> memref<100000x128xf32, #tpu.memory_space<hbm>>
    tpu.enqueue_indirect_dma source(%dma_start3A_21 : memref<100000x128xf32, #tpu.memory_space<hbm>>) target(%arg15 : memref<112x128xf32, #tpu.memory_space<vmem>>) offsets(%dma_start3A_18 : memref<112xi32, #tpu.memory_space<vmem>>) semaphore(%arg17 : memref<!tpu.dma_semaphore, #tpu.memory_space<semaphore_mem>>)
    %dma_wait3A = arith.constant 0 : i32
    %dma_wait3A_22 = tpu.memref_slice %arg7[%dma_wait3A] : memref<7168xi32, #tpu.memory_space<vmem>> -> memref<112xi32, #tpu.memory_space<vmem>>
    %dma_wait3A_23 = arith.constant 0 : i32
    %dma_wait3A_24 = arith.constant 0 : i32
    %dma_wait3A_25 = tpu.memref_slice %arg3[%dma_wait3A_23, %dma_wait3A_24] : memref<100000x128xf32, #tpu.memory_space<hbm>> -> memref<100000x128xf32, #tpu.memory_space<hbm>>
    tpu.wait_indirect_dma semaphore(%arg10 : memref<!tpu.dma_semaphore, #tpu.memory_space<semaphore_mem>>) src(%dma_wait3A_25 : memref<100000x128xf32, #tpu.memory_space<hbm>>) dst(%arg8 : memref<112x128xf32, #tpu.memory_space<vmem>>)
    %dma_wait3A_26 = arith.constant 0 : i32
    %dma_wait3A_27 = tpu.memref_slice %arg7[%dma_wait3A_26] : memref<7168xi32, #tpu.memory_space<vmem>> -> memref<112xi32, #tpu.memory_space<vmem>>
    %dma_wait3A_28 = arith.constant 0 : i32
    %dma_wait3A_29 = arith.constant 0 : i32
    %dma_wait3A_30 = tpu.memref_slice %arg4[%dma_wait3A_28, %dma_wait3A_29] : memref<100000x128xf32, #tpu.memory_space<hbm>> -> memref<100000x128xf32, #tpu.memory_space<hbm>>
    tpu.wait_indirect_dma semaphore(%arg11 : memref<!tpu.dma_semaphore, #tpu.memory_space<semaphore_mem>>) src(%dma_wait3A_30 : memref<100000x128xf32, #tpu.memory_space<hbm>>) dst(%arg9 : memref<112x128xf32, #tpu.memory_space<vmem>>)
    %add3A_31 = arith.constant 0 : i32
    %add3A_32 = arith.addi %mul3A_2, %add3A_31 : i32
    %dma_start3A_33 = arith.constant 0 : i32
    %dma_start3A_34 = tpu.memref_slice %arg5[%add3A_32, %dma_start3A_33] : memref<229376x128xf32, #tpu.memory_space<hbm>> -> memref<112x128xf32, #tpu.memory_space<hbm>>
    %dma_start3A_35 = arith.constant 0 : i32
    %dma_start3A_36 = tpu.memref_slice %arg5[%add3A_32, %dma_start3A_35] : memref<229376x128xf32, #tpu.memory_space<hbm>> -> memref<112x128xf32, #tpu.memory_space<hbm>>
    tpu.enqueue_dma source(%arg8 : memref<112x128xf32, #tpu.memory_space<vmem>>) target(%dma_start3A_36 : memref<112x128xf32, #tpu.memory_space<hbm>>) target_semaphore(%arg12 : memref<!tpu.dma_semaphore, #tpu.memory_space<semaphore_mem>>)
    %dma_start3A_37 = arith.constant 0 : i32
    %dma_start3A_38 = tpu.memref_slice %arg6[%add3A_32, %dma_start3A_37] : memref<229376x128xf32, #tpu.memory_space<hbm>> -> memref<112x128xf32, #tpu.memory_space<hbm>>
    %dma_start3A_39 = arith.constant 0 : i32
    %dma_start3A_40 = tpu.memref_slice %arg6[%add3A_32, %dma_start3A_39] : memref<229376x128xf32, #tpu.memory_space<hbm>> -> memref<112x128xf32, #tpu.memory_space<hbm>>
    tpu.enqueue_dma source(%arg9 : memref<112x128xf32, #tpu.memory_space<vmem>>) target(%dma_start3A_40 : memref<112x128xf32, #tpu.memory_space<hbm>>) target_semaphore(%arg13 : memref<!tpu.dma_semaphore, #tpu.memory_space<semaphore_mem>>)
    %dma_start3A_41 = arith.constant 224 : i32
    %dma_start3A_42 = tpu.memref_slice %arg7[%dma_start3A_41] : memref<7168xi32, #tpu.memory_space<vmem>> -> memref<112xi32, #tpu.memory_space<vmem>>
    %dma_start3A_43 = arith.constant 0 : i32
    %dma_start3A_44 = arith.constant 0 : i32
    %dma_start3A_45 = tpu.memref_slice %arg3[%dma_start3A_43, %dma_start3A_44] : memref<100000x128xf32, #tpu.memory_space<hbm>> -> memref<100000x128xf32, #tpu.memory_space<hbm>>
    tpu.enqueue_indirect_dma source(%dma_start3A_45 : memref<100000x128xf32, #tpu.memory_space<hbm>>) target(%arg20 : memref<112x128xf32, #tpu.memory_space<vmem>>) offsets(%dma_start3A_42 : memref<112xi32, #tpu.memory_space<vmem>>) semaphore(%arg22 : memref<!tpu.dma_semaphore, #tpu.memory_space<semaphore_mem>>)
    %dma_start3A_46 = arith.constant 224 : i32
    %dma_start3A_47 = tpu.memref_slice %arg7[%dma_start3A_46] : memref<7168xi32, #tpu.memory_space<vmem>> -> memref<112xi32, #tpu.memory_space<vmem>>
    %dma_start3A_48 = arith.constant 0 : i32
    %dma_start3A_49 = arith.constant 0 : i32
    %dma_start3A_50 = tpu.memref_slice %arg4[%dma_start3A_48, %dma_start3A_49] : memref<100000x128xf32, #tpu.memory_space<hbm>> -> memref<100000x128xf32, #tpu.memory_space<hbm>>
    tpu.enqueue_indirect_dma source(%dma_start3A_50 : memref<100000x128xf32, #tpu.memory_space<hbm>>) target(%arg21 : memref<112x128xf32, #tpu.memory_space<vmem>>) offsets(%dma_start3A_47 : memref<112xi32, #tpu.memory_space<vmem>>) semaphore(%arg23 : memref<!tpu.dma_semaphore, #tpu.memory_space<semaphore_mem>>)
    %dma_wait3A_51 = arith.constant 112 : i32
    %dma_wait3A_52 = tpu.memref_slice %arg7[%dma_wait3A_51] : memref<7168xi32, #tpu.memory_space<vmem>> -> memref<112xi32, #tpu.memory_space<vmem>>
    %dma_wait3A_53 = arith.constant 0 : i32
    %dma_wait3A_54 = arith.constant 0 : i32
    %dma_wait3A_55 = tpu.memref_slice %arg3[%dma_wait3A_53, %dma_wait3A_54] : memref<100000x128xf32, #tpu.memory_space<hbm>> -> memref<100000x128xf32, #tpu.memory_space<hbm>>
    tpu.wait_indirect_dma semaphore(%arg16 : memref<!tpu.dma_semaphore, #tpu.memory_space<semaphore_mem>>) src(%dma_wait3A_55 : memref<100000x128xf32, #tpu.memory_space<hbm>>) dst(%arg14 : memref<112x128xf32, #tpu.memory_space<vmem>>)
    %dma_wait3A_56 = arith.constant 112 : i32
    %dma_wait3A_57 = tpu.memref_slice %arg7[%dma_wait3A_56] : memref<7168xi32, #tpu.memory_space<vmem>> -> memref<112xi32, #tpu.memory_space<vmem>>
    %dma_wait3A_58 = arith.constant 0 : i32
    %dma_wait3A_59 = arith.constant 0 : i32
    %dma_wait3A_60 = tpu.memref_slice %arg4[%dma_wait3A_58, %dma_wait3A_59] : memref<100000x128xf32, #tpu.memory_space<hbm>> -> memref<100000x128xf32, #tpu.memory_space<hbm>>
    tpu.wait_indirect_dma semaphore(%arg17 : memref<!tpu.dma_semaphore, #tpu.memory_space<semaphore_mem>>) src(%dma_wait3A_60 : memref<100000x128xf32, #tpu.memory_space<hbm>>) dst(%arg15 : memref<112x128xf32, #tpu.memory_space<vmem>>)
    %add3A_61 = arith.constant 112 : i32
    %add3A_62 = arith.addi %mul3A_2, %add3A_61 : i32
    %dma_start3A_63 = arith.constant 0 : i32
    %dma_start3A_64 = tpu.memref_slice %arg5[%add3A_62, %dma_start3A_63] : memref<229376x128xf32, #tpu.memory_space<hbm>> -> memref<112x128xf32, #tpu.memory_space<hbm>>
    %dma_start3A_65 = arith.constant 0 : i32
    %dma_start3A_66 = tpu.memref_slice %arg5[%add3A_62, %dma_start3A_65] : memref<229376x128xf32, #tpu.memory_space<hbm>> -> memref<112x128xf32, #tpu.memory_space<hbm>>
    tpu.enqueue_dma source(%arg14 : memref<112x128xf32, #tpu.memory_space<vmem>>) target(%dma_start3A_66 : memref<112x128xf32, #tpu.memory_space<hbm>>) target_semaphore(%arg18 : memref<!tpu.dma_semaphore, #tpu.memory_space<semaphore_mem>>)
    %dma_start3A_67 = arith.constant 0 : i32
    %dma_start3A_68 = tpu.memref_slice %arg6[%add3A_62, %dma_start3A_67] : memref<229376x128xf32, #tpu.memory_space<hbm>> -> memref<112x128xf32, #tpu.memory_space<hbm>>
    %dma_start3A_69 = arith.constant 0 : i32
    %dma_start3A_70 = tpu.memref_slice %arg6[%add3A_62, %dma_start3A_69] : memref<229376x128xf32, #tpu.memory_space<hbm>> -> memref<112x128xf32, #tpu.memory_space<hbm>>
    tpu.enqueue_dma source(%arg15 : memref<112x128xf32, #tpu.memory_space<vmem>>) target(%dma_start3A_70 : memref<112x128xf32, #tpu.memory_space<hbm>>) target_semaphore(%arg19 : memref<!tpu.dma_semaphore, #tpu.memory_space<semaphore_mem>>)
    %dma_start3A_71 = arith.constant 336 : i32
    %dma_start3A_72 = tpu.memref_slice %arg7[%dma_start3A_71] : memref<7168xi32, #tpu.memory_space<vmem>> -> memref<112xi32, #tpu.memory_space<vmem>>
    %dma_start3A_73 = arith.constant 0 : i32
    %dma_start3A_74 = arith.constant 0 : i32
    %dma_start3A_75 = tpu.memref_slice %arg3[%dma_start3A_73, %dma_start3A_74] : memref<100000x128xf32, #tpu.memory_space<hbm>> -> memref<100000x128xf32, #tpu.memory_space<hbm>>
    tpu.enqueue_indirect_dma source(%dma_start3A_75 : memref<100000x128xf32, #tpu.memory_space<hbm>>) target(%arg26 : memref<112x128xf32, #tpu.memory_space<vmem>>) offsets(%dma_start3A_72 : memref<112xi32, #tpu.memory_space<vmem>>) semaphore(%arg28 : memref<!tpu.dma_semaphore, #tpu.memory_space<semaphore_mem>>)
    %dma_start3A_76 = arith.constant 336 : i32
    %dma_start3A_77 = tpu.memref_slice %arg7[%dma_start3A_76] : memref<7168xi32, #tpu.memory_space<vmem>> -> memref<112xi32, #tpu.memory_space<vmem>>
    %dma_start3A_78 = arith.constant 0 : i32
    %dma_start3A_79 = arith.constant 0 : i32
    %dma_start3A_80 = tpu.memref_slice %arg4[%dma_start3A_78, %dma_start3A_79] : memref<100000x128xf32, #tpu.memory_space<hbm>> -> memref<100000x128xf32, #tpu.memory_space<hbm>>
    tpu.enqueue_indirect_dma source(%dma_start3A_80 : memref<100000x128xf32, #tpu.memory_space<hbm>>) target(%arg27 : memref<112x128xf32, #tpu.memory_space<vmem>>) offsets(%dma_start3A_77 : memref<112xi32, #tpu.memory_space<vmem>>) semaphore(%arg29 : memref<!tpu.dma_semaphore, #tpu.memory_space<semaphore_mem>>)
    %scan3A = arith.constant 0 : i32
    %scan3A_81 = arith.constant 15 : i32
    %scan3A_82 = arith.addi %scan3A, %scan3A_81 : i32
    %scan3A_83 = arith.constant 1 : i32
    scf.for %scan3A_165 = %scan3A to %scan3A_82 step %scan3A_83  : i32 {
      %mul3A_166 = arith.constant 1 : i32
      %mul3A_167 = arith.muli %scan3A_165, %mul3A_166 : i32
      %add3A_168 = arith.constant 0 : i32
      %add3A_169 = arith.addi %add3A_168, %mul3A_167 : i32
      %mul3A_170 = arith.constant 4 : i32
      %mul3A_171 = arith.muli %add3A_169, %mul3A_170 : i32
      %add3A_172 = arith.constant 0 : i32
      %add3A_173 = arith.addi %mul3A_171, %add3A_172 : i32
      %add3A_174 = arith.constant 2 : i32
      %add3A_175 = arith.addi %add3A_173, %add3A_174 : i32
      %mul3A_176 = arith.constant 112 : i32
      %mul3A_177 = arith.muli %add3A_175, %mul3A_176 : i32
      %dma_wait3A_178 = tpu.memref_slice %arg7[%mul3A_177] : memref<7168xi32, #tpu.memory_space<vmem>> -> memref<112xi32, #tpu.memory_space<vmem>>
      %dma_wait3A_179 = arith.constant 0 : i32
      %dma_wait3A_180 = arith.constant 0 : i32
      %dma_wait3A_181 = tpu.memref_slice %arg3[%dma_wait3A_179, %dma_wait3A_180] : memref<100000x128xf32, #tpu.memory_space<hbm>> -> memref<100000x128xf32, #tpu.memory_space<hbm>>
      tpu.wait_indirect_dma semaphore(%arg22 : memref<!tpu.dma_semaphore, #tpu.memory_space<semaphore_mem>>) src(%dma_wait3A_181 : memref<100000x128xf32, #tpu.memory_space<hbm>>) dst(%arg20 : memref<112x128xf32, #tpu.memory_space<vmem>>)
      %dma_wait3A_182 = tpu.memref_slice %arg7[%mul3A_177] : memref<7168xi32, #tpu.memory_space<vmem>> -> memref<112xi32, #tpu.memory_space<vmem>>
      %dma_wait3A_183 = arith.constant 0 : i32
      %dma_wait3A_184 = arith.constant 0 : i32
      %dma_wait3A_185 = tpu.memref_slice %arg4[%dma_wait3A_183, %dma_wait3A_184] : memref<100000x128xf32, #tpu.memory_space<hbm>> -> memref<100000x128xf32, #tpu.memory_space<hbm>>
      tpu.wait_indirect_dma semaphore(%arg23 : memref<!tpu.dma_semaphore, #tpu.memory_space<semaphore_mem>>) src(%dma_wait3A_185 : memref<100000x128xf32, #tpu.memory_space<hbm>>) dst(%arg21 : memref<112x128xf32, #tpu.memory_space<vmem>>)
      %mul3A_186 = arith.constant 112 : i32
      %mul3A_187 = arith.muli %add3A_175, %mul3A_186 : i32
      %add3A_188 = arith.addi %mul3A_2, %mul3A_187 : i32
      %dma_start3A_189 = arith.constant 0 : i32
      %dma_start3A_190 = tpu.memref_slice %arg5[%add3A_188, %dma_start3A_189] : memref<229376x128xf32, #tpu.memory_space<hbm>> -> memref<112x128xf32, #tpu.memory_space<hbm>>
      %dma_start3A_191 = arith.constant 0 : i32
      %dma_start3A_192 = tpu.memref_slice %arg5[%add3A_188, %dma_start3A_191] : memref<229376x128xf32, #tpu.memory_space<hbm>> -> memref<112x128xf32, #tpu.memory_space<hbm>>
      tpu.enqueue_dma source(%arg20 : memref<112x128xf32, #tpu.memory_space<vmem>>) target(%dma_start3A_192 : memref<112x128xf32, #tpu.memory_space<hbm>>) target_semaphore(%arg24 : memref<!tpu.dma_semaphore, #tpu.memory_space<semaphore_mem>>)
      %dma_start3A_193 = arith.constant 0 : i32
      %dma_start3A_194 = tpu.memref_slice %arg6[%add3A_188, %dma_start3A_193] : memref<229376x128xf32, #tpu.memory_space<hbm>> -> memref<112x128xf32, #tpu.memory_space<hbm>>
      %dma_start3A_195 = arith.constant 0 : i32
      %dma_start3A_196 = tpu.memref_slice %arg6[%add3A_188, %dma_start3A_195] : memref<229376x128xf32, #tpu.memory_space<hbm>> -> memref<112x128xf32, #tpu.memory_space<hbm>>
      tpu.enqueue_dma source(%arg21 : memref<112x128xf32, #tpu.memory_space<vmem>>) target(%dma_start3A_196 : memref<112x128xf32, #tpu.memory_space<hbm>>) target_semaphore(%arg25 : memref<!tpu.dma_semaphore, #tpu.memory_space<semaphore_mem>>)
      %sub3A = arith.constant 2 : i32
      %sub3A_197 = arith.subi %add3A_175, %sub3A : i32
      %mul3A_198 = arith.constant 112 : i32
      %mul3A_199 = arith.muli %sub3A_197, %mul3A_198 : i32
      %add3A_200 = arith.addi %mul3A_2, %mul3A_199 : i32
      %dma_wait3A_201 = arith.constant 0 : i32
      %dma_wait3A_202 = tpu.memref_slice %arg5[%add3A_200, %dma_wait3A_201] : memref<229376x128xf32, #tpu.memory_space<hbm>> -> memref<112x128xf32, #tpu.memory_space<hbm>>
      %dma_wait3A_203 = arith.constant 0 : i32
      %dma_wait3A_204 = tpu.memref_slice %arg5[%add3A_200, %dma_wait3A_203] : memref<229376x128xf32, #tpu.memory_space<hbm>> -> memref<112x128xf32, #tpu.memory_space<hbm>>
      tpu.wait_dma2 semaphore(%arg12 : memref<!tpu.dma_semaphore, #tpu.memory_space<semaphore_mem>>) src(%arg8 : memref<112x128xf32, #tpu.memory_space<vmem>>) dst(%dma_wait3A_204 : memref<112x128xf32, #tpu.memory_space<hbm>>)
      %dma_wait3A_205 = arith.constant 0 : i32
      %dma_wait3A_206 = tpu.memref_slice %arg6[%add3A_200, %dma_wait3A_205] : memref<229376x128xf32, #tpu.memory_space<hbm>> -> memref<112x128xf32, #tpu.memory_space<hbm>>
      %dma_wait3A_207 = arith.constant 0 : i32
      %dma_wait3A_208 = tpu.memref_slice %arg6[%add3A_200, %dma_wait3A_207] : memref<229376x128xf32, #tpu.memory_space<hbm>> -> memref<112x128xf32, #tpu.memory_space<hbm>>
      tpu.wait_dma2 semaphore(%arg13 : memref<!tpu.dma_semaphore, #tpu.memory_space<semaphore_mem>>) src(%arg9 : memref<112x128xf32, #tpu.memory_space<vmem>>) dst(%dma_wait3A_208 : memref<112x128xf32, #tpu.memory_space<hbm>>)
      %add3A_209 = arith.constant 2 : i32
      %add3A_210 = arith.addi %add3A_175, %add3A_209 : i32
      %mul3A_211 = arith.constant 112 : i32
      %mul3A_212 = arith.muli %add3A_210, %mul3A_211 : i32
      %dma_start3A_213 = tpu.memref_slice %arg7[%mul3A_212] : memref<7168xi32, #tpu.memory_space<vmem>> -> memref<112xi32, #tpu.memory_space<vmem>>
      %dma_start3A_214 = arith.constant 0 : i32
      %dma_start3A_215 = arith.constant 0 : i32
      %dma_start3A_216 = tpu.memref_slice %arg3[%dma_start3A_214, %dma_start3A_215] : memref<100000x128xf32, #tpu.memory_space<hbm>> -> memref<100000x128xf32, #tpu.memory_space<hbm>>
      tpu.enqueue_indirect_dma source(%dma_start3A_216 : memref<100000x128xf32, #tpu.memory_space<hbm>>) target(%arg8 : memref<112x128xf32, #tpu.memory_space<vmem>>) offsets(%dma_start3A_213 : memref<112xi32, #tpu.memory_space<vmem>>) semaphore(%arg10 : memref<!tpu.dma_semaphore, #tpu.memory_space<semaphore_mem>>)
      %dma_start3A_217 = tpu.memref_slice %arg7[%mul3A_212] : memref<7168xi32, #tpu.memory_space<vmem>> -> memref<112xi32, #tpu.memory_space<vmem>>
      %dma_start3A_218 = arith.constant 0 : i32
      %dma_start3A_219 = arith.constant 0 : i32
      %dma_start3A_220 = tpu.memref_slice %arg4[%dma_start3A_218, %dma_start3A_219] : memref<100000x128xf32, #tpu.memory_space<hbm>> -> memref<100000x128xf32, #tpu.memory_space<hbm>>
      tpu.enqueue_indirect_dma source(%dma_start3A_220 : memref<100000x128xf32, #tpu.memory_space<hbm>>) target(%arg9 : memref<112x128xf32, #tpu.memory_space<vmem>>) offsets(%dma_start3A_217 : memref<112xi32, #tpu.memory_space<vmem>>) semaphore(%arg11 : memref<!tpu.dma_semaphore, #tpu.memory_space<semaphore_mem>>)
      %mul3A_221 = arith.constant 4 : i32
      %mul3A_222 = arith.muli %add3A_169, %mul3A_221 : i32
      %add3A_223 = arith.constant 1 : i32
      %add3A_224 = arith.addi %mul3A_222, %add3A_223 : i32
      %add3A_225 = arith.constant 2 : i32
      %add3A_226 = arith.addi %add3A_224, %add3A_225 : i32
      %mul3A_227 = arith.constant 112 : i32
      %mul3A_228 = arith.muli %add3A_226, %mul3A_227 : i32
      %dma_wait3A_229 = tpu.memref_slice %arg7[%mul3A_228] : memref<7168xi32, #tpu.memory_space<vmem>> -> memref<112xi32, #tpu.memory_space<vmem>>
      %dma_wait3A_230 = arith.constant 0 : i32
      %dma_wait3A_231 = arith.constant 0 : i32
      %dma_wait3A_232 = tpu.memref_slice %arg3[%dma_wait3A_230, %dma_wait3A_231] : memref<100000x128xf32, #tpu.memory_space<hbm>> -> memref<100000x128xf32, #tpu.memory_space<hbm>>
      tpu.wait_indirect_dma semaphore(%arg28 : memref<!tpu.dma_semaphore, #tpu.memory_space<semaphore_mem>>) src(%dma_wait3A_232 : memref<100000x128xf32, #tpu.memory_space<hbm>>) dst(%arg26 : memref<112x128xf32, #tpu.memory_space<vmem>>)
      %dma_wait3A_233 = tpu.memref_slice %arg7[%mul3A_228] : memref<7168xi32, #tpu.memory_space<vmem>> -> memref<112xi32, #tpu.memory_space<vmem>>
      %dma_wait3A_234 = arith.constant 0 : i32
      %dma_wait3A_235 = arith.constant 0 : i32
      %dma_wait3A_236 = tpu.memref_slice %arg4[%dma_wait3A_234, %dma_wait3A_235] : memref<100000x128xf32, #tpu.memory_space<hbm>> -> memref<100000x128xf32, #tpu.memory_space<hbm>>
      tpu.wait_indirect_dma semaphore(%arg29 : memref<!tpu.dma_semaphore, #tpu.memory_space<semaphore_mem>>) src(%dma_wait3A_236 : memref<100000x128xf32, #tpu.memory_space<hbm>>) dst(%arg27 : memref<112x128xf32, #tpu.memory_space<vmem>>)
      %mul3A_237 = arith.constant 112 : i32
      %mul3A_238 = arith.muli %add3A_226, %mul3A_237 : i32
      %add3A_239 = arith.addi %mul3A_2, %mul3A_238 : i32
      %dma_start3A_240 = arith.constant 0 : i32
      %dma_start3A_241 = tpu.memref_slice %arg5[%add3A_239, %dma_start3A_240] : memref<229376x128xf32, #tpu.memory_space<hbm>> -> memref<112x128xf32, #tpu.memory_space<hbm>>
      %dma_start3A_242 = arith.constant 0 : i32
      %dma_start3A_243 = tpu.memref_slice %arg5[%add3A_239, %dma_start3A_242] : memref<229376x128xf32, #tpu.memory_space<hbm>> -> memref<112x128xf32, #tpu.memory_space<hbm>>
      tpu.enqueue_dma source(%arg26 : memref<112x128xf32, #tpu.memory_space<vmem>>) target(%dma_start3A_243 : memref<112x128xf32, #tpu.memory_space<hbm>>) target_semaphore(%arg30 : memref<!tpu.dma_semaphore, #tpu.memory_space<semaphore_mem>>)
      %dma_start3A_244 = arith.constant 0 : i32
      %dma_start3A_245 = tpu.memref_slice %arg6[%add3A_239, %dma_start3A_244] : memref<229376x128xf32, #tpu.memory_space<hbm>> -> memref<112x128xf32, #tpu.memory_space<hbm>>
      %dma_start3A_246 = arith.constant 0 : i32
      %dma_start3A_247 = tpu.memref_slice %arg6[%add3A_239, %dma_start3A_246] : memref<229376x128xf32, #tpu.memory_space<hbm>> -> memref<112x128xf32, #tpu.memory_space<hbm>>
      tpu.enqueue_dma source(%arg27 : memref<112x128xf32, #tpu.memory_space<vmem>>) target(%dma_start3A_247 : memref<112x128xf32, #tpu.memory_space<hbm>>) target_semaphore(%arg31 : memref<!tpu.dma_semaphore, #tpu.memory_space<semaphore_mem>>)
      %sub3A_248 = arith.constant 2 : i32
      %sub3A_249 = arith.subi %add3A_226, %sub3A_248 : i32
      %mul3A_250 = arith.constant 112 : i32
      %mul3A_251 = arith.muli %sub3A_249, %mul3A_250 : i32
      %add3A_252 = arith.addi %mul3A_2, %mul3A_251 : i32
      %dma_wait3A_253 = arith.constant 0 : i32
      %dma_wait3A_254 = tpu.memref_slice %arg5[%add3A_252, %dma_wait3A_253] : memref<229376x128xf32, #tpu.memory_space<hbm>> -> memref<112x128xf32, #tpu.memory_space<hbm>>
      %dma_wait3A_255 = arith.constant 0 : i32
      %dma_wait3A_256 = tpu.memref_slice %arg5[%add3A_252, %dma_wait3A_255] : memref<229376x128xf32, #tpu.memory_space<hbm>> -> memref<112x128xf32, #tpu.memory_space<hbm>>
      tpu.wait_dma2 semaphore(%arg18 : memref<!tpu.dma_semaphore, #tpu.memory_space<semaphore_mem>>) src(%arg14 : memref<112x128xf32, #tpu.memory_space<vmem>>) dst(%dma_wait3A_256 : memref<112x128xf32, #tpu.memory_space<hbm>>)
      %dma_wait3A_257 = arith.constant 0 : i32
      %dma_wait3A_258 = tpu.memref_slice %arg6[%add3A_252, %dma_wait3A_257] : memref<229376x128xf32, #tpu.memory_space<hbm>> -> memref<112x128xf32, #tpu.memory_space<hbm>>
      %dma_wait3A_259 = arith.constant 0 : i32
      %dma_wait3A_260 = tpu.memref_slice %arg6[%add3A_252, %dma_wait3A_259] : memref<229376x128xf32, #tpu.memory_space<hbm>> -> memref<112x128xf32, #tpu.memory_space<hbm>>
      tpu.wait_dma2 semaphore(%arg19 : memref<!tpu.dma_semaphore, #tpu.memory_space<semaphore_mem>>) src(%arg15 : memref<112x128xf32, #tpu.memory_space<vmem>>) dst(%dma_wait3A_260 : memref<112x128xf32, #tpu.memory_space<hbm>>)
      %add3A_261 = arith.constant 2 : i32
      %add3A_262 = arith.addi %add3A_226, %add3A_261 : i32
      %mul3A_263 = arith.constant 112 : i32
      %mul3A_264 = arith.muli %add3A_262, %mul3A_263 : i32
      %dma_start3A_265 = tpu.memref_slice %arg7[%mul3A_264] : memref<7168xi32, #tpu.memory_space<vmem>> -> memref<112xi32, #tpu.memory_space<vmem>>
      %dma_start3A_266 = arith.constant 0 : i32
      %dma_start3A_267 = arith.constant 0 : i32
      %dma_start3A_268 = tpu.memref_slice %arg3[%dma_start3A_266, %dma_start3A_267] : memref<100000x128xf32, #tpu.memory_space<hbm>> -> memref<100000x128xf32, #tpu.memory_space<hbm>>
      tpu.enqueue_indirect_dma source(%dma_start3A_268 : memref<100000x128xf32, #tpu.memory_space<hbm>>) target(%arg14 : memref<112x128xf32, #tpu.memory_space<vmem>>) offsets(%dma_start3A_265 : memref<112xi32, #tpu.memory_space<vmem>>) semaphore(%arg16 : memref<!tpu.dma_semaphore, #tpu.memory_space<semaphore_mem>>)
      %dma_start3A_269 = tpu.memref_slice %arg7[%mul3A_264] : memref<7168xi32, #tpu.memory_space<vmem>> -> memref<112xi32, #tpu.memory_space<vmem>>
      %dma_start3A_270 = arith.constant 0 : i32
      %dma_start3A_271 = arith.constant 0 : i32
      %dma_start3A_272 = tpu.memref_slice %arg4[%dma_start3A_270, %dma_start3A_271] : memref<100000x128xf32, #tpu.memory_space<hbm>> -> memref<100000x128xf32, #tpu.memory_space<hbm>>
      tpu.enqueue_indirect_dma source(%dma_start3A_272 : memref<100000x128xf32, #tpu.memory_space<hbm>>) target(%arg15 : memref<112x128xf32, #tpu.memory_space<vmem>>) offsets(%dma_start3A_269 : memref<112xi32, #tpu.memory_space<vmem>>) semaphore(%arg17 : memref<!tpu.dma_semaphore, #tpu.memory_space<semaphore_mem>>)
      %mul3A_273 = arith.constant 4 : i32
      %mul3A_274 = arith.muli %add3A_169, %mul3A_273 : i32
      %add3A_275 = arith.constant 2 : i32
      %add3A_276 = arith.addi %mul3A_274, %add3A_275 : i32
      %add3A_277 = arith.constant 2 : i32
      %add3A_278 = arith.addi %add3A_276, %add3A_277 : i32
      %mul3A_279 = arith.constant 112 : i32
      %mul3A_280 = arith.muli %add3A_278, %mul3A_279 : i32
      %dma_wait3A_281 = tpu.memref_slice %arg7[%mul3A_280] : memref<7168xi32, #tpu.memory_space<vmem>> -> memref<112xi32, #tpu.memory_space<vmem>>
      %dma_wait3A_282 = arith.constant 0 : i32
      %dma_wait3A_283 = arith.constant 0 : i32
      %dma_wait3A_284 = tpu.memref_slice %arg3[%dma_wait3A_282, %dma_wait3A_283] : memref<100000x128xf32, #tpu.memory_space<hbm>> -> memref<100000x128xf32, #tpu.memory_space<hbm>>
      tpu.wait_indirect_dma semaphore(%arg10 : memref<!tpu.dma_semaphore, #tpu.memory_space<semaphore_mem>>) src(%dma_wait3A_284 : memref<100000x128xf32, #tpu.memory_space<hbm>>) dst(%arg8 : memref<112x128xf32, #tpu.memory_space<vmem>>)
      %dma_wait3A_285 = tpu.memref_slice %arg7[%mul3A_280] : memref<7168xi32, #tpu.memory_space<vmem>> -> memref<112xi32, #tpu.memory_space<vmem>>
      %dma_wait3A_286 = arith.constant 0 : i32
      %dma_wait3A_287 = arith.constant 0 : i32
      %dma_wait3A_288 = tpu.memref_slice %arg4[%dma_wait3A_286, %dma_wait3A_287] : memref<100000x128xf32, #tpu.memory_space<hbm>> -> memref<100000x128xf32, #tpu.memory_space<hbm>>
      tpu.wait_indirect_dma semaphore(%arg11 : memref<!tpu.dma_semaphore, #tpu.memory_space<semaphore_mem>>) src(%dma_wait3A_288 : memref<100000x128xf32, #tpu.memory_space<hbm>>) dst(%arg9 : memref<112x128xf32, #tpu.memory_space<vmem>>)
      %mul3A_289 = arith.constant 112 : i32
      %mul3A_290 = arith.muli %add3A_278, %mul3A_289 : i32
      %add3A_291 = arith.addi %mul3A_2, %mul3A_290 : i32
      %dma_start3A_292 = arith.constant 0 : i32
      %dma_start3A_293 = tpu.memref_slice %arg5[%add3A_291, %dma_start3A_292] : memref<229376x128xf32, #tpu.memory_space<hbm>> -> memref<112x128xf32, #tpu.memory_space<hbm>>
      %dma_start3A_294 = arith.constant 0 : i32
      %dma_start3A_295 = tpu.memref_slice %arg5[%add3A_291, %dma_start3A_294] : memref<229376x128xf32, #tpu.memory_space<hbm>> -> memref<112x128xf32, #tpu.memory_space<hbm>>
      tpu.enqueue_dma source(%arg8 : memref<112x128xf32, #tpu.memory_space<vmem>>) target(%dma_start3A_295 : memref<112x128xf32, #tpu.memory_space<hbm>>) target_semaphore(%arg12 : memref<!tpu.dma_semaphore, #tpu.memory_space<semaphore_mem>>)
      %dma_start3A_296 = arith.constant 0 : i32
      %dma_start3A_297 = tpu.memref_slice %arg6[%add3A_291, %dma_start3A_296] : memref<229376x128xf32, #tpu.memory_space<hbm>> -> memref<112x128xf32, #tpu.memory_space<hbm>>
      %dma_start3A_298 = arith.constant 0 : i32
      %dma_start3A_299 = tpu.memref_slice %arg6[%add3A_291, %dma_start3A_298] : memref<229376x128xf32, #tpu.memory_space<hbm>> -> memref<112x128xf32, #tpu.memory_space<hbm>>
      tpu.enqueue_dma source(%arg9 : memref<112x128xf32, #tpu.memory_space<vmem>>) target(%dma_start3A_299 : memref<112x128xf32, #tpu.memory_space<hbm>>) target_semaphore(%arg13 : memref<!tpu.dma_semaphore, #tpu.memory_space<semaphore_mem>>)
      %sub3A_300 = arith.constant 2 : i32
      %sub3A_301 = arith.subi %add3A_278, %sub3A_300 : i32
      %mul3A_302 = arith.constant 112 : i32
      %mul3A_303 = arith.muli %sub3A_301, %mul3A_302 : i32
      %add3A_304 = arith.addi %mul3A_2, %mul3A_303 : i32
      %dma_wait3A_305 = arith.constant 0 : i32
      %dma_wait3A_306 = tpu.memref_slice %arg5[%add3A_304, %dma_wait3A_305] : memref<229376x128xf32, #tpu.memory_space<hbm>> -> memref<112x128xf32, #tpu.memory_space<hbm>>
      %dma_wait3A_307 = arith.constant 0 : i32
      %dma_wait3A_308 = tpu.memref_slice %arg5[%add3A_304, %dma_wait3A_307] : memref<229376x128xf32, #tpu.memory_space<hbm>> -> memref<112x128xf32, #tpu.memory_space<hbm>>
      tpu.wait_dma2 semaphore(%arg24 : memref<!tpu.dma_semaphore, #tpu.memory_space<semaphore_mem>>) src(%arg20 : memref<112x128xf32, #tpu.memory_space<vmem>>) dst(%dma_wait3A_308 : memref<112x128xf32, #tpu.memory_space<hbm>>)
      %dma_wait3A_309 = arith.constant 0 : i32
      %dma_wait3A_310 = tpu.memref_slice %arg6[%add3A_304, %dma_wait3A_309] : memref<229376x128xf32, #tpu.memory_space<hbm>> -> memref<112x128xf32, #tpu.memory_space<hbm>>
      %dma_wait3A_311 = arith.constant 0 : i32
      %dma_wait3A_312 = tpu.memref_slice %arg6[%add3A_304, %dma_wait3A_311] : memref<229376x128xf32, #tpu.memory_space<hbm>> -> memref<112x128xf32, #tpu.memory_space<hbm>>
      tpu.wait_dma2 semaphore(%arg25 : memref<!tpu.dma_semaphore, #tpu.memory_space<semaphore_mem>>) src(%arg21 : memref<112x128xf32, #tpu.memory_space<vmem>>) dst(%dma_wait3A_312 : memref<112x128xf32, #tpu.memory_space<hbm>>)
      %add3A_313 = arith.constant 2 : i32
      %add3A_314 = arith.addi %add3A_278, %add3A_313 : i32
      %mul3A_315 = arith.constant 112 : i32
      %mul3A_316 = arith.muli %add3A_314, %mul3A_315 : i32
      %dma_start3A_317 = tpu.memref_slice %arg7[%mul3A_316] : memref<7168xi32, #tpu.memory_space<vmem>> -> memref<112xi32, #tpu.memory_space<vmem>>
      %dma_start3A_318 = arith.constant 0 : i32
      %dma_start3A_319 = arith.constant 0 : i32
      %dma_start3A_320 = tpu.memref_slice %arg3[%dma_start3A_318, %dma_start3A_319] : memref<100000x128xf32, #tpu.memory_space<hbm>> -> memref<100000x128xf32, #tpu.memory_space<hbm>>
      tpu.enqueue_indirect_dma source(%dma_start3A_320 : memref<100000x128xf32, #tpu.memory_space<hbm>>) target(%arg20 : memref<112x128xf32, #tpu.memory_space<vmem>>) offsets(%dma_start3A_317 : memref<112xi32, #tpu.memory_space<vmem>>) semaphore(%arg22 : memref<!tpu.dma_semaphore, #tpu.memory_space<semaphore_mem>>)
      %dma_start3A_321 = tpu.memref_slice %arg7[%mul3A_316] : memref<7168xi32, #tpu.memory_space<vmem>> -> memref<112xi32, #tpu.memory_space<vmem>>
      %dma_start3A_322 = arith.constant 0 : i32
      %dma_start3A_323 = arith.constant 0 : i32
      %dma_start3A_324 = tpu.memref_slice %arg4[%dma_start3A_322, %dma_start3A_323] : memref<100000x128xf32, #tpu.memory_space<hbm>> -> memref<100000x128xf32, #tpu.memory_space<hbm>>
      tpu.enqueue_indirect_dma source(%dma_start3A_324 : memref<100000x128xf32, #tpu.memory_space<hbm>>) target(%arg21 : memref<112x128xf32, #tpu.memory_space<vmem>>) offsets(%dma_start3A_321 : memref<112xi32, #tpu.memory_space<vmem>>) semaphore(%arg23 : memref<!tpu.dma_semaphore, #tpu.memory_space<semaphore_mem>>)
      %mul3A_325 = arith.constant 4 : i32
      %mul3A_326 = arith.muli %add3A_169, %mul3A_325 : i32
      %add3A_327 = arith.constant 3 : i32
      %add3A_328 = arith.addi %mul3A_326, %add3A_327 : i32
      %add3A_329 = arith.constant 2 : i32
      %add3A_330 = arith.addi %add3A_328, %add3A_329 : i32
      %mul3A_331 = arith.constant 112 : i32
      %mul3A_332 = arith.muli %add3A_330, %mul3A_331 : i32
      %dma_wait3A_333 = tpu.memref_slice %arg7[%mul3A_332] : memref<7168xi32, #tpu.memory_space<vmem>> -> memref<112xi32, #tpu.memory_space<vmem>>
      %dma_wait3A_334 = arith.constant 0 : i32
      %dma_wait3A_335 = arith.constant 0 : i32
      %dma_wait3A_336 = tpu.memref_slice %arg3[%dma_wait3A_334, %dma_wait3A_335] : memref<100000x128xf32, #tpu.memory_space<hbm>> -> memref<100000x128xf32, #tpu.memory_space<hbm>>
      tpu.wait_indirect_dma semaphore(%arg16 : memref<!tpu.dma_semaphore, #tpu.memory_space<semaphore_mem>>) src(%dma_wait3A_336 : memref<100000x128xf32, #tpu.memory_space<hbm>>) dst(%arg14 : memref<112x128xf32, #tpu.memory_space<vmem>>)
      %dma_wait3A_337 = tpu.memref_slice %arg7[%mul3A_332] : memref<7168xi32, #tpu.memory_space<vmem>> -> memref<112xi32, #tpu.memory_space<vmem>>
      %dma_wait3A_338 = arith.constant 0 : i32
      %dma_wait3A_339 = arith.constant 0 : i32
      %dma_wait3A_340 = tpu.memref_slice %arg4[%dma_wait3A_338, %dma_wait3A_339] : memref<100000x128xf32, #tpu.memory_space<hbm>> -> memref<100000x128xf32, #tpu.memory_space<hbm>>
      tpu.wait_indirect_dma semaphore(%arg17 : memref<!tpu.dma_semaphore, #tpu.memory_space<semaphore_mem>>) src(%dma_wait3A_340 : memref<100000x128xf32, #tpu.memory_space<hbm>>) dst(%arg15 : memref<112x128xf32, #tpu.memory_space<vmem>>)
      %mul3A_341 = arith.constant 112 : i32
      %mul3A_342 = arith.muli %add3A_330, %mul3A_341 : i32
      %add3A_343 = arith.addi %mul3A_2, %mul3A_342 : i32
      %dma_start3A_344 = arith.constant 0 : i32
      %dma_start3A_345 = tpu.memref_slice %arg5[%add3A_343, %dma_start3A_344] : memref<229376x128xf32, #tpu.memory_space<hbm>> -> memref<112x128xf32, #tpu.memory_space<hbm>>
      %dma_start3A_346 = arith.constant 0 : i32
      %dma_start3A_347 = tpu.memref_slice %arg5[%add3A_343, %dma_start3A_346] : memref<229376x128xf32, #tpu.memory_space<hbm>> -> memref<112x128xf32, #tpu.memory_space<hbm>>
      tpu.enqueue_dma source(%arg14 : memref<112x128xf32, #tpu.memory_space<vmem>>) target(%dma_start3A_347 : memref<112x128xf32, #tpu.memory_space<hbm>>) target_semaphore(%arg18 : memref<!tpu.dma_semaphore, #tpu.memory_space<semaphore_mem>>)
      %dma_start3A_348 = arith.constant 0 : i32
      %dma_start3A_349 = tpu.memref_slice %arg6[%add3A_343, %dma_start3A_348] : memref<229376x128xf32, #tpu.memory_space<hbm>> -> memref<112x128xf32, #tpu.memory_space<hbm>>
      %dma_start3A_350 = arith.constant 0 : i32
      %dma_start3A_351 = tpu.memref_slice %arg6[%add3A_343, %dma_start3A_350] : memref<229376x128xf32, #tpu.memory_space<hbm>> -> memref<112x128xf32, #tpu.memory_space<hbm>>
      tpu.enqueue_dma source(%arg15 : memref<112x128xf32, #tpu.memory_space<vmem>>) target(%dma_start3A_351 : memref<112x128xf32, #tpu.memory_space<hbm>>) target_semaphore(%arg19 : memref<!tpu.dma_semaphore, #tpu.memory_space<semaphore_mem>>)
      %sub3A_352 = arith.constant 2 : i32
      %sub3A_353 = arith.subi %add3A_330, %sub3A_352 : i32
      %mul3A_354 = arith.constant 112 : i32
      %mul3A_355 = arith.muli %sub3A_353, %mul3A_354 : i32
      %add3A_356 = arith.addi %mul3A_2, %mul3A_355 : i32
      %dma_wait3A_357 = arith.constant 0 : i32
      %dma_wait3A_358 = tpu.memref_slice %arg5[%add3A_356, %dma_wait3A_357] : memref<229376x128xf32, #tpu.memory_space<hbm>> -> memref<112x128xf32, #tpu.memory_space<hbm>>
      %dma_wait3A_359 = arith.constant 0 : i32
      %dma_wait3A_360 = tpu.memref_slice %arg5[%add3A_356, %dma_wait3A_359] : memref<229376x128xf32, #tpu.memory_space<hbm>> -> memref<112x128xf32, #tpu.memory_space<hbm>>
      tpu.wait_dma2 semaphore(%arg30 : memref<!tpu.dma_semaphore, #tpu.memory_space<semaphore_mem>>) src(%arg26 : memref<112x128xf32, #tpu.memory_space<vmem>>) dst(%dma_wait3A_360 : memref<112x128xf32, #tpu.memory_space<hbm>>)
      %dma_wait3A_361 = arith.constant 0 : i32
      %dma_wait3A_362 = tpu.memref_slice %arg6[%add3A_356, %dma_wait3A_361] : memref<229376x128xf32, #tpu.memory_space<hbm>> -> memref<112x128xf32, #tpu.memory_space<hbm>>
      %dma_wait3A_363 = arith.constant 0 : i32
      %dma_wait3A_364 = tpu.memref_slice %arg6[%add3A_356, %dma_wait3A_363] : memref<229376x128xf32, #tpu.memory_space<hbm>> -> memref<112x128xf32, #tpu.memory_space<hbm>>
      tpu.wait_dma2 semaphore(%arg31 : memref<!tpu.dma_semaphore, #tpu.memory_space<semaphore_mem>>) src(%arg27 : memref<112x128xf32, #tpu.memory_space<vmem>>) dst(%dma_wait3A_364 : memref<112x128xf32, #tpu.memory_space<hbm>>)
      %add3A_365 = arith.constant 2 : i32
      %add3A_366 = arith.addi %add3A_330, %add3A_365 : i32
      %mul3A_367 = arith.constant 112 : i32
      %mul3A_368 = arith.muli %add3A_366, %mul3A_367 : i32
      %dma_start3A_369 = tpu.memref_slice %arg7[%mul3A_368] : memref<7168xi32, #tpu.memory_space<vmem>> -> memref<112xi32, #tpu.memory_space<vmem>>
      %dma_start3A_370 = arith.constant 0 : i32
      %dma_start3A_371 = arith.constant 0 : i32
      %dma_start3A_372 = tpu.memref_slice %arg3[%dma_start3A_370, %dma_start3A_371] : memref<100000x128xf32, #tpu.memory_space<hbm>> -> memref<100000x128xf32, #tpu.memory_space<hbm>>
      tpu.enqueue_indirect_dma source(%dma_start3A_372 : memref<100000x128xf32, #tpu.memory_space<hbm>>) target(%arg26 : memref<112x128xf32, #tpu.memory_space<vmem>>) offsets(%dma_start3A_369 : memref<112xi32, #tpu.memory_space<vmem>>) semaphore(%arg28 : memref<!tpu.dma_semaphore, #tpu.memory_space<semaphore_mem>>)
      %dma_start3A_373 = tpu.memref_slice %arg7[%mul3A_368] : memref<7168xi32, #tpu.memory_space<vmem>> -> memref<112xi32, #tpu.memory_space<vmem>>
      %dma_start3A_374 = arith.constant 0 : i32
      %dma_start3A_375 = arith.constant 0 : i32
      %dma_start3A_376 = tpu.memref_slice %arg4[%dma_start3A_374, %dma_start3A_375] : memref<100000x128xf32, #tpu.memory_space<hbm>> -> memref<100000x128xf32, #tpu.memory_space<hbm>>
      tpu.enqueue_indirect_dma source(%dma_start3A_376 : memref<100000x128xf32, #tpu.memory_space<hbm>>) target(%arg27 : memref<112x128xf32, #tpu.memory_space<vmem>>) offsets(%dma_start3A_373 : memref<112xi32, #tpu.memory_space<vmem>>) semaphore(%arg29 : memref<!tpu.dma_semaphore, #tpu.memory_space<semaphore_mem>>)
    }
    %scan3A_84 = arith.constant 15 : i32
    %dma_wait3A_85 = arith.constant 6944 : i32
    %dma_wait3A_86 = tpu.memref_slice %arg7[%dma_wait3A_85] : memref<7168xi32, #tpu.memory_space<vmem>> -> memref<112xi32, #tpu.memory_space<vmem>>
    %dma_wait3A_87 = arith.constant 0 : i32
    %dma_wait3A_88 = arith.constant 0 : i32
    %dma_wait3A_89 = tpu.memref_slice %arg3[%dma_wait3A_87, %dma_wait3A_88] : memref<100000x128xf32, #tpu.memory_space<hbm>> -> memref<100000x128xf32, #tpu.memory_space<hbm>>
    tpu.wait_indirect_dma semaphore(%arg22 : memref<!tpu.dma_semaphore, #tpu.memory_space<semaphore_mem>>) src(%dma_wait3A_89 : memref<100000x128xf32, #tpu.memory_space<hbm>>) dst(%arg20 : memref<112x128xf32, #tpu.memory_space<vmem>>)
    %dma_wait3A_90 = arith.constant 6944 : i32
    %dma_wait3A_91 = tpu.memref_slice %arg7[%dma_wait3A_90] : memref<7168xi32, #tpu.memory_space<vmem>> -> memref<112xi32, #tpu.memory_space<vmem>>
    %dma_wait3A_92 = arith.constant 0 : i32
    %dma_wait3A_93 = arith.constant 0 : i32
    %dma_wait3A_94 = tpu.memref_slice %arg4[%dma_wait3A_92, %dma_wait3A_93] : memref<100000x128xf32, #tpu.memory_space<hbm>> -> memref<100000x128xf32, #tpu.memory_space<hbm>>
    tpu.wait_indirect_dma semaphore(%arg23 : memref<!tpu.dma_semaphore, #tpu.memory_space<semaphore_mem>>) src(%dma_wait3A_94 : memref<100000x128xf32, #tpu.memory_space<hbm>>) dst(%arg21 : memref<112x128xf32, #tpu.memory_space<vmem>>)
    %add3A_95 = arith.constant 6944 : i32
    %add3A_96 = arith.addi %mul3A_2, %add3A_95 : i32
    %dma_start3A_97 = arith.constant 0 : i32
    %dma_start3A_98 = tpu.memref_slice %arg5[%add3A_96, %dma_start3A_97] : memref<229376x128xf32, #tpu.memory_space<hbm>> -> memref<112x128xf32, #tpu.memory_space<hbm>>
    %dma_start3A_99 = arith.constant 0 : i32
    %dma_start3A_100 = tpu.memref_slice %arg5[%add3A_96, %dma_start3A_99] : memref<229376x128xf32, #tpu.memory_space<hbm>> -> memref<112x128xf32, #tpu.memory_space<hbm>>
    tpu.enqueue_dma source(%arg20 : memref<112x128xf32, #tpu.memory_space<vmem>>) target(%dma_start3A_100 : memref<112x128xf32, #tpu.memory_space<hbm>>) target_semaphore(%arg24 : memref<!tpu.dma_semaphore, #tpu.memory_space<semaphore_mem>>)
    %dma_start3A_101 = arith.constant 0 : i32
    %dma_start3A_102 = tpu.memref_slice %arg6[%add3A_96, %dma_start3A_101] : memref<229376x128xf32, #tpu.memory_space<hbm>> -> memref<112x128xf32, #tpu.memory_space<hbm>>
    %dma_start3A_103 = arith.constant 0 : i32
    %dma_start3A_104 = tpu.memref_slice %arg6[%add3A_96, %dma_start3A_103] : memref<229376x128xf32, #tpu.memory_space<hbm>> -> memref<112x128xf32, #tpu.memory_space<hbm>>
    tpu.enqueue_dma source(%arg21 : memref<112x128xf32, #tpu.memory_space<vmem>>) target(%dma_start3A_104 : memref<112x128xf32, #tpu.memory_space<hbm>>) target_semaphore(%arg25 : memref<!tpu.dma_semaphore, #tpu.memory_space<semaphore_mem>>)
    %add3A_105 = arith.constant 6720 : i32
    %add3A_106 = arith.addi %mul3A_2, %add3A_105 : i32
    %dma_wait3A_107 = arith.constant 0 : i32
    %dma_wait3A_108 = tpu.memref_slice %arg5[%add3A_106, %dma_wait3A_107] : memref<229376x128xf32, #tpu.memory_space<hbm>> -> memref<112x128xf32, #tpu.memory_space<hbm>>
    %dma_wait3A_109 = arith.constant 0 : i32
    %dma_wait3A_110 = tpu.memref_slice %arg5[%add3A_106, %dma_wait3A_109] : memref<229376x128xf32, #tpu.memory_space<hbm>> -> memref<112x128xf32, #tpu.memory_space<hbm>>
    tpu.wait_dma2 semaphore(%arg12 : memref<!tpu.dma_semaphore, #tpu.memory_space<semaphore_mem>>) src(%arg8 : memref<112x128xf32, #tpu.memory_space<vmem>>) dst(%dma_wait3A_110 : memref<112x128xf32, #tpu.memory_space<hbm>>)
    %dma_wait3A_111 = arith.constant 0 : i32
    %dma_wait3A_112 = tpu.memref_slice %arg6[%add3A_106, %dma_wait3A_111] : memref<229376x128xf32, #tpu.memory_space<hbm>> -> memref<112x128xf32, #tpu.memory_space<hbm>>
    %dma_wait3A_113 = arith.constant 0 : i32
    %dma_wait3A_114 = tpu.memref_slice %arg6[%add3A_106, %dma_wait3A_113] : memref<229376x128xf32, #tpu.memory_space<hbm>> -> memref<112x128xf32, #tpu.memory_space<hbm>>
    tpu.wait_dma2 semaphore(%arg13 : memref<!tpu.dma_semaphore, #tpu.memory_space<semaphore_mem>>) src(%arg9 : memref<112x128xf32, #tpu.memory_space<vmem>>) dst(%dma_wait3A_114 : memref<112x128xf32, #tpu.memory_space<hbm>>)
    %dma_wait3A_115 = arith.constant 7056 : i32
    %dma_wait3A_116 = tpu.memref_slice %arg7[%dma_wait3A_115] : memref<7168xi32, #tpu.memory_space<vmem>> -> memref<112xi32, #tpu.memory_space<vmem>>
    %dma_wait3A_117 = arith.constant 0 : i32
    %dma_wait3A_118 = arith.constant 0 : i32
    %dma_wait3A_119 = tpu.memref_slice %arg3[%dma_wait3A_117, %dma_wait3A_118] : memref<100000x128xf32, #tpu.memory_space<hbm>> -> memref<100000x128xf32, #tpu.memory_space<hbm>>
    tpu.wait_indirect_dma semaphore(%arg28 : memref<!tpu.dma_semaphore, #tpu.memory_space<semaphore_mem>>) src(%dma_wait3A_119 : memref<100000x128xf32, #tpu.memory_space<hbm>>) dst(%arg26 : memref<112x128xf32, #tpu.memory_space<vmem>>)
    %dma_wait3A_120 = arith.constant 7056 : i32
    %dma_wait3A_121 = tpu.memref_slice %arg7[%dma_wait3A_120] : memref<7168xi32, #tpu.memory_space<vmem>> -> memref<112xi32, #tpu.memory_space<vmem>>
    %dma_wait3A_122 = arith.constant 0 : i32
    %dma_wait3A_123 = arith.constant 0 : i32
    %dma_wait3A_124 = tpu.memref_slice %arg4[%dma_wait3A_122, %dma_wait3A_123] : memref<100000x128xf32, #tpu.memory_space<hbm>> -> memref<100000x128xf32, #tpu.memory_space<hbm>>
    tpu.wait_indirect_dma semaphore(%arg29 : memref<!tpu.dma_semaphore, #tpu.memory_space<semaphore_mem>>) src(%dma_wait3A_124 : memref<100000x128xf32, #tpu.memory_space<hbm>>) dst(%arg27 : memref<112x128xf32, #tpu.memory_space<vmem>>)
    %add3A_125 = arith.constant 7056 : i32
    %add3A_126 = arith.addi %mul3A_2, %add3A_125 : i32
    %dma_start3A_127 = arith.constant 0 : i32
    %dma_start3A_128 = tpu.memref_slice %arg5[%add3A_126, %dma_start3A_127] : memref<229376x128xf32, #tpu.memory_space<hbm>> -> memref<112x128xf32, #tpu.memory_space<hbm>>
    %dma_start3A_129 = arith.constant 0 : i32
    %dma_start3A_130 = tpu.memref_slice %arg5[%add3A_126, %dma_start3A_129] : memref<229376x128xf32, #tpu.memory_space<hbm>> -> memref<112x128xf32, #tpu.memory_space<hbm>>
    tpu.enqueue_dma source(%arg26 : memref<112x128xf32, #tpu.memory_space<vmem>>) target(%dma_start3A_130 : memref<112x128xf32, #tpu.memory_space<hbm>>) target_semaphore(%arg30 : memref<!tpu.dma_semaphore, #tpu.memory_space<semaphore_mem>>)
    %dma_start3A_131 = arith.constant 0 : i32
    %dma_start3A_132 = tpu.memref_slice %arg6[%add3A_126, %dma_start3A_131] : memref<229376x128xf32, #tpu.memory_space<hbm>> -> memref<112x128xf32, #tpu.memory_space<hbm>>
    %dma_start3A_133 = arith.constant 0 : i32
    %dma_start3A_134 = tpu.memref_slice %arg6[%add3A_126, %dma_start3A_133] : memref<229376x128xf32, #tpu.memory_space<hbm>> -> memref<112x128xf32, #tpu.memory_space<hbm>>
    tpu.enqueue_dma source(%arg27 : memref<112x128xf32, #tpu.memory_space<vmem>>) target(%dma_start3A_134 : memref<112x128xf32, #tpu.memory_space<hbm>>) target_semaphore(%arg31 : memref<!tpu.dma_semaphore, #tpu.memory_space<semaphore_mem>>)
    %add3A_135 = arith.constant 6832 : i32
    %add3A_136 = arith.addi %mul3A_2, %add3A_135 : i32
    %dma_wait3A_137 = arith.constant 0 : i32
    %dma_wait3A_138 = tpu.memref_slice %arg5[%add3A_136, %dma_wait3A_137] : memref<229376x128xf32, #tpu.memory_space<hbm>> -> memref<112x128xf32, #tpu.memory_space<hbm>>
    %dma_wait3A_139 = arith.constant 0 : i32
    %dma_wait3A_140 = tpu.memref_slice %arg5[%add3A_136, %dma_wait3A_139] : memref<229376x128xf32, #tpu.memory_space<hbm>> -> memref<112x128xf32, #tpu.memory_space<hbm>>
    tpu.wait_dma2 semaphore(%arg18 : memref<!tpu.dma_semaphore, #tpu.memory_space<semaphore_mem>>) src(%arg14 : memref<112x128xf32, #tpu.memory_space<vmem>>) dst(%dma_wait3A_140 : memref<112x128xf32, #tpu.memory_space<hbm>>)
    %dma_wait3A_141 = arith.constant 0 : i32
    %dma_wait3A_142 = tpu.memref_slice %arg6[%add3A_136, %dma_wait3A_141] : memref<229376x128xf32, #tpu.memory_space<hbm>> -> memref<112x128xf32, #tpu.memory_space<hbm>>
    %dma_wait3A_143 = arith.constant 0 : i32
    %dma_wait3A_144 = tpu.memref_slice %arg6[%add3A_136, %dma_wait3A_143] : memref<229376x128xf32, #tpu.memory_space<hbm>> -> memref<112x128xf32, #tpu.memory_space<hbm>>
    tpu.wait_dma2 semaphore(%arg19 : memref<!tpu.dma_semaphore, #tpu.memory_space<semaphore_mem>>) src(%arg15 : memref<112x128xf32, #tpu.memory_space<vmem>>) dst(%dma_wait3A_144 : memref<112x128xf32, #tpu.memory_space<hbm>>)
    %add3A_145 = arith.constant 6944 : i32
    %add3A_146 = arith.addi %mul3A_2, %add3A_145 : i32
    %dma_wait3A_147 = arith.constant 0 : i32
    %dma_wait3A_148 = tpu.memref_slice %arg5[%add3A_146, %dma_wait3A_147] : memref<229376x128xf32, #tpu.memory_space<hbm>> -> memref<112x128xf32, #tpu.memory_space<hbm>>
    %dma_wait3A_149 = arith.constant 0 : i32
    %dma_wait3A_150 = tpu.memref_slice %arg5[%add3A_146, %dma_wait3A_149] : memref<229376x128xf32, #tpu.memory_space<hbm>> -> memref<112x128xf32, #tpu.memory_space<hbm>>
    tpu.wait_dma2 semaphore(%arg24 : memref<!tpu.dma_semaphore, #tpu.memory_space<semaphore_mem>>) src(%arg20 : memref<112x128xf32, #tpu.memory_space<vmem>>) dst(%dma_wait3A_150 : memref<112x128xf32, #tpu.memory_space<hbm>>)
    %dma_wait3A_151 = arith.constant 0 : i32
    %dma_wait3A_152 = tpu.memref_slice %arg6[%add3A_146, %dma_wait3A_151] : memref<229376x128xf32, #tpu.memory_space<hbm>> -> memref<112x128xf32, #tpu.memory_space<hbm>>
    %dma_wait3A_153 = arith.constant 0 : i32
    %dma_wait3A_154 = tpu.memref_slice %arg6[%add3A_146, %dma_wait3A_153] : memref<229376x128xf32, #tpu.memory_space<hbm>> -> memref<112x128xf32, #tpu.memory_space<hbm>>
    tpu.wait_dma2 semaphore(%arg25 : memref<!tpu.dma_semaphore, #tpu.memory_space<semaphore_mem>>) src(%arg21 : memref<112x128xf32, #tpu.memory_space<vmem>>) dst(%dma_wait3A_154 : memref<112x128xf32, #tpu.memory_space<hbm>>)
    %add3A_155 = arith.constant 7056 : i32
    %add3A_156 = arith.addi %mul3A_2, %add3A_155 : i32
    %dma_wait3A_157 = arith.constant 0 : i32
    %dma_wait3A_158 = tpu.memref_slice %arg5[%add3A_156, %dma_wait3A_157] : memref<229376x128xf32, #tpu.memory_space<hbm>> -> memref<112x128xf32, #tpu.memory_space<hbm>>
    %dma_wait3A_159 = arith.constant 0 : i32
    %dma_wait3A_160 = tpu.memref_slice %arg5[%add3A_156, %dma_wait3A_159] : memref<229376x128xf32, #tpu.memory_space<hbm>> -> memref<112x128xf32, #tpu.memory_space<hbm>>
    tpu.wait_dma2 semaphore(%arg30 : memref<!tpu.dma_semaphore, #tpu.memory_space<semaphore_mem>>) src(%arg26 : memref<112x128xf32, #tpu.memory_space<vmem>>) dst(%dma_wait3A_160 : memref<112x128xf32, #tpu.memory_space<hbm>>)
    %dma_wait3A_161 = arith.constant 0 : i32
    %dma_wait3A_162 = tpu.memref_slice %arg6[%add3A_156, %dma_wait3A_161] : memref<229376x128xf32, #tpu.memory_space<hbm>> -> memref<112x128xf32, #tpu.memory_space<hbm>>
    %dma_wait3A_163 = arith.constant 0 : i32
    %dma_wait3A_164 = tpu.memref_slice %arg6[%add3A_156, %dma_wait3A_163] : memref<229376x128xf32, #tpu.memory_space<hbm>> -> memref<112x128xf32, #tpu.memory_space<hbm>>
    tpu.wait_dma2 semaphore(%arg31 : memref<!tpu.dma_semaphore, #tpu.memory_space<semaphore_mem>>) src(%arg27 : memref<112x128xf32, #tpu.memory_space<vmem>>) dst(%dma_wait3A_164 : memref<112x128xf32, #tpu.memory_space<hbm>>)
    return
  }
}

module attributes {stable_mosaic.version = 14 : i64} {
  func.func @body(%arg0: i32, %arg1: memref<128x50x128xf32, #tpu.memory_space<vmem>>, %arg2: memref<128x56x128xf32, #tpu.memory_space<vmem>>, %arg3: memref<128x56x128xf32, #tpu.memory_space<vmem>>, %arg4: memref<128x128xf32, #tpu.memory_space<vmem>>, %arg5: memref<128x50x128xf32, #tpu.memory_space<vmem>>) attributes {dimension_semantics = [#tpu.dimension_semantics<arbitrary>], iteration_bounds = array<i64: 32>, scalar_prefetch = 0 : i64, scratch_operands = 0 : i64, tpu.core_type = #tpu.core_type<tc>, window_params = [{transform_indices = @transform_0, window_bounds = array<i64: 128, 50, 128>}, {transform_indices = @transform_1, window_bounds = array<i64: 128, 56, 128>}, {transform_indices = @transform_2, window_bounds = array<i64: 128, 56, 128>}, {pipeline_mode = #tpu.pipeline_mode<synchronous>, transform_indices = @transform_3, window_bounds = array<i64: 128, 128>}, {transform_indices = @transform_4, window_bounds = array<i64: 128, 50, 128>}]} {
    %get3A = arith.constant 0 : index
    %get3A_0 = arith.constant 0 : index
    %get3A_1 = arith.constant 0 : index
    %get3A_2 = vector.load %arg1[%get3A, %get3A_0, %get3A_1] : memref<128x50x128xf32, #tpu.memory_space<vmem>>, vector<1x50x128xf32>
    %get3A_3 = vector.shape_cast %get3A_2 : vector<1x50x128xf32> to vector<50x128xf32>
    %get3A_4 = arith.constant 0 : index
    %get3A_5 = arith.constant 0 : index
    %get3A_6 = vector.load %arg4[%get3A_4, %get3A_5] : memref<128x128xf32, #tpu.memory_space<vmem>>, vector<128x128xf32>
    %dot_general3A = arith.constant dense<0.000000e+00> : vector<50x128xf32>
    %dot_general3A_7 = tpu.matmul %get3A_3, %get3A_6, %dot_general3A {dimension_numbers = #tpu.dot_dimension_numbers<[1], [1], [0], [0], [0, 0, 1, 0], [], []>, transpose_lhs_hint = false} : vector<50x128xf32>, vector<128x128xf32>, vector<50x128xf32> -> vector<50x128xf32>
    %get3A_8 = arith.constant 0 : index
    %get3A_9 = arith.constant 0 : index
    %get3A_10 = arith.constant 0 : index
    %get3A_11 = vector.load %arg2[%get3A_8, %get3A_9, %get3A_10] : memref<128x56x128xf32, #tpu.memory_space<vmem>>, vector<1x50x128xf32>
    %get3A_12 = vector.shape_cast %get3A_11 : vector<1x50x128xf32> to vector<50x128xf32>
    %get3A_13 = arith.constant 0 : index
    %get3A_14 = arith.constant 0 : index
    %get3A_15 = arith.constant 0 : index
    %get3A_16 = vector.load %arg3[%get3A_13, %get3A_14, %get3A_15] : memref<128x56x128xf32, #tpu.memory_space<vmem>>, vector<1x50x128xf32>
    %get3A_17 = vector.shape_cast %get3A_16 : vector<1x50x128xf32> to vector<50x128xf32>
    %mul3A = arith.mulf %get3A_17, %dot_general3A_7 : vector<50x128xf32>
    %add3A = arith.addf %get3A_12, %mul3A : vector<50x128xf32>
    %swap3A = arith.constant 0 : index
    %swap3A_18 = arith.constant 0 : index
    %swap3A_19 = arith.constant 0 : index
    %swap3A_20 = vector.load %arg5[%swap3A, %swap3A_18, %swap3A_19] : memref<128x50x128xf32, #tpu.memory_space<vmem>>, vector<1x50x128xf32>
    %swap3A_21 = vector.shape_cast %swap3A_20 : vector<1x50x128xf32> to vector<50x128xf32>
    %swap3A_22 = vector.shape_cast %add3A : vector<50x128xf32> to vector<1x50x128xf32>
    tpu.vector_store %arg5[%swap3A, %swap3A_18, %swap3A_19], %swap3A_22 {strides = array<i32>} : memref<128x50x128xf32, #tpu.memory_space<vmem>>, vector<1x50x128xf32>,
    %get3A_23 = arith.constant 1 : index
    %get3A_24 = arith.constant 0 : index
    %get3A_25 = arith.constant 0 : index
    %get3A_26 = vector.load %arg1[%get3A_23, %get3A_24, %get3A_25] : memref<128x50x128xf32, #tpu.memory_space<vmem>>, vector<1x50x128xf32>
    %get3A_27 = vector.shape_cast %get3A_26 : vector<1x50x128xf32> to vector<50x128xf32>
    %get3A_28 = arith.constant 0 : index
    %get3A_29 = arith.constant 0 : index
    %get3A_30 = vector.load %arg4[%get3A_28, %get3A_29] : memref<128x128xf32, #tpu.memory_space<vmem>>, vector<128x128xf32>
    %dot_general3A_31 = arith.constant dense<0.000000e+00> : vector<50x128xf32>
    %dot_general3A_32 = tpu.matmul %get3A_27, %get3A_30, %dot_general3A_31 {dimension_numbers = #tpu.dot_dimension_numbers<[1], [1], [0], [0], [0, 0, 1, 0], [], []>, transpose_lhs_hint = false} : vector<50x128xf32>, vector<128x128xf32>, vector<50x128xf32> -> vector<50x128xf32>
    %get3A_33 = arith.constant 1 : index
    %get3A_34 = arith.constant 0 : index
    %get3A_35 = arith.constant 0 : index
    %get3A_36 = vector.load %arg2[%get3A_33, %get3A_34, %get3A_35] : memref<128x56x128xf32, #tpu.memory_space<vmem>>, vector<1x50x128xf32>
    %get3A_37 = vector.shape_cast %get3A_36 : vector<1x50x128xf32> to vector<50x128xf32>
    %get3A_38 = arith.constant 1 : index
    %get3A_39 = arith.constant 0 : index
    %get3A_40 = arith.constant 0 : index
    %get3A_41 = vector.load %arg3[%get3A_38, %get3A_39, %get3A_40] : memref<128x56x128xf32, #tpu.memory_space<vmem>>, vector<1x50x128xf32>
    %get3A_42 = vector.shape_cast %get3A_41 : vector<1x50x128xf32> to vector<50x128xf32>
    %mul3A_43 = arith.mulf %get3A_42, %dot_general3A_32 : vector<50x128xf32>
    %add3A_44 = arith.addf %get3A_37, %mul3A_43 : vector<50x128xf32>
    %swap3A_45 = arith.constant 1 : index
    %swap3A_46 = arith.constant 0 : index
    %swap3A_47 = arith.constant 0 : index
    %swap3A_48 = vector.load %arg5[%swap3A_45, %swap3A_46, %swap3A_47] : memref<128x50x128xf32, #tpu.memory_space<vmem>>, vector<1x50x128xf32>
    %swap3A_49 = vector.shape_cast %swap3A_48 : vector<1x50x128xf32> to vector<50x128xf32>
    %swap3A_50 = vector.shape_cast %add3A_44 : vector<50x128xf32> to vector<1x50x128xf32>
    tpu.vector_store %arg5[%swap3A_45, %swap3A_46, %swap3A_47], %swap3A_50 {strides = array<i32>} : memref<128x50x128xf32, #tpu.memory_space<vmem>>, vector<1x50x128xf32>,
    %get3A_51 = arith.constant 2 : index
    %get3A_52 = arith.constant 0 : index
    %get3A_53 = arith.constant 0 : index
    %get3A_54 = vector.load %arg1[%get3A_51, %get3A_52, %get3A_53] : memref<128x50x128xf32, #tpu.memory_space<vmem>>, vector<1x50x128xf32>
    %get3A_55 = vector.shape_cast %get3A_54 : vector<1x50x128xf32> to vector<50x128xf32>
    %get3A_56 = arith.constant 0 : index
    %get3A_57 = arith.constant 0 : index
    %get3A_58 = vector.load %arg4[%get3A_56, %get3A_57] : memref<128x128xf32, #tpu.memory_space<vmem>>, vector<128x128xf32>
    %dot_general3A_59 = arith.constant dense<0.000000e+00> : vector<50x128xf32>
    %dot_general3A_60 = tpu.matmul %get3A_55, %get3A_58, %dot_general3A_59 {dimension_numbers = #tpu.dot_dimension_numbers<[1], [1], [0], [0], [0, 0, 1, 0], [], []>, transpose_lhs_hint = false} : vector<50x128xf32>, vector<128x128xf32>, vector<50x128xf32> -> vector<50x128xf32>
    %get3A_61 = arith.constant 2 : index
    %get3A_62 = arith.constant 0 : index
    %get3A_63 = arith.constant 0 : index
    %get3A_64 = vector.load %arg2[%get3A_61, %get3A_62, %get3A_63] : memref<128x56x128xf32, #tpu.memory_space<vmem>>, vector<1x50x128xf32>
    %get3A_65 = vector.shape_cast %get3A_64 : vector<1x50x128xf32> to vector<50x128xf32>
    %get3A_66 = arith.constant 2 : index
    %get3A_67 = arith.constant 0 : index
    %get3A_68 = arith.constant 0 : index
    %get3A_69 = vector.load %arg3[%get3A_66, %get3A_67, %get3A_68] : memref<128x56x128xf32, #tpu.memory_space<vmem>>, vector<1x50x128xf32>
    %get3A_70 = vector.shape_cast %get3A_69 : vector<1x50x128xf32> to vector<50x128xf32>
    %mul3A_71 = arith.mulf %get3A_70, %dot_general3A_60 : vector<50x128xf32>
    %add3A_72 = arith.addf %get3A_65, %mul3A_71 : vector<50x128xf32>
    %swap3A_73 = arith.constant 2 : index
    %swap3A_74 = arith.constant 0 : index
    %swap3A_75 = arith.constant 0 : index
    %swap3A_76 = vector.load %arg5[%swap3A_73, %swap3A_74, %swap3A_75] : memref<128x50x128xf32, #tpu.memory_space<vmem>>, vector<1x50x128xf32>
    %swap3A_77 = vector.shape_cast %swap3A_76 : vector<1x50x128xf32> to vector<50x128xf32>
    %swap3A_78 = vector.shape_cast %add3A_72 : vector<50x128xf32> to vector<1x50x128xf32>
    tpu.vector_store %arg5[%swap3A_73, %swap3A_74, %swap3A_75], %swap3A_78 {strides = array<i32>} : memref<128x50x128xf32, #tpu.memory_space<vmem>>, vector<1x50x128xf32>,
    %get3A_79 = arith.constant 3 : index
    %get3A_80 = arith.constant 0 : index
    %get3A_81 = arith.constant 0 : index
    %get3A_82 = vector.load %arg1[%get3A_79, %get3A_80, %get3A_81] : memref<128x50x128xf32, #tpu.memory_space<vmem>>, vector<1x50x128xf32>
    %get3A_83 = vector.shape_cast %get3A_82 : vector<1x50x128xf32> to vector<50x128xf32>
    %get3A_84 = arith.constant 0 : index
    %get3A_85 = arith.constant 0 : index
    %get3A_86 = vector.load %arg4[%get3A_84, %get3A_85] : memref<128x128xf32, #tpu.memory_space<vmem>>, vector<128x128xf32>
    %dot_general3A_87 = arith.constant dense<0.000000e+00> : vector<50x128xf32>
    %dot_general3A_88 = tpu.matmul %get3A_83, %get3A_86, %dot_general3A_87 {dimension_numbers = #tpu.dot_dimension_numbers<[1], [1], [0], [0], [0, 0, 1, 0], [], []>, transpose_lhs_hint = false} : vector<50x128xf32>, vector<128x128xf32>, vector<50x128xf32> -> vector<50x128xf32>
    %get3A_89 = arith.constant 3 : index
    %get3A_90 = arith.constant 0 : index
    %get3A_91 = arith.constant 0 : index
    %get3A_92 = vector.load %arg2[%get3A_89, %get3A_90, %get3A_91] : memref<128x56x128xf32, #tpu.memory_space<vmem>>, vector<1x50x128xf32>
    %get3A_93 = vector.shape_cast %get3A_92 : vector<1x50x128xf32> to vector<50x128xf32>
    %get3A_94 = arith.constant 3 : index
    %get3A_95 = arith.constant 0 : index
    %get3A_96 = arith.constant 0 : index
    %get3A_97 = vector.load %arg3[%get3A_94, %get3A_95, %get3A_96] : memref<128x56x128xf32, #tpu.memory_space<vmem>>, vector<1x50x128xf32>
    %get3A_98 = vector.shape_cast %get3A_97 : vector<1x50x128xf32> to vector<50x128xf32>
    %mul3A_99 = arith.mulf %get3A_98, %dot_general3A_88 : vector<50x128xf32>
    %add3A_100 = arith.addf %get3A_93, %mul3A_99 : vector<50x128xf32>
    %swap3A_101 = arith.constant 3 : index
    %swap3A_102 = arith.constant 0 : index
    %swap3A_103 = arith.constant 0 : index
    %swap3A_104 = vector.load %arg5[%swap3A_101, %swap3A_102, %swap3A_103] : memref<128x50x128xf32, #tpu.memory_space<vmem>>, vector<1x50x128xf32>
    %swap3A_105 = vector.shape_cast %swap3A_104 : vector<1x50x128xf32> to vector<50x128xf32>
    %swap3A_106 = vector.shape_cast %add3A_100 : vector<50x128xf32> to vector<1x50x128xf32>
    tpu.vector_store %arg5[%swap3A_101, %swap3A_102, %swap3A_103], %swap3A_106 {strides = array<i32>} : memref<128x50x128xf32, #tpu.memory_space<vmem>>, vector<1x50x128xf32>,
    %get3A_107 = arith.constant 4 : index
    %get3A_108 = arith.constant 0 : index
    %get3A_109 = arith.constant 0 : index
    %get3A_110 = vector.load %arg1[%get3A_107, %get3A_108, %get3A_109] : memref<128x50x128xf32, #tpu.memory_space<vmem>>, vector<1x50x128xf32>
    %get3A_111 = vector.shape_cast %get3A_110 : vector<1x50x128xf32> to vector<50x128xf32>
    %get3A_112 = arith.constant 0 : index
    %get3A_113 = arith.constant 0 : index
    %get3A_114 = vector.load %arg4[%get3A_112, %get3A_113] : memref<128x128xf32, #tpu.memory_space<vmem>>, vector<128x128xf32>
    %dot_general3A_115 = arith.constant dense<0.000000e+00> : vector<50x128xf32>
    %dot_general3A_116 = tpu.matmul %get3A_111, %get3A_114, %dot_general3A_115 {dimension_numbers = #tpu.dot_dimension_numbers<[1], [1], [0], [0], [0, 0, 1, 0], [], []>, transpose_lhs_hint = false} : vector<50x128xf32>, vector<128x128xf32>, vector<50x128xf32> -> vector<50x128xf32>
    %get3A_117 = arith.constant 4 : index
    %get3A_118 = arith.constant 0 : index
    %get3A_119 = arith.constant 0 : index
    %get3A_120 = vector.load %arg2[%get3A_117, %get3A_118, %get3A_119] : memref<128x56x128xf32, #tpu.memory_space<vmem>>, vector<1x50x128xf32>
    %get3A_121 = vector.shape_cast %get3A_120 : vector<1x50x128xf32> to vector<50x128xf32>
    %get3A_122 = arith.constant 4 : index
    %get3A_123 = arith.constant 0 : index
    %get3A_124 = arith.constant 0 : index
    %get3A_125 = vector.load %arg3[%get3A_122, %get3A_123, %get3A_124] : memref<128x56x128xf32, #tpu.memory_space<vmem>>, vector<1x50x128xf32>
    %get3A_126 = vector.shape_cast %get3A_125 : vector<1x50x128xf32> to vector<50x128xf32>
    %mul3A_127 = arith.mulf %get3A_126, %dot_general3A_116 : vector<50x128xf32>
    %add3A_128 = arith.addf %get3A_121, %mul3A_127 : vector<50x128xf32>
    %swap3A_129 = arith.constant 4 : index
    %swap3A_130 = arith.constant 0 : index
    %swap3A_131 = arith.constant 0 : index
    %swap3A_132 = vector.load %arg5[%swap3A_129, %swap3A_130, %swap3A_131] : memref<128x50x128xf32, #tpu.memory_space<vmem>>, vector<1x50x128xf32>
    %swap3A_133 = vector.shape_cast %swap3A_132 : vector<1x50x128xf32> to vector<50x128xf32>
    %swap3A_134 = vector.shape_cast %add3A_128 : vector<50x128xf32> to vector<1x50x128xf32>
    tpu.vector_store %arg5[%swap3A_129, %swap3A_130, %swap3A_131], %swap3A_134 {strides = array<i32>} : memref<128x50x128xf32, #tpu.memory_space<vmem>>, vector<1x50x128xf32>,
    %get3A_135 = arith.constant 5 : index
    %get3A_136 = arith.constant 0 : index
    %get3A_137 = arith.constant 0 : index
    %get3A_138 = vector.load %arg1[%get3A_135, %get3A_136, %get3A_137] : memref<128x50x128xf32, #tpu.memory_space<vmem>>, vector<1x50x128xf32>
    %get3A_139 = vector.shape_cast %get3A_138 : vector<1x50x128xf32> to vector<50x128xf32>
    %get3A_140 = arith.constant 0 : index
    %get3A_141 = arith.constant 0 : index
    %get3A_142 = vector.load %arg4[%get3A_140, %get3A_141] : memref<128x128xf32, #tpu.memory_space<vmem>>, vector<128x128xf32>
    %dot_general3A_143 = arith.constant dense<0.000000e+00> : vector<50x128xf32>
    %dot_general3A_144 = tpu.matmul %get3A_139, %get3A_142, %dot_general3A_143 {dimension_numbers = #tpu.dot_dimension_numbers<[1], [1], [0], [0], [0, 0, 1, 0], [], []>, transpose_lhs_hint = false} : vector<50x128xf32>, vector<128x128xf32>, vector<50x128xf32> -> vector<50x128xf32>
    %get3A_145 = arith.constant 5 : index
    %get3A_146 = arith.constant 0 : index
    %get3A_147 = arith.constant 0 : index
    %get3A_148 = vector.load %arg2[%get3A_145, %get3A_146, %get3A_147] : memref<128x56x128xf32, #tpu.memory_space<vmem>>, vector<1x50x128xf32>
    %get3A_149 = vector.shape_cast %get3A_148 : vector<1x50x128xf32> to vector<50x128xf32>
    %get3A_150 = arith.constant 5 : index
    %get3A_151 = arith.constant 0 : index
    %get3A_152 = arith.constant 0 : index
    %get3A_153 = vector.load %arg3[%get3A_150, %get3A_151, %get3A_152] : memref<128x56x128xf32, #tpu.memory_space<vmem>>, vector<1x50x128xf32>
    %get3A_154 = vector.shape_cast %get3A_153 : vector<1x50x128xf32> to vector<50x128xf32>
    %mul3A_155 = arith.mulf %get3A_154, %dot_general3A_144 : vector<50x128xf32>
    %add3A_156 = arith.addf %get3A_149, %mul3A_155 : vector<50x128xf32>
    %swap3A_157 = arith.constant 5 : index
    %swap3A_158 = arith.constant 0 : index
    %swap3A_159 = arith.constant 0 : index
    %swap3A_160 = vector.load %arg5[%swap3A_157, %swap3A_158, %swap3A_159] : memref<128x50x128xf32, #tpu.memory_space<vmem>>, vector<1x50x128xf32>
    %swap3A_161 = vector.shape_cast %swap3A_160 : vector<1x50x128xf32> to vector<50x128xf32>
    %swap3A_162 = vector.shape_cast %add3A_156 : vector<50x128xf32> to vector<1x50x128xf32>
    tpu.vector_store %arg5[%swap3A_157, %swap3A_158, %swap3A_159], %swap3A_162 {strides = array<i32>} : memref<128x50x128xf32, #tpu.memory_space<vmem>>, vector<1x50x128xf32>,
    %get3A_163 = arith.constant 6 : index
    %get3A_164 = arith.constant 0 : index
    %get3A_165 = arith.constant 0 : index
    %get3A_166 = vector.load %arg1[%get3A_163, %get3A_164, %get3A_165] : memref<128x50x128xf32, #tpu.memory_space<vmem>>, vector<1x50x128xf32>
    %get3A_167 = vector.shape_cast %get3A_166 : vector<1x50x128xf32> to vector<50x128xf32>
    %get3A_168 = arith.constant 0 : index
    %get3A_169 = arith.constant 0 : index
    %get3A_170 = vector.load %arg4[%get3A_168, %get3A_169] : memref<128x128xf32, #tpu.memory_space<vmem>>, vector<128x128xf32>
    %dot_general3A_171 = arith.constant dense<0.000000e+00> : vector<50x128xf32>
    %dot_general3A_172 = tpu.matmul %get3A_167, %get3A_170, %dot_general3A_171 {dimension_numbers = #tpu.dot_dimension_numbers<[1], [1], [0], [0], [0, 0, 1, 0], [], []>, transpose_lhs_hint = false} : vector<50x128xf32>, vector<128x128xf32>, vector<50x128xf32> -> vector<50x128xf32>
    %get3A_173 = arith.constant 6 : index
    %get3A_174 = arith.constant 0 : index
    %get3A_175 = arith.constant 0 : index
    %get3A_176 = vector.load %arg2[%get3A_173, %get3A_174, %get3A_175] : memref<128x56x128xf32, #tpu.memory_space<vmem>>, vector<1x50x128xf32>
    %get3A_177 = vector.shape_cast %get3A_176 : vector<1x50x128xf32> to vector<50x128xf32>
    %get3A_178 = arith.constant 6 : index
    %get3A_179 = arith.constant 0 : index
    %get3A_180 = arith.constant 0 : index
    %get3A_181 = vector.load %arg3[%get3A_178, %get3A_179, %get3A_180] : memref<128x56x128xf32, #tpu.memory_space<vmem>>, vector<1x50x128xf32>
    %get3A_182 = vector.shape_cast %get3A_181 : vector<1x50x128xf32> to vector<50x128xf32>
    %mul3A_183 = arith.mulf %get3A_182, %dot_general3A_172 : vector<50x128xf32>
    %add3A_184 = arith.addf %get3A_177, %mul3A_183 : vector<50x128xf32>
    %swap3A_185 = arith.constant 6 : index
    %swap3A_186 = arith.constant 0 : index
    %swap3A_187 = arith.constant 0 : index
    %swap3A_188 = vector.load %arg5[%swap3A_185, %swap3A_186, %swap3A_187] : memref<128x50x128xf32, #tpu.memory_space<vmem>>, vector<1x50x128xf32>
    %swap3A_189 = vector.shape_cast %swap3A_188 : vector<1x50x128xf32> to vector<50x128xf32>
    %swap3A_190 = vector.shape_cast %add3A_184 : vector<50x128xf32> to vector<1x50x128xf32>
    tpu.vector_store %arg5[%swap3A_185, %swap3A_186, %swap3A_187], %swap3A_190 {strides = array<i32>} : memref<128x50x128xf32, #tpu.memory_space<vmem>>, vector<1x50x128xf32>,
    %get3A_191 = arith.constant 7 : index
    %get3A_192 = arith.constant 0 : index
    %get3A_193 = arith.constant 0 : index
    %get3A_194 = vector.load %arg1[%get3A_191, %get3A_192, %get3A_193] : memref<128x50x128xf32, #tpu.memory_space<vmem>>, vector<1x50x128xf32>
    %get3A_195 = vector.shape_cast %get3A_194 : vector<1x50x128xf32> to vector<50x128xf32>
    %get3A_196 = arith.constant 0 : index
    %get3A_197 = arith.constant 0 : index
    %get3A_198 = vector.load %arg4[%get3A_196, %get3A_197] : memref<128x128xf32, #tpu.memory_space<vmem>>, vector<128x128xf32>
    %dot_general3A_199 = arith.constant dense<0.000000e+00> : vector<50x128xf32>
    %dot_general3A_200 = tpu.matmul %get3A_195, %get3A_198, %dot_general3A_199 {dimension_numbers = #tpu.dot_dimension_numbers<[1], [1], [0], [0], [0, 0, 1, 0], [], []>, transpose_lhs_hint = false} : vector<50x128xf32>, vector<128x128xf32>, vector<50x128xf32> -> vector<50x128xf32>
    %get3A_201 = arith.constant 7 : index
    %get3A_202 = arith.constant 0 : index
    %get3A_203 = arith.constant 0 : index
    %get3A_204 = vector.load %arg2[%get3A_201, %get3A_202, %get3A_203] : memref<128x56x128xf32, #tpu.memory_space<vmem>>, vector<1x50x128xf32>
    %get3A_205 = vector.shape_cast %get3A_204 : vector<1x50x128xf32> to vector<50x128xf32>
    %get3A_206 = arith.constant 7 : index
    %get3A_207 = arith.constant 0 : index
    %get3A_208 = arith.constant 0 : index
    %get3A_209 = vector.load %arg3[%get3A_206, %get3A_207, %get3A_208] : memref<128x56x128xf32, #tpu.memory_space<vmem>>, vector<1x50x128xf32>
    %get3A_210 = vector.shape_cast %get3A_209 : vector<1x50x128xf32> to vector<50x128xf32>
    %mul3A_211 = arith.mulf %get3A_210, %dot_general3A_200 : vector<50x128xf32>
    %add3A_212 = arith.addf %get3A_205, %mul3A_211 : vector<50x128xf32>
    %swap3A_213 = arith.constant 7 : index
    %swap3A_214 = arith.constant 0 : index
    %swap3A_215 = arith.constant 0 : index
    %swap3A_216 = vector.load %arg5[%swap3A_213, %swap3A_214, %swap3A_215] : memref<128x50x128xf32, #tpu.memory_space<vmem>>, vector<1x50x128xf32>
    %swap3A_217 = vector.shape_cast %swap3A_216 : vector<1x50x128xf32> to vector<50x128xf32>
    %swap3A_218 = vector.shape_cast %add3A_212 : vector<50x128xf32> to vector<1x50x128xf32>
    tpu.vector_store %arg5[%swap3A_213, %swap3A_214, %swap3A_215], %swap3A_218 {strides = array<i32>} : memref<128x50x128xf32, #tpu.memory_space<vmem>>, vector<1x50x128xf32>,
    %get3A_219 = arith.constant 8 : index
    %get3A_220 = arith.constant 0 : index
    %get3A_221 = arith.constant 0 : index
    %get3A_222 = vector.load %arg1[%get3A_219, %get3A_220, %get3A_221] : memref<128x50x128xf32, #tpu.memory_space<vmem>>, vector<1x50x128xf32>
    %get3A_223 = vector.shape_cast %get3A_222 : vector<1x50x128xf32> to vector<50x128xf32>
    %get3A_224 = arith.constant 0 : index
    %get3A_225 = arith.constant 0 : index
    %get3A_226 = vector.load %arg4[%get3A_224, %get3A_225] : memref<128x128xf32, #tpu.memory_space<vmem>>, vector<128x128xf32>
    %dot_general3A_227 = arith.constant dense<0.000000e+00> : vector<50x128xf32>
    %dot_general3A_228 = tpu.matmul %get3A_223, %get3A_226, %dot_general3A_227 {dimension_numbers = #tpu.dot_dimension_numbers<[1], [1], [0], [0], [0, 0, 1, 0], [], []>, transpose_lhs_hint = false} : vector<50x128xf32>, vector<128x128xf32>, vector<50x128xf32> -> vector<50x128xf32>
    %get3A_229 = arith.constant 8 : index
    %get3A_230 = arith.constant 0 : index
    %get3A_231 = arith.constant 0 : index
    %get3A_232 = vector.load %arg2[%get3A_229, %get3A_230, %get3A_231] : memref<128x56x128xf32, #tpu.memory_space<vmem>>, vector<1x50x128xf32>
    %get3A_233 = vector.shape_cast %get3A_232 : vector<1x50x128xf32> to vector<50x128xf32>
    %get3A_234 = arith.constant 8 : index
    %get3A_235 = arith.constant 0 : index
    %get3A_236 = arith.constant 0 : index
    %get3A_237 = vector.load %arg3[%get3A_234, %get3A_235, %get3A_236] : memref<128x56x128xf32, #tpu.memory_space<vmem>>, vector<1x50x128xf32>
    %get3A_238 = vector.shape_cast %get3A_237 : vector<1x50x128xf32> to vector<50x128xf32>
    %mul3A_239 = arith.mulf %get3A_238, %dot_general3A_228 : vector<50x128xf32>
    %add3A_240 = arith.addf %get3A_233, %mul3A_239 : vector<50x128xf32>
    %swap3A_241 = arith.constant 8 : index
    %swap3A_242 = arith.constant 0 : index
    %swap3A_243 = arith.constant 0 : index
    %swap3A_244 = vector.load %arg5[%swap3A_241, %swap3A_242, %swap3A_243] : memref<128x50x128xf32, #tpu.memory_space<vmem>>, vector<1x50x128xf32>
    %swap3A_245 = vector.shape_cast %swap3A_244 : vector<1x50x128xf32> to vector<50x128xf32>
    %swap3A_246 = vector.shape_cast %add3A_240 : vector<50x128xf32> to vector<1x50x128xf32>
    tpu.vector_store %arg5[%swap3A_241, %swap3A_242, %swap3A_243], %swap3A_246 {strides = array<i32>} : memref<128x50x128xf32, #tpu.memory_space<vmem>>, vector<1x50x128xf32>,
    %get3A_247 = arith.constant 9 : index
    %get3A_248 = arith.constant 0 : index
    %get3A_249 = arith.constant 0 : index
    %get3A_250 = vector.load %arg1[%get3A_247, %get3A_248, %get3A_249] : memref<128x50x128xf32, #tpu.memory_space<vmem>>, vector<1x50x128xf32>
    %get3A_251 = vector.shape_cast %get3A_250 : vector<1x50x128xf32> to vector<50x128xf32>
    %get3A_252 = arith.constant 0 : index
    %get3A_253 = arith.constant 0 : index
    %get3A_254 = vector.load %arg4[%get3A_252, %get3A_253] : memref<128x128xf32, #tpu.memory_space<vmem>>, vector<128x128xf32>
    %dot_general3A_255 = arith.constant dense<0.000000e+00> : vector<50x128xf32>
    %dot_general3A_256 = tpu.matmul %get3A_251, %get3A_254, %dot_general3A_255 {dimension_numbers = #tpu.dot_dimension_numbers<[1], [1], [0], [0], [0, 0, 1, 0], [], []>, transpose_lhs_hint = false} : vector<50x128xf32>, vector<128x128xf32>, vector<50x128xf32> -> vector<50x128xf32>
    %get3A_257 = arith.constant 9 : index
    %get3A_258 = arith.constant 0 : index
    %get3A_259 = arith.constant 0 : index
    %get3A_260 = vector.load %arg2[%get3A_257, %get3A_258, %get3A_259] : memref<128x56x128xf32, #tpu.memory_space<vmem>>, vector<1x50x128xf32>
    %get3A_261 = vector.shape_cast %get3A_260 : vector<1x50x128xf32> to vector<50x128xf32>
    %get3A_262 = arith.constant 9 : index
    %get3A_263 = arith.constant 0 : index
    %get3A_264 = arith.constant 0 : index
    %get3A_265 = vector.load %arg3[%get3A_262, %get3A_263, %get3A_264] : memref<128x56x128xf32, #tpu.memory_space<vmem>>, vector<1x50x128xf32>
    %get3A_266 = vector.shape_cast %get3A_265 : vector<1x50x128xf32> to vector<50x128xf32>
    %mul3A_267 = arith.mulf %get3A_266, %dot_general3A_256 : vector<50x128xf32>
    %add3A_268 = arith.addf %get3A_261, %mul3A_267 : vector<50x128xf32>
    %swap3A_269 = arith.constant 9 : index
    %swap3A_270 = arith.constant 0 : index
    %swap3A_271 = arith.constant 0 : index
    %swap3A_272 = vector.load %arg5[%swap3A_269, %swap3A_270, %swap3A_271] : memref<128x50x128xf32, #tpu.memory_space<vmem>>, vector<1x50x128xf32>
    %swap3A_273 = vector.shape_cast %swap3A_272 : vector<1x50x128xf32> to vector<50x128xf32>
    %swap3A_274 = vector.shape_cast %add3A_268 : vector<50x128xf32> to vector<1x50x128xf32>
    tpu.vector_store %arg5[%swap3A_269, %swap3A_270, %swap3A_271], %swap3A_274 {strides = array<i32>} : memref<128x50x128xf32, #tpu.memory_space<vmem>>, vector<1x50x128xf32>,
    %get3A_275 = arith.constant 10 : index
    %get3A_276 = arith.constant 0 : index
    %get3A_277 = arith.constant 0 : index
    %get3A_278 = vector.load %arg1[%get3A_275, %get3A_276, %get3A_277] : memref<128x50x128xf32, #tpu.memory_space<vmem>>, vector<1x50x128xf32>
    %get3A_279 = vector.shape_cast %get3A_278 : vector<1x50x128xf32> to vector<50x128xf32>
    %get3A_280 = arith.constant 0 : index
    %get3A_281 = arith.constant 0 : index
    %get3A_282 = vector.load %arg4[%get3A_280, %get3A_281] : memref<128x128xf32, #tpu.memory_space<vmem>>, vector<128x128xf32>
    %dot_general3A_283 = arith.constant dense<0.000000e+00> : vector<50x128xf32>
    %dot_general3A_284 = tpu.matmul %get3A_279, %get3A_282, %dot_general3A_283 {dimension_numbers = #tpu.dot_dimension_numbers<[1], [1], [0], [0], [0, 0, 1, 0], [], []>, transpose_lhs_hint = false} : vector<50x128xf32>, vector<128x128xf32>, vector<50x128xf32> -> vector<50x128xf32>
    %get3A_285 = arith.constant 10 : index
    %get3A_286 = arith.constant 0 : index
    %get3A_287 = arith.constant 0 : index
    %get3A_288 = vector.load %arg2[%get3A_285, %get3A_286, %get3A_287] : memref<128x56x128xf32, #tpu.memory_space<vmem>>, vector<1x50x128xf32>
    %get3A_289 = vector.shape_cast %get3A_288 : vector<1x50x128xf32> to vector<50x128xf32>
    %get3A_290 = arith.constant 10 : index
    %get3A_291 = arith.constant 0 : index
    %get3A_292 = arith.constant 0 : index
    %get3A_293 = vector.load %arg3[%get3A_290, %get3A_291, %get3A_292] : memref<128x56x128xf32, #tpu.memory_space<vmem>>, vector<1x50x128xf32>
    %get3A_294 = vector.shape_cast %get3A_293 : vector<1x50x128xf32> to vector<50x128xf32>
    %mul3A_295 = arith.mulf %get3A_294, %dot_general3A_284 : vector<50x128xf32>
    %add3A_296 = arith.addf %get3A_289, %mul3A_295 : vector<50x128xf32>
    %swap3A_297 = arith.constant 10 : index
    %swap3A_298 = arith.constant 0 : index
    %swap3A_299 = arith.constant 0 : index
    %swap3A_300 = vector.load %arg5[%swap3A_297, %swap3A_298, %swap3A_299] : memref<128x50x128xf32, #tpu.memory_space<vmem>>, vector<1x50x128xf32>
    %swap3A_301 = vector.shape_cast %swap3A_300 : vector<1x50x128xf32> to vector<50x128xf32>
    %swap3A_302 = vector.shape_cast %add3A_296 : vector<50x128xf32> to vector<1x50x128xf32>
    tpu.vector_store %arg5[%swap3A_297, %swap3A_298, %swap3A_299], %swap3A_302 {strides = array<i32>} : memref<128x50x128xf32, #tpu.memory_space<vmem>>, vector<1x50x128xf32>,
    %get3A_303 = arith.constant 11 : index
    %get3A_304 = arith.constant 0 : index
    %get3A_305 = arith.constant 0 : index
    %get3A_306 = vector.load %arg1[%get3A_303, %get3A_304, %get3A_305] : memref<128x50x128xf32, #tpu.memory_space<vmem>>, vector<1x50x128xf32>
    %get3A_307 = vector.shape_cast %get3A_306 : vector<1x50x128xf32> to vector<50x128xf32>
    %get3A_308 = arith.constant 0 : index
    %get3A_309 = arith.constant 0 : index
    %get3A_310 = vector.load %arg4[%get3A_308, %get3A_309] : memref<128x128xf32, #tpu.memory_space<vmem>>, vector<128x128xf32>
    %dot_general3A_311 = arith.constant dense<0.000000e+00> : vector<50x128xf32>
    %dot_general3A_312 = tpu.matmul %get3A_307, %get3A_310, %dot_general3A_311 {dimension_numbers = #tpu.dot_dimension_numbers<[1], [1], [0], [0], [0, 0, 1, 0], [], []>, transpose_lhs_hint = false} : vector<50x128xf32>, vector<128x128xf32>, vector<50x128xf32> -> vector<50x128xf32>
    %get3A_313 = arith.constant 11 : index
    %get3A_314 = arith.constant 0 : index
    %get3A_315 = arith.constant 0 : index
    %get3A_316 = vector.load %arg2[%get3A_313, %get3A_314, %get3A_315] : memref<128x56x128xf32, #tpu.memory_space<vmem>>, vector<1x50x128xf32>
    %get3A_317 = vector.shape_cast %get3A_316 : vector<1x50x128xf32> to vector<50x128xf32>
    %get3A_318 = arith.constant 11 : index
    %get3A_319 = arith.constant 0 : index
    %get3A_320 = arith.constant 0 : index
    %get3A_321 = vector.load %arg3[%get3A_318, %get3A_319, %get3A_320] : memref<128x56x128xf32, #tpu.memory_space<vmem>>, vector<1x50x128xf32>
    %get3A_322 = vector.shape_cast %get3A_321 : vector<1x50x128xf32> to vector<50x128xf32>
    %mul3A_323 = arith.mulf %get3A_322, %dot_general3A_312 : vector<50x128xf32>
    %add3A_324 = arith.addf %get3A_317, %mul3A_323 : vector<50x128xf32>
    %swap3A_325 = arith.constant 11 : index
    %swap3A_326 = arith.constant 0 : index
    %swap3A_327 = arith.constant 0 : index
    %swap3A_328 = vector.load %arg5[%swap3A_325, %swap3A_326, %swap3A_327] : memref<128x50x128xf32, #tpu.memory_space<vmem>>, vector<1x50x128xf32>
    %swap3A_329 = vector.shape_cast %swap3A_328 : vector<1x50x128xf32> to vector<50x128xf32>
    %swap3A_330 = vector.shape_cast %add3A_324 : vector<50x128xf32> to vector<1x50x128xf32>
    tpu.vector_store %arg5[%swap3A_325, %swap3A_326, %swap3A_327], %swap3A_330 {strides = array<i32>} : memref<128x50x128xf32, #tpu.memory_space<vmem>>, vector<1x50x128xf32>,
    %get3A_331 = arith.constant 12 : index
    %get3A_332 = arith.constant 0 : index
    %get3A_333 = arith.constant 0 : index
    %get3A_334 = vector.load %arg1[%get3A_331, %get3A_332, %get3A_333] : memref<128x50x128xf32, #tpu.memory_space<vmem>>, vector<1x50x128xf32>
    %get3A_335 = vector.shape_cast %get3A_334 : vector<1x50x128xf32> to vector<50x128xf32>
    %get3A_336 = arith.constant 0 : index
    %get3A_337 = arith.constant 0 : index
    %get3A_338 = vector.load %arg4[%get3A_336, %get3A_337] : memref<128x128xf32, #tpu.memory_space<vmem>>, vector<128x128xf32>
    %dot_general3A_339 = arith.constant dense<0.000000e+00> : vector<50x128xf32>
    %dot_general3A_340 = tpu.matmul %get3A_335, %get3A_338, %dot_general3A_339 {dimension_numbers = #tpu.dot_dimension_numbers<[1], [1], [0], [0], [0, 0, 1, 0], [], []>, transpose_lhs_hint = false} : vector<50x128xf32>, vector<128x128xf32>, vector<50x128xf32> -> vector<50x128xf32>
    %get3A_341 = arith.constant 12 : index
    %get3A_342 = arith.constant 0 : index
    %get3A_343 = arith.constant 0 : index
    %get3A_344 = vector.load %arg2[%get3A_341, %get3A_342, %get3A_343] : memref<128x56x128xf32, #tpu.memory_space<vmem>>, vector<1x50x128xf32>
    %get3A_345 = vector.shape_cast %get3A_344 : vector<1x50x128xf32> to vector<50x128xf32>
    %get3A_346 = arith.constant 12 : index
    %get3A_347 = arith.constant 0 : index
    %get3A_348 = arith.constant 0 : index
    %get3A_349 = vector.load %arg3[%get3A_346, %get3A_347, %get3A_348] : memref<128x56x128xf32, #tpu.memory_space<vmem>>, vector<1x50x128xf32>
    %get3A_350 = vector.shape_cast %get3A_349 : vector<1x50x128xf32> to vector<50x128xf32>
    %mul3A_351 = arith.mulf %get3A_350, %dot_general3A_340 : vector<50x128xf32>
    %add3A_352 = arith.addf %get3A_345, %mul3A_351 : vector<50x128xf32>
    %swap3A_353 = arith.constant 12 : index
    %swap3A_354 = arith.constant 0 : index
    %swap3A_355 = arith.constant 0 : index
    %swap3A_356 = vector.load %arg5[%swap3A_353, %swap3A_354, %swap3A_355] : memref<128x50x128xf32, #tpu.memory_space<vmem>>, vector<1x50x128xf32>
    %swap3A_357 = vector.shape_cast %swap3A_356 : vector<1x50x128xf32> to vector<50x128xf32>
    %swap3A_358 = vector.shape_cast %add3A_352 : vector<50x128xf32> to vector<1x50x128xf32>
    tpu.vector_store %arg5[%swap3A_353, %swap3A_354, %swap3A_355], %swap3A_358 {strides = array<i32>} : memref<128x50x128xf32, #tpu.memory_space<vmem>>, vector<1x50x128xf32>,
    %get3A_359 = arith.constant 13 : index
    %get3A_360 = arith.constant 0 : index
    %get3A_361 = arith.constant 0 : index
    %get3A_362 = vector.load %arg1[%get3A_359, %get3A_360, %get3A_361] : memref<128x50x128xf32, #tpu.memory_space<vmem>>, vector<1x50x128xf32>
    %get3A_363 = vector.shape_cast %get3A_362 : vector<1x50x128xf32> to vector<50x128xf32>
    %get3A_364 = arith.constant 0 : index
    %get3A_365 = arith.constant 0 : index
    %get3A_366 = vector.load %arg4[%get3A_364, %get3A_365] : memref<128x128xf32, #tpu.memory_space<vmem>>, vector<128x128xf32>
    %dot_general3A_367 = arith.constant dense<0.000000e+00> : vector<50x128xf32>
    %dot_general3A_368 = tpu.matmul %get3A_363, %get3A_366, %dot_general3A_367 {dimension_numbers = #tpu.dot_dimension_numbers<[1], [1], [0], [0], [0, 0, 1, 0], [], []>, transpose_lhs_hint = false} : vector<50x128xf32>, vector<128x128xf32>, vector<50x128xf32> -> vector<50x128xf32>
    %get3A_369 = arith.constant 13 : index
    %get3A_370 = arith.constant 0 : index
    %get3A_371 = arith.constant 0 : index
    %get3A_372 = vector.load %arg2[%get3A_369, %get3A_370, %get3A_371] : memref<128x56x128xf32, #tpu.memory_space<vmem>>, vector<1x50x128xf32>
    %get3A_373 = vector.shape_cast %get3A_372 : vector<1x50x128xf32> to vector<50x128xf32>
    %get3A_374 = arith.constant 13 : index
    %get3A_375 = arith.constant 0 : index
    %get3A_376 = arith.constant 0 : index
    %get3A_377 = vector.load %arg3[%get3A_374, %get3A_375, %get3A_376] : memref<128x56x128xf32, #tpu.memory_space<vmem>>, vector<1x50x128xf32>
    %get3A_378 = vector.shape_cast %get3A_377 : vector<1x50x128xf32> to vector<50x128xf32>
    %mul3A_379 = arith.mulf %get3A_378, %dot_general3A_368 : vector<50x128xf32>
    %add3A_380 = arith.addf %get3A_373, %mul3A_379 : vector<50x128xf32>
    %swap3A_381 = arith.constant 13 : index
    %swap3A_382 = arith.constant 0 : index
    %swap3A_383 = arith.constant 0 : index
    %swap3A_384 = vector.load %arg5[%swap3A_381, %swap3A_382, %swap3A_383] : memref<128x50x128xf32, #tpu.memory_space<vmem>>, vector<1x50x128xf32>
    %swap3A_385 = vector.shape_cast %swap3A_384 : vector<1x50x128xf32> to vector<50x128xf32>
    %swap3A_386 = vector.shape_cast %add3A_380 : vector<50x128xf32> to vector<1x50x128xf32>
    tpu.vector_store %arg5[%swap3A_381, %swap3A_382, %swap3A_383], %swap3A_386 {strides = array<i32>} : memref<128x50x128xf32, #tpu.memory_space<vmem>>, vector<1x50x128xf32>,
    %get3A_387 = arith.constant 14 : index
    %get3A_388 = arith.constant 0 : index
    %get3A_389 = arith.constant 0 : index
    %get3A_390 = vector.load %arg1[%get3A_387, %get3A_388, %get3A_389] : memref<128x50x128xf32, #tpu.memory_space<vmem>>, vector<1x50x128xf32>
    %get3A_391 = vector.shape_cast %get3A_390 : vector<1x50x128xf32> to vector<50x128xf32>
    %get3A_392 = arith.constant 0 : index
    %get3A_393 = arith.constant 0 : index
    %get3A_394 = vector.load %arg4[%get3A_392, %get3A_393] : memref<128x128xf32, #tpu.memory_space<vmem>>, vector<128x128xf32>
    %dot_general3A_395 = arith.constant dense<0.000000e+00> : vector<50x128xf32>
    %dot_general3A_396 = tpu.matmul %get3A_391, %get3A_394, %dot_general3A_395 {dimension_numbers = #tpu.dot_dimension_numbers<[1], [1], [0], [0], [0, 0, 1, 0], [], []>, transpose_lhs_hint = false} : vector<50x128xf32>, vector<128x128xf32>, vector<50x128xf32> -> vector<50x128xf32>
    %get3A_397 = arith.constant 14 : index
    %get3A_398 = arith.constant 0 : index
    %get3A_399 = arith.constant 0 : index
    %get3A_400 = vector.load %arg2[%get3A_397, %get3A_398, %get3A_399] : memref<128x56x128xf32, #tpu.memory_space<vmem>>, vector<1x50x128xf32>
    %get3A_401 = vector.shape_cast %get3A_400 : vector<1x50x128xf32> to vector<50x128xf32>
    %get3A_402 = arith.constant 14 : index
    %get3A_403 = arith.constant 0 : index
    %get3A_404 = arith.constant 0 : index
    %get3A_405 = vector.load %arg3[%get3A_402, %get3A_403, %get3A_404] : memref<128x56x128xf32, #tpu.memory_space<vmem>>, vector<1x50x128xf32>
    %get3A_406 = vector.shape_cast %get3A_405 : vector<1x50x128xf32> to vector<50x128xf32>
    %mul3A_407 = arith.mulf %get3A_406, %dot_general3A_396 : vector<50x128xf32>
    %add3A_408 = arith.addf %get3A_401, %mul3A_407 : vector<50x128xf32>
    %swap3A_409 = arith.constant 14 : index
    %swap3A_410 = arith.constant 0 : index
    %swap3A_411 = arith.constant 0 : index
    %swap3A_412 = vector.load %arg5[%swap3A_409, %swap3A_410, %swap3A_411] : memref<128x50x128xf32, #tpu.memory_space<vmem>>, vector<1x50x128xf32>
    %swap3A_413 = vector.shape_cast %swap3A_412 : vector<1x50x128xf32> to vector<50x128xf32>
    %swap3A_414 = vector.shape_cast %add3A_408 : vector<50x128xf32> to vector<1x50x128xf32>
    tpu.vector_store %arg5[%swap3A_409, %swap3A_410, %swap3A_411], %swap3A_414 {strides = array<i32>} : memref<128x50x128xf32, #tpu.memory_space<vmem>>, vector<1x50x128xf32>,
    %get3A_415 = arith.constant 15 : index
    %get3A_416 = arith.constant 0 : index
    %get3A_417 = arith.constant 0 : index
    %get3A_418 = vector.load %arg1[%get3A_415, %get3A_416, %get3A_417] : memref<128x50x128xf32, #tpu.memory_space<vmem>>, vector<1x50x128xf32>
    %get3A_419 = vector.shape_cast %get3A_418 : vector<1x50x128xf32> to vector<50x128xf32>
    %get3A_420 = arith.constant 0 : index
    %get3A_421 = arith.constant 0 : index
    %get3A_422 = vector.load %arg4[%get3A_420, %get3A_421] : memref<128x128xf32, #tpu.memory_space<vmem>>, vector<128x128xf32>
    %dot_general3A_423 = arith.constant dense<0.000000e+00> : vector<50x128xf32>
    %dot_general3A_424 = tpu.matmul %get3A_419, %get3A_422, %dot_general3A_423 {dimension_numbers = #tpu.dot_dimension_numbers<[1], [1], [0], [0], [0, 0, 1, 0], [], []>, transpose_lhs_hint = false} : vector<50x128xf32>, vector<128x128xf32>, vector<50x128xf32> -> vector<50x128xf32>
    %get3A_425 = arith.constant 15 : index
    %get3A_426 = arith.constant 0 : index
    %get3A_427 = arith.constant 0 : index
    %get3A_428 = vector.load %arg2[%get3A_425, %get3A_426, %get3A_427] : memref<128x56x128xf32, #tpu.memory_space<vmem>>, vector<1x50x128xf32>
    %get3A_429 = vector.shape_cast %get3A_428 : vector<1x50x128xf32> to vector<50x128xf32>
    %get3A_430 = arith.constant 15 : index
    %get3A_431 = arith.constant 0 : index
    %get3A_432 = arith.constant 0 : index
    %get3A_433 = vector.load %arg3[%get3A_430, %get3A_431, %get3A_432] : memref<128x56x128xf32, #tpu.memory_space<vmem>>, vector<1x50x128xf32>
    %get3A_434 = vector.shape_cast %get3A_433 : vector<1x50x128xf32> to vector<50x128xf32>
    %mul3A_435 = arith.mulf %get3A_434, %dot_general3A_424 : vector<50x128xf32>
    %add3A_436 = arith.addf %get3A_429, %mul3A_435 : vector<50x128xf32>
    %swap3A_437 = arith.constant 15 : index
    %swap3A_438 = arith.constant 0 : index
    %swap3A_439 = arith.constant 0 : index
    %swap3A_440 = vector.load %arg5[%swap3A_437, %swap3A_438, %swap3A_439] : memref<128x50x128xf32, #tpu.memory_space<vmem>>, vector<1x50x128xf32>
    %swap3A_441 = vector.shape_cast %swap3A_440 : vector<1x50x128xf32> to vector<50x128xf32>
    %swap3A_442 = vector.shape_cast %add3A_436 : vector<50x128xf32> to vector<1x50x128xf32>
    tpu.vector_store %arg5[%swap3A_437, %swap3A_438, %swap3A_439], %swap3A_442 {strides = array<i32>} : memref<128x50x128xf32, #tpu.memory_space<vmem>>, vector<1x50x128xf32>,
    %get3A_443 = arith.constant 16 : index
    %get3A_444 = arith.constant 0 : index
    %get3A_445 = arith.constant 0 : index
    %get3A_446 = vector.load %arg1[%get3A_443, %get3A_444, %get3A_445] : memref<128x50x128xf32, #tpu.memory_space<vmem>>, vector<1x50x128xf32>
    %get3A_447 = vector.shape_cast %get3A_446 : vector<1x50x128xf32> to vector<50x128xf32>
    %get3A_448 = arith.constant 0 : index
    %get3A_449 = arith.constant 0 : index
    %get3A_450 = vector.load %arg4[%get3A_448, %get3A_449] : memref<128x128xf32, #tpu.memory_space<vmem>>, vector<128x128xf32>
    %dot_general3A_451 = arith.constant dense<0.000000e+00> : vector<50x128xf32>
    %dot_general3A_452 = tpu.matmul %get3A_447, %get3A_450, %dot_general3A_451 {dimension_numbers = #tpu.dot_dimension_numbers<[1], [1], [0], [0], [0, 0, 1, 0], [], []>, transpose_lhs_hint = false} : vector<50x128xf32>, vector<128x128xf32>, vector<50x128xf32> -> vector<50x128xf32>
    %get3A_453 = arith.constant 16 : index
    %get3A_454 = arith.constant 0 : index
    %get3A_455 = arith.constant 0 : index
    %get3A_456 = vector.load %arg2[%get3A_453, %get3A_454, %get3A_455] : memref<128x56x128xf32, #tpu.memory_space<vmem>>, vector<1x50x128xf32>
    %get3A_457 = vector.shape_cast %get3A_456 : vector<1x50x128xf32> to vector<50x128xf32>
    %get3A_458 = arith.constant 16 : index
    %get3A_459 = arith.constant 0 : index
    %get3A_460 = arith.constant 0 : index
    %get3A_461 = vector.load %arg3[%get3A_458, %get3A_459, %get3A_460] : memref<128x56x128xf32, #tpu.memory_space<vmem>>, vector<1x50x128xf32>
    %get3A_462 = vector.shape_cast %get3A_461 : vector<1x50x128xf32> to vector<50x128xf32>
    %mul3A_463 = arith.mulf %get3A_462, %dot_general3A_452 : vector<50x128xf32>
    %add3A_464 = arith.addf %get3A_457, %mul3A_463 : vector<50x128xf32>
    %swap3A_465 = arith.constant 16 : index
    %swap3A_466 = arith.constant 0 : index
    %swap3A_467 = arith.constant 0 : index
    %swap3A_468 = vector.load %arg5[%swap3A_465, %swap3A_466, %swap3A_467] : memref<128x50x128xf32, #tpu.memory_space<vmem>>, vector<1x50x128xf32>
    %swap3A_469 = vector.shape_cast %swap3A_468 : vector<1x50x128xf32> to vector<50x128xf32>
    %swap3A_470 = vector.shape_cast %add3A_464 : vector<50x128xf32> to vector<1x50x128xf32>
    tpu.vector_store %arg5[%swap3A_465, %swap3A_466, %swap3A_467], %swap3A_470 {strides = array<i32>} : memref<128x50x128xf32, #tpu.memory_space<vmem>>, vector<1x50x128xf32>,
    %get3A_471 = arith.constant 17 : index
    %get3A_472 = arith.constant 0 : index
    %get3A_473 = arith.constant 0 : index
    %get3A_474 = vector.load %arg1[%get3A_471, %get3A_472, %get3A_473] : memref<128x50x128xf32, #tpu.memory_space<vmem>>, vector<1x50x128xf32>
    %get3A_475 = vector.shape_cast %get3A_474 : vector<1x50x128xf32> to vector<50x128xf32>
    %get3A_476 = arith.constant 0 : index
    %get3A_477 = arith.constant 0 : index
    %get3A_478 = vector.load %arg4[%get3A_476, %get3A_477] : memref<128x128xf32, #tpu.memory_space<vmem>>, vector<128x128xf32>
    %dot_general3A_479 = arith.constant dense<0.000000e+00> : vector<50x128xf32>
    %dot_general3A_480 = tpu.matmul %get3A_475, %get3A_478, %dot_general3A_479 {dimension_numbers = #tpu.dot_dimension_numbers<[1], [1], [0], [0], [0, 0, 1, 0], [], []>, transpose_lhs_hint = false} : vector<50x128xf32>, vector<128x128xf32>, vector<50x128xf32> -> vector<50x128xf32>
    %get3A_481 = arith.constant 17 : index
    %get3A_482 = arith.constant 0 : index
    %get3A_483 = arith.constant 0 : index
    %get3A_484 = vector.load %arg2[%get3A_481, %get3A_482, %get3A_483] : memref<128x56x128xf32, #tpu.memory_space<vmem>>, vector<1x50x128xf32>
    %get3A_485 = vector.shape_cast %get3A_484 : vector<1x50x128xf32> to vector<50x128xf32>
    %get3A_486 = arith.constant 17 : index
    %get3A_487 = arith.constant 0 : index
    %get3A_488 = arith.constant 0 : index
    %get3A_489 = vector.load %arg3[%get3A_486, %get3A_487, %get3A_488] : memref<128x56x128xf32, #tpu.memory_space<vmem>>, vector<1x50x128xf32>
    %get3A_490 = vector.shape_cast %get3A_489 : vector<1x50x128xf32> to vector<50x128xf32>
    %mul3A_491 = arith.mulf %get3A_490, %dot_general3A_480 : vector<50x128xf32>
    %add3A_492 = arith.addf %get3A_485, %mul3A_491 : vector<50x128xf32>
    %swap3A_493 = arith.constant 17 : index
    %swap3A_494 = arith.constant 0 : index
    %swap3A_495 = arith.constant 0 : index
    %swap3A_496 = vector.load %arg5[%swap3A_493, %swap3A_494, %swap3A_495] : memref<128x50x128xf32, #tpu.memory_space<vmem>>, vector<1x50x128xf32>
    %swap3A_497 = vector.shape_cast %swap3A_496 : vector<1x50x128xf32> to vector<50x128xf32>
    %swap3A_498 = vector.shape_cast %add3A_492 : vector<50x128xf32> to vector<1x50x128xf32>
    tpu.vector_store %arg5[%swap3A_493, %swap3A_494, %swap3A_495], %swap3A_498 {strides = array<i32>} : memref<128x50x128xf32, #tpu.memory_space<vmem>>, vector<1x50x128xf32>,
    %get3A_499 = arith.constant 18 : index
    %get3A_500 = arith.constant 0 : index
    %get3A_501 = arith.constant 0 : index
    %get3A_502 = vector.load %arg1[%get3A_499, %get3A_500, %get3A_501] : memref<128x50x128xf32, #tpu.memory_space<vmem>>, vector<1x50x128xf32>
    %get3A_503 = vector.shape_cast %get3A_502 : vector<1x50x128xf32> to vector<50x128xf32>
    %get3A_504 = arith.constant 0 : index
    %get3A_505 = arith.constant 0 : index
    %get3A_506 = vector.load %arg4[%get3A_504, %get3A_505] : memref<128x128xf32, #tpu.memory_space<vmem>>, vector<128x128xf32>
    %dot_general3A_507 = arith.constant dense<0.000000e+00> : vector<50x128xf32>
    %dot_general3A_508 = tpu.matmul %get3A_503, %get3A_506, %dot_general3A_507 {dimension_numbers = #tpu.dot_dimension_numbers<[1], [1], [0], [0], [0, 0, 1, 0], [], []>, transpose_lhs_hint = false} : vector<50x128xf32>, vector<128x128xf32>, vector<50x128xf32> -> vector<50x128xf32>
    %get3A_509 = arith.constant 18 : index
    %get3A_510 = arith.constant 0 : index
    %get3A_511 = arith.constant 0 : index
    %get3A_512 = vector.load %arg2[%get3A_509, %get3A_510, %get3A_511] : memref<128x56x128xf32, #tpu.memory_space<vmem>>, vector<1x50x128xf32>
    %get3A_513 = vector.shape_cast %get3A_512 : vector<1x50x128xf32> to vector<50x128xf32>
    %get3A_514 = arith.constant 18 : index
    %get3A_515 = arith.constant 0 : index
    %get3A_516 = arith.constant 0 : index
    %get3A_517 = vector.load %arg3[%get3A_514, %get3A_515, %get3A_516] : memref<128x56x128xf32, #tpu.memory_space<vmem>>, vector<1x50x128xf32>
    %get3A_518 = vector.shape_cast %get3A_517 : vector<1x50x128xf32> to vector<50x128xf32>
    %mul3A_519 = arith.mulf %get3A_518, %dot_general3A_508 : vector<50x128xf32>
    %add3A_520 = arith.addf %get3A_513, %mul3A_519 : vector<50x128xf32>
    %swap3A_521 = arith.constant 18 : index
    %swap3A_522 = arith.constant 0 : index
    %swap3A_523 = arith.constant 0 : index
    %swap3A_524 = vector.load %arg5[%swap3A_521, %swap3A_522, %swap3A_523] : memref<128x50x128xf32, #tpu.memory_space<vmem>>, vector<1x50x128xf32>
    %swap3A_525 = vector.shape_cast %swap3A_524 : vector<1x50x128xf32> to vector<50x128xf32>
    %swap3A_526 = vector.shape_cast %add3A_520 : vector<50x128xf32> to vector<1x50x128xf32>
    tpu.vector_store %arg5[%swap3A_521, %swap3A_522, %swap3A_523], %swap3A_526 {strides = array<i32>} : memref<128x50x128xf32, #tpu.memory_space<vmem>>, vector<1x50x128xf32>,
    %get3A_527 = arith.constant 19 : index
    %get3A_528 = arith.constant 0 : index
    %get3A_529 = arith.constant 0 : index
    %get3A_530 = vector.load %arg1[%get3A_527, %get3A_528, %get3A_529] : memref<128x50x128xf32, #tpu.memory_space<vmem>>, vector<1x50x128xf32>
    %get3A_531 = vector.shape_cast %get3A_530 : vector<1x50x128xf32> to vector<50x128xf32>
    %get3A_532 = arith.constant 0 : index
    %get3A_533 = arith.constant 0 : index
    %get3A_534 = vector.load %arg4[%get3A_532, %get3A_533] : memref<128x128xf32, #tpu.memory_space<vmem>>, vector<128x128xf32>
    %dot_general3A_535 = arith.constant dense<0.000000e+00> : vector<50x128xf32>
    %dot_general3A_536 = tpu.matmul %get3A_531, %get3A_534, %dot_general3A_535 {dimension_numbers = #tpu.dot_dimension_numbers<[1], [1], [0], [0], [0, 0, 1, 0], [], []>, transpose_lhs_hint = false} : vector<50x128xf32>, vector<128x128xf32>, vector<50x128xf32> -> vector<50x128xf32>
    %get3A_537 = arith.constant 19 : index
    %get3A_538 = arith.constant 0 : index
    %get3A_539 = arith.constant 0 : index
    %get3A_540 = vector.load %arg2[%get3A_537, %get3A_538, %get3A_539] : memref<128x56x128xf32, #tpu.memory_space<vmem>>, vector<1x50x128xf32>
    %get3A_541 = vector.shape_cast %get3A_540 : vector<1x50x128xf32> to vector<50x128xf32>
    %get3A_542 = arith.constant 19 : index
    %get3A_543 = arith.constant 0 : index
    %get3A_544 = arith.constant 0 : index
    %get3A_545 = vector.load %arg3[%get3A_542, %get3A_543, %get3A_544] : memref<128x56x128xf32, #tpu.memory_space<vmem>>, vector<1x50x128xf32>
    %get3A_546 = vector.shape_cast %get3A_545 : vector<1x50x128xf32> to vector<50x128xf32>
    %mul3A_547 = arith.mulf %get3A_546, %dot_general3A_536 : vector<50x128xf32>
    %add3A_548 = arith.addf %get3A_541, %mul3A_547 : vector<50x128xf32>
    %swap3A_549 = arith.constant 19 : index
    %swap3A_550 = arith.constant 0 : index
    %swap3A_551 = arith.constant 0 : index
    %swap3A_552 = vector.load %arg5[%swap3A_549, %swap3A_550, %swap3A_551] : memref<128x50x128xf32, #tpu.memory_space<vmem>>, vector<1x50x128xf32>
    %swap3A_553 = vector.shape_cast %swap3A_552 : vector<1x50x128xf32> to vector<50x128xf32>
    %swap3A_554 = vector.shape_cast %add3A_548 : vector<50x128xf32> to vector<1x50x128xf32>
    tpu.vector_store %arg5[%swap3A_549, %swap3A_550, %swap3A_551], %swap3A_554 {strides = array<i32>} : memref<128x50x128xf32, #tpu.memory_space<vmem>>, vector<1x50x128xf32>,
    %get3A_555 = arith.constant 20 : index
    %get3A_556 = arith.constant 0 : index
    %get3A_557 = arith.constant 0 : index
    %get3A_558 = vector.load %arg1[%get3A_555, %get3A_556, %get3A_557] : memref<128x50x128xf32, #tpu.memory_space<vmem>>, vector<1x50x128xf32>
    %get3A_559 = vector.shape_cast %get3A_558 : vector<1x50x128xf32> to vector<50x128xf32>
    %get3A_560 = arith.constant 0 : index
    %get3A_561 = arith.constant 0 : index
    %get3A_562 = vector.load %arg4[%get3A_560, %get3A_561] : memref<128x128xf32, #tpu.memory_space<vmem>>, vector<128x128xf32>
    %dot_general3A_563 = arith.constant dense<0.000000e+00> : vector<50x128xf32>
    %dot_general3A_564 = tpu.matmul %get3A_559, %get3A_562, %dot_general3A_563 {dimension_numbers = #tpu.dot_dimension_numbers<[1], [1], [0], [0], [0, 0, 1, 0], [], []>, transpose_lhs_hint = false} : vector<50x128xf32>, vector<128x128xf32>, vector<50x128xf32> -> vector<50x128xf32>
    %get3A_565 = arith.constant 20 : index
    %get3A_566 = arith.constant 0 : index
    %get3A_567 = arith.constant 0 : index
    %get3A_568 = vector.load %arg2[%get3A_565, %get3A_566, %get3A_567] : memref<128x56x128xf32, #tpu.memory_space<vmem>>, vector<1x50x128xf32>
    %get3A_569 = vector.shape_cast %get3A_568 : vector<1x50x128xf32> to vector<50x128xf32>
    %get3A_570 = arith.constant 20 : index
    %get3A_571 = arith.constant 0 : index
    %get3A_572 = arith.constant 0 : index
    %get3A_573 = vector.load %arg3[%get3A_570, %get3A_571, %get3A_572] : memref<128x56x128xf32, #tpu.memory_space<vmem>>, vector<1x50x128xf32>
    %get3A_574 = vector.shape_cast %get3A_573 : vector<1x50x128xf32> to vector<50x128xf32>
    %mul3A_575 = arith.mulf %get3A_574, %dot_general3A_564 : vector<50x128xf32>
    %add3A_576 = arith.addf %get3A_569, %mul3A_575 : vector<50x128xf32>
    %swap3A_577 = arith.constant 20 : index
    %swap3A_578 = arith.constant 0 : index
    %swap3A_579 = arith.constant 0 : index
    %swap3A_580 = vector.load %arg5[%swap3A_577, %swap3A_578, %swap3A_579] : memref<128x50x128xf32, #tpu.memory_space<vmem>>, vector<1x50x128xf32>
    %swap3A_581 = vector.shape_cast %swap3A_580 : vector<1x50x128xf32> to vector<50x128xf32>
    %swap3A_582 = vector.shape_cast %add3A_576 : vector<50x128xf32> to vector<1x50x128xf32>
    tpu.vector_store %arg5[%swap3A_577, %swap3A_578, %swap3A_579], %swap3A_582 {strides = array<i32>} : memref<128x50x128xf32, #tpu.memory_space<vmem>>, vector<1x50x128xf32>,
    %get3A_583 = arith.constant 21 : index
    %get3A_584 = arith.constant 0 : index
    %get3A_585 = arith.constant 0 : index
    %get3A_586 = vector.load %arg1[%get3A_583, %get3A_584, %get3A_585] : memref<128x50x128xf32, #tpu.memory_space<vmem>>, vector<1x50x128xf32>
    %get3A_587 = vector.shape_cast %get3A_586 : vector<1x50x128xf32> to vector<50x128xf32>
    %get3A_588 = arith.constant 0 : index
    %get3A_589 = arith.constant 0 : index
    %get3A_590 = vector.load %arg4[%get3A_588, %get3A_589] : memref<128x128xf32, #tpu.memory_space<vmem>>, vector<128x128xf32>
    %dot_general3A_591 = arith.constant dense<0.000000e+00> : vector<50x128xf32>
    %dot_general3A_592 = tpu.matmul %get3A_587, %get3A_590, %dot_general3A_591 {dimension_numbers = #tpu.dot_dimension_numbers<[1], [1], [0], [0], [0, 0, 1, 0], [], []>, transpose_lhs_hint = false} : vector<50x128xf32>, vector<128x128xf32>, vector<50x128xf32> -> vector<50x128xf32>
    %get3A_593 = arith.constant 21 : index
    %get3A_594 = arith.constant 0 : index
    %get3A_595 = arith.constant 0 : index
    %get3A_596 = vector.load %arg2[%get3A_593, %get3A_594, %get3A_595] : memref<128x56x128xf32, #tpu.memory_space<vmem>>, vector<1x50x128xf32>
    %get3A_597 = vector.shape_cast %get3A_596 : vector<1x50x128xf32> to vector<50x128xf32>
    %get3A_598 = arith.constant 21 : index
    %get3A_599 = arith.constant 0 : index
    %get3A_600 = arith.constant 0 : index
    %get3A_601 = vector.load %arg3[%get3A_598, %get3A_599, %get3A_600] : memref<128x56x128xf32, #tpu.memory_space<vmem>>, vector<1x50x128xf32>
    %get3A_602 = vector.shape_cast %get3A_601 : vector<1x50x128xf32> to vector<50x128xf32>
    %mul3A_603 = arith.mulf %get3A_602, %dot_general3A_592 : vector<50x128xf32>
    %add3A_604 = arith.addf %get3A_597, %mul3A_603 : vector<50x128xf32>
    %swap3A_605 = arith.constant 21 : index
    %swap3A_606 = arith.constant 0 : index
    %swap3A_607 = arith.constant 0 : index
    %swap3A_608 = vector.load %arg5[%swap3A_605, %swap3A_606, %swap3A_607] : memref<128x50x128xf32, #tpu.memory_space<vmem>>, vector<1x50x128xf32>
    %swap3A_609 = vector.shape_cast %swap3A_608 : vector<1x50x128xf32> to vector<50x128xf32>
    %swap3A_610 = vector.shape_cast %add3A_604 : vector<50x128xf32> to vector<1x50x128xf32>
    tpu.vector_store %arg5[%swap3A_605, %swap3A_606, %swap3A_607], %swap3A_610 {strides = array<i32>} : memref<128x50x128xf32, #tpu.memory_space<vmem>>, vector<1x50x128xf32>,
    %get3A_611 = arith.constant 22 : index
    %get3A_612 = arith.constant 0 : index
    %get3A_613 = arith.constant 0 : index
    %get3A_614 = vector.load %arg1[%get3A_611, %get3A_612, %get3A_613] : memref<128x50x128xf32, #tpu.memory_space<vmem>>, vector<1x50x128xf32>
    %get3A_615 = vector.shape_cast %get3A_614 : vector<1x50x128xf32> to vector<50x128xf32>
    %get3A_616 = arith.constant 0 : index
    %get3A_617 = arith.constant 0 : index
    %get3A_618 = vector.load %arg4[%get3A_616, %get3A_617] : memref<128x128xf32, #tpu.memory_space<vmem>>, vector<128x128xf32>
    %dot_general3A_619 = arith.constant dense<0.000000e+00> : vector<50x128xf32>
    %dot_general3A_620 = tpu.matmul %get3A_615, %get3A_618, %dot_general3A_619 {dimension_numbers = #tpu.dot_dimension_numbers<[1], [1], [0], [0], [0, 0, 1, 0], [], []>, transpose_lhs_hint = false} : vector<50x128xf32>, vector<128x128xf32>, vector<50x128xf32> -> vector<50x128xf32>
    %get3A_621 = arith.constant 22 : index
    %get3A_622 = arith.constant 0 : index
    %get3A_623 = arith.constant 0 : index
    %get3A_624 = vector.load %arg2[%get3A_621, %get3A_622, %get3A_623] : memref<128x56x128xf32, #tpu.memory_space<vmem>>, vector<1x50x128xf32>
    %get3A_625 = vector.shape_cast %get3A_624 : vector<1x50x128xf32> to vector<50x128xf32>
    %get3A_626 = arith.constant 22 : index
    %get3A_627 = arith.constant 0 : index
    %get3A_628 = arith.constant 0 : index
    %get3A_629 = vector.load %arg3[%get3A_626, %get3A_627, %get3A_628] : memref<128x56x128xf32, #tpu.memory_space<vmem>>, vector<1x50x128xf32>
    %get3A_630 = vector.shape_cast %get3A_629 : vector<1x50x128xf32> to vector<50x128xf32>
    %mul3A_631 = arith.mulf %get3A_630, %dot_general3A_620 : vector<50x128xf32>
    %add3A_632 = arith.addf %get3A_625, %mul3A_631 : vector<50x128xf32>
    %swap3A_633 = arith.constant 22 : index
    %swap3A_634 = arith.constant 0 : index
    %swap3A_635 = arith.constant 0 : index
    %swap3A_636 = vector.load %arg5[%swap3A_633, %swap3A_634, %swap3A_635] : memref<128x50x128xf32, #tpu.memory_space<vmem>>, vector<1x50x128xf32>
    %swap3A_637 = vector.shape_cast %swap3A_636 : vector<1x50x128xf32> to vector<50x128xf32>
    %swap3A_638 = vector.shape_cast %add3A_632 : vector<50x128xf32> to vector<1x50x128xf32>
    tpu.vector_store %arg5[%swap3A_633, %swap3A_634, %swap3A_635], %swap3A_638 {strides = array<i32>} : memref<128x50x128xf32, #tpu.memory_space<vmem>>, vector<1x50x128xf32>,
    %get3A_639 = arith.constant 23 : index
    %get3A_640 = arith.constant 0 : index
    %get3A_641 = arith.constant 0 : index
    %get3A_642 = vector.load %arg1[%get3A_639, %get3A_640, %get3A_641] : memref<128x50x128xf32, #tpu.memory_space<vmem>>, vector<1x50x128xf32>
    %get3A_643 = vector.shape_cast %get3A_642 : vector<1x50x128xf32> to vector<50x128xf32>
    %get3A_644 = arith.constant 0 : index
    %get3A_645 = arith.constant 0 : index
    %get3A_646 = vector.load %arg4[%get3A_644, %get3A_645] : memref<128x128xf32, #tpu.memory_space<vmem>>, vector<128x128xf32>
    %dot_general3A_647 = arith.constant dense<0.000000e+00> : vector<50x128xf32>
    %dot_general3A_648 = tpu.matmul %get3A_643, %get3A_646, %dot_general3A_647 {dimension_numbers = #tpu.dot_dimension_numbers<[1], [1], [0], [0], [0, 0, 1, 0], [], []>, transpose_lhs_hint = false} : vector<50x128xf32>, vector<128x128xf32>, vector<50x128xf32> -> vector<50x128xf32>
    %get3A_649 = arith.constant 23 : index
    %get3A_650 = arith.constant 0 : index
    %get3A_651 = arith.constant 0 : index
    %get3A_652 = vector.load %arg2[%get3A_649, %get3A_650, %get3A_651] : memref<128x56x128xf32, #tpu.memory_space<vmem>>, vector<1x50x128xf32>
    %get3A_653 = vector.shape_cast %get3A_652 : vector<1x50x128xf32> to vector<50x128xf32>
    %get3A_654 = arith.constant 23 : index
    %get3A_655 = arith.constant 0 : index
    %get3A_656 = arith.constant 0 : index
    %get3A_657 = vector.load %arg3[%get3A_654, %get3A_655, %get3A_656] : memref<128x56x128xf32, #tpu.memory_space<vmem>>, vector<1x50x128xf32>
    %get3A_658 = vector.shape_cast %get3A_657 : vector<1x50x128xf32> to vector<50x128xf32>
    %mul3A_659 = arith.mulf %get3A_658, %dot_general3A_648 : vector<50x128xf32>
    %add3A_660 = arith.addf %get3A_653, %mul3A_659 : vector<50x128xf32>
    %swap3A_661 = arith.constant 23 : index
    %swap3A_662 = arith.constant 0 : index
    %swap3A_663 = arith.constant 0 : index
    %swap3A_664 = vector.load %arg5[%swap3A_661, %swap3A_662, %swap3A_663] : memref<128x50x128xf32, #tpu.memory_space<vmem>>, vector<1x50x128xf32>
    %swap3A_665 = vector.shape_cast %swap3A_664 : vector<1x50x128xf32> to vector<50x128xf32>
    %swap3A_666 = vector.shape_cast %add3A_660 : vector<50x128xf32> to vector<1x50x128xf32>
    tpu.vector_store %arg5[%swap3A_661, %swap3A_662, %swap3A_663], %swap3A_666 {strides = array<i32>} : memref<128x50x128xf32, #tpu.memory_space<vmem>>, vector<1x50x128xf32>,
    %get3A_667 = arith.constant 24 : index
    %get3A_668 = arith.constant 0 : index
    %get3A_669 = arith.constant 0 : index
    %get3A_670 = vector.load %arg1[%get3A_667, %get3A_668, %get3A_669] : memref<128x50x128xf32, #tpu.memory_space<vmem>>, vector<1x50x128xf32>
    %get3A_671 = vector.shape_cast %get3A_670 : vector<1x50x128xf32> to vector<50x128xf32>
    %get3A_672 = arith.constant 0 : index
    %get3A_673 = arith.constant 0 : index
    %get3A_674 = vector.load %arg4[%get3A_672, %get3A_673] : memref<128x128xf32, #tpu.memory_space<vmem>>, vector<128x128xf32>
    %dot_general3A_675 = arith.constant dense<0.000000e+00> : vector<50x128xf32>
    %dot_general3A_676 = tpu.matmul %get3A_671, %get3A_674, %dot_general3A_675 {dimension_numbers = #tpu.dot_dimension_numbers<[1], [1], [0], [0], [0, 0, 1, 0], [], []>, transpose_lhs_hint = false} : vector<50x128xf32>, vector<128x128xf32>, vector<50x128xf32> -> vector<50x128xf32>
    %get3A_677 = arith.constant 24 : index
    %get3A_678 = arith.constant 0 : index
    %get3A_679 = arith.constant 0 : index
    %get3A_680 = vector.load %arg2[%get3A_677, %get3A_678, %get3A_679] : memref<128x56x128xf32, #tpu.memory_space<vmem>>, vector<1x50x128xf32>
    %get3A_681 = vector.shape_cast %get3A_680 : vector<1x50x128xf32> to vector<50x128xf32>
    %get3A_682 = arith.constant 24 : index
    %get3A_683 = arith.constant 0 : index
    %get3A_684 = arith.constant 0 : index
    %get3A_685 = vector.load %arg3[%get3A_682, %get3A_683, %get3A_684] : memref<128x56x128xf32, #tpu.memory_space<vmem>>, vector<1x50x128xf32>
    %get3A_686 = vector.shape_cast %get3A_685 : vector<1x50x128xf32> to vector<50x128xf32>
    %mul3A_687 = arith.mulf %get3A_686, %dot_general3A_676 : vector<50x128xf32>
    %add3A_688 = arith.addf %get3A_681, %mul3A_687 : vector<50x128xf32>
    %swap3A_689 = arith.constant 24 : index
    %swap3A_690 = arith.constant 0 : index
    %swap3A_691 = arith.constant 0 : index
    %swap3A_692 = vector.load %arg5[%swap3A_689, %swap3A_690, %swap3A_691] : memref<128x50x128xf32, #tpu.memory_space<vmem>>, vector<1x50x128xf32>
    %swap3A_693 = vector.shape_cast %swap3A_692 : vector<1x50x128xf32> to vector<50x128xf32>
    %swap3A_694 = vector.shape_cast %add3A_688 : vector<50x128xf32> to vector<1x50x128xf32>
    tpu.vector_store %arg5[%swap3A_689, %swap3A_690, %swap3A_691], %swap3A_694 {strides = array<i32>} : memref<128x50x128xf32, #tpu.memory_space<vmem>>, vector<1x50x128xf32>,
    %get3A_695 = arith.constant 25 : index
    %get3A_696 = arith.constant 0 : index
    %get3A_697 = arith.constant 0 : index
    %get3A_698 = vector.load %arg1[%get3A_695, %get3A_696, %get3A_697] : memref<128x50x128xf32, #tpu.memory_space<vmem>>, vector<1x50x128xf32>
    %get3A_699 = vector.shape_cast %get3A_698 : vector<1x50x128xf32> to vector<50x128xf32>
    %get3A_700 = arith.constant 0 : index
    %get3A_701 = arith.constant 0 : index
    %get3A_702 = vector.load %arg4[%get3A_700, %get3A_701] : memref<128x128xf32, #tpu.memory_space<vmem>>, vector<128x128xf32>
    %dot_general3A_703 = arith.constant dense<0.000000e+00> : vector<50x128xf32>
    %dot_general3A_704 = tpu.matmul %get3A_699, %get3A_702, %dot_general3A_703 {dimension_numbers = #tpu.dot_dimension_numbers<[1], [1], [0], [0], [0, 0, 1, 0], [], []>, transpose_lhs_hint = false} : vector<50x128xf32>, vector<128x128xf32>, vector<50x128xf32> -> vector<50x128xf32>
    %get3A_705 = arith.constant 25 : index
    %get3A_706 = arith.constant 0 : index
    %get3A_707 = arith.constant 0 : index
    %get3A_708 = vector.load %arg2[%get3A_705, %get3A_706, %get3A_707] : memref<128x56x128xf32, #tpu.memory_space<vmem>>, vector<1x50x128xf32>
    %get3A_709 = vector.shape_cast %get3A_708 : vector<1x50x128xf32> to vector<50x128xf32>
    %get3A_710 = arith.constant 25 : index
    %get3A_711 = arith.constant 0 : index
    %get3A_712 = arith.constant 0 : index
    %get3A_713 = vector.load %arg3[%get3A_710, %get3A_711, %get3A_712] : memref<128x56x128xf32, #tpu.memory_space<vmem>>, vector<1x50x128xf32>
    %get3A_714 = vector.shape_cast %get3A_713 : vector<1x50x128xf32> to vector<50x128xf32>
    %mul3A_715 = arith.mulf %get3A_714, %dot_general3A_704 : vector<50x128xf32>
    %add3A_716 = arith.addf %get3A_709, %mul3A_715 : vector<50x128xf32>
    %swap3A_717 = arith.constant 25 : index
    %swap3A_718 = arith.constant 0 : index
    %swap3A_719 = arith.constant 0 : index
    %swap3A_720 = vector.load %arg5[%swap3A_717, %swap3A_718, %swap3A_719] : memref<128x50x128xf32, #tpu.memory_space<vmem>>, vector<1x50x128xf32>
    %swap3A_721 = vector.shape_cast %swap3A_720 : vector<1x50x128xf32> to vector<50x128xf32>
    %swap3A_722 = vector.shape_cast %add3A_716 : vector<50x128xf32> to vector<1x50x128xf32>
    tpu.vector_store %arg5[%swap3A_717, %swap3A_718, %swap3A_719], %swap3A_722 {strides = array<i32>} : memref<128x50x128xf32, #tpu.memory_space<vmem>>, vector<1x50x128xf32>,
    %get3A_723 = arith.constant 26 : index
    %get3A_724 = arith.constant 0 : index
    %get3A_725 = arith.constant 0 : index
    %get3A_726 = vector.load %arg1[%get3A_723, %get3A_724, %get3A_725] : memref<128x50x128xf32, #tpu.memory_space<vmem>>, vector<1x50x128xf32>
    %get3A_727 = vector.shape_cast %get3A_726 : vector<1x50x128xf32> to vector<50x128xf32>
    %get3A_728 = arith.constant 0 : index
    %get3A_729 = arith.constant 0 : index
    %get3A_730 = vector.load %arg4[%get3A_728, %get3A_729] : memref<128x128xf32, #tpu.memory_space<vmem>>, vector<128x128xf32>
    %dot_general3A_731 = arith.constant dense<0.000000e+00> : vector<50x128xf32>
    %dot_general3A_732 = tpu.matmul %get3A_727, %get3A_730, %dot_general3A_731 {dimension_numbers = #tpu.dot_dimension_numbers<[1], [1], [0], [0], [0, 0, 1, 0], [], []>, transpose_lhs_hint = false} : vector<50x128xf32>, vector<128x128xf32>, vector<50x128xf32> -> vector<50x128xf32>
    %get3A_733 = arith.constant 26 : index
    %get3A_734 = arith.constant 0 : index
    %get3A_735 = arith.constant 0 : index
    %get3A_736 = vector.load %arg2[%get3A_733, %get3A_734, %get3A_735] : memref<128x56x128xf32, #tpu.memory_space<vmem>>, vector<1x50x128xf32>
    %get3A_737 = vector.shape_cast %get3A_736 : vector<1x50x128xf32> to vector<50x128xf32>
    %get3A_738 = arith.constant 26 : index
    %get3A_739 = arith.constant 0 : index
    %get3A_740 = arith.constant 0 : index
    %get3A_741 = vector.load %arg3[%get3A_738, %get3A_739, %get3A_740] : memref<128x56x128xf32, #tpu.memory_space<vmem>>, vector<1x50x128xf32>
    %get3A_742 = vector.shape_cast %get3A_741 : vector<1x50x128xf32> to vector<50x128xf32>
    %mul3A_743 = arith.mulf %get3A_742, %dot_general3A_732 : vector<50x128xf32>
    %add3A_744 = arith.addf %get3A_737, %mul3A_743 : vector<50x128xf32>
    %swap3A_745 = arith.constant 26 : index
    %swap3A_746 = arith.constant 0 : index
    %swap3A_747 = arith.constant 0 : index
    %swap3A_748 = vector.load %arg5[%swap3A_745, %swap3A_746, %swap3A_747] : memref<128x50x128xf32, #tpu.memory_space<vmem>>, vector<1x50x128xf32>
    %swap3A_749 = vector.shape_cast %swap3A_748 : vector<1x50x128xf32> to vector<50x128xf32>
    %swap3A_750 = vector.shape_cast %add3A_744 : vector<50x128xf32> to vector<1x50x128xf32>
    tpu.vector_store %arg5[%swap3A_745, %swap3A_746, %swap3A_747], %swap3A_750 {strides = array<i32>} : memref<128x50x128xf32, #tpu.memory_space<vmem>>, vector<1x50x128xf32>,
    %get3A_751 = arith.constant 27 : index
    %get3A_752 = arith.constant 0 : index
    %get3A_753 = arith.constant 0 : index
    %get3A_754 = vector.load %arg1[%get3A_751, %get3A_752, %get3A_753] : memref<128x50x128xf32, #tpu.memory_space<vmem>>, vector<1x50x128xf32>
    %get3A_755 = vector.shape_cast %get3A_754 : vector<1x50x128xf32> to vector<50x128xf32>
    %get3A_756 = arith.constant 0 : index
    %get3A_757 = arith.constant 0 : index
    %get3A_758 = vector.load %arg4[%get3A_756, %get3A_757] : memref<128x128xf32, #tpu.memory_space<vmem>>, vector<128x128xf32>
    %dot_general3A_759 = arith.constant dense<0.000000e+00> : vector<50x128xf32>
    %dot_general3A_760 = tpu.matmul %get3A_755, %get3A_758, %dot_general3A_759 {dimension_numbers = #tpu.dot_dimension_numbers<[1], [1], [0], [0], [0, 0, 1, 0], [], []>, transpose_lhs_hint = false} : vector<50x128xf32>, vector<128x128xf32>, vector<50x128xf32> -> vector<50x128xf32>
    %get3A_761 = arith.constant 27 : index
    %get3A_762 = arith.constant 0 : index
    %get3A_763 = arith.constant 0 : index
    %get3A_764 = vector.load %arg2[%get3A_761, %get3A_762, %get3A_763] : memref<128x56x128xf32, #tpu.memory_space<vmem>>, vector<1x50x128xf32>
    %get3A_765 = vector.shape_cast %get3A_764 : vector<1x50x128xf32> to vector<50x128xf32>
    %get3A_766 = arith.constant 27 : index
    %get3A_767 = arith.constant 0 : index
    %get3A_768 = arith.constant 0 : index
    %get3A_769 = vector.load %arg3[%get3A_766, %get3A_767, %get3A_768] : memref<128x56x128xf32, #tpu.memory_space<vmem>>, vector<1x50x128xf32>
    %get3A_770 = vector.shape_cast %get3A_769 : vector<1x50x128xf32> to vector<50x128xf32>
    %mul3A_771 = arith.mulf %get3A_770, %dot_general3A_760 : vector<50x128xf32>
    %add3A_772 = arith.addf %get3A_765, %mul3A_771 : vector<50x128xf32>
    %swap3A_773 = arith.constant 27 : index
    %swap3A_774 = arith.constant 0 : index
    %swap3A_775 = arith.constant 0 : index
    %swap3A_776 = vector.load %arg5[%swap3A_773, %swap3A_774, %swap3A_775] : memref<128x50x128xf32, #tpu.memory_space<vmem>>, vector<1x50x128xf32>
    %swap3A_777 = vector.shape_cast %swap3A_776 : vector<1x50x128xf32> to vector<50x128xf32>
    %swap3A_778 = vector.shape_cast %add3A_772 : vector<50x128xf32> to vector<1x50x128xf32>
    tpu.vector_store %arg5[%swap3A_773, %swap3A_774, %swap3A_775], %swap3A_778 {strides = array<i32>} : memref<128x50x128xf32, #tpu.memory_space<vmem>>, vector<1x50x128xf32>,
    %get3A_779 = arith.constant 28 : index
    %get3A_780 = arith.constant 0 : index
    %get3A_781 = arith.constant 0 : index
    %get3A_782 = vector.load %arg1[%get3A_779, %get3A_780, %get3A_781] : memref<128x50x128xf32, #tpu.memory_space<vmem>>, vector<1x50x128xf32>
    %get3A_783 = vector.shape_cast %get3A_782 : vector<1x50x128xf32> to vector<50x128xf32>
    %get3A_784 = arith.constant 0 : index
    %get3A_785 = arith.constant 0 : index
    %get3A_786 = vector.load %arg4[%get3A_784, %get3A_785] : memref<128x128xf32, #tpu.memory_space<vmem>>, vector<128x128xf32>
    %dot_general3A_787 = arith.constant dense<0.000000e+00> : vector<50x128xf32>
    %dot_general3A_788 = tpu.matmul %get3A_783, %get3A_786, %dot_general3A_787 {dimension_numbers = #tpu.dot_dimension_numbers<[1], [1], [0], [0], [0, 0, 1, 0], [], []>, transpose_lhs_hint = false} : vector<50x128xf32>, vector<128x128xf32>, vector<50x128xf32> -> vector<50x128xf32>
    %get3A_789 = arith.constant 28 : index
    %get3A_790 = arith.constant 0 : index
    %get3A_791 = arith.constant 0 : index
    %get3A_792 = vector.load %arg2[%get3A_789, %get3A_790, %get3A_791] : memref<128x56x128xf32, #tpu.memory_space<vmem>>, vector<1x50x128xf32>
    %get3A_793 = vector.shape_cast %get3A_792 : vector<1x50x128xf32> to vector<50x128xf32>
    %get3A_794 = arith.constant 28 : index
    %get3A_795 = arith.constant 0 : index
    %get3A_796 = arith.constant 0 : index
    %get3A_797 = vector.load %arg3[%get3A_794, %get3A_795, %get3A_796] : memref<128x56x128xf32, #tpu.memory_space<vmem>>, vector<1x50x128xf32>
    %get3A_798 = vector.shape_cast %get3A_797 : vector<1x50x128xf32> to vector<50x128xf32>
    %mul3A_799 = arith.mulf %get3A_798, %dot_general3A_788 : vector<50x128xf32>
    %add3A_800 = arith.addf %get3A_793, %mul3A_799 : vector<50x128xf32>
    %swap3A_801 = arith.constant 28 : index
    %swap3A_802 = arith.constant 0 : index
    %swap3A_803 = arith.constant 0 : index
    %swap3A_804 = vector.load %arg5[%swap3A_801, %swap3A_802, %swap3A_803] : memref<128x50x128xf32, #tpu.memory_space<vmem>>, vector<1x50x128xf32>
    %swap3A_805 = vector.shape_cast %swap3A_804 : vector<1x50x128xf32> to vector<50x128xf32>
    %swap3A_806 = vector.shape_cast %add3A_800 : vector<50x128xf32> to vector<1x50x128xf32>
    tpu.vector_store %arg5[%swap3A_801, %swap3A_802, %swap3A_803], %swap3A_806 {strides = array<i32>} : memref<128x50x128xf32, #tpu.memory_space<vmem>>, vector<1x50x128xf32>,
    %get3A_807 = arith.constant 29 : index
    %get3A_808 = arith.constant 0 : index
    %get3A_809 = arith.constant 0 : index
    %get3A_810 = vector.load %arg1[%get3A_807, %get3A_808, %get3A_809] : memref<128x50x128xf32, #tpu.memory_space<vmem>>, vector<1x50x128xf32>
    %get3A_811 = vector.shape_cast %get3A_810 : vector<1x50x128xf32> to vector<50x128xf32>
    %get3A_812 = arith.constant 0 : index
    %get3A_813 = arith.constant 0 : index
    %get3A_814 = vector.load %arg4[%get3A_812, %get3A_813] : memref<128x128xf32, #tpu.memory_space<vmem>>, vector<128x128xf32>
    %dot_general3A_815 = arith.constant dense<0.000000e+00> : vector<50x128xf32>
    %dot_general3A_816 = tpu.matmul %get3A_811, %get3A_814, %dot_general3A_815 {dimension_numbers = #tpu.dot_dimension_numbers<[1], [1], [0], [0], [0, 0, 1, 0], [], []>, transpose_lhs_hint = false} : vector<50x128xf32>, vector<128x128xf32>, vector<50x128xf32> -> vector<50x128xf32>
    %get3A_817 = arith.constant 29 : index
    %get3A_818 = arith.constant 0 : index
    %get3A_819 = arith.constant 0 : index
    %get3A_820 = vector.load %arg2[%get3A_817, %get3A_818, %get3A_819] : memref<128x56x128xf32, #tpu.memory_space<vmem>>, vector<1x50x128xf32>
    %get3A_821 = vector.shape_cast %get3A_820 : vector<1x50x128xf32> to vector<50x128xf32>
    %get3A_822 = arith.constant 29 : index
    %get3A_823 = arith.constant 0 : index
    %get3A_824 = arith.constant 0 : index
    %get3A_825 = vector.load %arg3[%get3A_822, %get3A_823, %get3A_824] : memref<128x56x128xf32, #tpu.memory_space<vmem>>, vector<1x50x128xf32>
    %get3A_826 = vector.shape_cast %get3A_825 : vector<1x50x128xf32> to vector<50x128xf32>
    %mul3A_827 = arith.mulf %get3A_826, %dot_general3A_816 : vector<50x128xf32>
    %add3A_828 = arith.addf %get3A_821, %mul3A_827 : vector<50x128xf32>
    %swap3A_829 = arith.constant 29 : index
    %swap3A_830 = arith.constant 0 : index
    %swap3A_831 = arith.constant 0 : index
    %swap3A_832 = vector.load %arg5[%swap3A_829, %swap3A_830, %swap3A_831] : memref<128x50x128xf32, #tpu.memory_space<vmem>>, vector<1x50x128xf32>
    %swap3A_833 = vector.shape_cast %swap3A_832 : vector<1x50x128xf32> to vector<50x128xf32>
    %swap3A_834 = vector.shape_cast %add3A_828 : vector<50x128xf32> to vector<1x50x128xf32>
    tpu.vector_store %arg5[%swap3A_829, %swap3A_830, %swap3A_831], %swap3A_834 {strides = array<i32>} : memref<128x50x128xf32, #tpu.memory_space<vmem>>, vector<1x50x128xf32>,
    %get3A_835 = arith.constant 30 : index
    %get3A_836 = arith.constant 0 : index
    %get3A_837 = arith.constant 0 : index
    %get3A_838 = vector.load %arg1[%get3A_835, %get3A_836, %get3A_837] : memref<128x50x128xf32, #tpu.memory_space<vmem>>, vector<1x50x128xf32>
    %get3A_839 = vector.shape_cast %get3A_838 : vector<1x50x128xf32> to vector<50x128xf32>
    %get3A_840 = arith.constant 0 : index
    %get3A_841 = arith.constant 0 : index
    %get3A_842 = vector.load %arg4[%get3A_840, %get3A_841] : memref<128x128xf32, #tpu.memory_space<vmem>>, vector<128x128xf32>
    %dot_general3A_843 = arith.constant dense<0.000000e+00> : vector<50x128xf32>
    %dot_general3A_844 = tpu.matmul %get3A_839, %get3A_842, %dot_general3A_843 {dimension_numbers = #tpu.dot_dimension_numbers<[1], [1], [0], [0], [0, 0, 1, 0], [], []>, transpose_lhs_hint = false} : vector<50x128xf32>, vector<128x128xf32>, vector<50x128xf32> -> vector<50x128xf32>
    %get3A_845 = arith.constant 30 : index
    %get3A_846 = arith.constant 0 : index
    %get3A_847 = arith.constant 0 : index
    %get3A_848 = vector.load %arg2[%get3A_845, %get3A_846, %get3A_847] : memref<128x56x128xf32, #tpu.memory_space<vmem>>, vector<1x50x128xf32>
    %get3A_849 = vector.shape_cast %get3A_848 : vector<1x50x128xf32> to vector<50x128xf32>
    %get3A_850 = arith.constant 30 : index
    %get3A_851 = arith.constant 0 : index
    %get3A_852 = arith.constant 0 : index
    %get3A_853 = vector.load %arg3[%get3A_850, %get3A_851, %get3A_852] : memref<128x56x128xf32, #tpu.memory_space<vmem>>, vector<1x50x128xf32>
    %get3A_854 = vector.shape_cast %get3A_853 : vector<1x50x128xf32> to vector<50x128xf32>
    %mul3A_855 = arith.mulf %get3A_854, %dot_general3A_844 : vector<50x128xf32>
    %add3A_856 = arith.addf %get3A_849, %mul3A_855 : vector<50x128xf32>
    %swap3A_857 = arith.constant 30 : index
    %swap3A_858 = arith.constant 0 : index
    %swap3A_859 = arith.constant 0 : index
    %swap3A_860 = vector.load %arg5[%swap3A_857, %swap3A_858, %swap3A_859] : memref<128x50x128xf32, #tpu.memory_space<vmem>>, vector<1x50x128xf32>
    %swap3A_861 = vector.shape_cast %swap3A_860 : vector<1x50x128xf32> to vector<50x128xf32>
    %swap3A_862 = vector.shape_cast %add3A_856 : vector<50x128xf32> to vector<1x50x128xf32>
    tpu.vector_store %arg5[%swap3A_857, %swap3A_858, %swap3A_859], %swap3A_862 {strides = array<i32>} : memref<128x50x128xf32, #tpu.memory_space<vmem>>, vector<1x50x128xf32>,
    %get3A_863 = arith.constant 31 : index
    %get3A_864 = arith.constant 0 : index
    %get3A_865 = arith.constant 0 : index
    %get3A_866 = vector.load %arg1[%get3A_863, %get3A_864, %get3A_865] : memref<128x50x128xf32, #tpu.memory_space<vmem>>, vector<1x50x128xf32>
    %get3A_867 = vector.shape_cast %get3A_866 : vector<1x50x128xf32> to vector<50x128xf32>
    %get3A_868 = arith.constant 0 : index
    %get3A_869 = arith.constant 0 : index
    %get3A_870 = vector.load %arg4[%get3A_868, %get3A_869] : memref<128x128xf32, #tpu.memory_space<vmem>>, vector<128x128xf32>
    %dot_general3A_871 = arith.constant dense<0.000000e+00> : vector<50x128xf32>
    %dot_general3A_872 = tpu.matmul %get3A_867, %get3A_870, %dot_general3A_871 {dimension_numbers = #tpu.dot_dimension_numbers<[1], [1], [0], [0], [0, 0, 1, 0], [], []>, transpose_lhs_hint = false} : vector<50x128xf32>, vector<128x128xf32>, vector<50x128xf32> -> vector<50x128xf32>
    %get3A_873 = arith.constant 31 : index
    %get3A_874 = arith.constant 0 : index
    %get3A_875 = arith.constant 0 : index
    %get3A_876 = vector.load %arg2[%get3A_873, %get3A_874, %get3A_875] : memref<128x56x128xf32, #tpu.memory_space<vmem>>, vector<1x50x128xf32>
    %get3A_877 = vector.shape_cast %get3A_876 : vector<1x50x128xf32> to vector<50x128xf32>
    %get3A_878 = arith.constant 31 : index
    %get3A_879 = arith.constant 0 : index
    %get3A_880 = arith.constant 0 : index
    %get3A_881 = vector.load %arg3[%get3A_878, %get3A_879, %get3A_880] : memref<128x56x128xf32, #tpu.memory_space<vmem>>, vector<1x50x128xf32>
    %get3A_882 = vector.shape_cast %get3A_881 : vector<1x50x128xf32> to vector<50x128xf32>
    %mul3A_883 = arith.mulf %get3A_882, %dot_general3A_872 : vector<50x128xf32>
    %add3A_884 = arith.addf %get3A_877, %mul3A_883 : vector<50x128xf32>
    %swap3A_885 = arith.constant 31 : index
    %swap3A_886 = arith.constant 0 : index
    %swap3A_887 = arith.constant 0 : index
    %swap3A_888 = vector.load %arg5[%swap3A_885, %swap3A_886, %swap3A_887] : memref<128x50x128xf32, #tpu.memory_space<vmem>>, vector<1x50x128xf32>
    %swap3A_889 = vector.shape_cast %swap3A_888 : vector<1x50x128xf32> to vector<50x128xf32>
    %swap3A_890 = vector.shape_cast %add3A_884 : vector<50x128xf32> to vector<1x50x128xf32>
    tpu.vector_store %arg5[%swap3A_885, %swap3A_886, %swap3A_887], %swap3A_890 {strides = array<i32>} : memref<128x50x128xf32, #tpu.memory_space<vmem>>, vector<1x50x128xf32>,
    %get3A_891 = arith.constant 32 : index
    %get3A_892 = arith.constant 0 : index
    %get3A_893 = arith.constant 0 : index
    %get3A_894 = vector.load %arg1[%get3A_891, %get3A_892, %get3A_893] : memref<128x50x128xf32, #tpu.memory_space<vmem>>, vector<1x50x128xf32>
    %get3A_895 = vector.shape_cast %get3A_894 : vector<1x50x128xf32> to vector<50x128xf32>
    %get3A_896 = arith.constant 0 : index
    %get3A_897 = arith.constant 0 : index
    %get3A_898 = vector.load %arg4[%get3A_896, %get3A_897] : memref<128x128xf32, #tpu.memory_space<vmem>>, vector<128x128xf32>
    %dot_general3A_899 = arith.constant dense<0.000000e+00> : vector<50x128xf32>
    %dot_general3A_900 = tpu.matmul %get3A_895, %get3A_898, %dot_general3A_899 {dimension_numbers = #tpu.dot_dimension_numbers<[1], [1], [0], [0], [0, 0, 1, 0], [], []>, transpose_lhs_hint = false} : vector<50x128xf32>, vector<128x128xf32>, vector<50x128xf32> -> vector<50x128xf32>
    %get3A_901 = arith.constant 32 : index
    %get3A_902 = arith.constant 0 : index
    %get3A_903 = arith.constant 0 : index
    %get3A_904 = vector.load %arg2[%get3A_901, %get3A_902, %get3A_903] : memref<128x56x128xf32, #tpu.memory_space<vmem>>, vector<1x50x128xf32>
    %get3A_905 = vector.shape_cast %get3A_904 : vector<1x50x128xf32> to vector<50x128xf32>
    %get3A_906 = arith.constant 32 : index
    %get3A_907 = arith.constant 0 : index
    %get3A_908 = arith.constant 0 : index
    %get3A_909 = vector.load %arg3[%get3A_906, %get3A_907, %get3A_908] : memref<128x56x128xf32, #tpu.memory_space<vmem>>, vector<1x50x128xf32>
    %get3A_910 = vector.shape_cast %get3A_909 : vector<1x50x128xf32> to vector<50x128xf32>
    %mul3A_911 = arith.mulf %get3A_910, %dot_general3A_900 : vector<50x128xf32>
    %add3A_912 = arith.addf %get3A_905, %mul3A_911 : vector<50x128xf32>
    %swap3A_913 = arith.constant 32 : index
    %swap3A_914 = arith.constant 0 : index
    %swap3A_915 = arith.constant 0 : index
    %swap3A_916 = vector.load %arg5[%swap3A_913, %swap3A_914, %swap3A_915] : memref<128x50x128xf32, #tpu.memory_space<vmem>>, vector<1x50x128xf32>
    %swap3A_917 = vector.shape_cast %swap3A_916 : vector<1x50x128xf32> to vector<50x128xf32>
    %swap3A_918 = vector.shape_cast %add3A_912 : vector<50x128xf32> to vector<1x50x128xf32>
    tpu.vector_store %arg5[%swap3A_913, %swap3A_914, %swap3A_915], %swap3A_918 {strides = array<i32>} : memref<128x50x128xf32, #tpu.memory_space<vmem>>, vector<1x50x128xf32>,
    %get3A_919 = arith.constant 33 : index
    %get3A_920 = arith.constant 0 : index
    %get3A_921 = arith.constant 0 : index
    %get3A_922 = vector.load %arg1[%get3A_919, %get3A_920, %get3A_921] : memref<128x50x128xf32, #tpu.memory_space<vmem>>, vector<1x50x128xf32>
    %get3A_923 = vector.shape_cast %get3A_922 : vector<1x50x128xf32> to vector<50x128xf32>
    %get3A_924 = arith.constant 0 : index
    %get3A_925 = arith.constant 0 : index
    %get3A_926 = vector.load %arg4[%get3A_924, %get3A_925] : memref<128x128xf32, #tpu.memory_space<vmem>>, vector<128x128xf32>
    %dot_general3A_927 = arith.constant dense<0.000000e+00> : vector<50x128xf32>
    %dot_general3A_928 = tpu.matmul %get3A_923, %get3A_926, %dot_general3A_927 {dimension_numbers = #tpu.dot_dimension_numbers<[1], [1], [0], [0], [0, 0, 1, 0], [], []>, transpose_lhs_hint = false} : vector<50x128xf32>, vector<128x128xf32>, vector<50x128xf32> -> vector<50x128xf32>
    %get3A_929 = arith.constant 33 : index
    %get3A_930 = arith.constant 0 : index
    %get3A_931 = arith.constant 0 : index
    %get3A_932 = vector.load %arg2[%get3A_929, %get3A_930, %get3A_931] : memref<128x56x128xf32, #tpu.memory_space<vmem>>, vector<1x50x128xf32>
    %get3A_933 = vector.shape_cast %get3A_932 : vector<1x50x128xf32> to vector<50x128xf32>
    %get3A_934 = arith.constant 33 : index
    %get3A_935 = arith.constant 0 : index
    %get3A_936 = arith.constant 0 : index
    %get3A_937 = vector.load %arg3[%get3A_934, %get3A_935, %get3A_936] : memref<128x56x128xf32, #tpu.memory_space<vmem>>, vector<1x50x128xf32>
    %get3A_938 = vector.shape_cast %get3A_937 : vector<1x50x128xf32> to vector<50x128xf32>
    %mul3A_939 = arith.mulf %get3A_938, %dot_general3A_928 : vector<50x128xf32>
    %add3A_940 = arith.addf %get3A_933, %mul3A_939 : vector<50x128xf32>
    %swap3A_941 = arith.constant 33 : index
    %swap3A_942 = arith.constant 0 : index
    %swap3A_943 = arith.constant 0 : index
    %swap3A_944 = vector.load %arg5[%swap3A_941, %swap3A_942, %swap3A_943] : memref<128x50x128xf32, #tpu.memory_space<vmem>>, vector<1x50x128xf32>
    %swap3A_945 = vector.shape_cast %swap3A_944 : vector<1x50x128xf32> to vector<50x128xf32>
    %swap3A_946 = vector.shape_cast %add3A_940 : vector<50x128xf32> to vector<1x50x128xf32>
    tpu.vector_store %arg5[%swap3A_941, %swap3A_942, %swap3A_943], %swap3A_946 {strides = array<i32>} : memref<128x50x128xf32, #tpu.memory_space<vmem>>, vector<1x50x128xf32>,
    %get3A_947 = arith.constant 34 : index
    %get3A_948 = arith.constant 0 : index
    %get3A_949 = arith.constant 0 : index
    %get3A_950 = vector.load %arg1[%get3A_947, %get3A_948, %get3A_949] : memref<128x50x128xf32, #tpu.memory_space<vmem>>, vector<1x50x128xf32>
    %get3A_951 = vector.shape_cast %get3A_950 : vector<1x50x128xf32> to vector<50x128xf32>
    %get3A_952 = arith.constant 0 : index
    %get3A_953 = arith.constant 0 : index
    %get3A_954 = vector.load %arg4[%get3A_952, %get3A_953] : memref<128x128xf32, #tpu.memory_space<vmem>>, vector<128x128xf32>
    %dot_general3A_955 = arith.constant dense<0.000000e+00> : vector<50x128xf32>
    %dot_general3A_956 = tpu.matmul %get3A_951, %get3A_954, %dot_general3A_955 {dimension_numbers = #tpu.dot_dimension_numbers<[1], [1], [0], [0], [0, 0, 1, 0], [], []>, transpose_lhs_hint = false} : vector<50x128xf32>, vector<128x128xf32>, vector<50x128xf32> -> vector<50x128xf32>
    %get3A_957 = arith.constant 34 : index
    %get3A_958 = arith.constant 0 : index
    %get3A_959 = arith.constant 0 : index
    %get3A_960 = vector.load %arg2[%get3A_957, %get3A_958, %get3A_959] : memref<128x56x128xf32, #tpu.memory_space<vmem>>, vector<1x50x128xf32>
    %get3A_961 = vector.shape_cast %get3A_960 : vector<1x50x128xf32> to vector<50x128xf32>
    %get3A_962 = arith.constant 34 : index
    %get3A_963 = arith.constant 0 : index
    %get3A_964 = arith.constant 0 : index
    %get3A_965 = vector.load %arg3[%get3A_962, %get3A_963, %get3A_964] : memref<128x56x128xf32, #tpu.memory_space<vmem>>, vector<1x50x128xf32>
    %get3A_966 = vector.shape_cast %get3A_965 : vector<1x50x128xf32> to vector<50x128xf32>
    %mul3A_967 = arith.mulf %get3A_966, %dot_general3A_956 : vector<50x128xf32>
    %add3A_968 = arith.addf %get3A_961, %mul3A_967 : vector<50x128xf32>
    %swap3A_969 = arith.constant 34 : index
    %swap3A_970 = arith.constant 0 : index
    %swap3A_971 = arith.constant 0 : index
    %swap3A_972 = vector.load %arg5[%swap3A_969, %swap3A_970, %swap3A_971] : memref<128x50x128xf32, #tpu.memory_space<vmem>>, vector<1x50x128xf32>
    %swap3A_973 = vector.shape_cast %swap3A_972 : vector<1x50x128xf32> to vector<50x128xf32>
    %swap3A_974 = vector.shape_cast %add3A_968 : vector<50x128xf32> to vector<1x50x128xf32>
    tpu.vector_store %arg5[%swap3A_969, %swap3A_970, %swap3A_971], %swap3A_974 {strides = array<i32>} : memref<128x50x128xf32, #tpu.memory_space<vmem>>, vector<1x50x128xf32>,
    %get3A_975 = arith.constant 35 : index
    %get3A_976 = arith.constant 0 : index
    %get3A_977 = arith.constant 0 : index
    %get3A_978 = vector.load %arg1[%get3A_975, %get3A_976, %get3A_977] : memref<128x50x128xf32, #tpu.memory_space<vmem>>, vector<1x50x128xf32>
    %get3A_979 = vector.shape_cast %get3A_978 : vector<1x50x128xf32> to vector<50x128xf32>
    %get3A_980 = arith.constant 0 : index
    %get3A_981 = arith.constant 0 : index
    %get3A_982 = vector.load %arg4[%get3A_980, %get3A_981] : memref<128x128xf32, #tpu.memory_space<vmem>>, vector<128x128xf32>
    %dot_general3A_983 = arith.constant dense<0.000000e+00> : vector<50x128xf32>
    %dot_general3A_984 = tpu.matmul %get3A_979, %get3A_982, %dot_general3A_983 {dimension_numbers = #tpu.dot_dimension_numbers<[1], [1], [0], [0], [0, 0, 1, 0], [], []>, transpose_lhs_hint = false} : vector<50x128xf32>, vector<128x128xf32>, vector<50x128xf32> -> vector<50x128xf32>
    %get3A_985 = arith.constant 35 : index
    %get3A_986 = arith.constant 0 : index
    %get3A_987 = arith.constant 0 : index
    %get3A_988 = vector.load %arg2[%get3A_985, %get3A_986, %get3A_987] : memref<128x56x128xf32, #tpu.memory_space<vmem>>, vector<1x50x128xf32>
    %get3A_989 = vector.shape_cast %get3A_988 : vector<1x50x128xf32> to vector<50x128xf32>
    %get3A_990 = arith.constant 35 : index
    %get3A_991 = arith.constant 0 : index
    %get3A_992 = arith.constant 0 : index
    %get3A_993 = vector.load %arg3[%get3A_990, %get3A_991, %get3A_992] : memref<128x56x128xf32, #tpu.memory_space<vmem>>, vector<1x50x128xf32>
    %get3A_994 = vector.shape_cast %get3A_993 : vector<1x50x128xf32> to vector<50x128xf32>
    %mul3A_995 = arith.mulf %get3A_994, %dot_general3A_984 : vector<50x128xf32>
    %add3A_996 = arith.addf %get3A_989, %mul3A_995 : vector<50x128xf32>
    %swap3A_997 = arith.constant 35 : index
    %swap3A_998 = arith.constant 0 : index
    %swap3A_999 = arith.constant 0 : index
    %swap3A_1000 = vector.load %arg5[%swap3A_997, %swap3A_998, %swap3A_999] : memref<128x50x128xf32, #tpu.memory_space<vmem>>, vector<1x50x128xf32>
    %swap3A_1001 = vector.shape_cast %swap3A_1000 : vector<1x50x128xf32> to vector<50x128xf32>
    %swap3A_1002 = vector.shape_cast %add3A_996 : vector<50x128xf32> to vector<1x50x128xf32>
    tpu.vector_store %arg5[%swap3A_997, %swap3A_998, %swap3A_999], %swap3A_1002 {strides = array<i32>} : memref<128x50x128xf32, #tpu.memory_space<vmem>>, vector<1x50x128xf32>,
    %get3A_1003 = arith.constant 36 : index
    %get3A_1004 = arith.constant 0 : index
    %get3A_1005 = arith.constant 0 : index
    %get3A_1006 = vector.load %arg1[%get3A_1003, %get3A_1004, %get3A_1005] : memref<128x50x128xf32, #tpu.memory_space<vmem>>, vector<1x50x128xf32>
    %get3A_1007 = vector.shape_cast %get3A_1006 : vector<1x50x128xf32> to vector<50x128xf32>
    %get3A_1008 = arith.constant 0 : index
    %get3A_1009 = arith.constant 0 : index
    %get3A_1010 = vector.load %arg4[%get3A_1008, %get3A_1009] : memref<128x128xf32, #tpu.memory_space<vmem>>, vector<128x128xf32>
    %dot_general3A_1011 = arith.constant dense<0.000000e+00> : vector<50x128xf32>
    %dot_general3A_1012 = tpu.matmul %get3A_1007, %get3A_1010, %dot_general3A_1011 {dimension_numbers = #tpu.dot_dimension_numbers<[1], [1], [0], [0], [0, 0, 1, 0], [], []>, transpose_lhs_hint = false} : vector<50x128xf32>, vector<128x128xf32>, vector<50x128xf32> -> vector<50x128xf32>
    %get3A_1013 = arith.constant 36 : index
    %get3A_1014 = arith.constant 0 : index
    %get3A_1015 = arith.constant 0 : index
    %get3A_1016 = vector.load %arg2[%get3A_1013, %get3A_1014, %get3A_1015] : memref<128x56x128xf32, #tpu.memory_space<vmem>>, vector<1x50x128xf32>
    %get3A_1017 = vector.shape_cast %get3A_1016 : vector<1x50x128xf32> to vector<50x128xf32>
    %get3A_1018 = arith.constant 36 : index
    %get3A_1019 = arith.constant 0 : index
    %get3A_1020 = arith.constant 0 : index
    %get3A_1021 = vector.load %arg3[%get3A_1018, %get3A_1019, %get3A_1020] : memref<128x56x128xf32, #tpu.memory_space<vmem>>, vector<1x50x128xf32>
    %get3A_1022 = vector.shape_cast %get3A_1021 : vector<1x50x128xf32> to vector<50x128xf32>
    %mul3A_1023 = arith.mulf %get3A_1022, %dot_general3A_1012 : vector<50x128xf32>
    %add3A_1024 = arith.addf %get3A_1017, %mul3A_1023 : vector<50x128xf32>
    %swap3A_1025 = arith.constant 36 : index
    %swap3A_1026 = arith.constant 0 : index
    %swap3A_1027 = arith.constant 0 : index
    %swap3A_1028 = vector.load %arg5[%swap3A_1025, %swap3A_1026, %swap3A_1027] : memref<128x50x128xf32, #tpu.memory_space<vmem>>, vector<1x50x128xf32>
    %swap3A_1029 = vector.shape_cast %swap3A_1028 : vector<1x50x128xf32> to vector<50x128xf32>
    %swap3A_1030 = vector.shape_cast %add3A_1024 : vector<50x128xf32> to vector<1x50x128xf32>
    tpu.vector_store %arg5[%swap3A_1025, %swap3A_1026, %swap3A_1027], %swap3A_1030 {strides = array<i32>} : memref<128x50x128xf32, #tpu.memory_space<vmem>>, vector<1x50x128xf32>,
    %get3A_1031 = arith.constant 37 : index
    %get3A_1032 = arith.constant 0 : index
    %get3A_1033 = arith.constant 0 : index
    %get3A_1034 = vector.load %arg1[%get3A_1031, %get3A_1032, %get3A_1033] : memref<128x50x128xf32, #tpu.memory_space<vmem>>, vector<1x50x128xf32>
    %get3A_1035 = vector.shape_cast %get3A_1034 : vector<1x50x128xf32> to vector<50x128xf32>
    %get3A_1036 = arith.constant 0 : index
    %get3A_1037 = arith.constant 0 : index
    %get3A_1038 = vector.load %arg4[%get3A_1036, %get3A_1037] : memref<128x128xf32, #tpu.memory_space<vmem>>, vector<128x128xf32>
    %dot_general3A_1039 = arith.constant dense<0.000000e+00> : vector<50x128xf32>
    %dot_general3A_1040 = tpu.matmul %get3A_1035, %get3A_1038, %dot_general3A_1039 {dimension_numbers = #tpu.dot_dimension_numbers<[1], [1], [0], [0], [0, 0, 1, 0], [], []>, transpose_lhs_hint = false} : vector<50x128xf32>, vector<128x128xf32>, vector<50x128xf32> -> vector<50x128xf32>
    %get3A_1041 = arith.constant 37 : index
    %get3A_1042 = arith.constant 0 : index
    %get3A_1043 = arith.constant 0 : index
    %get3A_1044 = vector.load %arg2[%get3A_1041, %get3A_1042, %get3A_1043] : memref<128x56x128xf32, #tpu.memory_space<vmem>>, vector<1x50x128xf32>
    %get3A_1045 = vector.shape_cast %get3A_1044 : vector<1x50x128xf32> to vector<50x128xf32>
    %get3A_1046 = arith.constant 37 : index
    %get3A_1047 = arith.constant 0 : index
    %get3A_1048 = arith.constant 0 : index
    %get3A_1049 = vector.load %arg3[%get3A_1046, %get3A_1047, %get3A_1048] : memref<128x56x128xf32, #tpu.memory_space<vmem>>, vector<1x50x128xf32>
    %get3A_1050 = vector.shape_cast %get3A_1049 : vector<1x50x128xf32> to vector<50x128xf32>
    %mul3A_1051 = arith.mulf %get3A_1050, %dot_general3A_1040 : vector<50x128xf32>
    %add3A_1052 = arith.addf %get3A_1045, %mul3A_1051 : vector<50x128xf32>
    %swap3A_1053 = arith.constant 37 : index
    %swap3A_1054 = arith.constant 0 : index
    %swap3A_1055 = arith.constant 0 : index
    %swap3A_1056 = vector.load %arg5[%swap3A_1053, %swap3A_1054, %swap3A_1055] : memref<128x50x128xf32, #tpu.memory_space<vmem>>, vector<1x50x128xf32>
    %swap3A_1057 = vector.shape_cast %swap3A_1056 : vector<1x50x128xf32> to vector<50x128xf32>
    %swap3A_1058 = vector.shape_cast %add3A_1052 : vector<50x128xf32> to vector<1x50x128xf32>
    tpu.vector_store %arg5[%swap3A_1053, %swap3A_1054, %swap3A_1055], %swap3A_1058 {strides = array<i32>} : memref<128x50x128xf32, #tpu.memory_space<vmem>>, vector<1x50x128xf32>,
    %get3A_1059 = arith.constant 38 : index
    %get3A_1060 = arith.constant 0 : index
    %get3A_1061 = arith.constant 0 : index
    %get3A_1062 = vector.load %arg1[%get3A_1059, %get3A_1060, %get3A_1061] : memref<128x50x128xf32, #tpu.memory_space<vmem>>, vector<1x50x128xf32>
    %get3A_1063 = vector.shape_cast %get3A_1062 : vector<1x50x128xf32> to vector<50x128xf32>
    %get3A_1064 = arith.constant 0 : index
    %get3A_1065 = arith.constant 0 : index
    %get3A_1066 = vector.load %arg4[%get3A_1064, %get3A_1065] : memref<128x128xf32, #tpu.memory_space<vmem>>, vector<128x128xf32>
    %dot_general3A_1067 = arith.constant dense<0.000000e+00> : vector<50x128xf32>
    %dot_general3A_1068 = tpu.matmul %get3A_1063, %get3A_1066, %dot_general3A_1067 {dimension_numbers = #tpu.dot_dimension_numbers<[1], [1], [0], [0], [0, 0, 1, 0], [], []>, transpose_lhs_hint = false} : vector<50x128xf32>, vector<128x128xf32>, vector<50x128xf32> -> vector<50x128xf32>
    %get3A_1069 = arith.constant 38 : index
    %get3A_1070 = arith.constant 0 : index
    %get3A_1071 = arith.constant 0 : index
    %get3A_1072 = vector.load %arg2[%get3A_1069, %get3A_1070, %get3A_1071] : memref<128x56x128xf32, #tpu.memory_space<vmem>>, vector<1x50x128xf32>
    %get3A_1073 = vector.shape_cast %get3A_1072 : vector<1x50x128xf32> to vector<50x128xf32>
    %get3A_1074 = arith.constant 38 : index
    %get3A_1075 = arith.constant 0 : index
    %get3A_1076 = arith.constant 0 : index
    %get3A_1077 = vector.load %arg3[%get3A_1074, %get3A_1075, %get3A_1076] : memref<128x56x128xf32, #tpu.memory_space<vmem>>, vector<1x50x128xf32>
    %get3A_1078 = vector.shape_cast %get3A_1077 : vector<1x50x128xf32> to vector<50x128xf32>
    %mul3A_1079 = arith.mulf %get3A_1078, %dot_general3A_1068 : vector<50x128xf32>
    %add3A_1080 = arith.addf %get3A_1073, %mul3A_1079 : vector<50x128xf32>
    %swap3A_1081 = arith.constant 38 : index
    %swap3A_1082 = arith.constant 0 : index
    %swap3A_1083 = arith.constant 0 : index
    %swap3A_1084 = vector.load %arg5[%swap3A_1081, %swap3A_1082, %swap3A_1083] : memref<128x50x128xf32, #tpu.memory_space<vmem>>, vector<1x50x128xf32>
    %swap3A_1085 = vector.shape_cast %swap3A_1084 : vector<1x50x128xf32> to vector<50x128xf32>
    %swap3A_1086 = vector.shape_cast %add3A_1080 : vector<50x128xf32> to vector<1x50x128xf32>
    tpu.vector_store %arg5[%swap3A_1081, %swap3A_1082, %swap3A_1083], %swap3A_1086 {strides = array<i32>} : memref<128x50x128xf32, #tpu.memory_space<vmem>>, vector<1x50x128xf32>,
    %get3A_1087 = arith.constant 39 : index
    %get3A_1088 = arith.constant 0 : index
    %get3A_1089 = arith.constant 0 : index
    %get3A_1090 = vector.load %arg1[%get3A_1087, %get3A_1088, %get3A_1089] : memref<128x50x128xf32, #tpu.memory_space<vmem>>, vector<1x50x128xf32>
    %get3A_1091 = vector.shape_cast %get3A_1090 : vector<1x50x128xf32> to vector<50x128xf32>
    %get3A_1092 = arith.constant 0 : index
    %get3A_1093 = arith.constant 0 : index
    %get3A_1094 = vector.load %arg4[%get3A_1092, %get3A_1093] : memref<128x128xf32, #tpu.memory_space<vmem>>, vector<128x128xf32>
    %dot_general3A_1095 = arith.constant dense<0.000000e+00> : vector<50x128xf32>
    %dot_general3A_1096 = tpu.matmul %get3A_1091, %get3A_1094, %dot_general3A_1095 {dimension_numbers = #tpu.dot_dimension_numbers<[1], [1], [0], [0], [0, 0, 1, 0], [], []>, transpose_lhs_hint = false} : vector<50x128xf32>, vector<128x128xf32>, vector<50x128xf32> -> vector<50x128xf32>
    %get3A_1097 = arith.constant 39 : index
    %get3A_1098 = arith.constant 0 : index
    %get3A_1099 = arith.constant 0 : index
    %get3A_1100 = vector.load %arg2[%get3A_1097, %get3A_1098, %get3A_1099] : memref<128x56x128xf32, #tpu.memory_space<vmem>>, vector<1x50x128xf32>
    %get3A_1101 = vector.shape_cast %get3A_1100 : vector<1x50x128xf32> to vector<50x128xf32>
    %get3A_1102 = arith.constant 39 : index
    %get3A_1103 = arith.constant 0 : index
    %get3A_1104 = arith.constant 0 : index
    %get3A_1105 = vector.load %arg3[%get3A_1102, %get3A_1103, %get3A_1104] : memref<128x56x128xf32, #tpu.memory_space<vmem>>, vector<1x50x128xf32>
    %get3A_1106 = vector.shape_cast %get3A_1105 : vector<1x50x128xf32> to vector<50x128xf32>
    %mul3A_1107 = arith.mulf %get3A_1106, %dot_general3A_1096 : vector<50x128xf32>
    %add3A_1108 = arith.addf %get3A_1101, %mul3A_1107 : vector<50x128xf32>
    %swap3A_1109 = arith.constant 39 : index
    %swap3A_1110 = arith.constant 0 : index
    %swap3A_1111 = arith.constant 0 : index
    %swap3A_1112 = vector.load %arg5[%swap3A_1109, %swap3A_1110, %swap3A_1111] : memref<128x50x128xf32, #tpu.memory_space<vmem>>, vector<1x50x128xf32>
    %swap3A_1113 = vector.shape_cast %swap3A_1112 : vector<1x50x128xf32> to vector<50x128xf32>
    %swap3A_1114 = vector.shape_cast %add3A_1108 : vector<50x128xf32> to vector<1x50x128xf32>
    tpu.vector_store %arg5[%swap3A_1109, %swap3A_1110, %swap3A_1111], %swap3A_1114 {strides = array<i32>} : memref<128x50x128xf32, #tpu.memory_space<vmem>>, vector<1x50x128xf32>,
    %get3A_1115 = arith.constant 40 : index
    %get3A_1116 = arith.constant 0 : index
    %get3A_1117 = arith.constant 0 : index
    %get3A_1118 = vector.load %arg1[%get3A_1115, %get3A_1116, %get3A_1117] : memref<128x50x128xf32, #tpu.memory_space<vmem>>, vector<1x50x128xf32>
    %get3A_1119 = vector.shape_cast %get3A_1118 : vector<1x50x128xf32> to vector<50x128xf32>
    %get3A_1120 = arith.constant 0 : index
    %get3A_1121 = arith.constant 0 : index
    %get3A_1122 = vector.load %arg4[%get3A_1120, %get3A_1121] : memref<128x128xf32, #tpu.memory_space<vmem>>, vector<128x128xf32>
    %dot_general3A_1123 = arith.constant dense<0.000000e+00> : vector<50x128xf32>
    %dot_general3A_1124 = tpu.matmul %get3A_1119, %get3A_1122, %dot_general3A_1123 {dimension_numbers = #tpu.dot_dimension_numbers<[1], [1], [0], [0], [0, 0, 1, 0], [], []>, transpose_lhs_hint = false} : vector<50x128xf32>, vector<128x128xf32>, vector<50x128xf32> -> vector<50x128xf32>
    %get3A_1125 = arith.constant 40 : index
    %get3A_1126 = arith.constant 0 : index
    %get3A_1127 = arith.constant 0 : index
    %get3A_1128 = vector.load %arg2[%get3A_1125, %get3A_1126, %get3A_1127] : memref<128x56x128xf32, #tpu.memory_space<vmem>>, vector<1x50x128xf32>
    %get3A_1129 = vector.shape_cast %get3A_1128 : vector<1x50x128xf32> to vector<50x128xf32>
    %get3A_1130 = arith.constant 40 : index
    %get3A_1131 = arith.constant 0 : index
    %get3A_1132 = arith.constant 0 : index
    %get3A_1133 = vector.load %arg3[%get3A_1130, %get3A_1131, %get3A_1132] : memref<128x56x128xf32, #tpu.memory_space<vmem>>, vector<1x50x128xf32>
    %get3A_1134 = vector.shape_cast %get3A_1133 : vector<1x50x128xf32> to vector<50x128xf32>
    %mul3A_1135 = arith.mulf %get3A_1134, %dot_general3A_1124 : vector<50x128xf32>
    %add3A_1136 = arith.addf %get3A_1129, %mul3A_1135 : vector<50x128xf32>
    %swap3A_1137 = arith.constant 40 : index
    %swap3A_1138 = arith.constant 0 : index
    %swap3A_1139 = arith.constant 0 : index
    %swap3A_1140 = vector.load %arg5[%swap3A_1137, %swap3A_1138, %swap3A_1139] : memref<128x50x128xf32, #tpu.memory_space<vmem>>, vector<1x50x128xf32>
    %swap3A_1141 = vector.shape_cast %swap3A_1140 : vector<1x50x128xf32> to vector<50x128xf32>
    %swap3A_1142 = vector.shape_cast %add3A_1136 : vector<50x128xf32> to vector<1x50x128xf32>
    tpu.vector_store %arg5[%swap3A_1137, %swap3A_1138, %swap3A_1139], %swap3A_1142 {strides = array<i32>} : memref<128x50x128xf32, #tpu.memory_space<vmem>>, vector<1x50x128xf32>,
    %get3A_1143 = arith.constant 41 : index
    %get3A_1144 = arith.constant 0 : index
    %get3A_1145 = arith.constant 0 : index
    %get3A_1146 = vector.load %arg1[%get3A_1143, %get3A_1144, %get3A_1145] : memref<128x50x128xf32, #tpu.memory_space<vmem>>, vector<1x50x128xf32>
    %get3A_1147 = vector.shape_cast %get3A_1146 : vector<1x50x128xf32> to vector<50x128xf32>
    %get3A_1148 = arith.constant 0 : index
    %get3A_1149 = arith.constant 0 : index
    %get3A_1150 = vector.load %arg4[%get3A_1148, %get3A_1149] : memref<128x128xf32, #tpu.memory_space<vmem>>, vector<128x128xf32>
    %dot_general3A_1151 = arith.constant dense<0.000000e+00> : vector<50x128xf32>
    %dot_general3A_1152 = tpu.matmul %get3A_1147, %get3A_1150, %dot_general3A_1151 {dimension_numbers = #tpu.dot_dimension_numbers<[1], [1], [0], [0], [0, 0, 1, 0], [], []>, transpose_lhs_hint = false} : vector<50x128xf32>, vector<128x128xf32>, vector<50x128xf32> -> vector<50x128xf32>
    %get3A_1153 = arith.constant 41 : index
    %get3A_1154 = arith.constant 0 : index
    %get3A_1155 = arith.constant 0 : index
    %get3A_1156 = vector.load %arg2[%get3A_1153, %get3A_1154, %get3A_1155] : memref<128x56x128xf32, #tpu.memory_space<vmem>>, vector<1x50x128xf32>
    %get3A_1157 = vector.shape_cast %get3A_1156 : vector<1x50x128xf32> to vector<50x128xf32>
    %get3A_1158 = arith.constant 41 : index
    %get3A_1159 = arith.constant 0 : index
    %get3A_1160 = arith.constant 0 : index
    %get3A_1161 = vector.load %arg3[%get3A_1158, %get3A_1159, %get3A_1160] : memref<128x56x128xf32, #tpu.memory_space<vmem>>, vector<1x50x128xf32>
    %get3A_1162 = vector.shape_cast %get3A_1161 : vector<1x50x128xf32> to vector<50x128xf32>
    %mul3A_1163 = arith.mulf %get3A_1162, %dot_general3A_1152 : vector<50x128xf32>
    %add3A_1164 = arith.addf %get3A_1157, %mul3A_1163 : vector<50x128xf32>
    %swap3A_1165 = arith.constant 41 : index
    %swap3A_1166 = arith.constant 0 : index
    %swap3A_1167 = arith.constant 0 : index
    %swap3A_1168 = vector.load %arg5[%swap3A_1165, %swap3A_1166, %swap3A_1167] : memref<128x50x128xf32, #tpu.memory_space<vmem>>, vector<1x50x128xf32>
    %swap3A_1169 = vector.shape_cast %swap3A_1168 : vector<1x50x128xf32> to vector<50x128xf32>
    %swap3A_1170 = vector.shape_cast %add3A_1164 : vector<50x128xf32> to vector<1x50x128xf32>
    tpu.vector_store %arg5[%swap3A_1165, %swap3A_1166, %swap3A_1167], %swap3A_1170 {strides = array<i32>} : memref<128x50x128xf32, #tpu.memory_space<vmem>>, vector<1x50x128xf32>,
    %get3A_1171 = arith.constant 42 : index
    %get3A_1172 = arith.constant 0 : index
    %get3A_1173 = arith.constant 0 : index
    %get3A_1174 = vector.load %arg1[%get3A_1171, %get3A_1172, %get3A_1173] : memref<128x50x128xf32, #tpu.memory_space<vmem>>, vector<1x50x128xf32>
    %get3A_1175 = vector.shape_cast %get3A_1174 : vector<1x50x128xf32> to vector<50x128xf32>
    %get3A_1176 = arith.constant 0 : index
    %get3A_1177 = arith.constant 0 : index
    %get3A_1178 = vector.load %arg4[%get3A_1176, %get3A_1177] : memref<128x128xf32, #tpu.memory_space<vmem>>, vector<128x128xf32>
    %dot_general3A_1179 = arith.constant dense<0.000000e+00> : vector<50x128xf32>
    %dot_general3A_1180 = tpu.matmul %get3A_1175, %get3A_1178, %dot_general3A_1179 {dimension_numbers = #tpu.dot_dimension_numbers<[1], [1], [0], [0], [0, 0, 1, 0], [], []>, transpose_lhs_hint = false} : vector<50x128xf32>, vector<128x128xf32>, vector<50x128xf32> -> vector<50x128xf32>
    %get3A_1181 = arith.constant 42 : index
    %get3A_1182 = arith.constant 0 : index
    %get3A_1183 = arith.constant 0 : index
    %get3A_1184 = vector.load %arg2[%get3A_1181, %get3A_1182, %get3A_1183] : memref<128x56x128xf32, #tpu.memory_space<vmem>>, vector<1x50x128xf32>
    %get3A_1185 = vector.shape_cast %get3A_1184 : vector<1x50x128xf32> to vector<50x128xf32>
    %get3A_1186 = arith.constant 42 : index
    %get3A_1187 = arith.constant 0 : index
    %get3A_1188 = arith.constant 0 : index
    %get3A_1189 = vector.load %arg3[%get3A_1186, %get3A_1187, %get3A_1188] : memref<128x56x128xf32, #tpu.memory_space<vmem>>, vector<1x50x128xf32>
    %get3A_1190 = vector.shape_cast %get3A_1189 : vector<1x50x128xf32> to vector<50x128xf32>
    %mul3A_1191 = arith.mulf %get3A_1190, %dot_general3A_1180 : vector<50x128xf32>
    %add3A_1192 = arith.addf %get3A_1185, %mul3A_1191 : vector<50x128xf32>
    %swap3A_1193 = arith.constant 42 : index
    %swap3A_1194 = arith.constant 0 : index
    %swap3A_1195 = arith.constant 0 : index
    %swap3A_1196 = vector.load %arg5[%swap3A_1193, %swap3A_1194, %swap3A_1195] : memref<128x50x128xf32, #tpu.memory_space<vmem>>, vector<1x50x128xf32>
    %swap3A_1197 = vector.shape_cast %swap3A_1196 : vector<1x50x128xf32> to vector<50x128xf32>
    %swap3A_1198 = vector.shape_cast %add3A_1192 : vector<50x128xf32> to vector<1x50x128xf32>
    tpu.vector_store %arg5[%swap3A_1193, %swap3A_1194, %swap3A_1195], %swap3A_1198 {strides = array<i32>} : memref<128x50x128xf32, #tpu.memory_space<vmem>>, vector<1x50x128xf32>,
    %get3A_1199 = arith.constant 43 : index
    %get3A_1200 = arith.constant 0 : index
    %get3A_1201 = arith.constant 0 : index
    %get3A_1202 = vector.load %arg1[%get3A_1199, %get3A_1200, %get3A_1201] : memref<128x50x128xf32, #tpu.memory_space<vmem>>, vector<1x50x128xf32>
    %get3A_1203 = vector.shape_cast %get3A_1202 : vector<1x50x128xf32> to vector<50x128xf32>
    %get3A_1204 = arith.constant 0 : index
    %get3A_1205 = arith.constant 0 : index
    %get3A_1206 = vector.load %arg4[%get3A_1204, %get3A_1205] : memref<128x128xf32, #tpu.memory_space<vmem>>, vector<128x128xf32>
    %dot_general3A_1207 = arith.constant dense<0.000000e+00> : vector<50x128xf32>
    %dot_general3A_1208 = tpu.matmul %get3A_1203, %get3A_1206, %dot_general3A_1207 {dimension_numbers = #tpu.dot_dimension_numbers<[1], [1], [0], [0], [0, 0, 1, 0], [], []>, transpose_lhs_hint = false} : vector<50x128xf32>, vector<128x128xf32>, vector<50x128xf32> -> vector<50x128xf32>
    %get3A_1209 = arith.constant 43 : index
    %get3A_1210 = arith.constant 0 : index
    %get3A_1211 = arith.constant 0 : index
    %get3A_1212 = vector.load %arg2[%get3A_1209, %get3A_1210, %get3A_1211] : memref<128x56x128xf32, #tpu.memory_space<vmem>>, vector<1x50x128xf32>
    %get3A_1213 = vector.shape_cast %get3A_1212 : vector<1x50x128xf32> to vector<50x128xf32>
    %get3A_1214 = arith.constant 43 : index
    %get3A_1215 = arith.constant 0 : index
    %get3A_1216 = arith.constant 0 : index
    %get3A_1217 = vector.load %arg3[%get3A_1214, %get3A_1215, %get3A_1216] : memref<128x56x128xf32, #tpu.memory_space<vmem>>, vector<1x50x128xf32>
    %get3A_1218 = vector.shape_cast %get3A_1217 : vector<1x50x128xf32> to vector<50x128xf32>
    %mul3A_1219 = arith.mulf %get3A_1218, %dot_general3A_1208 : vector<50x128xf32>
    %add3A_1220 = arith.addf %get3A_1213, %mul3A_1219 : vector<50x128xf32>
    %swap3A_1221 = arith.constant 43 : index
    %swap3A_1222 = arith.constant 0 : index
    %swap3A_1223 = arith.constant 0 : index
    %swap3A_1224 = vector.load %arg5[%swap3A_1221, %swap3A_1222, %swap3A_1223] : memref<128x50x128xf32, #tpu.memory_space<vmem>>, vector<1x50x128xf32>
    %swap3A_1225 = vector.shape_cast %swap3A_1224 : vector<1x50x128xf32> to vector<50x128xf32>
    %swap3A_1226 = vector.shape_cast %add3A_1220 : vector<50x128xf32> to vector<1x50x128xf32>
    tpu.vector_store %arg5[%swap3A_1221, %swap3A_1222, %swap3A_1223], %swap3A_1226 {strides = array<i32>} : memref<128x50x128xf32, #tpu.memory_space<vmem>>, vector<1x50x128xf32>,
    %get3A_1227 = arith.constant 44 : index
    %get3A_1228 = arith.constant 0 : index
    %get3A_1229 = arith.constant 0 : index
    %get3A_1230 = vector.load %arg1[%get3A_1227, %get3A_1228, %get3A_1229] : memref<128x50x128xf32, #tpu.memory_space<vmem>>, vector<1x50x128xf32>
    %get3A_1231 = vector.shape_cast %get3A_1230 : vector<1x50x128xf32> to vector<50x128xf32>
    %get3A_1232 = arith.constant 0 : index
    %get3A_1233 = arith.constant 0 : index
    %get3A_1234 = vector.load %arg4[%get3A_1232, %get3A_1233] : memref<128x128xf32, #tpu.memory_space<vmem>>, vector<128x128xf32>
    %dot_general3A_1235 = arith.constant dense<0.000000e+00> : vector<50x128xf32>
    %dot_general3A_1236 = tpu.matmul %get3A_1231, %get3A_1234, %dot_general3A_1235 {dimension_numbers = #tpu.dot_dimension_numbers<[1], [1], [0], [0], [0, 0, 1, 0], [], []>, transpose_lhs_hint = false} : vector<50x128xf32>, vector<128x128xf32>, vector<50x128xf32> -> vector<50x128xf32>
    %get3A_1237 = arith.constant 44 : index
    %get3A_1238 = arith.constant 0 : index
    %get3A_1239 = arith.constant 0 : index
    %get3A_1240 = vector.load %arg2[%get3A_1237, %get3A_1238, %get3A_1239] : memref<128x56x128xf32, #tpu.memory_space<vmem>>, vector<1x50x128xf32>
    %get3A_1241 = vector.shape_cast %get3A_1240 : vector<1x50x128xf32> to vector<50x128xf32>
    %get3A_1242 = arith.constant 44 : index
    %get3A_1243 = arith.constant 0 : index
    %get3A_1244 = arith.constant 0 : index
    %get3A_1245 = vector.load %arg3[%get3A_1242, %get3A_1243, %get3A_1244] : memref<128x56x128xf32, #tpu.memory_space<vmem>>, vector<1x50x128xf32>
    %get3A_1246 = vector.shape_cast %get3A_1245 : vector<1x50x128xf32> to vector<50x128xf32>
    %mul3A_1247 = arith.mulf %get3A_1246, %dot_general3A_1236 : vector<50x128xf32>
    %add3A_1248 = arith.addf %get3A_1241, %mul3A_1247 : vector<50x128xf32>
    %swap3A_1249 = arith.constant 44 : index
    %swap3A_1250 = arith.constant 0 : index
    %swap3A_1251 = arith.constant 0 : index
    %swap3A_1252 = vector.load %arg5[%swap3A_1249, %swap3A_1250, %swap3A_1251] : memref<128x50x128xf32, #tpu.memory_space<vmem>>, vector<1x50x128xf32>
    %swap3A_1253 = vector.shape_cast %swap3A_1252 : vector<1x50x128xf32> to vector<50x128xf32>
    %swap3A_1254 = vector.shape_cast %add3A_1248 : vector<50x128xf32> to vector<1x50x128xf32>
    tpu.vector_store %arg5[%swap3A_1249, %swap3A_1250, %swap3A_1251], %swap3A_1254 {strides = array<i32>} : memref<128x50x128xf32, #tpu.memory_space<vmem>>, vector<1x50x128xf32>,
    %get3A_1255 = arith.constant 45 : index
    %get3A_1256 = arith.constant 0 : index
    %get3A_1257 = arith.constant 0 : index
    %get3A_1258 = vector.load %arg1[%get3A_1255, %get3A_1256, %get3A_1257] : memref<128x50x128xf32, #tpu.memory_space<vmem>>, vector<1x50x128xf32>
    %get3A_1259 = vector.shape_cast %get3A_1258 : vector<1x50x128xf32> to vector<50x128xf32>
    %get3A_1260 = arith.constant 0 : index
    %get3A_1261 = arith.constant 0 : index
    %get3A_1262 = vector.load %arg4[%get3A_1260, %get3A_1261] : memref<128x128xf32, #tpu.memory_space<vmem>>, vector<128x128xf32>
    %dot_general3A_1263 = arith.constant dense<0.000000e+00> : vector<50x128xf32>
    %dot_general3A_1264 = tpu.matmul %get3A_1259, %get3A_1262, %dot_general3A_1263 {dimension_numbers = #tpu.dot_dimension_numbers<[1], [1], [0], [0], [0, 0, 1, 0], [], []>, transpose_lhs_hint = false} : vector<50x128xf32>, vector<128x128xf32>, vector<50x128xf32> -> vector<50x128xf32>
    %get3A_1265 = arith.constant 45 : index
    %get3A_1266 = arith.constant 0 : index
    %get3A_1267 = arith.constant 0 : index
    %get3A_1268 = vector.load %arg2[%get3A_1265, %get3A_1266, %get3A_1267] : memref<128x56x128xf32, #tpu.memory_space<vmem>>, vector<1x50x128xf32>
    %get3A_1269 = vector.shape_cast %get3A_1268 : vector<1x50x128xf32> to vector<50x128xf32>
    %get3A_1270 = arith.constant 45 : index
    %get3A_1271 = arith.constant 0 : index
    %get3A_1272 = arith.constant 0 : index
    %get3A_1273 = vector.load %arg3[%get3A_1270, %get3A_1271, %get3A_1272] : memref<128x56x128xf32, #tpu.memory_space<vmem>>, vector<1x50x128xf32>
    %get3A_1274 = vector.shape_cast %get3A_1273 : vector<1x50x128xf32> to vector<50x128xf32>
    %mul3A_1275 = arith.mulf %get3A_1274, %dot_general3A_1264 : vector<50x128xf32>
    %add3A_1276 = arith.addf %get3A_1269, %mul3A_1275 : vector<50x128xf32>
    %swap3A_1277 = arith.constant 45 : index
    %swap3A_1278 = arith.constant 0 : index
    %swap3A_1279 = arith.constant 0 : index
    %swap3A_1280 = vector.load %arg5[%swap3A_1277, %swap3A_1278, %swap3A_1279] : memref<128x50x128xf32, #tpu.memory_space<vmem>>, vector<1x50x128xf32>
    %swap3A_1281 = vector.shape_cast %swap3A_1280 : vector<1x50x128xf32> to vector<50x128xf32>
    %swap3A_1282 = vector.shape_cast %add3A_1276 : vector<50x128xf32> to vector<1x50x128xf32>
    tpu.vector_store %arg5[%swap3A_1277, %swap3A_1278, %swap3A_1279], %swap3A_1282 {strides = array<i32>} : memref<128x50x128xf32, #tpu.memory_space<vmem>>, vector<1x50x128xf32>,
    %get3A_1283 = arith.constant 46 : index
    %get3A_1284 = arith.constant 0 : index
    %get3A_1285 = arith.constant 0 : index
    %get3A_1286 = vector.load %arg1[%get3A_1283, %get3A_1284, %get3A_1285] : memref<128x50x128xf32, #tpu.memory_space<vmem>>, vector<1x50x128xf32>
    %get3A_1287 = vector.shape_cast %get3A_1286 : vector<1x50x128xf32> to vector<50x128xf32>
    %get3A_1288 = arith.constant 0 : index
    %get3A_1289 = arith.constant 0 : index
    %get3A_1290 = vector.load %arg4[%get3A_1288, %get3A_1289] : memref<128x128xf32, #tpu.memory_space<vmem>>, vector<128x128xf32>
    %dot_general3A_1291 = arith.constant dense<0.000000e+00> : vector<50x128xf32>
    %dot_general3A_1292 = tpu.matmul %get3A_1287, %get3A_1290, %dot_general3A_1291 {dimension_numbers = #tpu.dot_dimension_numbers<[1], [1], [0], [0], [0, 0, 1, 0], [], []>, transpose_lhs_hint = false} : vector<50x128xf32>, vector<128x128xf32>, vector<50x128xf32> -> vector<50x128xf32>
    %get3A_1293 = arith.constant 46 : index
    %get3A_1294 = arith.constant 0 : index
    %get3A_1295 = arith.constant 0 : index
    %get3A_1296 = vector.load %arg2[%get3A_1293, %get3A_1294, %get3A_1295] : memref<128x56x128xf32, #tpu.memory_space<vmem>>, vector<1x50x128xf32>
    %get3A_1297 = vector.shape_cast %get3A_1296 : vector<1x50x128xf32> to vector<50x128xf32>
    %get3A_1298 = arith.constant 46 : index
    %get3A_1299 = arith.constant 0 : index
    %get3A_1300 = arith.constant 0 : index
    %get3A_1301 = vector.load %arg3[%get3A_1298, %get3A_1299, %get3A_1300] : memref<128x56x128xf32, #tpu.memory_space<vmem>>, vector<1x50x128xf32>
    %get3A_1302 = vector.shape_cast %get3A_1301 : vector<1x50x128xf32> to vector<50x128xf32>
    %mul3A_1303 = arith.mulf %get3A_1302, %dot_general3A_1292 : vector<50x128xf32>
    %add3A_1304 = arith.addf %get3A_1297, %mul3A_1303 : vector<50x128xf32>
    %swap3A_1305 = arith.constant 46 : index
    %swap3A_1306 = arith.constant 0 : index
    %swap3A_1307 = arith.constant 0 : index
    %swap3A_1308 = vector.load %arg5[%swap3A_1305, %swap3A_1306, %swap3A_1307] : memref<128x50x128xf32, #tpu.memory_space<vmem>>, vector<1x50x128xf32>
    %swap3A_1309 = vector.shape_cast %swap3A_1308 : vector<1x50x128xf32> to vector<50x128xf32>
    %swap3A_1310 = vector.shape_cast %add3A_1304 : vector<50x128xf32> to vector<1x50x128xf32>
    tpu.vector_store %arg5[%swap3A_1305, %swap3A_1306, %swap3A_1307], %swap3A_1310 {strides = array<i32>} : memref<128x50x128xf32, #tpu.memory_space<vmem>>, vector<1x50x128xf32>,
    %get3A_1311 = arith.constant 47 : index
    %get3A_1312 = arith.constant 0 : index
    %get3A_1313 = arith.constant 0 : index
    %get3A_1314 = vector.load %arg1[%get3A_1311, %get3A_1312, %get3A_1313] : memref<128x50x128xf32, #tpu.memory_space<vmem>>, vector<1x50x128xf32>
    %get3A_1315 = vector.shape_cast %get3A_1314 : vector<1x50x128xf32> to vector<50x128xf32>
    %get3A_1316 = arith.constant 0 : index
    %get3A_1317 = arith.constant 0 : index
    %get3A_1318 = vector.load %arg4[%get3A_1316, %get3A_1317] : memref<128x128xf32, #tpu.memory_space<vmem>>, vector<128x128xf32>
    %dot_general3A_1319 = arith.constant dense<0.000000e+00> : vector<50x128xf32>
    %dot_general3A_1320 = tpu.matmul %get3A_1315, %get3A_1318, %dot_general3A_1319 {dimension_numbers = #tpu.dot_dimension_numbers<[1], [1], [0], [0], [0, 0, 1, 0], [], []>, transpose_lhs_hint = false} : vector<50x128xf32>, vector<128x128xf32>, vector<50x128xf32> -> vector<50x128xf32>
    %get3A_1321 = arith.constant 47 : index
    %get3A_1322 = arith.constant 0 : index
    %get3A_1323 = arith.constant 0 : index
    %get3A_1324 = vector.load %arg2[%get3A_1321, %get3A_1322, %get3A_1323] : memref<128x56x128xf32, #tpu.memory_space<vmem>>, vector<1x50x128xf32>
    %get3A_1325 = vector.shape_cast %get3A_1324 : vector<1x50x128xf32> to vector<50x128xf32>
    %get3A_1326 = arith.constant 47 : index
    %get3A_1327 = arith.constant 0 : index
    %get3A_1328 = arith.constant 0 : index
    %get3A_1329 = vector.load %arg3[%get3A_1326, %get3A_1327, %get3A_1328] : memref<128x56x128xf32, #tpu.memory_space<vmem>>, vector<1x50x128xf32>
    %get3A_1330 = vector.shape_cast %get3A_1329 : vector<1x50x128xf32> to vector<50x128xf32>
    %mul3A_1331 = arith.mulf %get3A_1330, %dot_general3A_1320 : vector<50x128xf32>
    %add3A_1332 = arith.addf %get3A_1325, %mul3A_1331 : vector<50x128xf32>
    %swap3A_1333 = arith.constant 47 : index
    %swap3A_1334 = arith.constant 0 : index
    %swap3A_1335 = arith.constant 0 : index
    %swap3A_1336 = vector.load %arg5[%swap3A_1333, %swap3A_1334, %swap3A_1335] : memref<128x50x128xf32, #tpu.memory_space<vmem>>, vector<1x50x128xf32>
    %swap3A_1337 = vector.shape_cast %swap3A_1336 : vector<1x50x128xf32> to vector<50x128xf32>
    %swap3A_1338 = vector.shape_cast %add3A_1332 : vector<50x128xf32> to vector<1x50x128xf32>
    tpu.vector_store %arg5[%swap3A_1333, %swap3A_1334, %swap3A_1335], %swap3A_1338 {strides = array<i32>} : memref<128x50x128xf32, #tpu.memory_space<vmem>>, vector<1x50x128xf32>,
    %get3A_1339 = arith.constant 48 : index
    %get3A_1340 = arith.constant 0 : index
    %get3A_1341 = arith.constant 0 : index
    %get3A_1342 = vector.load %arg1[%get3A_1339, %get3A_1340, %get3A_1341] : memref<128x50x128xf32, #tpu.memory_space<vmem>>, vector<1x50x128xf32>
    %get3A_1343 = vector.shape_cast %get3A_1342 : vector<1x50x128xf32> to vector<50x128xf32>
    %get3A_1344 = arith.constant 0 : index
    %get3A_1345 = arith.constant 0 : index
    %get3A_1346 = vector.load %arg4[%get3A_1344, %get3A_1345] : memref<128x128xf32, #tpu.memory_space<vmem>>, vector<128x128xf32>
    %dot_general3A_1347 = arith.constant dense<0.000000e+00> : vector<50x128xf32>
    %dot_general3A_1348 = tpu.matmul %get3A_1343, %get3A_1346, %dot_general3A_1347 {dimension_numbers = #tpu.dot_dimension_numbers<[1], [1], [0], [0], [0, 0, 1, 0], [], []>, transpose_lhs_hint = false} : vector<50x128xf32>, vector<128x128xf32>, vector<50x128xf32> -> vector<50x128xf32>
    %get3A_1349 = arith.constant 48 : index
    %get3A_1350 = arith.constant 0 : index
    %get3A_1351 = arith.constant 0 : index
    %get3A_1352 = vector.load %arg2[%get3A_1349, %get3A_1350, %get3A_1351] : memref<128x56x128xf32, #tpu.memory_space<vmem>>, vector<1x50x128xf32>
    %get3A_1353 = vector.shape_cast %get3A_1352 : vector<1x50x128xf32> to vector<50x128xf32>
    %get3A_1354 = arith.constant 48 : index
    %get3A_1355 = arith.constant 0 : index
    %get3A_1356 = arith.constant 0 : index
    %get3A_1357 = vector.load %arg3[%get3A_1354, %get3A_1355, %get3A_1356] : memref<128x56x128xf32, #tpu.memory_space<vmem>>, vector<1x50x128xf32>
    %get3A_1358 = vector.shape_cast %get3A_1357 : vector<1x50x128xf32> to vector<50x128xf32>
    %mul3A_1359 = arith.mulf %get3A_1358, %dot_general3A_1348 : vector<50x128xf32>
    %add3A_1360 = arith.addf %get3A_1353, %mul3A_1359 : vector<50x128xf32>
    %swap3A_1361 = arith.constant 48 : index
    %swap3A_1362 = arith.constant 0 : index
    %swap3A_1363 = arith.constant 0 : index
    %swap3A_1364 = vector.load %arg5[%swap3A_1361, %swap3A_1362, %swap3A_1363] : memref<128x50x128xf32, #tpu.memory_space<vmem>>, vector<1x50x128xf32>
    %swap3A_1365 = vector.shape_cast %swap3A_1364 : vector<1x50x128xf32> to vector<50x128xf32>
    %swap3A_1366 = vector.shape_cast %add3A_1360 : vector<50x128xf32> to vector<1x50x128xf32>
    tpu.vector_store %arg5[%swap3A_1361, %swap3A_1362, %swap3A_1363], %swap3A_1366 {strides = array<i32>} : memref<128x50x128xf32, #tpu.memory_space<vmem>>, vector<1x50x128xf32>,
    %get3A_1367 = arith.constant 49 : index
    %get3A_1368 = arith.constant 0 : index
    %get3A_1369 = arith.constant 0 : index
    %get3A_1370 = vector.load %arg1[%get3A_1367, %get3A_1368, %get3A_1369] : memref<128x50x128xf32, #tpu.memory_space<vmem>>, vector<1x50x128xf32>
    %get3A_1371 = vector.shape_cast %get3A_1370 : vector<1x50x128xf32> to vector<50x128xf32>
    %get3A_1372 = arith.constant 0 : index
    %get3A_1373 = arith.constant 0 : index
    %get3A_1374 = vector.load %arg4[%get3A_1372, %get3A_1373] : memref<128x128xf32, #tpu.memory_space<vmem>>, vector<128x128xf32>
    %dot_general3A_1375 = arith.constant dense<0.000000e+00> : vector<50x128xf32>
    %dot_general3A_1376 = tpu.matmul %get3A_1371, %get3A_1374, %dot_general3A_1375 {dimension_numbers = #tpu.dot_dimension_numbers<[1], [1], [0], [0], [0, 0, 1, 0], [], []>, transpose_lhs_hint = false} : vector<50x128xf32>, vector<128x128xf32>, vector<50x128xf32> -> vector<50x128xf32>
    %get3A_1377 = arith.constant 49 : index
    %get3A_1378 = arith.constant 0 : index
    %get3A_1379 = arith.constant 0 : index
    %get3A_1380 = vector.load %arg2[%get3A_1377, %get3A_1378, %get3A_1379] : memref<128x56x128xf32, #tpu.memory_space<vmem>>, vector<1x50x128xf32>
    %get3A_1381 = vector.shape_cast %get3A_1380 : vector<1x50x128xf32> to vector<50x128xf32>
    %get3A_1382 = arith.constant 49 : index
    %get3A_1383 = arith.constant 0 : index
    %get3A_1384 = arith.constant 0 : index
    %get3A_1385 = vector.load %arg3[%get3A_1382, %get3A_1383, %get3A_1384] : memref<128x56x128xf32, #tpu.memory_space<vmem>>, vector<1x50x128xf32>
    %get3A_1386 = vector.shape_cast %get3A_1385 : vector<1x50x128xf32> to vector<50x128xf32>
    %mul3A_1387 = arith.mulf %get3A_1386, %dot_general3A_1376 : vector<50x128xf32>
    %add3A_1388 = arith.addf %get3A_1381, %mul3A_1387 : vector<50x128xf32>
    %swap3A_1389 = arith.constant 49 : index
    %swap3A_1390 = arith.constant 0 : index
    %swap3A_1391 = arith.constant 0 : index
    %swap3A_1392 = vector.load %arg5[%swap3A_1389, %swap3A_1390, %swap3A_1391] : memref<128x50x128xf32, #tpu.memory_space<vmem>>, vector<1x50x128xf32>
    %swap3A_1393 = vector.shape_cast %swap3A_1392 : vector<1x50x128xf32> to vector<50x128xf32>
    %swap3A_1394 = vector.shape_cast %add3A_1388 : vector<50x128xf32> to vector<1x50x128xf32>
    tpu.vector_store %arg5[%swap3A_1389, %swap3A_1390, %swap3A_1391], %swap3A_1394 {strides = array<i32>} : memref<128x50x128xf32, #tpu.memory_space<vmem>>, vector<1x50x128xf32>,
    %get3A_1395 = arith.constant 50 : index
    %get3A_1396 = arith.constant 0 : index
    %get3A_1397 = arith.constant 0 : index
    %get3A_1398 = vector.load %arg1[%get3A_1395, %get3A_1396, %get3A_1397] : memref<128x50x128xf32, #tpu.memory_space<vmem>>, vector<1x50x128xf32>
    %get3A_1399 = vector.shape_cast %get3A_1398 : vector<1x50x128xf32> to vector<50x128xf32>
    %get3A_1400 = arith.constant 0 : index
    %get3A_1401 = arith.constant 0 : index
    %get3A_1402 = vector.load %arg4[%get3A_1400, %get3A_1401] : memref<128x128xf32, #tpu.memory_space<vmem>>, vector<128x128xf32>
    %dot_general3A_1403 = arith.constant dense<0.000000e+00> : vector<50x128xf32>
    %dot_general3A_1404 = tpu.matmul %get3A_1399, %get3A_1402, %dot_general3A_1403 {dimension_numbers = #tpu.dot_dimension_numbers<[1], [1], [0], [0], [0, 0, 1, 0], [], []>, transpose_lhs_hint = false} : vector<50x128xf32>, vector<128x128xf32>, vector<50x128xf32> -> vector<50x128xf32>
    %get3A_1405 = arith.constant 50 : index
    %get3A_1406 = arith.constant 0 : index
    %get3A_1407 = arith.constant 0 : index
    %get3A_1408 = vector.load %arg2[%get3A_1405, %get3A_1406, %get3A_1407] : memref<128x56x128xf32, #tpu.memory_space<vmem>>, vector<1x50x128xf32>
    %get3A_1409 = vector.shape_cast %get3A_1408 : vector<1x50x128xf32> to vector<50x128xf32>
    %get3A_1410 = arith.constant 50 : index
    %get3A_1411 = arith.constant 0 : index
    %get3A_1412 = arith.constant 0 : index
    %get3A_1413 = vector.load %arg3[%get3A_1410, %get3A_1411, %get3A_1412] : memref<128x56x128xf32, #tpu.memory_space<vmem>>, vector<1x50x128xf32>
    %get3A_1414 = vector.shape_cast %get3A_1413 : vector<1x50x128xf32> to vector<50x128xf32>
    %mul3A_1415 = arith.mulf %get3A_1414, %dot_general3A_1404 : vector<50x128xf32>
    %add3A_1416 = arith.addf %get3A_1409, %mul3A_1415 : vector<50x128xf32>
    %swap3A_1417 = arith.constant 50 : index
    %swap3A_1418 = arith.constant 0 : index
    %swap3A_1419 = arith.constant 0 : index
    %swap3A_1420 = vector.load %arg5[%swap3A_1417, %swap3A_1418, %swap3A_1419] : memref<128x50x128xf32, #tpu.memory_space<vmem>>, vector<1x50x128xf32>
    %swap3A_1421 = vector.shape_cast %swap3A_1420 : vector<1x50x128xf32> to vector<50x128xf32>
    %swap3A_1422 = vector.shape_cast %add3A_1416 : vector<50x128xf32> to vector<1x50x128xf32>
    tpu.vector_store %arg5[%swap3A_1417, %swap3A_1418, %swap3A_1419], %swap3A_1422 {strides = array<i32>} : memref<128x50x128xf32, #tpu.memory_space<vmem>>, vector<1x50x128xf32>,
    %get3A_1423 = arith.constant 51 : index
    %get3A_1424 = arith.constant 0 : index
    %get3A_1425 = arith.constant 0 : index
    %get3A_1426 = vector.load %arg1[%get3A_1423, %get3A_1424, %get3A_1425] : memref<128x50x128xf32, #tpu.memory_space<vmem>>, vector<1x50x128xf32>
    %get3A_1427 = vector.shape_cast %get3A_1426 : vector<1x50x128xf32> to vector<50x128xf32>
    %get3A_1428 = arith.constant 0 : index
    %get3A_1429 = arith.constant 0 : index
    %get3A_1430 = vector.load %arg4[%get3A_1428, %get3A_1429] : memref<128x128xf32, #tpu.memory_space<vmem>>, vector<128x128xf32>
    %dot_general3A_1431 = arith.constant dense<0.000000e+00> : vector<50x128xf32>
    %dot_general3A_1432 = tpu.matmul %get3A_1427, %get3A_1430, %dot_general3A_1431 {dimension_numbers = #tpu.dot_dimension_numbers<[1], [1], [0], [0], [0, 0, 1, 0], [], []>, transpose_lhs_hint = false} : vector<50x128xf32>, vector<128x128xf32>, vector<50x128xf32> -> vector<50x128xf32>
    %get3A_1433 = arith.constant 51 : index
    %get3A_1434 = arith.constant 0 : index
    %get3A_1435 = arith.constant 0 : index
    %get3A_1436 = vector.load %arg2[%get3A_1433, %get3A_1434, %get3A_1435] : memref<128x56x128xf32, #tpu.memory_space<vmem>>, vector<1x50x128xf32>
    %get3A_1437 = vector.shape_cast %get3A_1436 : vector<1x50x128xf32> to vector<50x128xf32>
    %get3A_1438 = arith.constant 51 : index
    %get3A_1439 = arith.constant 0 : index
    %get3A_1440 = arith.constant 0 : index
    %get3A_1441 = vector.load %arg3[%get3A_1438, %get3A_1439, %get3A_1440] : memref<128x56x128xf32, #tpu.memory_space<vmem>>, vector<1x50x128xf32>
    %get3A_1442 = vector.shape_cast %get3A_1441 : vector<1x50x128xf32> to vector<50x128xf32>
    %mul3A_1443 = arith.mulf %get3A_1442, %dot_general3A_1432 : vector<50x128xf32>
    %add3A_1444 = arith.addf %get3A_1437, %mul3A_1443 : vector<50x128xf32>
    %swap3A_1445 = arith.constant 51 : index
    %swap3A_1446 = arith.constant 0 : index
    %swap3A_1447 = arith.constant 0 : index
    %swap3A_1448 = vector.load %arg5[%swap3A_1445, %swap3A_1446, %swap3A_1447] : memref<128x50x128xf32, #tpu.memory_space<vmem>>, vector<1x50x128xf32>
    %swap3A_1449 = vector.shape_cast %swap3A_1448 : vector<1x50x128xf32> to vector<50x128xf32>
    %swap3A_1450 = vector.shape_cast %add3A_1444 : vector<50x128xf32> to vector<1x50x128xf32>
    tpu.vector_store %arg5[%swap3A_1445, %swap3A_1446, %swap3A_1447], %swap3A_1450 {strides = array<i32>} : memref<128x50x128xf32, #tpu.memory_space<vmem>>, vector<1x50x128xf32>,
    %get3A_1451 = arith.constant 52 : index
    %get3A_1452 = arith.constant 0 : index
    %get3A_1453 = arith.constant 0 : index
    %get3A_1454 = vector.load %arg1[%get3A_1451, %get3A_1452, %get3A_1453] : memref<128x50x128xf32, #tpu.memory_space<vmem>>, vector<1x50x128xf32>
    %get3A_1455 = vector.shape_cast %get3A_1454 : vector<1x50x128xf32> to vector<50x128xf32>
    %get3A_1456 = arith.constant 0 : index
    %get3A_1457 = arith.constant 0 : index
    %get3A_1458 = vector.load %arg4[%get3A_1456, %get3A_1457] : memref<128x128xf32, #tpu.memory_space<vmem>>, vector<128x128xf32>
    %dot_general3A_1459 = arith.constant dense<0.000000e+00> : vector<50x128xf32>
    %dot_general3A_1460 = tpu.matmul %get3A_1455, %get3A_1458, %dot_general3A_1459 {dimension_numbers = #tpu.dot_dimension_numbers<[1], [1], [0], [0], [0, 0, 1, 0], [], []>, transpose_lhs_hint = false} : vector<50x128xf32>, vector<128x128xf32>, vector<50x128xf32> -> vector<50x128xf32>
    %get3A_1461 = arith.constant 52 : index
    %get3A_1462 = arith.constant 0 : index
    %get3A_1463 = arith.constant 0 : index
    %get3A_1464 = vector.load %arg2[%get3A_1461, %get3A_1462, %get3A_1463] : memref<128x56x128xf32, #tpu.memory_space<vmem>>, vector<1x50x128xf32>
    %get3A_1465 = vector.shape_cast %get3A_1464 : vector<1x50x128xf32> to vector<50x128xf32>
    %get3A_1466 = arith.constant 52 : index
    %get3A_1467 = arith.constant 0 : index
    %get3A_1468 = arith.constant 0 : index
    %get3A_1469 = vector.load %arg3[%get3A_1466, %get3A_1467, %get3A_1468] : memref<128x56x128xf32, #tpu.memory_space<vmem>>, vector<1x50x128xf32>
    %get3A_1470 = vector.shape_cast %get3A_1469 : vector<1x50x128xf32> to vector<50x128xf32>
    %mul3A_1471 = arith.mulf %get3A_1470, %dot_general3A_1460 : vector<50x128xf32>
    %add3A_1472 = arith.addf %get3A_1465, %mul3A_1471 : vector<50x128xf32>
    %swap3A_1473 = arith.constant 52 : index
    %swap3A_1474 = arith.constant 0 : index
    %swap3A_1475 = arith.constant 0 : index
    %swap3A_1476 = vector.load %arg5[%swap3A_1473, %swap3A_1474, %swap3A_1475] : memref<128x50x128xf32, #tpu.memory_space<vmem>>, vector<1x50x128xf32>
    %swap3A_1477 = vector.shape_cast %swap3A_1476 : vector<1x50x128xf32> to vector<50x128xf32>
    %swap3A_1478 = vector.shape_cast %add3A_1472 : vector<50x128xf32> to vector<1x50x128xf32>
    tpu.vector_store %arg5[%swap3A_1473, %swap3A_1474, %swap3A_1475], %swap3A_1478 {strides = array<i32>} : memref<128x50x128xf32, #tpu.memory_space<vmem>>, vector<1x50x128xf32>,
    %get3A_1479 = arith.constant 53 : index
    %get3A_1480 = arith.constant 0 : index
    %get3A_1481 = arith.constant 0 : index
    %get3A_1482 = vector.load %arg1[%get3A_1479, %get3A_1480, %get3A_1481] : memref<128x50x128xf32, #tpu.memory_space<vmem>>, vector<1x50x128xf32>
    %get3A_1483 = vector.shape_cast %get3A_1482 : vector<1x50x128xf32> to vector<50x128xf32>
    %get3A_1484 = arith.constant 0 : index
    %get3A_1485 = arith.constant 0 : index
    %get3A_1486 = vector.load %arg4[%get3A_1484, %get3A_1485] : memref<128x128xf32, #tpu.memory_space<vmem>>, vector<128x128xf32>
    %dot_general3A_1487 = arith.constant dense<0.000000e+00> : vector<50x128xf32>
    %dot_general3A_1488 = tpu.matmul %get3A_1483, %get3A_1486, %dot_general3A_1487 {dimension_numbers = #tpu.dot_dimension_numbers<[1], [1], [0], [0], [0, 0, 1, 0], [], []>, transpose_lhs_hint = false} : vector<50x128xf32>, vector<128x128xf32>, vector<50x128xf32> -> vector<50x128xf32>
    %get3A_1489 = arith.constant 53 : index
    %get3A_1490 = arith.constant 0 : index
    %get3A_1491 = arith.constant 0 : index
    %get3A_1492 = vector.load %arg2[%get3A_1489, %get3A_1490, %get3A_1491] : memref<128x56x128xf32, #tpu.memory_space<vmem>>, vector<1x50x128xf32>
    %get3A_1493 = vector.shape_cast %get3A_1492 : vector<1x50x128xf32> to vector<50x128xf32>
    %get3A_1494 = arith.constant 53 : index
    %get3A_1495 = arith.constant 0 : index
    %get3A_1496 = arith.constant 0 : index
    %get3A_1497 = vector.load %arg3[%get3A_1494, %get3A_1495, %get3A_1496] : memref<128x56x128xf32, #tpu.memory_space<vmem>>, vector<1x50x128xf32>
    %get3A_1498 = vector.shape_cast %get3A_1497 : vector<1x50x128xf32> to vector<50x128xf32>
    %mul3A_1499 = arith.mulf %get3A_1498, %dot_general3A_1488 : vector<50x128xf32>
    %add3A_1500 = arith.addf %get3A_1493, %mul3A_1499 : vector<50x128xf32>
    %swap3A_1501 = arith.constant 53 : index
    %swap3A_1502 = arith.constant 0 : index
    %swap3A_1503 = arith.constant 0 : index
    %swap3A_1504 = vector.load %arg5[%swap3A_1501, %swap3A_1502, %swap3A_1503] : memref<128x50x128xf32, #tpu.memory_space<vmem>>, vector<1x50x128xf32>
    %swap3A_1505 = vector.shape_cast %swap3A_1504 : vector<1x50x128xf32> to vector<50x128xf32>
    %swap3A_1506 = vector.shape_cast %add3A_1500 : vector<50x128xf32> to vector<1x50x128xf32>
    tpu.vector_store %arg5[%swap3A_1501, %swap3A_1502, %swap3A_1503], %swap3A_1506 {strides = array<i32>} : memref<128x50x128xf32, #tpu.memory_space<vmem>>, vector<1x50x128xf32>,
    %get3A_1507 = arith.constant 54 : index
    %get3A_1508 = arith.constant 0 : index
    %get3A_1509 = arith.constant 0 : index
    %get3A_1510 = vector.load %arg1[%get3A_1507, %get3A_1508, %get3A_1509] : memref<128x50x128xf32, #tpu.memory_space<vmem>>, vector<1x50x128xf32>
    %get3A_1511 = vector.shape_cast %get3A_1510 : vector<1x50x128xf32> to vector<50x128xf32>
    %get3A_1512 = arith.constant 0 : index
    %get3A_1513 = arith.constant 0 : index
    %get3A_1514 = vector.load %arg4[%get3A_1512, %get3A_1513] : memref<128x128xf32, #tpu.memory_space<vmem>>, vector<128x128xf32>
    %dot_general3A_1515 = arith.constant dense<0.000000e+00> : vector<50x128xf32>
    %dot_general3A_1516 = tpu.matmul %get3A_1511, %get3A_1514, %dot_general3A_1515 {dimension_numbers = #tpu.dot_dimension_numbers<[1], [1], [0], [0], [0, 0, 1, 0], [], []>, transpose_lhs_hint = false} : vector<50x128xf32>, vector<128x128xf32>, vector<50x128xf32> -> vector<50x128xf32>
    %get3A_1517 = arith.constant 54 : index
    %get3A_1518 = arith.constant 0 : index
    %get3A_1519 = arith.constant 0 : index
    %get3A_1520 = vector.load %arg2[%get3A_1517, %get3A_1518, %get3A_1519] : memref<128x56x128xf32, #tpu.memory_space<vmem>>, vector<1x50x128xf32>
    %get3A_1521 = vector.shape_cast %get3A_1520 : vector<1x50x128xf32> to vector<50x128xf32>
    %get3A_1522 = arith.constant 54 : index
    %get3A_1523 = arith.constant 0 : index
    %get3A_1524 = arith.constant 0 : index
    %get3A_1525 = vector.load %arg3[%get3A_1522, %get3A_1523, %get3A_1524] : memref<128x56x128xf32, #tpu.memory_space<vmem>>, vector<1x50x128xf32>
    %get3A_1526 = vector.shape_cast %get3A_1525 : vector<1x50x128xf32> to vector<50x128xf32>
    %mul3A_1527 = arith.mulf %get3A_1526, %dot_general3A_1516 : vector<50x128xf32>
    %add3A_1528 = arith.addf %get3A_1521, %mul3A_1527 : vector<50x128xf32>
    %swap3A_1529 = arith.constant 54 : index
    %swap3A_1530 = arith.constant 0 : index
    %swap3A_1531 = arith.constant 0 : index
    %swap3A_1532 = vector.load %arg5[%swap3A_1529, %swap3A_1530, %swap3A_1531] : memref<128x50x128xf32, #tpu.memory_space<vmem>>, vector<1x50x128xf32>
    %swap3A_1533 = vector.shape_cast %swap3A_1532 : vector<1x50x128xf32> to vector<50x128xf32>
    %swap3A_1534 = vector.shape_cast %add3A_1528 : vector<50x128xf32> to vector<1x50x128xf32>
    tpu.vector_store %arg5[%swap3A_1529, %swap3A_1530, %swap3A_1531], %swap3A_1534 {strides = array<i32>} : memref<128x50x128xf32, #tpu.memory_space<vmem>>, vector<1x50x128xf32>,
    %get3A_1535 = arith.constant 55 : index
    %get3A_1536 = arith.constant 0 : index
    %get3A_1537 = arith.constant 0 : index
    %get3A_1538 = vector.load %arg1[%get3A_1535, %get3A_1536, %get3A_1537] : memref<128x50x128xf32, #tpu.memory_space<vmem>>, vector<1x50x128xf32>
    %get3A_1539 = vector.shape_cast %get3A_1538 : vector<1x50x128xf32> to vector<50x128xf32>
    %get3A_1540 = arith.constant 0 : index
    %get3A_1541 = arith.constant 0 : index
    %get3A_1542 = vector.load %arg4[%get3A_1540, %get3A_1541] : memref<128x128xf32, #tpu.memory_space<vmem>>, vector<128x128xf32>
    %dot_general3A_1543 = arith.constant dense<0.000000e+00> : vector<50x128xf32>
    %dot_general3A_1544 = tpu.matmul %get3A_1539, %get3A_1542, %dot_general3A_1543 {dimension_numbers = #tpu.dot_dimension_numbers<[1], [1], [0], [0], [0, 0, 1, 0], [], []>, transpose_lhs_hint = false} : vector<50x128xf32>, vector<128x128xf32>, vector<50x128xf32> -> vector<50x128xf32>
    %get3A_1545 = arith.constant 55 : index
    %get3A_1546 = arith.constant 0 : index
    %get3A_1547 = arith.constant 0 : index
    %get3A_1548 = vector.load %arg2[%get3A_1545, %get3A_1546, %get3A_1547] : memref<128x56x128xf32, #tpu.memory_space<vmem>>, vector<1x50x128xf32>
    %get3A_1549 = vector.shape_cast %get3A_1548 : vector<1x50x128xf32> to vector<50x128xf32>
    %get3A_1550 = arith.constant 55 : index
    %get3A_1551 = arith.constant 0 : index
    %get3A_1552 = arith.constant 0 : index
    %get3A_1553 = vector.load %arg3[%get3A_1550, %get3A_1551, %get3A_1552] : memref<128x56x128xf32, #tpu.memory_space<vmem>>, vector<1x50x128xf32>
    %get3A_1554 = vector.shape_cast %get3A_1553 : vector<1x50x128xf32> to vector<50x128xf32>
    %mul3A_1555 = arith.mulf %get3A_1554, %dot_general3A_1544 : vector<50x128xf32>
    %add3A_1556 = arith.addf %get3A_1549, %mul3A_1555 : vector<50x128xf32>
    %swap3A_1557 = arith.constant 55 : index
    %swap3A_1558 = arith.constant 0 : index
    %swap3A_1559 = arith.constant 0 : index
    %swap3A_1560 = vector.load %arg5[%swap3A_1557, %swap3A_1558, %swap3A_1559] : memref<128x50x128xf32, #tpu.memory_space<vmem>>, vector<1x50x128xf32>
    %swap3A_1561 = vector.shape_cast %swap3A_1560 : vector<1x50x128xf32> to vector<50x128xf32>
    %swap3A_1562 = vector.shape_cast %add3A_1556 : vector<50x128xf32> to vector<1x50x128xf32>
    tpu.vector_store %arg5[%swap3A_1557, %swap3A_1558, %swap3A_1559], %swap3A_1562 {strides = array<i32>} : memref<128x50x128xf32, #tpu.memory_space<vmem>>, vector<1x50x128xf32>,
    %get3A_1563 = arith.constant 56 : index
    %get3A_1564 = arith.constant 0 : index
    %get3A_1565 = arith.constant 0 : index
    %get3A_1566 = vector.load %arg1[%get3A_1563, %get3A_1564, %get3A_1565] : memref<128x50x128xf32, #tpu.memory_space<vmem>>, vector<1x50x128xf32>
    %get3A_1567 = vector.shape_cast %get3A_1566 : vector<1x50x128xf32> to vector<50x128xf32>
    %get3A_1568 = arith.constant 0 : index
    %get3A_1569 = arith.constant 0 : index
    %get3A_1570 = vector.load %arg4[%get3A_1568, %get3A_1569] : memref<128x128xf32, #tpu.memory_space<vmem>>, vector<128x128xf32>
    %dot_general3A_1571 = arith.constant dense<0.000000e+00> : vector<50x128xf32>
    %dot_general3A_1572 = tpu.matmul %get3A_1567, %get3A_1570, %dot_general3A_1571 {dimension_numbers = #tpu.dot_dimension_numbers<[1], [1], [0], [0], [0, 0, 1, 0], [], []>, transpose_lhs_hint = false} : vector<50x128xf32>, vector<128x128xf32>, vector<50x128xf32> -> vector<50x128xf32>
    %get3A_1573 = arith.constant 56 : index
    %get3A_1574 = arith.constant 0 : index
    %get3A_1575 = arith.constant 0 : index
    %get3A_1576 = vector.load %arg2[%get3A_1573, %get3A_1574, %get3A_1575] : memref<128x56x128xf32, #tpu.memory_space<vmem>>, vector<1x50x128xf32>
    %get3A_1577 = vector.shape_cast %get3A_1576 : vector<1x50x128xf32> to vector<50x128xf32>
    %get3A_1578 = arith.constant 56 : index
    %get3A_1579 = arith.constant 0 : index
    %get3A_1580 = arith.constant 0 : index
    %get3A_1581 = vector.load %arg3[%get3A_1578, %get3A_1579, %get3A_1580] : memref<128x56x128xf32, #tpu.memory_space<vmem>>, vector<1x50x128xf32>
    %get3A_1582 = vector.shape_cast %get3A_1581 : vector<1x50x128xf32> to vector<50x128xf32>
    %mul3A_1583 = arith.mulf %get3A_1582, %dot_general3A_1572 : vector<50x128xf32>
    %add3A_1584 = arith.addf %get3A_1577, %mul3A_1583 : vector<50x128xf32>
    %swap3A_1585 = arith.constant 56 : index
    %swap3A_1586 = arith.constant 0 : index
    %swap3A_1587 = arith.constant 0 : index
    %swap3A_1588 = vector.load %arg5[%swap3A_1585, %swap3A_1586, %swap3A_1587] : memref<128x50x128xf32, #tpu.memory_space<vmem>>, vector<1x50x128xf32>
    %swap3A_1589 = vector.shape_cast %swap3A_1588 : vector<1x50x128xf32> to vector<50x128xf32>
    %swap3A_1590 = vector.shape_cast %add3A_1584 : vector<50x128xf32> to vector<1x50x128xf32>
    tpu.vector_store %arg5[%swap3A_1585, %swap3A_1586, %swap3A_1587], %swap3A_1590 {strides = array<i32>} : memref<128x50x128xf32, #tpu.memory_space<vmem>>, vector<1x50x128xf32>,
    %get3A_1591 = arith.constant 57 : index
    %get3A_1592 = arith.constant 0 : index
    %get3A_1593 = arith.constant 0 : index
    %get3A_1594 = vector.load %arg1[%get3A_1591, %get3A_1592, %get3A_1593] : memref<128x50x128xf32, #tpu.memory_space<vmem>>, vector<1x50x128xf32>
    %get3A_1595 = vector.shape_cast %get3A_1594 : vector<1x50x128xf32> to vector<50x128xf32>
    %get3A_1596 = arith.constant 0 : index
    %get3A_1597 = arith.constant 0 : index
    %get3A_1598 = vector.load %arg4[%get3A_1596, %get3A_1597] : memref<128x128xf32, #tpu.memory_space<vmem>>, vector<128x128xf32>
    %dot_general3A_1599 = arith.constant dense<0.000000e+00> : vector<50x128xf32>
    %dot_general3A_1600 = tpu.matmul %get3A_1595, %get3A_1598, %dot_general3A_1599 {dimension_numbers = #tpu.dot_dimension_numbers<[1], [1], [0], [0], [0, 0, 1, 0], [], []>, transpose_lhs_hint = false} : vector<50x128xf32>, vector<128x128xf32>, vector<50x128xf32> -> vector<50x128xf32>
    %get3A_1601 = arith.constant 57 : index
    %get3A_1602 = arith.constant 0 : index
    %get3A_1603 = arith.constant 0 : index
    %get3A_1604 = vector.load %arg2[%get3A_1601, %get3A_1602, %get3A_1603] : memref<128x56x128xf32, #tpu.memory_space<vmem>>, vector<1x50x128xf32>
    %get3A_1605 = vector.shape_cast %get3A_1604 : vector<1x50x128xf32> to vector<50x128xf32>
    %get3A_1606 = arith.constant 57 : index
    %get3A_1607 = arith.constant 0 : index
    %get3A_1608 = arith.constant 0 : index
    %get3A_1609 = vector.load %arg3[%get3A_1606, %get3A_1607, %get3A_1608] : memref<128x56x128xf32, #tpu.memory_space<vmem>>, vector<1x50x128xf32>
    %get3A_1610 = vector.shape_cast %get3A_1609 : vector<1x50x128xf32> to vector<50x128xf32>
    %mul3A_1611 = arith.mulf %get3A_1610, %dot_general3A_1600 : vector<50x128xf32>
    %add3A_1612 = arith.addf %get3A_1605, %mul3A_1611 : vector<50x128xf32>
    %swap3A_1613 = arith.constant 57 : index
    %swap3A_1614 = arith.constant 0 : index
    %swap3A_1615 = arith.constant 0 : index
    %swap3A_1616 = vector.load %arg5[%swap3A_1613, %swap3A_1614, %swap3A_1615] : memref<128x50x128xf32, #tpu.memory_space<vmem>>, vector<1x50x128xf32>
    %swap3A_1617 = vector.shape_cast %swap3A_1616 : vector<1x50x128xf32> to vector<50x128xf32>
    %swap3A_1618 = vector.shape_cast %add3A_1612 : vector<50x128xf32> to vector<1x50x128xf32>
    tpu.vector_store %arg5[%swap3A_1613, %swap3A_1614, %swap3A_1615], %swap3A_1618 {strides = array<i32>} : memref<128x50x128xf32, #tpu.memory_space<vmem>>, vector<1x50x128xf32>,
    %get3A_1619 = arith.constant 58 : index
    %get3A_1620 = arith.constant 0 : index
    %get3A_1621 = arith.constant 0 : index
    %get3A_1622 = vector.load %arg1[%get3A_1619, %get3A_1620, %get3A_1621] : memref<128x50x128xf32, #tpu.memory_space<vmem>>, vector<1x50x128xf32>
    %get3A_1623 = vector.shape_cast %get3A_1622 : vector<1x50x128xf32> to vector<50x128xf32>
    %get3A_1624 = arith.constant 0 : index
    %get3A_1625 = arith.constant 0 : index
    %get3A_1626 = vector.load %arg4[%get3A_1624, %get3A_1625] : memref<128x128xf32, #tpu.memory_space<vmem>>, vector<128x128xf32>
    %dot_general3A_1627 = arith.constant dense<0.000000e+00> : vector<50x128xf32>
    %dot_general3A_1628 = tpu.matmul %get3A_1623, %get3A_1626, %dot_general3A_1627 {dimension_numbers = #tpu.dot_dimension_numbers<[1], [1], [0], [0], [0, 0, 1, 0], [], []>, transpose_lhs_hint = false} : vector<50x128xf32>, vector<128x128xf32>, vector<50x128xf32> -> vector<50x128xf32>
    %get3A_1629 = arith.constant 58 : index
    %get3A_1630 = arith.constant 0 : index
    %get3A_1631 = arith.constant 0 : index
    %get3A_1632 = vector.load %arg2[%get3A_1629, %get3A_1630, %get3A_1631] : memref<128x56x128xf32, #tpu.memory_space<vmem>>, vector<1x50x128xf32>
    %get3A_1633 = vector.shape_cast %get3A_1632 : vector<1x50x128xf32> to vector<50x128xf32>
    %get3A_1634 = arith.constant 58 : index
    %get3A_1635 = arith.constant 0 : index
    %get3A_1636 = arith.constant 0 : index
    %get3A_1637 = vector.load %arg3[%get3A_1634, %get3A_1635, %get3A_1636] : memref<128x56x128xf32, #tpu.memory_space<vmem>>, vector<1x50x128xf32>
    %get3A_1638 = vector.shape_cast %get3A_1637 : vector<1x50x128xf32> to vector<50x128xf32>
    %mul3A_1639 = arith.mulf %get3A_1638, %dot_general3A_1628 : vector<50x128xf32>
    %add3A_1640 = arith.addf %get3A_1633, %mul3A_1639 : vector<50x128xf32>
    %swap3A_1641 = arith.constant 58 : index
    %swap3A_1642 = arith.constant 0 : index
    %swap3A_1643 = arith.constant 0 : index
    %swap3A_1644 = vector.load %arg5[%swap3A_1641, %swap3A_1642, %swap3A_1643] : memref<128x50x128xf32, #tpu.memory_space<vmem>>, vector<1x50x128xf32>
    %swap3A_1645 = vector.shape_cast %swap3A_1644 : vector<1x50x128xf32> to vector<50x128xf32>
    %swap3A_1646 = vector.shape_cast %add3A_1640 : vector<50x128xf32> to vector<1x50x128xf32>
    tpu.vector_store %arg5[%swap3A_1641, %swap3A_1642, %swap3A_1643], %swap3A_1646 {strides = array<i32>} : memref<128x50x128xf32, #tpu.memory_space<vmem>>, vector<1x50x128xf32>,
    %get3A_1647 = arith.constant 59 : index
    %get3A_1648 = arith.constant 0 : index
    %get3A_1649 = arith.constant 0 : index
    %get3A_1650 = vector.load %arg1[%get3A_1647, %get3A_1648, %get3A_1649] : memref<128x50x128xf32, #tpu.memory_space<vmem>>, vector<1x50x128xf32>
    %get3A_1651 = vector.shape_cast %get3A_1650 : vector<1x50x128xf32> to vector<50x128xf32>
    %get3A_1652 = arith.constant 0 : index
    %get3A_1653 = arith.constant 0 : index
    %get3A_1654 = vector.load %arg4[%get3A_1652, %get3A_1653] : memref<128x128xf32, #tpu.memory_space<vmem>>, vector<128x128xf32>
    %dot_general3A_1655 = arith.constant dense<0.000000e+00> : vector<50x128xf32>
    %dot_general3A_1656 = tpu.matmul %get3A_1651, %get3A_1654, %dot_general3A_1655 {dimension_numbers = #tpu.dot_dimension_numbers<[1], [1], [0], [0], [0, 0, 1, 0], [], []>, transpose_lhs_hint = false} : vector<50x128xf32>, vector<128x128xf32>, vector<50x128xf32> -> vector<50x128xf32>
    %get3A_1657 = arith.constant 59 : index
    %get3A_1658 = arith.constant 0 : index
    %get3A_1659 = arith.constant 0 : index
    %get3A_1660 = vector.load %arg2[%get3A_1657, %get3A_1658, %get3A_1659] : memref<128x56x128xf32, #tpu.memory_space<vmem>>, vector<1x50x128xf32>
    %get3A_1661 = vector.shape_cast %get3A_1660 : vector<1x50x128xf32> to vector<50x128xf32>
    %get3A_1662 = arith.constant 59 : index
    %get3A_1663 = arith.constant 0 : index
    %get3A_1664 = arith.constant 0 : index
    %get3A_1665 = vector.load %arg3[%get3A_1662, %get3A_1663, %get3A_1664] : memref<128x56x128xf32, #tpu.memory_space<vmem>>, vector<1x50x128xf32>
    %get3A_1666 = vector.shape_cast %get3A_1665 : vector<1x50x128xf32> to vector<50x128xf32>
    %mul3A_1667 = arith.mulf %get3A_1666, %dot_general3A_1656 : vector<50x128xf32>
    %add3A_1668 = arith.addf %get3A_1661, %mul3A_1667 : vector<50x128xf32>
    %swap3A_1669 = arith.constant 59 : index
    %swap3A_1670 = arith.constant 0 : index
    %swap3A_1671 = arith.constant 0 : index
    %swap3A_1672 = vector.load %arg5[%swap3A_1669, %swap3A_1670, %swap3A_1671] : memref<128x50x128xf32, #tpu.memory_space<vmem>>, vector<1x50x128xf32>
    %swap3A_1673 = vector.shape_cast %swap3A_1672 : vector<1x50x128xf32> to vector<50x128xf32>
    %swap3A_1674 = vector.shape_cast %add3A_1668 : vector<50x128xf32> to vector<1x50x128xf32>
    tpu.vector_store %arg5[%swap3A_1669, %swap3A_1670, %swap3A_1671], %swap3A_1674 {strides = array<i32>} : memref<128x50x128xf32, #tpu.memory_space<vmem>>, vector<1x50x128xf32>,
    %get3A_1675 = arith.constant 60 : index
    %get3A_1676 = arith.constant 0 : index
    %get3A_1677 = arith.constant 0 : index
    %get3A_1678 = vector.load %arg1[%get3A_1675, %get3A_1676, %get3A_1677] : memref<128x50x128xf32, #tpu.memory_space<vmem>>, vector<1x50x128xf32>
    %get3A_1679 = vector.shape_cast %get3A_1678 : vector<1x50x128xf32> to vector<50x128xf32>
    %get3A_1680 = arith.constant 0 : index
    %get3A_1681 = arith.constant 0 : index
    %get3A_1682 = vector.load %arg4[%get3A_1680, %get3A_1681] : memref<128x128xf32, #tpu.memory_space<vmem>>, vector<128x128xf32>
    %dot_general3A_1683 = arith.constant dense<0.000000e+00> : vector<50x128xf32>
    %dot_general3A_1684 = tpu.matmul %get3A_1679, %get3A_1682, %dot_general3A_1683 {dimension_numbers = #tpu.dot_dimension_numbers<[1], [1], [0], [0], [0, 0, 1, 0], [], []>, transpose_lhs_hint = false} : vector<50x128xf32>, vector<128x128xf32>, vector<50x128xf32> -> vector<50x128xf32>
    %get3A_1685 = arith.constant 60 : index
    %get3A_1686 = arith.constant 0 : index
    %get3A_1687 = arith.constant 0 : index
    %get3A_1688 = vector.load %arg2[%get3A_1685, %get3A_1686, %get3A_1687] : memref<128x56x128xf32, #tpu.memory_space<vmem>>, vector<1x50x128xf32>
    %get3A_1689 = vector.shape_cast %get3A_1688 : vector<1x50x128xf32> to vector<50x128xf32>
    %get3A_1690 = arith.constant 60 : index
    %get3A_1691 = arith.constant 0 : index
    %get3A_1692 = arith.constant 0 : index
    %get3A_1693 = vector.load %arg3[%get3A_1690, %get3A_1691, %get3A_1692] : memref<128x56x128xf32, #tpu.memory_space<vmem>>, vector<1x50x128xf32>
    %get3A_1694 = vector.shape_cast %get3A_1693 : vector<1x50x128xf32> to vector<50x128xf32>
    %mul3A_1695 = arith.mulf %get3A_1694, %dot_general3A_1684 : vector<50x128xf32>
    %add3A_1696 = arith.addf %get3A_1689, %mul3A_1695 : vector<50x128xf32>
    %swap3A_1697 = arith.constant 60 : index
    %swap3A_1698 = arith.constant 0 : index
    %swap3A_1699 = arith.constant 0 : index
    %swap3A_1700 = vector.load %arg5[%swap3A_1697, %swap3A_1698, %swap3A_1699] : memref<128x50x128xf32, #tpu.memory_space<vmem>>, vector<1x50x128xf32>
    %swap3A_1701 = vector.shape_cast %swap3A_1700 : vector<1x50x128xf32> to vector<50x128xf32>
    %swap3A_1702 = vector.shape_cast %add3A_1696 : vector<50x128xf32> to vector<1x50x128xf32>
    tpu.vector_store %arg5[%swap3A_1697, %swap3A_1698, %swap3A_1699], %swap3A_1702 {strides = array<i32>} : memref<128x50x128xf32, #tpu.memory_space<vmem>>, vector<1x50x128xf32>,
    %get3A_1703 = arith.constant 61 : index
    %get3A_1704 = arith.constant 0 : index
    %get3A_1705 = arith.constant 0 : index
    %get3A_1706 = vector.load %arg1[%get3A_1703, %get3A_1704, %get3A_1705] : memref<128x50x128xf32, #tpu.memory_space<vmem>>, vector<1x50x128xf32>
    %get3A_1707 = vector.shape_cast %get3A_1706 : vector<1x50x128xf32> to vector<50x128xf32>
    %get3A_1708 = arith.constant 0 : index
    %get3A_1709 = arith.constant 0 : index
    %get3A_1710 = vector.load %arg4[%get3A_1708, %get3A_1709] : memref<128x128xf32, #tpu.memory_space<vmem>>, vector<128x128xf32>
    %dot_general3A_1711 = arith.constant dense<0.000000e+00> : vector<50x128xf32>
    %dot_general3A_1712 = tpu.matmul %get3A_1707, %get3A_1710, %dot_general3A_1711 {dimension_numbers = #tpu.dot_dimension_numbers<[1], [1], [0], [0], [0, 0, 1, 0], [], []>, transpose_lhs_hint = false} : vector<50x128xf32>, vector<128x128xf32>, vector<50x128xf32> -> vector<50x128xf32>
    %get3A_1713 = arith.constant 61 : index
    %get3A_1714 = arith.constant 0 : index
    %get3A_1715 = arith.constant 0 : index
    %get3A_1716 = vector.load %arg2[%get3A_1713, %get3A_1714, %get3A_1715] : memref<128x56x128xf32, #tpu.memory_space<vmem>>, vector<1x50x128xf32>
    %get3A_1717 = vector.shape_cast %get3A_1716 : vector<1x50x128xf32> to vector<50x128xf32>
    %get3A_1718 = arith.constant 61 : index
    %get3A_1719 = arith.constant 0 : index
    %get3A_1720 = arith.constant 0 : index
    %get3A_1721 = vector.load %arg3[%get3A_1718, %get3A_1719, %get3A_1720] : memref<128x56x128xf32, #tpu.memory_space<vmem>>, vector<1x50x128xf32>
    %get3A_1722 = vector.shape_cast %get3A_1721 : vector<1x50x128xf32> to vector<50x128xf32>
    %mul3A_1723 = arith.mulf %get3A_1722, %dot_general3A_1712 : vector<50x128xf32>
    %add3A_1724 = arith.addf %get3A_1717, %mul3A_1723 : vector<50x128xf32>
    %swap3A_1725 = arith.constant 61 : index
    %swap3A_1726 = arith.constant 0 : index
    %swap3A_1727 = arith.constant 0 : index
    %swap3A_1728 = vector.load %arg5[%swap3A_1725, %swap3A_1726, %swap3A_1727] : memref<128x50x128xf32, #tpu.memory_space<vmem>>, vector<1x50x128xf32>
    %swap3A_1729 = vector.shape_cast %swap3A_1728 : vector<1x50x128xf32> to vector<50x128xf32>
    %swap3A_1730 = vector.shape_cast %add3A_1724 : vector<50x128xf32> to vector<1x50x128xf32>
    tpu.vector_store %arg5[%swap3A_1725, %swap3A_1726, %swap3A_1727], %swap3A_1730 {strides = array<i32>} : memref<128x50x128xf32, #tpu.memory_space<vmem>>, vector<1x50x128xf32>,
    %get3A_1731 = arith.constant 62 : index
    %get3A_1732 = arith.constant 0 : index
    %get3A_1733 = arith.constant 0 : index
    %get3A_1734 = vector.load %arg1[%get3A_1731, %get3A_1732, %get3A_1733] : memref<128x50x128xf32, #tpu.memory_space<vmem>>, vector<1x50x128xf32>
    %get3A_1735 = vector.shape_cast %get3A_1734 : vector<1x50x128xf32> to vector<50x128xf32>
    %get3A_1736 = arith.constant 0 : index
    %get3A_1737 = arith.constant 0 : index
    %get3A_1738 = vector.load %arg4[%get3A_1736, %get3A_1737] : memref<128x128xf32, #tpu.memory_space<vmem>>, vector<128x128xf32>
    %dot_general3A_1739 = arith.constant dense<0.000000e+00> : vector<50x128xf32>
    %dot_general3A_1740 = tpu.matmul %get3A_1735, %get3A_1738, %dot_general3A_1739 {dimension_numbers = #tpu.dot_dimension_numbers<[1], [1], [0], [0], [0, 0, 1, 0], [], []>, transpose_lhs_hint = false} : vector<50x128xf32>, vector<128x128xf32>, vector<50x128xf32> -> vector<50x128xf32>
    %get3A_1741 = arith.constant 62 : index
    %get3A_1742 = arith.constant 0 : index
    %get3A_1743 = arith.constant 0 : index
    %get3A_1744 = vector.load %arg2[%get3A_1741, %get3A_1742, %get3A_1743] : memref<128x56x128xf32, #tpu.memory_space<vmem>>, vector<1x50x128xf32>
    %get3A_1745 = vector.shape_cast %get3A_1744 : vector<1x50x128xf32> to vector<50x128xf32>
    %get3A_1746 = arith.constant 62 : index
    %get3A_1747 = arith.constant 0 : index
    %get3A_1748 = arith.constant 0 : index
    %get3A_1749 = vector.load %arg3[%get3A_1746, %get3A_1747, %get3A_1748] : memref<128x56x128xf32, #tpu.memory_space<vmem>>, vector<1x50x128xf32>
    %get3A_1750 = vector.shape_cast %get3A_1749 : vector<1x50x128xf32> to vector<50x128xf32>
    %mul3A_1751 = arith.mulf %get3A_1750, %dot_general3A_1740 : vector<50x128xf32>
    %add3A_1752 = arith.addf %get3A_1745, %mul3A_1751 : vector<50x128xf32>
    %swap3A_1753 = arith.constant 62 : index
    %swap3A_1754 = arith.constant 0 : index
    %swap3A_1755 = arith.constant 0 : index
    %swap3A_1756 = vector.load %arg5[%swap3A_1753, %swap3A_1754, %swap3A_1755] : memref<128x50x128xf32, #tpu.memory_space<vmem>>, vector<1x50x128xf32>
    %swap3A_1757 = vector.shape_cast %swap3A_1756 : vector<1x50x128xf32> to vector<50x128xf32>
    %swap3A_1758 = vector.shape_cast %add3A_1752 : vector<50x128xf32> to vector<1x50x128xf32>
    tpu.vector_store %arg5[%swap3A_1753, %swap3A_1754, %swap3A_1755], %swap3A_1758 {strides = array<i32>} : memref<128x50x128xf32, #tpu.memory_space<vmem>>, vector<1x50x128xf32>,
    %get3A_1759 = arith.constant 63 : index
    %get3A_1760 = arith.constant 0 : index
    %get3A_1761 = arith.constant 0 : index
    %get3A_1762 = vector.load %arg1[%get3A_1759, %get3A_1760, %get3A_1761] : memref<128x50x128xf32, #tpu.memory_space<vmem>>, vector<1x50x128xf32>
    %get3A_1763 = vector.shape_cast %get3A_1762 : vector<1x50x128xf32> to vector<50x128xf32>
    %get3A_1764 = arith.constant 0 : index
    %get3A_1765 = arith.constant 0 : index
    %get3A_1766 = vector.load %arg4[%get3A_1764, %get3A_1765] : memref<128x128xf32, #tpu.memory_space<vmem>>, vector<128x128xf32>
    %dot_general3A_1767 = arith.constant dense<0.000000e+00> : vector<50x128xf32>
    %dot_general3A_1768 = tpu.matmul %get3A_1763, %get3A_1766, %dot_general3A_1767 {dimension_numbers = #tpu.dot_dimension_numbers<[1], [1], [0], [0], [0, 0, 1, 0], [], []>, transpose_lhs_hint = false} : vector<50x128xf32>, vector<128x128xf32>, vector<50x128xf32> -> vector<50x128xf32>
    %get3A_1769 = arith.constant 63 : index
    %get3A_1770 = arith.constant 0 : index
    %get3A_1771 = arith.constant 0 : index
    %get3A_1772 = vector.load %arg2[%get3A_1769, %get3A_1770, %get3A_1771] : memref<128x56x128xf32, #tpu.memory_space<vmem>>, vector<1x50x128xf32>
    %get3A_1773 = vector.shape_cast %get3A_1772 : vector<1x50x128xf32> to vector<50x128xf32>
    %get3A_1774 = arith.constant 63 : index
    %get3A_1775 = arith.constant 0 : index
    %get3A_1776 = arith.constant 0 : index
    %get3A_1777 = vector.load %arg3[%get3A_1774, %get3A_1775, %get3A_1776] : memref<128x56x128xf32, #tpu.memory_space<vmem>>, vector<1x50x128xf32>
    %get3A_1778 = vector.shape_cast %get3A_1777 : vector<1x50x128xf32> to vector<50x128xf32>
    %mul3A_1779 = arith.mulf %get3A_1778, %dot_general3A_1768 : vector<50x128xf32>
    %add3A_1780 = arith.addf %get3A_1773, %mul3A_1779 : vector<50x128xf32>
    %swap3A_1781 = arith.constant 63 : index
    %swap3A_1782 = arith.constant 0 : index
    %swap3A_1783 = arith.constant 0 : index
    %swap3A_1784 = vector.load %arg5[%swap3A_1781, %swap3A_1782, %swap3A_1783] : memref<128x50x128xf32, #tpu.memory_space<vmem>>, vector<1x50x128xf32>
    %swap3A_1785 = vector.shape_cast %swap3A_1784 : vector<1x50x128xf32> to vector<50x128xf32>
    %swap3A_1786 = vector.shape_cast %add3A_1780 : vector<50x128xf32> to vector<1x50x128xf32>
    tpu.vector_store %arg5[%swap3A_1781, %swap3A_1782, %swap3A_1783], %swap3A_1786 {strides = array<i32>} : memref<128x50x128xf32, #tpu.memory_space<vmem>>, vector<1x50x128xf32>,
    %get3A_1787 = arith.constant 64 : index
    %get3A_1788 = arith.constant 0 : index
    %get3A_1789 = arith.constant 0 : index
    %get3A_1790 = vector.load %arg1[%get3A_1787, %get3A_1788, %get3A_1789] : memref<128x50x128xf32, #tpu.memory_space<vmem>>, vector<1x50x128xf32>
    %get3A_1791 = vector.shape_cast %get3A_1790 : vector<1x50x128xf32> to vector<50x128xf32>
    %get3A_1792 = arith.constant 0 : index
    %get3A_1793 = arith.constant 0 : index
    %get3A_1794 = vector.load %arg4[%get3A_1792, %get3A_1793] : memref<128x128xf32, #tpu.memory_space<vmem>>, vector<128x128xf32>
    %dot_general3A_1795 = arith.constant dense<0.000000e+00> : vector<50x128xf32>
    %dot_general3A_1796 = tpu.matmul %get3A_1791, %get3A_1794, %dot_general3A_1795 {dimension_numbers = #tpu.dot_dimension_numbers<[1], [1], [0], [0], [0, 0, 1, 0], [], []>, transpose_lhs_hint = false} : vector<50x128xf32>, vector<128x128xf32>, vector<50x128xf32> -> vector<50x128xf32>
    %get3A_1797 = arith.constant 64 : index
    %get3A_1798 = arith.constant 0 : index
    %get3A_1799 = arith.constant 0 : index
    %get3A_1800 = vector.load %arg2[%get3A_1797, %get3A_1798, %get3A_1799] : memref<128x56x128xf32, #tpu.memory_space<vmem>>, vector<1x50x128xf32>
    %get3A_1801 = vector.shape_cast %get3A_1800 : vector<1x50x128xf32> to vector<50x128xf32>
    %get3A_1802 = arith.constant 64 : index
    %get3A_1803 = arith.constant 0 : index
    %get3A_1804 = arith.constant 0 : index
    %get3A_1805 = vector.load %arg3[%get3A_1802, %get3A_1803, %get3A_1804] : memref<128x56x128xf32, #tpu.memory_space<vmem>>, vector<1x50x128xf32>
    %get3A_1806 = vector.shape_cast %get3A_1805 : vector<1x50x128xf32> to vector<50x128xf32>
    %mul3A_1807 = arith.mulf %get3A_1806, %dot_general3A_1796 : vector<50x128xf32>
    %add3A_1808 = arith.addf %get3A_1801, %mul3A_1807 : vector<50x128xf32>
    %swap3A_1809 = arith.constant 64 : index
    %swap3A_1810 = arith.constant 0 : index
    %swap3A_1811 = arith.constant 0 : index
    %swap3A_1812 = vector.load %arg5[%swap3A_1809, %swap3A_1810, %swap3A_1811] : memref<128x50x128xf32, #tpu.memory_space<vmem>>, vector<1x50x128xf32>
    %swap3A_1813 = vector.shape_cast %swap3A_1812 : vector<1x50x128xf32> to vector<50x128xf32>
    %swap3A_1814 = vector.shape_cast %add3A_1808 : vector<50x128xf32> to vector<1x50x128xf32>
    tpu.vector_store %arg5[%swap3A_1809, %swap3A_1810, %swap3A_1811], %swap3A_1814 {strides = array<i32>} : memref<128x50x128xf32, #tpu.memory_space<vmem>>, vector<1x50x128xf32>,
    %get3A_1815 = arith.constant 65 : index
    %get3A_1816 = arith.constant 0 : index
    %get3A_1817 = arith.constant 0 : index
    %get3A_1818 = vector.load %arg1[%get3A_1815, %get3A_1816, %get3A_1817] : memref<128x50x128xf32, #tpu.memory_space<vmem>>, vector<1x50x128xf32>
    %get3A_1819 = vector.shape_cast %get3A_1818 : vector<1x50x128xf32> to vector<50x128xf32>
    %get3A_1820 = arith.constant 0 : index
    %get3A_1821 = arith.constant 0 : index
    %get3A_1822 = vector.load %arg4[%get3A_1820, %get3A_1821] : memref<128x128xf32, #tpu.memory_space<vmem>>, vector<128x128xf32>
    %dot_general3A_1823 = arith.constant dense<0.000000e+00> : vector<50x128xf32>
    %dot_general3A_1824 = tpu.matmul %get3A_1819, %get3A_1822, %dot_general3A_1823 {dimension_numbers = #tpu.dot_dimension_numbers<[1], [1], [0], [0], [0, 0, 1, 0], [], []>, transpose_lhs_hint = false} : vector<50x128xf32>, vector<128x128xf32>, vector<50x128xf32> -> vector<50x128xf32>
    %get3A_1825 = arith.constant 65 : index
    %get3A_1826 = arith.constant 0 : index
    %get3A_1827 = arith.constant 0 : index
    %get3A_1828 = vector.load %arg2[%get3A_1825, %get3A_1826, %get3A_1827] : memref<128x56x128xf32, #tpu.memory_space<vmem>>, vector<1x50x128xf32>
    %get3A_1829 = vector.shape_cast %get3A_1828 : vector<1x50x128xf32> to vector<50x128xf32>
    %get3A_1830 = arith.constant 65 : index
    %get3A_1831 = arith.constant 0 : index
    %get3A_1832 = arith.constant 0 : index
    %get3A_1833 = vector.load %arg3[%get3A_1830, %get3A_1831, %get3A_1832] : memref<128x56x128xf32, #tpu.memory_space<vmem>>, vector<1x50x128xf32>
    %get3A_1834 = vector.shape_cast %get3A_1833 : vector<1x50x128xf32> to vector<50x128xf32>
    %mul3A_1835 = arith.mulf %get3A_1834, %dot_general3A_1824 : vector<50x128xf32>
    %add3A_1836 = arith.addf %get3A_1829, %mul3A_1835 : vector<50x128xf32>
    %swap3A_1837 = arith.constant 65 : index
    %swap3A_1838 = arith.constant 0 : index
    %swap3A_1839 = arith.constant 0 : index
    %swap3A_1840 = vector.load %arg5[%swap3A_1837, %swap3A_1838, %swap3A_1839] : memref<128x50x128xf32, #tpu.memory_space<vmem>>, vector<1x50x128xf32>
    %swap3A_1841 = vector.shape_cast %swap3A_1840 : vector<1x50x128xf32> to vector<50x128xf32>
    %swap3A_1842 = vector.shape_cast %add3A_1836 : vector<50x128xf32> to vector<1x50x128xf32>
    tpu.vector_store %arg5[%swap3A_1837, %swap3A_1838, %swap3A_1839], %swap3A_1842 {strides = array<i32>} : memref<128x50x128xf32, #tpu.memory_space<vmem>>, vector<1x50x128xf32>,
    %get3A_1843 = arith.constant 66 : index
    %get3A_1844 = arith.constant 0 : index
    %get3A_1845 = arith.constant 0 : index
    %get3A_1846 = vector.load %arg1[%get3A_1843, %get3A_1844, %get3A_1845] : memref<128x50x128xf32, #tpu.memory_space<vmem>>, vector<1x50x128xf32>
    %get3A_1847 = vector.shape_cast %get3A_1846 : vector<1x50x128xf32> to vector<50x128xf32>
    %get3A_1848 = arith.constant 0 : index
    %get3A_1849 = arith.constant 0 : index
    %get3A_1850 = vector.load %arg4[%get3A_1848, %get3A_1849] : memref<128x128xf32, #tpu.memory_space<vmem>>, vector<128x128xf32>
    %dot_general3A_1851 = arith.constant dense<0.000000e+00> : vector<50x128xf32>
    %dot_general3A_1852 = tpu.matmul %get3A_1847, %get3A_1850, %dot_general3A_1851 {dimension_numbers = #tpu.dot_dimension_numbers<[1], [1], [0], [0], [0, 0, 1, 0], [], []>, transpose_lhs_hint = false} : vector<50x128xf32>, vector<128x128xf32>, vector<50x128xf32> -> vector<50x128xf32>
    %get3A_1853 = arith.constant 66 : index
    %get3A_1854 = arith.constant 0 : index
    %get3A_1855 = arith.constant 0 : index
    %get3A_1856 = vector.load %arg2[%get3A_1853, %get3A_1854, %get3A_1855] : memref<128x56x128xf32, #tpu.memory_space<vmem>>, vector<1x50x128xf32>
    %get3A_1857 = vector.shape_cast %get3A_1856 : vector<1x50x128xf32> to vector<50x128xf32>
    %get3A_1858 = arith.constant 66 : index
    %get3A_1859 = arith.constant 0 : index
    %get3A_1860 = arith.constant 0 : index
    %get3A_1861 = vector.load %arg3[%get3A_1858, %get3A_1859, %get3A_1860] : memref<128x56x128xf32, #tpu.memory_space<vmem>>, vector<1x50x128xf32>
    %get3A_1862 = vector.shape_cast %get3A_1861 : vector<1x50x128xf32> to vector<50x128xf32>
    %mul3A_1863 = arith.mulf %get3A_1862, %dot_general3A_1852 : vector<50x128xf32>
    %add3A_1864 = arith.addf %get3A_1857, %mul3A_1863 : vector<50x128xf32>
    %swap3A_1865 = arith.constant 66 : index
    %swap3A_1866 = arith.constant 0 : index
    %swap3A_1867 = arith.constant 0 : index
    %swap3A_1868 = vector.load %arg5[%swap3A_1865, %swap3A_1866, %swap3A_1867] : memref<128x50x128xf32, #tpu.memory_space<vmem>>, vector<1x50x128xf32>
    %swap3A_1869 = vector.shape_cast %swap3A_1868 : vector<1x50x128xf32> to vector<50x128xf32>
    %swap3A_1870 = vector.shape_cast %add3A_1864 : vector<50x128xf32> to vector<1x50x128xf32>
    tpu.vector_store %arg5[%swap3A_1865, %swap3A_1866, %swap3A_1867], %swap3A_1870 {strides = array<i32>} : memref<128x50x128xf32, #tpu.memory_space<vmem>>, vector<1x50x128xf32>,
    %get3A_1871 = arith.constant 67 : index
    %get3A_1872 = arith.constant 0 : index
    %get3A_1873 = arith.constant 0 : index
    %get3A_1874 = vector.load %arg1[%get3A_1871, %get3A_1872, %get3A_1873] : memref<128x50x128xf32, #tpu.memory_space<vmem>>, vector<1x50x128xf32>
    %get3A_1875 = vector.shape_cast %get3A_1874 : vector<1x50x128xf32> to vector<50x128xf32>
    %get3A_1876 = arith.constant 0 : index
    %get3A_1877 = arith.constant 0 : index
    %get3A_1878 = vector.load %arg4[%get3A_1876, %get3A_1877] : memref<128x128xf32, #tpu.memory_space<vmem>>, vector<128x128xf32>
    %dot_general3A_1879 = arith.constant dense<0.000000e+00> : vector<50x128xf32>
    %dot_general3A_1880 = tpu.matmul %get3A_1875, %get3A_1878, %dot_general3A_1879 {dimension_numbers = #tpu.dot_dimension_numbers<[1], [1], [0], [0], [0, 0, 1, 0], [], []>, transpose_lhs_hint = false} : vector<50x128xf32>, vector<128x128xf32>, vector<50x128xf32> -> vector<50x128xf32>
    %get3A_1881 = arith.constant 67 : index
    %get3A_1882 = arith.constant 0 : index
    %get3A_1883 = arith.constant 0 : index
    %get3A_1884 = vector.load %arg2[%get3A_1881, %get3A_1882, %get3A_1883] : memref<128x56x128xf32, #tpu.memory_space<vmem>>, vector<1x50x128xf32>
    %get3A_1885 = vector.shape_cast %get3A_1884 : vector<1x50x128xf32> to vector<50x128xf32>
    %get3A_1886 = arith.constant 67 : index
    %get3A_1887 = arith.constant 0 : index
    %get3A_1888 = arith.constant 0 : index
    %get3A_1889 = vector.load %arg3[%get3A_1886, %get3A_1887, %get3A_1888] : memref<128x56x128xf32, #tpu.memory_space<vmem>>, vector<1x50x128xf32>
    %get3A_1890 = vector.shape_cast %get3A_1889 : vector<1x50x128xf32> to vector<50x128xf32>
    %mul3A_1891 = arith.mulf %get3A_1890, %dot_general3A_1880 : vector<50x128xf32>
    %add3A_1892 = arith.addf %get3A_1885, %mul3A_1891 : vector<50x128xf32>
    %swap3A_1893 = arith.constant 67 : index
    %swap3A_1894 = arith.constant 0 : index
    %swap3A_1895 = arith.constant 0 : index
    %swap3A_1896 = vector.load %arg5[%swap3A_1893, %swap3A_1894, %swap3A_1895] : memref<128x50x128xf32, #tpu.memory_space<vmem>>, vector<1x50x128xf32>
    %swap3A_1897 = vector.shape_cast %swap3A_1896 : vector<1x50x128xf32> to vector<50x128xf32>
    %swap3A_1898 = vector.shape_cast %add3A_1892 : vector<50x128xf32> to vector<1x50x128xf32>
    tpu.vector_store %arg5[%swap3A_1893, %swap3A_1894, %swap3A_1895], %swap3A_1898 {strides = array<i32>} : memref<128x50x128xf32, #tpu.memory_space<vmem>>, vector<1x50x128xf32>,
    %get3A_1899 = arith.constant 68 : index
    %get3A_1900 = arith.constant 0 : index
    %get3A_1901 = arith.constant 0 : index
    %get3A_1902 = vector.load %arg1[%get3A_1899, %get3A_1900, %get3A_1901] : memref<128x50x128xf32, #tpu.memory_space<vmem>>, vector<1x50x128xf32>
    %get3A_1903 = vector.shape_cast %get3A_1902 : vector<1x50x128xf32> to vector<50x128xf32>
    %get3A_1904 = arith.constant 0 : index
    %get3A_1905 = arith.constant 0 : index
    %get3A_1906 = vector.load %arg4[%get3A_1904, %get3A_1905] : memref<128x128xf32, #tpu.memory_space<vmem>>, vector<128x128xf32>
    %dot_general3A_1907 = arith.constant dense<0.000000e+00> : vector<50x128xf32>
    %dot_general3A_1908 = tpu.matmul %get3A_1903, %get3A_1906, %dot_general3A_1907 {dimension_numbers = #tpu.dot_dimension_numbers<[1], [1], [0], [0], [0, 0, 1, 0], [], []>, transpose_lhs_hint = false} : vector<50x128xf32>, vector<128x128xf32>, vector<50x128xf32> -> vector<50x128xf32>
    %get3A_1909 = arith.constant 68 : index
    %get3A_1910 = arith.constant 0 : index
    %get3A_1911 = arith.constant 0 : index
    %get3A_1912 = vector.load %arg2[%get3A_1909, %get3A_1910, %get3A_1911] : memref<128x56x128xf32, #tpu.memory_space<vmem>>, vector<1x50x128xf32>
    %get3A_1913 = vector.shape_cast %get3A_1912 : vector<1x50x128xf32> to vector<50x128xf32>
    %get3A_1914 = arith.constant 68 : index
    %get3A_1915 = arith.constant 0 : index
    %get3A_1916 = arith.constant 0 : index
    %get3A_1917 = vector.load %arg3[%get3A_1914, %get3A_1915, %get3A_1916] : memref<128x56x128xf32, #tpu.memory_space<vmem>>, vector<1x50x128xf32>
    %get3A_1918 = vector.shape_cast %get3A_1917 : vector<1x50x128xf32> to vector<50x128xf32>
    %mul3A_1919 = arith.mulf %get3A_1918, %dot_general3A_1908 : vector<50x128xf32>
    %add3A_1920 = arith.addf %get3A_1913, %mul3A_1919 : vector<50x128xf32>
    %swap3A_1921 = arith.constant 68 : index
    %swap3A_1922 = arith.constant 0 : index
    %swap3A_1923 = arith.constant 0 : index
    %swap3A_1924 = vector.load %arg5[%swap3A_1921, %swap3A_1922, %swap3A_1923] : memref<128x50x128xf32, #tpu.memory_space<vmem>>, vector<1x50x128xf32>
    %swap3A_1925 = vector.shape_cast %swap3A_1924 : vector<1x50x128xf32> to vector<50x128xf32>
    %swap3A_1926 = vector.shape_cast %add3A_1920 : vector<50x128xf32> to vector<1x50x128xf32>
    tpu.vector_store %arg5[%swap3A_1921, %swap3A_1922, %swap3A_1923], %swap3A_1926 {strides = array<i32>} : memref<128x50x128xf32, #tpu.memory_space<vmem>>, vector<1x50x128xf32>,
    %get3A_1927 = arith.constant 69 : index
    %get3A_1928 = arith.constant 0 : index
    %get3A_1929 = arith.constant 0 : index
    %get3A_1930 = vector.load %arg1[%get3A_1927, %get3A_1928, %get3A_1929] : memref<128x50x128xf32, #tpu.memory_space<vmem>>, vector<1x50x128xf32>
    %get3A_1931 = vector.shape_cast %get3A_1930 : vector<1x50x128xf32> to vector<50x128xf32>
    %get3A_1932 = arith.constant 0 : index
    %get3A_1933 = arith.constant 0 : index
    %get3A_1934 = vector.load %arg4[%get3A_1932, %get3A_1933] : memref<128x128xf32, #tpu.memory_space<vmem>>, vector<128x128xf32>
    %dot_general3A_1935 = arith.constant dense<0.000000e+00> : vector<50x128xf32>
    %dot_general3A_1936 = tpu.matmul %get3A_1931, %get3A_1934, %dot_general3A_1935 {dimension_numbers = #tpu.dot_dimension_numbers<[1], [1], [0], [0], [0, 0, 1, 0], [], []>, transpose_lhs_hint = false} : vector<50x128xf32>, vector<128x128xf32>, vector<50x128xf32> -> vector<50x128xf32>
    %get3A_1937 = arith.constant 69 : index
    %get3A_1938 = arith.constant 0 : index
    %get3A_1939 = arith.constant 0 : index
    %get3A_1940 = vector.load %arg2[%get3A_1937, %get3A_1938, %get3A_1939] : memref<128x56x128xf32, #tpu.memory_space<vmem>>, vector<1x50x128xf32>
    %get3A_1941 = vector.shape_cast %get3A_1940 : vector<1x50x128xf32> to vector<50x128xf32>
    %get3A_1942 = arith.constant 69 : index
    %get3A_1943 = arith.constant 0 : index
    %get3A_1944 = arith.constant 0 : index
    %get3A_1945 = vector.load %arg3[%get3A_1942, %get3A_1943, %get3A_1944] : memref<128x56x128xf32, #tpu.memory_space<vmem>>, vector<1x50x128xf32>
    %get3A_1946 = vector.shape_cast %get3A_1945 : vector<1x50x128xf32> to vector<50x128xf32>
    %mul3A_1947 = arith.mulf %get3A_1946, %dot_general3A_1936 : vector<50x128xf32>
    %add3A_1948 = arith.addf %get3A_1941, %mul3A_1947 : vector<50x128xf32>
    %swap3A_1949 = arith.constant 69 : index
    %swap3A_1950 = arith.constant 0 : index
    %swap3A_1951 = arith.constant 0 : index
    %swap3A_1952 = vector.load %arg5[%swap3A_1949, %swap3A_1950, %swap3A_1951] : memref<128x50x128xf32, #tpu.memory_space<vmem>>, vector<1x50x128xf32>
    %swap3A_1953 = vector.shape_cast %swap3A_1952 : vector<1x50x128xf32> to vector<50x128xf32>
    %swap3A_1954 = vector.shape_cast %add3A_1948 : vector<50x128xf32> to vector<1x50x128xf32>
    tpu.vector_store %arg5[%swap3A_1949, %swap3A_1950, %swap3A_1951], %swap3A_1954 {strides = array<i32>} : memref<128x50x128xf32, #tpu.memory_space<vmem>>, vector<1x50x128xf32>,
    %get3A_1955 = arith.constant 70 : index
    %get3A_1956 = arith.constant 0 : index
    %get3A_1957 = arith.constant 0 : index
    %get3A_1958 = vector.load %arg1[%get3A_1955, %get3A_1956, %get3A_1957] : memref<128x50x128xf32, #tpu.memory_space<vmem>>, vector<1x50x128xf32>
    %get3A_1959 = vector.shape_cast %get3A_1958 : vector<1x50x128xf32> to vector<50x128xf32>
    %get3A_1960 = arith.constant 0 : index
    %get3A_1961 = arith.constant 0 : index
    %get3A_1962 = vector.load %arg4[%get3A_1960, %get3A_1961] : memref<128x128xf32, #tpu.memory_space<vmem>>, vector<128x128xf32>
    %dot_general3A_1963 = arith.constant dense<0.000000e+00> : vector<50x128xf32>
    %dot_general3A_1964 = tpu.matmul %get3A_1959, %get3A_1962, %dot_general3A_1963 {dimension_numbers = #tpu.dot_dimension_numbers<[1], [1], [0], [0], [0, 0, 1, 0], [], []>, transpose_lhs_hint = false} : vector<50x128xf32>, vector<128x128xf32>, vector<50x128xf32> -> vector<50x128xf32>
    %get3A_1965 = arith.constant 70 : index
    %get3A_1966 = arith.constant 0 : index
    %get3A_1967 = arith.constant 0 : index
    %get3A_1968 = vector.load %arg2[%get3A_1965, %get3A_1966, %get3A_1967] : memref<128x56x128xf32, #tpu.memory_space<vmem>>, vector<1x50x128xf32>
    %get3A_1969 = vector.shape_cast %get3A_1968 : vector<1x50x128xf32> to vector<50x128xf32>
    %get3A_1970 = arith.constant 70 : index
    %get3A_1971 = arith.constant 0 : index
    %get3A_1972 = arith.constant 0 : index
    %get3A_1973 = vector.load %arg3[%get3A_1970, %get3A_1971, %get3A_1972] : memref<128x56x128xf32, #tpu.memory_space<vmem>>, vector<1x50x128xf32>
    %get3A_1974 = vector.shape_cast %get3A_1973 : vector<1x50x128xf32> to vector<50x128xf32>
    %mul3A_1975 = arith.mulf %get3A_1974, %dot_general3A_1964 : vector<50x128xf32>
    %add3A_1976 = arith.addf %get3A_1969, %mul3A_1975 : vector<50x128xf32>
    %swap3A_1977 = arith.constant 70 : index
    %swap3A_1978 = arith.constant 0 : index
    %swap3A_1979 = arith.constant 0 : index
    %swap3A_1980 = vector.load %arg5[%swap3A_1977, %swap3A_1978, %swap3A_1979] : memref<128x50x128xf32, #tpu.memory_space<vmem>>, vector<1x50x128xf32>
    %swap3A_1981 = vector.shape_cast %swap3A_1980 : vector<1x50x128xf32> to vector<50x128xf32>
    %swap3A_1982 = vector.shape_cast %add3A_1976 : vector<50x128xf32> to vector<1x50x128xf32>
    tpu.vector_store %arg5[%swap3A_1977, %swap3A_1978, %swap3A_1979], %swap3A_1982 {strides = array<i32>} : memref<128x50x128xf32, #tpu.memory_space<vmem>>, vector<1x50x128xf32>,
    %get3A_1983 = arith.constant 71 : index
    %get3A_1984 = arith.constant 0 : index
    %get3A_1985 = arith.constant 0 : index
    %get3A_1986 = vector.load %arg1[%get3A_1983, %get3A_1984, %get3A_1985] : memref<128x50x128xf32, #tpu.memory_space<vmem>>, vector<1x50x128xf32>
    %get3A_1987 = vector.shape_cast %get3A_1986 : vector<1x50x128xf32> to vector<50x128xf32>
    %get3A_1988 = arith.constant 0 : index
    %get3A_1989 = arith.constant 0 : index
    %get3A_1990 = vector.load %arg4[%get3A_1988, %get3A_1989] : memref<128x128xf32, #tpu.memory_space<vmem>>, vector<128x128xf32>
    %dot_general3A_1991 = arith.constant dense<0.000000e+00> : vector<50x128xf32>
    %dot_general3A_1992 = tpu.matmul %get3A_1987, %get3A_1990, %dot_general3A_1991 {dimension_numbers = #tpu.dot_dimension_numbers<[1], [1], [0], [0], [0, 0, 1, 0], [], []>, transpose_lhs_hint = false} : vector<50x128xf32>, vector<128x128xf32>, vector<50x128xf32> -> vector<50x128xf32>
    %get3A_1993 = arith.constant 71 : index
    %get3A_1994 = arith.constant 0 : index
    %get3A_1995 = arith.constant 0 : index
    %get3A_1996 = vector.load %arg2[%get3A_1993, %get3A_1994, %get3A_1995] : memref<128x56x128xf32, #tpu.memory_space<vmem>>, vector<1x50x128xf32>
    %get3A_1997 = vector.shape_cast %get3A_1996 : vector<1x50x128xf32> to vector<50x128xf32>
    %get3A_1998 = arith.constant 71 : index
    %get3A_1999 = arith.constant 0 : index
    %get3A_2000 = arith.constant 0 : index
    %get3A_2001 = vector.load %arg3[%get3A_1998, %get3A_1999, %get3A_2000] : memref<128x56x128xf32, #tpu.memory_space<vmem>>, vector<1x50x128xf32>
    %get3A_2002 = vector.shape_cast %get3A_2001 : vector<1x50x128xf32> to vector<50x128xf32>
    %mul3A_2003 = arith.mulf %get3A_2002, %dot_general3A_1992 : vector<50x128xf32>
    %add3A_2004 = arith.addf %get3A_1997, %mul3A_2003 : vector<50x128xf32>
    %swap3A_2005 = arith.constant 71 : index
    %swap3A_2006 = arith.constant 0 : index
    %swap3A_2007 = arith.constant 0 : index
    %swap3A_2008 = vector.load %arg5[%swap3A_2005, %swap3A_2006, %swap3A_2007] : memref<128x50x128xf32, #tpu.memory_space<vmem>>, vector<1x50x128xf32>
    %swap3A_2009 = vector.shape_cast %swap3A_2008 : vector<1x50x128xf32> to vector<50x128xf32>
    %swap3A_2010 = vector.shape_cast %add3A_2004 : vector<50x128xf32> to vector<1x50x128xf32>
    tpu.vector_store %arg5[%swap3A_2005, %swap3A_2006, %swap3A_2007], %swap3A_2010 {strides = array<i32>} : memref<128x50x128xf32, #tpu.memory_space<vmem>>, vector<1x50x128xf32>,
    %get3A_2011 = arith.constant 72 : index
    %get3A_2012 = arith.constant 0 : index
    %get3A_2013 = arith.constant 0 : index
    %get3A_2014 = vector.load %arg1[%get3A_2011, %get3A_2012, %get3A_2013] : memref<128x50x128xf32, #tpu.memory_space<vmem>>, vector<1x50x128xf32>
    %get3A_2015 = vector.shape_cast %get3A_2014 : vector<1x50x128xf32> to vector<50x128xf32>
    %get3A_2016 = arith.constant 0 : index
    %get3A_2017 = arith.constant 0 : index
    %get3A_2018 = vector.load %arg4[%get3A_2016, %get3A_2017] : memref<128x128xf32, #tpu.memory_space<vmem>>, vector<128x128xf32>
    %dot_general3A_2019 = arith.constant dense<0.000000e+00> : vector<50x128xf32>
    %dot_general3A_2020 = tpu.matmul %get3A_2015, %get3A_2018, %dot_general3A_2019 {dimension_numbers = #tpu.dot_dimension_numbers<[1], [1], [0], [0], [0, 0, 1, 0], [], []>, transpose_lhs_hint = false} : vector<50x128xf32>, vector<128x128xf32>, vector<50x128xf32> -> vector<50x128xf32>
    %get3A_2021 = arith.constant 72 : index
    %get3A_2022 = arith.constant 0 : index
    %get3A_2023 = arith.constant 0 : index
    %get3A_2024 = vector.load %arg2[%get3A_2021, %get3A_2022, %get3A_2023] : memref<128x56x128xf32, #tpu.memory_space<vmem>>, vector<1x50x128xf32>
    %get3A_2025 = vector.shape_cast %get3A_2024 : vector<1x50x128xf32> to vector<50x128xf32>
    %get3A_2026 = arith.constant 72 : index
    %get3A_2027 = arith.constant 0 : index
    %get3A_2028 = arith.constant 0 : index
    %get3A_2029 = vector.load %arg3[%get3A_2026, %get3A_2027, %get3A_2028] : memref<128x56x128xf32, #tpu.memory_space<vmem>>, vector<1x50x128xf32>
    %get3A_2030 = vector.shape_cast %get3A_2029 : vector<1x50x128xf32> to vector<50x128xf32>
    %mul3A_2031 = arith.mulf %get3A_2030, %dot_general3A_2020 : vector<50x128xf32>
    %add3A_2032 = arith.addf %get3A_2025, %mul3A_2031 : vector<50x128xf32>
    %swap3A_2033 = arith.constant 72 : index
    %swap3A_2034 = arith.constant 0 : index
    %swap3A_2035 = arith.constant 0 : index
    %swap3A_2036 = vector.load %arg5[%swap3A_2033, %swap3A_2034, %swap3A_2035] : memref<128x50x128xf32, #tpu.memory_space<vmem>>, vector<1x50x128xf32>
    %swap3A_2037 = vector.shape_cast %swap3A_2036 : vector<1x50x128xf32> to vector<50x128xf32>
    %swap3A_2038 = vector.shape_cast %add3A_2032 : vector<50x128xf32> to vector<1x50x128xf32>
    tpu.vector_store %arg5[%swap3A_2033, %swap3A_2034, %swap3A_2035], %swap3A_2038 {strides = array<i32>} : memref<128x50x128xf32, #tpu.memory_space<vmem>>, vector<1x50x128xf32>,
    %get3A_2039 = arith.constant 73 : index
    %get3A_2040 = arith.constant 0 : index
    %get3A_2041 = arith.constant 0 : index
    %get3A_2042 = vector.load %arg1[%get3A_2039, %get3A_2040, %get3A_2041] : memref<128x50x128xf32, #tpu.memory_space<vmem>>, vector<1x50x128xf32>
    %get3A_2043 = vector.shape_cast %get3A_2042 : vector<1x50x128xf32> to vector<50x128xf32>
    %get3A_2044 = arith.constant 0 : index
    %get3A_2045 = arith.constant 0 : index
    %get3A_2046 = vector.load %arg4[%get3A_2044, %get3A_2045] : memref<128x128xf32, #tpu.memory_space<vmem>>, vector<128x128xf32>
    %dot_general3A_2047 = arith.constant dense<0.000000e+00> : vector<50x128xf32>
    %dot_general3A_2048 = tpu.matmul %get3A_2043, %get3A_2046, %dot_general3A_2047 {dimension_numbers = #tpu.dot_dimension_numbers<[1], [1], [0], [0], [0, 0, 1, 0], [], []>, transpose_lhs_hint = false} : vector<50x128xf32>, vector<128x128xf32>, vector<50x128xf32> -> vector<50x128xf32>
    %get3A_2049 = arith.constant 73 : index
    %get3A_2050 = arith.constant 0 : index
    %get3A_2051 = arith.constant 0 : index
    %get3A_2052 = vector.load %arg2[%get3A_2049, %get3A_2050, %get3A_2051] : memref<128x56x128xf32, #tpu.memory_space<vmem>>, vector<1x50x128xf32>
    %get3A_2053 = vector.shape_cast %get3A_2052 : vector<1x50x128xf32> to vector<50x128xf32>
    %get3A_2054 = arith.constant 73 : index
    %get3A_2055 = arith.constant 0 : index
    %get3A_2056 = arith.constant 0 : index
    %get3A_2057 = vector.load %arg3[%get3A_2054, %get3A_2055, %get3A_2056] : memref<128x56x128xf32, #tpu.memory_space<vmem>>, vector<1x50x128xf32>
    %get3A_2058 = vector.shape_cast %get3A_2057 : vector<1x50x128xf32> to vector<50x128xf32>
    %mul3A_2059 = arith.mulf %get3A_2058, %dot_general3A_2048 : vector<50x128xf32>
    %add3A_2060 = arith.addf %get3A_2053, %mul3A_2059 : vector<50x128xf32>
    %swap3A_2061 = arith.constant 73 : index
    %swap3A_2062 = arith.constant 0 : index
    %swap3A_2063 = arith.constant 0 : index
    %swap3A_2064 = vector.load %arg5[%swap3A_2061, %swap3A_2062, %swap3A_2063] : memref<128x50x128xf32, #tpu.memory_space<vmem>>, vector<1x50x128xf32>
    %swap3A_2065 = vector.shape_cast %swap3A_2064 : vector<1x50x128xf32> to vector<50x128xf32>
    %swap3A_2066 = vector.shape_cast %add3A_2060 : vector<50x128xf32> to vector<1x50x128xf32>
    tpu.vector_store %arg5[%swap3A_2061, %swap3A_2062, %swap3A_2063], %swap3A_2066 {strides = array<i32>} : memref<128x50x128xf32, #tpu.memory_space<vmem>>, vector<1x50x128xf32>,
    %get3A_2067 = arith.constant 74 : index
    %get3A_2068 = arith.constant 0 : index
    %get3A_2069 = arith.constant 0 : index
    %get3A_2070 = vector.load %arg1[%get3A_2067, %get3A_2068, %get3A_2069] : memref<128x50x128xf32, #tpu.memory_space<vmem>>, vector<1x50x128xf32>
    %get3A_2071 = vector.shape_cast %get3A_2070 : vector<1x50x128xf32> to vector<50x128xf32>
    %get3A_2072 = arith.constant 0 : index
    %get3A_2073 = arith.constant 0 : index
    %get3A_2074 = vector.load %arg4[%get3A_2072, %get3A_2073] : memref<128x128xf32, #tpu.memory_space<vmem>>, vector<128x128xf32>
    %dot_general3A_2075 = arith.constant dense<0.000000e+00> : vector<50x128xf32>
    %dot_general3A_2076 = tpu.matmul %get3A_2071, %get3A_2074, %dot_general3A_2075 {dimension_numbers = #tpu.dot_dimension_numbers<[1], [1], [0], [0], [0, 0, 1, 0], [], []>, transpose_lhs_hint = false} : vector<50x128xf32>, vector<128x128xf32>, vector<50x128xf32> -> vector<50x128xf32>
    %get3A_2077 = arith.constant 74 : index
    %get3A_2078 = arith.constant 0 : index
    %get3A_2079 = arith.constant 0 : index
    %get3A_2080 = vector.load %arg2[%get3A_2077, %get3A_2078, %get3A_2079] : memref<128x56x128xf32, #tpu.memory_space<vmem>>, vector<1x50x128xf32>
    %get3A_2081 = vector.shape_cast %get3A_2080 : vector<1x50x128xf32> to vector<50x128xf32>
    %get3A_2082 = arith.constant 74 : index
    %get3A_2083 = arith.constant 0 : index
    %get3A_2084 = arith.constant 0 : index
    %get3A_2085 = vector.load %arg3[%get3A_2082, %get3A_2083, %get3A_2084] : memref<128x56x128xf32, #tpu.memory_space<vmem>>, vector<1x50x128xf32>
    %get3A_2086 = vector.shape_cast %get3A_2085 : vector<1x50x128xf32> to vector<50x128xf32>
    %mul3A_2087 = arith.mulf %get3A_2086, %dot_general3A_2076 : vector<50x128xf32>
    %add3A_2088 = arith.addf %get3A_2081, %mul3A_2087 : vector<50x128xf32>
    %swap3A_2089 = arith.constant 74 : index
    %swap3A_2090 = arith.constant 0 : index
    %swap3A_2091 = arith.constant 0 : index
    %swap3A_2092 = vector.load %arg5[%swap3A_2089, %swap3A_2090, %swap3A_2091] : memref<128x50x128xf32, #tpu.memory_space<vmem>>, vector<1x50x128xf32>
    %swap3A_2093 = vector.shape_cast %swap3A_2092 : vector<1x50x128xf32> to vector<50x128xf32>
    %swap3A_2094 = vector.shape_cast %add3A_2088 : vector<50x128xf32> to vector<1x50x128xf32>
    tpu.vector_store %arg5[%swap3A_2089, %swap3A_2090, %swap3A_2091], %swap3A_2094 {strides = array<i32>} : memref<128x50x128xf32, #tpu.memory_space<vmem>>, vector<1x50x128xf32>,
    %get3A_2095 = arith.constant 75 : index
    %get3A_2096 = arith.constant 0 : index
    %get3A_2097 = arith.constant 0 : index
    %get3A_2098 = vector.load %arg1[%get3A_2095, %get3A_2096, %get3A_2097] : memref<128x50x128xf32, #tpu.memory_space<vmem>>, vector<1x50x128xf32>
    %get3A_2099 = vector.shape_cast %get3A_2098 : vector<1x50x128xf32> to vector<50x128xf32>
    %get3A_2100 = arith.constant 0 : index
    %get3A_2101 = arith.constant 0 : index
    %get3A_2102 = vector.load %arg4[%get3A_2100, %get3A_2101] : memref<128x128xf32, #tpu.memory_space<vmem>>, vector<128x128xf32>
    %dot_general3A_2103 = arith.constant dense<0.000000e+00> : vector<50x128xf32>
    %dot_general3A_2104 = tpu.matmul %get3A_2099, %get3A_2102, %dot_general3A_2103 {dimension_numbers = #tpu.dot_dimension_numbers<[1], [1], [0], [0], [0, 0, 1, 0], [], []>, transpose_lhs_hint = false} : vector<50x128xf32>, vector<128x128xf32>, vector<50x128xf32> -> vector<50x128xf32>
    %get3A_2105 = arith.constant 75 : index
    %get3A_2106 = arith.constant 0 : index
    %get3A_2107 = arith.constant 0 : index
    %get3A_2108 = vector.load %arg2[%get3A_2105, %get3A_2106, %get3A_2107] : memref<128x56x128xf32, #tpu.memory_space<vmem>>, vector<1x50x128xf32>
    %get3A_2109 = vector.shape_cast %get3A_2108 : vector<1x50x128xf32> to vector<50x128xf32>
    %get3A_2110 = arith.constant 75 : index
    %get3A_2111 = arith.constant 0 : index
    %get3A_2112 = arith.constant 0 : index
    %get3A_2113 = vector.load %arg3[%get3A_2110, %get3A_2111, %get3A_2112] : memref<128x56x128xf32, #tpu.memory_space<vmem>>, vector<1x50x128xf32>
    %get3A_2114 = vector.shape_cast %get3A_2113 : vector<1x50x128xf32> to vector<50x128xf32>
    %mul3A_2115 = arith.mulf %get3A_2114, %dot_general3A_2104 : vector<50x128xf32>
    %add3A_2116 = arith.addf %get3A_2109, %mul3A_2115 : vector<50x128xf32>
    %swap3A_2117 = arith.constant 75 : index
    %swap3A_2118 = arith.constant 0 : index
    %swap3A_2119 = arith.constant 0 : index
    %swap3A_2120 = vector.load %arg5[%swap3A_2117, %swap3A_2118, %swap3A_2119] : memref<128x50x128xf32, #tpu.memory_space<vmem>>, vector<1x50x128xf32>
    %swap3A_2121 = vector.shape_cast %swap3A_2120 : vector<1x50x128xf32> to vector<50x128xf32>
    %swap3A_2122 = vector.shape_cast %add3A_2116 : vector<50x128xf32> to vector<1x50x128xf32>
    tpu.vector_store %arg5[%swap3A_2117, %swap3A_2118, %swap3A_2119], %swap3A_2122 {strides = array<i32>} : memref<128x50x128xf32, #tpu.memory_space<vmem>>, vector<1x50x128xf32>,
    %get3A_2123 = arith.constant 76 : index
    %get3A_2124 = arith.constant 0 : index
    %get3A_2125 = arith.constant 0 : index
    %get3A_2126 = vector.load %arg1[%get3A_2123, %get3A_2124, %get3A_2125] : memref<128x50x128xf32, #tpu.memory_space<vmem>>, vector<1x50x128xf32>
    %get3A_2127 = vector.shape_cast %get3A_2126 : vector<1x50x128xf32> to vector<50x128xf32>
    %get3A_2128 = arith.constant 0 : index
    %get3A_2129 = arith.constant 0 : index
    %get3A_2130 = vector.load %arg4[%get3A_2128, %get3A_2129] : memref<128x128xf32, #tpu.memory_space<vmem>>, vector<128x128xf32>
    %dot_general3A_2131 = arith.constant dense<0.000000e+00> : vector<50x128xf32>
    %dot_general3A_2132 = tpu.matmul %get3A_2127, %get3A_2130, %dot_general3A_2131 {dimension_numbers = #tpu.dot_dimension_numbers<[1], [1], [0], [0], [0, 0, 1, 0], [], []>, transpose_lhs_hint = false} : vector<50x128xf32>, vector<128x128xf32>, vector<50x128xf32> -> vector<50x128xf32>
    %get3A_2133 = arith.constant 76 : index
    %get3A_2134 = arith.constant 0 : index
    %get3A_2135 = arith.constant 0 : index
    %get3A_2136 = vector.load %arg2[%get3A_2133, %get3A_2134, %get3A_2135] : memref<128x56x128xf32, #tpu.memory_space<vmem>>, vector<1x50x128xf32>
    %get3A_2137 = vector.shape_cast %get3A_2136 : vector<1x50x128xf32> to vector<50x128xf32>
    %get3A_2138 = arith.constant 76 : index
    %get3A_2139 = arith.constant 0 : index
    %get3A_2140 = arith.constant 0 : index
    %get3A_2141 = vector.load %arg3[%get3A_2138, %get3A_2139, %get3A_2140] : memref<128x56x128xf32, #tpu.memory_space<vmem>>, vector<1x50x128xf32>
    %get3A_2142 = vector.shape_cast %get3A_2141 : vector<1x50x128xf32> to vector<50x128xf32>
    %mul3A_2143 = arith.mulf %get3A_2142, %dot_general3A_2132 : vector<50x128xf32>
    %add3A_2144 = arith.addf %get3A_2137, %mul3A_2143 : vector<50x128xf32>
    %swap3A_2145 = arith.constant 76 : index
    %swap3A_2146 = arith.constant 0 : index
    %swap3A_2147 = arith.constant 0 : index
    %swap3A_2148 = vector.load %arg5[%swap3A_2145, %swap3A_2146, %swap3A_2147] : memref<128x50x128xf32, #tpu.memory_space<vmem>>, vector<1x50x128xf32>
    %swap3A_2149 = vector.shape_cast %swap3A_2148 : vector<1x50x128xf32> to vector<50x128xf32>
    %swap3A_2150 = vector.shape_cast %add3A_2144 : vector<50x128xf32> to vector<1x50x128xf32>
    tpu.vector_store %arg5[%swap3A_2145, %swap3A_2146, %swap3A_2147], %swap3A_2150 {strides = array<i32>} : memref<128x50x128xf32, #tpu.memory_space<vmem>>, vector<1x50x128xf32>,
    %get3A_2151 = arith.constant 77 : index
    %get3A_2152 = arith.constant 0 : index
    %get3A_2153 = arith.constant 0 : index
    %get3A_2154 = vector.load %arg1[%get3A_2151, %get3A_2152, %get3A_2153] : memref<128x50x128xf32, #tpu.memory_space<vmem>>, vector<1x50x128xf32>
    %get3A_2155 = vector.shape_cast %get3A_2154 : vector<1x50x128xf32> to vector<50x128xf32>
    %get3A_2156 = arith.constant 0 : index
    %get3A_2157 = arith.constant 0 : index
    %get3A_2158 = vector.load %arg4[%get3A_2156, %get3A_2157] : memref<128x128xf32, #tpu.memory_space<vmem>>, vector<128x128xf32>
    %dot_general3A_2159 = arith.constant dense<0.000000e+00> : vector<50x128xf32>
    %dot_general3A_2160 = tpu.matmul %get3A_2155, %get3A_2158, %dot_general3A_2159 {dimension_numbers = #tpu.dot_dimension_numbers<[1], [1], [0], [0], [0, 0, 1, 0], [], []>, transpose_lhs_hint = false} : vector<50x128xf32>, vector<128x128xf32>, vector<50x128xf32> -> vector<50x128xf32>
    %get3A_2161 = arith.constant 77 : index
    %get3A_2162 = arith.constant 0 : index
    %get3A_2163 = arith.constant 0 : index
    %get3A_2164 = vector.load %arg2[%get3A_2161, %get3A_2162, %get3A_2163] : memref<128x56x128xf32, #tpu.memory_space<vmem>>, vector<1x50x128xf32>
    %get3A_2165 = vector.shape_cast %get3A_2164 : vector<1x50x128xf32> to vector<50x128xf32>
    %get3A_2166 = arith.constant 77 : index
    %get3A_2167 = arith.constant 0 : index
    %get3A_2168 = arith.constant 0 : index
    %get3A_2169 = vector.load %arg3[%get3A_2166, %get3A_2167, %get3A_2168] : memref<128x56x128xf32, #tpu.memory_space<vmem>>, vector<1x50x128xf32>
    %get3A_2170 = vector.shape_cast %get3A_2169 : vector<1x50x128xf32> to vector<50x128xf32>
    %mul3A_2171 = arith.mulf %get3A_2170, %dot_general3A_2160 : vector<50x128xf32>
    %add3A_2172 = arith.addf %get3A_2165, %mul3A_2171 : vector<50x128xf32>
    %swap3A_2173 = arith.constant 77 : index
    %swap3A_2174 = arith.constant 0 : index
    %swap3A_2175 = arith.constant 0 : index
    %swap3A_2176 = vector.load %arg5[%swap3A_2173, %swap3A_2174, %swap3A_2175] : memref<128x50x128xf32, #tpu.memory_space<vmem>>, vector<1x50x128xf32>
    %swap3A_2177 = vector.shape_cast %swap3A_2176 : vector<1x50x128xf32> to vector<50x128xf32>
    %swap3A_2178 = vector.shape_cast %add3A_2172 : vector<50x128xf32> to vector<1x50x128xf32>
    tpu.vector_store %arg5[%swap3A_2173, %swap3A_2174, %swap3A_2175], %swap3A_2178 {strides = array<i32>} : memref<128x50x128xf32, #tpu.memory_space<vmem>>, vector<1x50x128xf32>,
    %get3A_2179 = arith.constant 78 : index
    %get3A_2180 = arith.constant 0 : index
    %get3A_2181 = arith.constant 0 : index
    %get3A_2182 = vector.load %arg1[%get3A_2179, %get3A_2180, %get3A_2181] : memref<128x50x128xf32, #tpu.memory_space<vmem>>, vector<1x50x128xf32>
    %get3A_2183 = vector.shape_cast %get3A_2182 : vector<1x50x128xf32> to vector<50x128xf32>
    %get3A_2184 = arith.constant 0 : index
    %get3A_2185 = arith.constant 0 : index
    %get3A_2186 = vector.load %arg4[%get3A_2184, %get3A_2185] : memref<128x128xf32, #tpu.memory_space<vmem>>, vector<128x128xf32>
    %dot_general3A_2187 = arith.constant dense<0.000000e+00> : vector<50x128xf32>
    %dot_general3A_2188 = tpu.matmul %get3A_2183, %get3A_2186, %dot_general3A_2187 {dimension_numbers = #tpu.dot_dimension_numbers<[1], [1], [0], [0], [0, 0, 1, 0], [], []>, transpose_lhs_hint = false} : vector<50x128xf32>, vector<128x128xf32>, vector<50x128xf32> -> vector<50x128xf32>
    %get3A_2189 = arith.constant 78 : index
    %get3A_2190 = arith.constant 0 : index
    %get3A_2191 = arith.constant 0 : index
    %get3A_2192 = vector.load %arg2[%get3A_2189, %get3A_2190, %get3A_2191] : memref<128x56x128xf32, #tpu.memory_space<vmem>>, vector<1x50x128xf32>
    %get3A_2193 = vector.shape_cast %get3A_2192 : vector<1x50x128xf32> to vector<50x128xf32>
    %get3A_2194 = arith.constant 78 : index
    %get3A_2195 = arith.constant 0 : index
    %get3A_2196 = arith.constant 0 : index
    %get3A_2197 = vector.load %arg3[%get3A_2194, %get3A_2195, %get3A_2196] : memref<128x56x128xf32, #tpu.memory_space<vmem>>, vector<1x50x128xf32>
    %get3A_2198 = vector.shape_cast %get3A_2197 : vector<1x50x128xf32> to vector<50x128xf32>
    %mul3A_2199 = arith.mulf %get3A_2198, %dot_general3A_2188 : vector<50x128xf32>
    %add3A_2200 = arith.addf %get3A_2193, %mul3A_2199 : vector<50x128xf32>
    %swap3A_2201 = arith.constant 78 : index
    %swap3A_2202 = arith.constant 0 : index
    %swap3A_2203 = arith.constant 0 : index
    %swap3A_2204 = vector.load %arg5[%swap3A_2201, %swap3A_2202, %swap3A_2203] : memref<128x50x128xf32, #tpu.memory_space<vmem>>, vector<1x50x128xf32>
    %swap3A_2205 = vector.shape_cast %swap3A_2204 : vector<1x50x128xf32> to vector<50x128xf32>
    %swap3A_2206 = vector.shape_cast %add3A_2200 : vector<50x128xf32> to vector<1x50x128xf32>
    tpu.vector_store %arg5[%swap3A_2201, %swap3A_2202, %swap3A_2203], %swap3A_2206 {strides = array<i32>} : memref<128x50x128xf32, #tpu.memory_space<vmem>>, vector<1x50x128xf32>,
    %get3A_2207 = arith.constant 79 : index
    %get3A_2208 = arith.constant 0 : index
    %get3A_2209 = arith.constant 0 : index
    %get3A_2210 = vector.load %arg1[%get3A_2207, %get3A_2208, %get3A_2209] : memref<128x50x128xf32, #tpu.memory_space<vmem>>, vector<1x50x128xf32>
    %get3A_2211 = vector.shape_cast %get3A_2210 : vector<1x50x128xf32> to vector<50x128xf32>
    %get3A_2212 = arith.constant 0 : index
    %get3A_2213 = arith.constant 0 : index
    %get3A_2214 = vector.load %arg4[%get3A_2212, %get3A_2213] : memref<128x128xf32, #tpu.memory_space<vmem>>, vector<128x128xf32>
    %dot_general3A_2215 = arith.constant dense<0.000000e+00> : vector<50x128xf32>
    %dot_general3A_2216 = tpu.matmul %get3A_2211, %get3A_2214, %dot_general3A_2215 {dimension_numbers = #tpu.dot_dimension_numbers<[1], [1], [0], [0], [0, 0, 1, 0], [], []>, transpose_lhs_hint = false} : vector<50x128xf32>, vector<128x128xf32>, vector<50x128xf32> -> vector<50x128xf32>
    %get3A_2217 = arith.constant 79 : index
    %get3A_2218 = arith.constant 0 : index
    %get3A_2219 = arith.constant 0 : index
    %get3A_2220 = vector.load %arg2[%get3A_2217, %get3A_2218, %get3A_2219] : memref<128x56x128xf32, #tpu.memory_space<vmem>>, vector<1x50x128xf32>
    %get3A_2221 = vector.shape_cast %get3A_2220 : vector<1x50x128xf32> to vector<50x128xf32>
    %get3A_2222 = arith.constant 79 : index
    %get3A_2223 = arith.constant 0 : index
    %get3A_2224 = arith.constant 0 : index
    %get3A_2225 = vector.load %arg3[%get3A_2222, %get3A_2223, %get3A_2224] : memref<128x56x128xf32, #tpu.memory_space<vmem>>, vector<1x50x128xf32>
    %get3A_2226 = vector.shape_cast %get3A_2225 : vector<1x50x128xf32> to vector<50x128xf32>
    %mul3A_2227 = arith.mulf %get3A_2226, %dot_general3A_2216 : vector<50x128xf32>
    %add3A_2228 = arith.addf %get3A_2221, %mul3A_2227 : vector<50x128xf32>
    %swap3A_2229 = arith.constant 79 : index
    %swap3A_2230 = arith.constant 0 : index
    %swap3A_2231 = arith.constant 0 : index
    %swap3A_2232 = vector.load %arg5[%swap3A_2229, %swap3A_2230, %swap3A_2231] : memref<128x50x128xf32, #tpu.memory_space<vmem>>, vector<1x50x128xf32>
    %swap3A_2233 = vector.shape_cast %swap3A_2232 : vector<1x50x128xf32> to vector<50x128xf32>
    %swap3A_2234 = vector.shape_cast %add3A_2228 : vector<50x128xf32> to vector<1x50x128xf32>
    tpu.vector_store %arg5[%swap3A_2229, %swap3A_2230, %swap3A_2231], %swap3A_2234 {strides = array<i32>} : memref<128x50x128xf32, #tpu.memory_space<vmem>>, vector<1x50x128xf32>,
    %get3A_2235 = arith.constant 80 : index
    %get3A_2236 = arith.constant 0 : index
    %get3A_2237 = arith.constant 0 : index
    %get3A_2238 = vector.load %arg1[%get3A_2235, %get3A_2236, %get3A_2237] : memref<128x50x128xf32, #tpu.memory_space<vmem>>, vector<1x50x128xf32>
    %get3A_2239 = vector.shape_cast %get3A_2238 : vector<1x50x128xf32> to vector<50x128xf32>
    %get3A_2240 = arith.constant 0 : index
    %get3A_2241 = arith.constant 0 : index
    %get3A_2242 = vector.load %arg4[%get3A_2240, %get3A_2241] : memref<128x128xf32, #tpu.memory_space<vmem>>, vector<128x128xf32>
    %dot_general3A_2243 = arith.constant dense<0.000000e+00> : vector<50x128xf32>
    %dot_general3A_2244 = tpu.matmul %get3A_2239, %get3A_2242, %dot_general3A_2243 {dimension_numbers = #tpu.dot_dimension_numbers<[1], [1], [0], [0], [0, 0, 1, 0], [], []>, transpose_lhs_hint = false} : vector<50x128xf32>, vector<128x128xf32>, vector<50x128xf32> -> vector<50x128xf32>
    %get3A_2245 = arith.constant 80 : index
    %get3A_2246 = arith.constant 0 : index
    %get3A_2247 = arith.constant 0 : index
    %get3A_2248 = vector.load %arg2[%get3A_2245, %get3A_2246, %get3A_2247] : memref<128x56x128xf32, #tpu.memory_space<vmem>>, vector<1x50x128xf32>
    %get3A_2249 = vector.shape_cast %get3A_2248 : vector<1x50x128xf32> to vector<50x128xf32>
    %get3A_2250 = arith.constant 80 : index
    %get3A_2251 = arith.constant 0 : index
    %get3A_2252 = arith.constant 0 : index
    %get3A_2253 = vector.load %arg3[%get3A_2250, %get3A_2251, %get3A_2252] : memref<128x56x128xf32, #tpu.memory_space<vmem>>, vector<1x50x128xf32>
    %get3A_2254 = vector.shape_cast %get3A_2253 : vector<1x50x128xf32> to vector<50x128xf32>
    %mul3A_2255 = arith.mulf %get3A_2254, %dot_general3A_2244 : vector<50x128xf32>
    %add3A_2256 = arith.addf %get3A_2249, %mul3A_2255 : vector<50x128xf32>
    %swap3A_2257 = arith.constant 80 : index
    %swap3A_2258 = arith.constant 0 : index
    %swap3A_2259 = arith.constant 0 : index
    %swap3A_2260 = vector.load %arg5[%swap3A_2257, %swap3A_2258, %swap3A_2259] : memref<128x50x128xf32, #tpu.memory_space<vmem>>, vector<1x50x128xf32>
    %swap3A_2261 = vector.shape_cast %swap3A_2260 : vector<1x50x128xf32> to vector<50x128xf32>
    %swap3A_2262 = vector.shape_cast %add3A_2256 : vector<50x128xf32> to vector<1x50x128xf32>
    tpu.vector_store %arg5[%swap3A_2257, %swap3A_2258, %swap3A_2259], %swap3A_2262 {strides = array<i32>} : memref<128x50x128xf32, #tpu.memory_space<vmem>>, vector<1x50x128xf32>,
    %get3A_2263 = arith.constant 81 : index
    %get3A_2264 = arith.constant 0 : index
    %get3A_2265 = arith.constant 0 : index
    %get3A_2266 = vector.load %arg1[%get3A_2263, %get3A_2264, %get3A_2265] : memref<128x50x128xf32, #tpu.memory_space<vmem>>, vector<1x50x128xf32>
    %get3A_2267 = vector.shape_cast %get3A_2266 : vector<1x50x128xf32> to vector<50x128xf32>
    %get3A_2268 = arith.constant 0 : index
    %get3A_2269 = arith.constant 0 : index
    %get3A_2270 = vector.load %arg4[%get3A_2268, %get3A_2269] : memref<128x128xf32, #tpu.memory_space<vmem>>, vector<128x128xf32>
    %dot_general3A_2271 = arith.constant dense<0.000000e+00> : vector<50x128xf32>
    %dot_general3A_2272 = tpu.matmul %get3A_2267, %get3A_2270, %dot_general3A_2271 {dimension_numbers = #tpu.dot_dimension_numbers<[1], [1], [0], [0], [0, 0, 1, 0], [], []>, transpose_lhs_hint = false} : vector<50x128xf32>, vector<128x128xf32>, vector<50x128xf32> -> vector<50x128xf32>
    %get3A_2273 = arith.constant 81 : index
    %get3A_2274 = arith.constant 0 : index
    %get3A_2275 = arith.constant 0 : index
    %get3A_2276 = vector.load %arg2[%get3A_2273, %get3A_2274, %get3A_2275] : memref<128x56x128xf32, #tpu.memory_space<vmem>>, vector<1x50x128xf32>
    %get3A_2277 = vector.shape_cast %get3A_2276 : vector<1x50x128xf32> to vector<50x128xf32>
    %get3A_2278 = arith.constant 81 : index
    %get3A_2279 = arith.constant 0 : index
    %get3A_2280 = arith.constant 0 : index
    %get3A_2281 = vector.load %arg3[%get3A_2278, %get3A_2279, %get3A_2280] : memref<128x56x128xf32, #tpu.memory_space<vmem>>, vector<1x50x128xf32>
    %get3A_2282 = vector.shape_cast %get3A_2281 : vector<1x50x128xf32> to vector<50x128xf32>
    %mul3A_2283 = arith.mulf %get3A_2282, %dot_general3A_2272 : vector<50x128xf32>
    %add3A_2284 = arith.addf %get3A_2277, %mul3A_2283 : vector<50x128xf32>
    %swap3A_2285 = arith.constant 81 : index
    %swap3A_2286 = arith.constant 0 : index
    %swap3A_2287 = arith.constant 0 : index
    %swap3A_2288 = vector.load %arg5[%swap3A_2285, %swap3A_2286, %swap3A_2287] : memref<128x50x128xf32, #tpu.memory_space<vmem>>, vector<1x50x128xf32>
    %swap3A_2289 = vector.shape_cast %swap3A_2288 : vector<1x50x128xf32> to vector<50x128xf32>
    %swap3A_2290 = vector.shape_cast %add3A_2284 : vector<50x128xf32> to vector<1x50x128xf32>
    tpu.vector_store %arg5[%swap3A_2285, %swap3A_2286, %swap3A_2287], %swap3A_2290 {strides = array<i32>} : memref<128x50x128xf32, #tpu.memory_space<vmem>>, vector<1x50x128xf32>,
    %get3A_2291 = arith.constant 82 : index
    %get3A_2292 = arith.constant 0 : index
    %get3A_2293 = arith.constant 0 : index
    %get3A_2294 = vector.load %arg1[%get3A_2291, %get3A_2292, %get3A_2293] : memref<128x50x128xf32, #tpu.memory_space<vmem>>, vector<1x50x128xf32>
    %get3A_2295 = vector.shape_cast %get3A_2294 : vector<1x50x128xf32> to vector<50x128xf32>
    %get3A_2296 = arith.constant 0 : index
    %get3A_2297 = arith.constant 0 : index
    %get3A_2298 = vector.load %arg4[%get3A_2296, %get3A_2297] : memref<128x128xf32, #tpu.memory_space<vmem>>, vector<128x128xf32>
    %dot_general3A_2299 = arith.constant dense<0.000000e+00> : vector<50x128xf32>
    %dot_general3A_2300 = tpu.matmul %get3A_2295, %get3A_2298, %dot_general3A_2299 {dimension_numbers = #tpu.dot_dimension_numbers<[1], [1], [0], [0], [0, 0, 1, 0], [], []>, transpose_lhs_hint = false} : vector<50x128xf32>, vector<128x128xf32>, vector<50x128xf32> -> vector<50x128xf32>
    %get3A_2301 = arith.constant 82 : index
    %get3A_2302 = arith.constant 0 : index
    %get3A_2303 = arith.constant 0 : index
    %get3A_2304 = vector.load %arg2[%get3A_2301, %get3A_2302, %get3A_2303] : memref<128x56x128xf32, #tpu.memory_space<vmem>>, vector<1x50x128xf32>
    %get3A_2305 = vector.shape_cast %get3A_2304 : vector<1x50x128xf32> to vector<50x128xf32>
    %get3A_2306 = arith.constant 82 : index
    %get3A_2307 = arith.constant 0 : index
    %get3A_2308 = arith.constant 0 : index
    %get3A_2309 = vector.load %arg3[%get3A_2306, %get3A_2307, %get3A_2308] : memref<128x56x128xf32, #tpu.memory_space<vmem>>, vector<1x50x128xf32>
    %get3A_2310 = vector.shape_cast %get3A_2309 : vector<1x50x128xf32> to vector<50x128xf32>
    %mul3A_2311 = arith.mulf %get3A_2310, %dot_general3A_2300 : vector<50x128xf32>
    %add3A_2312 = arith.addf %get3A_2305, %mul3A_2311 : vector<50x128xf32>
    %swap3A_2313 = arith.constant 82 : index
    %swap3A_2314 = arith.constant 0 : index
    %swap3A_2315 = arith.constant 0 : index
    %swap3A_2316 = vector.load %arg5[%swap3A_2313, %swap3A_2314, %swap3A_2315] : memref<128x50x128xf32, #tpu.memory_space<vmem>>, vector<1x50x128xf32>
    %swap3A_2317 = vector.shape_cast %swap3A_2316 : vector<1x50x128xf32> to vector<50x128xf32>
    %swap3A_2318 = vector.shape_cast %add3A_2312 : vector<50x128xf32> to vector<1x50x128xf32>
    tpu.vector_store %arg5[%swap3A_2313, %swap3A_2314, %swap3A_2315], %swap3A_2318 {strides = array<i32>} : memref<128x50x128xf32, #tpu.memory_space<vmem>>, vector<1x50x128xf32>,
    %get3A_2319 = arith.constant 83 : index
    %get3A_2320 = arith.constant 0 : index
    %get3A_2321 = arith.constant 0 : index
    %get3A_2322 = vector.load %arg1[%get3A_2319, %get3A_2320, %get3A_2321] : memref<128x50x128xf32, #tpu.memory_space<vmem>>, vector<1x50x128xf32>
    %get3A_2323 = vector.shape_cast %get3A_2322 : vector<1x50x128xf32> to vector<50x128xf32>
    %get3A_2324 = arith.constant 0 : index
    %get3A_2325 = arith.constant 0 : index
    %get3A_2326 = vector.load %arg4[%get3A_2324, %get3A_2325] : memref<128x128xf32, #tpu.memory_space<vmem>>, vector<128x128xf32>
    %dot_general3A_2327 = arith.constant dense<0.000000e+00> : vector<50x128xf32>
    %dot_general3A_2328 = tpu.matmul %get3A_2323, %get3A_2326, %dot_general3A_2327 {dimension_numbers = #tpu.dot_dimension_numbers<[1], [1], [0], [0], [0, 0, 1, 0], [], []>, transpose_lhs_hint = false} : vector<50x128xf32>, vector<128x128xf32>, vector<50x128xf32> -> vector<50x128xf32>
    %get3A_2329 = arith.constant 83 : index
    %get3A_2330 = arith.constant 0 : index
    %get3A_2331 = arith.constant 0 : index
    %get3A_2332 = vector.load %arg2[%get3A_2329, %get3A_2330, %get3A_2331] : memref<128x56x128xf32, #tpu.memory_space<vmem>>, vector<1x50x128xf32>
    %get3A_2333 = vector.shape_cast %get3A_2332 : vector<1x50x128xf32> to vector<50x128xf32>
    %get3A_2334 = arith.constant 83 : index
    %get3A_2335 = arith.constant 0 : index
    %get3A_2336 = arith.constant 0 : index
    %get3A_2337 = vector.load %arg3[%get3A_2334, %get3A_2335, %get3A_2336] : memref<128x56x128xf32, #tpu.memory_space<vmem>>, vector<1x50x128xf32>
    %get3A_2338 = vector.shape_cast %get3A_2337 : vector<1x50x128xf32> to vector<50x128xf32>
    %mul3A_2339 = arith.mulf %get3A_2338, %dot_general3A_2328 : vector<50x128xf32>
    %add3A_2340 = arith.addf %get3A_2333, %mul3A_2339 : vector<50x128xf32>
    %swap3A_2341 = arith.constant 83 : index
    %swap3A_2342 = arith.constant 0 : index
    %swap3A_2343 = arith.constant 0 : index
    %swap3A_2344 = vector.load %arg5[%swap3A_2341, %swap3A_2342, %swap3A_2343] : memref<128x50x128xf32, #tpu.memory_space<vmem>>, vector<1x50x128xf32>
    %swap3A_2345 = vector.shape_cast %swap3A_2344 : vector<1x50x128xf32> to vector<50x128xf32>
    %swap3A_2346 = vector.shape_cast %add3A_2340 : vector<50x128xf32> to vector<1x50x128xf32>
    tpu.vector_store %arg5[%swap3A_2341, %swap3A_2342, %swap3A_2343], %swap3A_2346 {strides = array<i32>} : memref<128x50x128xf32, #tpu.memory_space<vmem>>, vector<1x50x128xf32>,
    %get3A_2347 = arith.constant 84 : index
    %get3A_2348 = arith.constant 0 : index
    %get3A_2349 = arith.constant 0 : index
    %get3A_2350 = vector.load %arg1[%get3A_2347, %get3A_2348, %get3A_2349] : memref<128x50x128xf32, #tpu.memory_space<vmem>>, vector<1x50x128xf32>
    %get3A_2351 = vector.shape_cast %get3A_2350 : vector<1x50x128xf32> to vector<50x128xf32>
    %get3A_2352 = arith.constant 0 : index
    %get3A_2353 = arith.constant 0 : index
    %get3A_2354 = vector.load %arg4[%get3A_2352, %get3A_2353] : memref<128x128xf32, #tpu.memory_space<vmem>>, vector<128x128xf32>
    %dot_general3A_2355 = arith.constant dense<0.000000e+00> : vector<50x128xf32>
    %dot_general3A_2356 = tpu.matmul %get3A_2351, %get3A_2354, %dot_general3A_2355 {dimension_numbers = #tpu.dot_dimension_numbers<[1], [1], [0], [0], [0, 0, 1, 0], [], []>, transpose_lhs_hint = false} : vector<50x128xf32>, vector<128x128xf32>, vector<50x128xf32> -> vector<50x128xf32>
    %get3A_2357 = arith.constant 84 : index
    %get3A_2358 = arith.constant 0 : index
    %get3A_2359 = arith.constant 0 : index
    %get3A_2360 = vector.load %arg2[%get3A_2357, %get3A_2358, %get3A_2359] : memref<128x56x128xf32, #tpu.memory_space<vmem>>, vector<1x50x128xf32>
    %get3A_2361 = vector.shape_cast %get3A_2360 : vector<1x50x128xf32> to vector<50x128xf32>
    %get3A_2362 = arith.constant 84 : index
    %get3A_2363 = arith.constant 0 : index
    %get3A_2364 = arith.constant 0 : index
    %get3A_2365 = vector.load %arg3[%get3A_2362, %get3A_2363, %get3A_2364] : memref<128x56x128xf32, #tpu.memory_space<vmem>>, vector<1x50x128xf32>
    %get3A_2366 = vector.shape_cast %get3A_2365 : vector<1x50x128xf32> to vector<50x128xf32>
    %mul3A_2367 = arith.mulf %get3A_2366, %dot_general3A_2356 : vector<50x128xf32>
    %add3A_2368 = arith.addf %get3A_2361, %mul3A_2367 : vector<50x128xf32>
    %swap3A_2369 = arith.constant 84 : index
    %swap3A_2370 = arith.constant 0 : index
    %swap3A_2371 = arith.constant 0 : index
    %swap3A_2372 = vector.load %arg5[%swap3A_2369, %swap3A_2370, %swap3A_2371] : memref<128x50x128xf32, #tpu.memory_space<vmem>>, vector<1x50x128xf32>
    %swap3A_2373 = vector.shape_cast %swap3A_2372 : vector<1x50x128xf32> to vector<50x128xf32>
    %swap3A_2374 = vector.shape_cast %add3A_2368 : vector<50x128xf32> to vector<1x50x128xf32>
    tpu.vector_store %arg5[%swap3A_2369, %swap3A_2370, %swap3A_2371], %swap3A_2374 {strides = array<i32>} : memref<128x50x128xf32, #tpu.memory_space<vmem>>, vector<1x50x128xf32>,
    %get3A_2375 = arith.constant 85 : index
    %get3A_2376 = arith.constant 0 : index
    %get3A_2377 = arith.constant 0 : index
    %get3A_2378 = vector.load %arg1[%get3A_2375, %get3A_2376, %get3A_2377] : memref<128x50x128xf32, #tpu.memory_space<vmem>>, vector<1x50x128xf32>
    %get3A_2379 = vector.shape_cast %get3A_2378 : vector<1x50x128xf32> to vector<50x128xf32>
    %get3A_2380 = arith.constant 0 : index
    %get3A_2381 = arith.constant 0 : index
    %get3A_2382 = vector.load %arg4[%get3A_2380, %get3A_2381] : memref<128x128xf32, #tpu.memory_space<vmem>>, vector<128x128xf32>
    %dot_general3A_2383 = arith.constant dense<0.000000e+00> : vector<50x128xf32>
    %dot_general3A_2384 = tpu.matmul %get3A_2379, %get3A_2382, %dot_general3A_2383 {dimension_numbers = #tpu.dot_dimension_numbers<[1], [1], [0], [0], [0, 0, 1, 0], [], []>, transpose_lhs_hint = false} : vector<50x128xf32>, vector<128x128xf32>, vector<50x128xf32> -> vector<50x128xf32>
    %get3A_2385 = arith.constant 85 : index
    %get3A_2386 = arith.constant 0 : index
    %get3A_2387 = arith.constant 0 : index
    %get3A_2388 = vector.load %arg2[%get3A_2385, %get3A_2386, %get3A_2387] : memref<128x56x128xf32, #tpu.memory_space<vmem>>, vector<1x50x128xf32>
    %get3A_2389 = vector.shape_cast %get3A_2388 : vector<1x50x128xf32> to vector<50x128xf32>
    %get3A_2390 = arith.constant 85 : index
    %get3A_2391 = arith.constant 0 : index
    %get3A_2392 = arith.constant 0 : index
    %get3A_2393 = vector.load %arg3[%get3A_2390, %get3A_2391, %get3A_2392] : memref<128x56x128xf32, #tpu.memory_space<vmem>>, vector<1x50x128xf32>
    %get3A_2394 = vector.shape_cast %get3A_2393 : vector<1x50x128xf32> to vector<50x128xf32>
    %mul3A_2395 = arith.mulf %get3A_2394, %dot_general3A_2384 : vector<50x128xf32>
    %add3A_2396 = arith.addf %get3A_2389, %mul3A_2395 : vector<50x128xf32>
    %swap3A_2397 = arith.constant 85 : index
    %swap3A_2398 = arith.constant 0 : index
    %swap3A_2399 = arith.constant 0 : index
    %swap3A_2400 = vector.load %arg5[%swap3A_2397, %swap3A_2398, %swap3A_2399] : memref<128x50x128xf32, #tpu.memory_space<vmem>>, vector<1x50x128xf32>
    %swap3A_2401 = vector.shape_cast %swap3A_2400 : vector<1x50x128xf32> to vector<50x128xf32>
    %swap3A_2402 = vector.shape_cast %add3A_2396 : vector<50x128xf32> to vector<1x50x128xf32>
    tpu.vector_store %arg5[%swap3A_2397, %swap3A_2398, %swap3A_2399], %swap3A_2402 {strides = array<i32>} : memref<128x50x128xf32, #tpu.memory_space<vmem>>, vector<1x50x128xf32>,
    %get3A_2403 = arith.constant 86 : index
    %get3A_2404 = arith.constant 0 : index
    %get3A_2405 = arith.constant 0 : index
    %get3A_2406 = vector.load %arg1[%get3A_2403, %get3A_2404, %get3A_2405] : memref<128x50x128xf32, #tpu.memory_space<vmem>>, vector<1x50x128xf32>
    %get3A_2407 = vector.shape_cast %get3A_2406 : vector<1x50x128xf32> to vector<50x128xf32>
    %get3A_2408 = arith.constant 0 : index
    %get3A_2409 = arith.constant 0 : index
    %get3A_2410 = vector.load %arg4[%get3A_2408, %get3A_2409] : memref<128x128xf32, #tpu.memory_space<vmem>>, vector<128x128xf32>
    %dot_general3A_2411 = arith.constant dense<0.000000e+00> : vector<50x128xf32>
    %dot_general3A_2412 = tpu.matmul %get3A_2407, %get3A_2410, %dot_general3A_2411 {dimension_numbers = #tpu.dot_dimension_numbers<[1], [1], [0], [0], [0, 0, 1, 0], [], []>, transpose_lhs_hint = false} : vector<50x128xf32>, vector<128x128xf32>, vector<50x128xf32> -> vector<50x128xf32>
    %get3A_2413 = arith.constant 86 : index
    %get3A_2414 = arith.constant 0 : index
    %get3A_2415 = arith.constant 0 : index
    %get3A_2416 = vector.load %arg2[%get3A_2413, %get3A_2414, %get3A_2415] : memref<128x56x128xf32, #tpu.memory_space<vmem>>, vector<1x50x128xf32>
    %get3A_2417 = vector.shape_cast %get3A_2416 : vector<1x50x128xf32> to vector<50x128xf32>
    %get3A_2418 = arith.constant 86 : index
    %get3A_2419 = arith.constant 0 : index
    %get3A_2420 = arith.constant 0 : index
    %get3A_2421 = vector.load %arg3[%get3A_2418, %get3A_2419, %get3A_2420] : memref<128x56x128xf32, #tpu.memory_space<vmem>>, vector<1x50x128xf32>
    %get3A_2422 = vector.shape_cast %get3A_2421 : vector<1x50x128xf32> to vector<50x128xf32>
    %mul3A_2423 = arith.mulf %get3A_2422, %dot_general3A_2412 : vector<50x128xf32>
    %add3A_2424 = arith.addf %get3A_2417, %mul3A_2423 : vector<50x128xf32>
    %swap3A_2425 = arith.constant 86 : index
    %swap3A_2426 = arith.constant 0 : index
    %swap3A_2427 = arith.constant 0 : index
    %swap3A_2428 = vector.load %arg5[%swap3A_2425, %swap3A_2426, %swap3A_2427] : memref<128x50x128xf32, #tpu.memory_space<vmem>>, vector<1x50x128xf32>
    %swap3A_2429 = vector.shape_cast %swap3A_2428 : vector<1x50x128xf32> to vector<50x128xf32>
    %swap3A_2430 = vector.shape_cast %add3A_2424 : vector<50x128xf32> to vector<1x50x128xf32>
    tpu.vector_store %arg5[%swap3A_2425, %swap3A_2426, %swap3A_2427], %swap3A_2430 {strides = array<i32>} : memref<128x50x128xf32, #tpu.memory_space<vmem>>, vector<1x50x128xf32>,
    %get3A_2431 = arith.constant 87 : index
    %get3A_2432 = arith.constant 0 : index
    %get3A_2433 = arith.constant 0 : index
    %get3A_2434 = vector.load %arg1[%get3A_2431, %get3A_2432, %get3A_2433] : memref<128x50x128xf32, #tpu.memory_space<vmem>>, vector<1x50x128xf32>
    %get3A_2435 = vector.shape_cast %get3A_2434 : vector<1x50x128xf32> to vector<50x128xf32>
    %get3A_2436 = arith.constant 0 : index
    %get3A_2437 = arith.constant 0 : index
    %get3A_2438 = vector.load %arg4[%get3A_2436, %get3A_2437] : memref<128x128xf32, #tpu.memory_space<vmem>>, vector<128x128xf32>
    %dot_general3A_2439 = arith.constant dense<0.000000e+00> : vector<50x128xf32>
    %dot_general3A_2440 = tpu.matmul %get3A_2435, %get3A_2438, %dot_general3A_2439 {dimension_numbers = #tpu.dot_dimension_numbers<[1], [1], [0], [0], [0, 0, 1, 0], [], []>, transpose_lhs_hint = false} : vector<50x128xf32>, vector<128x128xf32>, vector<50x128xf32> -> vector<50x128xf32>
    %get3A_2441 = arith.constant 87 : index
    %get3A_2442 = arith.constant 0 : index
    %get3A_2443 = arith.constant 0 : index
    %get3A_2444 = vector.load %arg2[%get3A_2441, %get3A_2442, %get3A_2443] : memref<128x56x128xf32, #tpu.memory_space<vmem>>, vector<1x50x128xf32>
    %get3A_2445 = vector.shape_cast %get3A_2444 : vector<1x50x128xf32> to vector<50x128xf32>
    %get3A_2446 = arith.constant 87 : index
    %get3A_2447 = arith.constant 0 : index
    %get3A_2448 = arith.constant 0 : index
    %get3A_2449 = vector.load %arg3[%get3A_2446, %get3A_2447, %get3A_2448] : memref<128x56x128xf32, #tpu.memory_space<vmem>>, vector<1x50x128xf32>
    %get3A_2450 = vector.shape_cast %get3A_2449 : vector<1x50x128xf32> to vector<50x128xf32>
    %mul3A_2451 = arith.mulf %get3A_2450, %dot_general3A_2440 : vector<50x128xf32>
    %add3A_2452 = arith.addf %get3A_2445, %mul3A_2451 : vector<50x128xf32>
    %swap3A_2453 = arith.constant 87 : index
    %swap3A_2454 = arith.constant 0 : index
    %swap3A_2455 = arith.constant 0 : index
    %swap3A_2456 = vector.load %arg5[%swap3A_2453, %swap3A_2454, %swap3A_2455] : memref<128x50x128xf32, #tpu.memory_space<vmem>>, vector<1x50x128xf32>
    %swap3A_2457 = vector.shape_cast %swap3A_2456 : vector<1x50x128xf32> to vector<50x128xf32>
    %swap3A_2458 = vector.shape_cast %add3A_2452 : vector<50x128xf32> to vector<1x50x128xf32>
    tpu.vector_store %arg5[%swap3A_2453, %swap3A_2454, %swap3A_2455], %swap3A_2458 {strides = array<i32>} : memref<128x50x128xf32, #tpu.memory_space<vmem>>, vector<1x50x128xf32>,
    %get3A_2459 = arith.constant 88 : index
    %get3A_2460 = arith.constant 0 : index
    %get3A_2461 = arith.constant 0 : index
    %get3A_2462 = vector.load %arg1[%get3A_2459, %get3A_2460, %get3A_2461] : memref<128x50x128xf32, #tpu.memory_space<vmem>>, vector<1x50x128xf32>
    %get3A_2463 = vector.shape_cast %get3A_2462 : vector<1x50x128xf32> to vector<50x128xf32>
    %get3A_2464 = arith.constant 0 : index
    %get3A_2465 = arith.constant 0 : index
    %get3A_2466 = vector.load %arg4[%get3A_2464, %get3A_2465] : memref<128x128xf32, #tpu.memory_space<vmem>>, vector<128x128xf32>
    %dot_general3A_2467 = arith.constant dense<0.000000e+00> : vector<50x128xf32>
    %dot_general3A_2468 = tpu.matmul %get3A_2463, %get3A_2466, %dot_general3A_2467 {dimension_numbers = #tpu.dot_dimension_numbers<[1], [1], [0], [0], [0, 0, 1, 0], [], []>, transpose_lhs_hint = false} : vector<50x128xf32>, vector<128x128xf32>, vector<50x128xf32> -> vector<50x128xf32>
    %get3A_2469 = arith.constant 88 : index
    %get3A_2470 = arith.constant 0 : index
    %get3A_2471 = arith.constant 0 : index
    %get3A_2472 = vector.load %arg2[%get3A_2469, %get3A_2470, %get3A_2471] : memref<128x56x128xf32, #tpu.memory_space<vmem>>, vector<1x50x128xf32>
    %get3A_2473 = vector.shape_cast %get3A_2472 : vector<1x50x128xf32> to vector<50x128xf32>
    %get3A_2474 = arith.constant 88 : index
    %get3A_2475 = arith.constant 0 : index
    %get3A_2476 = arith.constant 0 : index
    %get3A_2477 = vector.load %arg3[%get3A_2474, %get3A_2475, %get3A_2476] : memref<128x56x128xf32, #tpu.memory_space<vmem>>, vector<1x50x128xf32>
    %get3A_2478 = vector.shape_cast %get3A_2477 : vector<1x50x128xf32> to vector<50x128xf32>
    %mul3A_2479 = arith.mulf %get3A_2478, %dot_general3A_2468 : vector<50x128xf32>
    %add3A_2480 = arith.addf %get3A_2473, %mul3A_2479 : vector<50x128xf32>
    %swap3A_2481 = arith.constant 88 : index
    %swap3A_2482 = arith.constant 0 : index
    %swap3A_2483 = arith.constant 0 : index
    %swap3A_2484 = vector.load %arg5[%swap3A_2481, %swap3A_2482, %swap3A_2483] : memref<128x50x128xf32, #tpu.memory_space<vmem>>, vector<1x50x128xf32>
    %swap3A_2485 = vector.shape_cast %swap3A_2484 : vector<1x50x128xf32> to vector<50x128xf32>
    %swap3A_2486 = vector.shape_cast %add3A_2480 : vector<50x128xf32> to vector<1x50x128xf32>
    tpu.vector_store %arg5[%swap3A_2481, %swap3A_2482, %swap3A_2483], %swap3A_2486 {strides = array<i32>} : memref<128x50x128xf32, #tpu.memory_space<vmem>>, vector<1x50x128xf32>,
    %get3A_2487 = arith.constant 89 : index
    %get3A_2488 = arith.constant 0 : index
    %get3A_2489 = arith.constant 0 : index
    %get3A_2490 = vector.load %arg1[%get3A_2487, %get3A_2488, %get3A_2489] : memref<128x50x128xf32, #tpu.memory_space<vmem>>, vector<1x50x128xf32>
    %get3A_2491 = vector.shape_cast %get3A_2490 : vector<1x50x128xf32> to vector<50x128xf32>
    %get3A_2492 = arith.constant 0 : index
    %get3A_2493 = arith.constant 0 : index
    %get3A_2494 = vector.load %arg4[%get3A_2492, %get3A_2493] : memref<128x128xf32, #tpu.memory_space<vmem>>, vector<128x128xf32>
    %dot_general3A_2495 = arith.constant dense<0.000000e+00> : vector<50x128xf32>
    %dot_general3A_2496 = tpu.matmul %get3A_2491, %get3A_2494, %dot_general3A_2495 {dimension_numbers = #tpu.dot_dimension_numbers<[1], [1], [0], [0], [0, 0, 1, 0], [], []>, transpose_lhs_hint = false} : vector<50x128xf32>, vector<128x128xf32>, vector<50x128xf32> -> vector<50x128xf32>
    %get3A_2497 = arith.constant 89 : index
    %get3A_2498 = arith.constant 0 : index
    %get3A_2499 = arith.constant 0 : index
    %get3A_2500 = vector.load %arg2[%get3A_2497, %get3A_2498, %get3A_2499] : memref<128x56x128xf32, #tpu.memory_space<vmem>>, vector<1x50x128xf32>
    %get3A_2501 = vector.shape_cast %get3A_2500 : vector<1x50x128xf32> to vector<50x128xf32>
    %get3A_2502 = arith.constant 89 : index
    %get3A_2503 = arith.constant 0 : index
    %get3A_2504 = arith.constant 0 : index
    %get3A_2505 = vector.load %arg3[%get3A_2502, %get3A_2503, %get3A_2504] : memref<128x56x128xf32, #tpu.memory_space<vmem>>, vector<1x50x128xf32>
    %get3A_2506 = vector.shape_cast %get3A_2505 : vector<1x50x128xf32> to vector<50x128xf32>
    %mul3A_2507 = arith.mulf %get3A_2506, %dot_general3A_2496 : vector<50x128xf32>
    %add3A_2508 = arith.addf %get3A_2501, %mul3A_2507 : vector<50x128xf32>
    %swap3A_2509 = arith.constant 89 : index
    %swap3A_2510 = arith.constant 0 : index
    %swap3A_2511 = arith.constant 0 : index
    %swap3A_2512 = vector.load %arg5[%swap3A_2509, %swap3A_2510, %swap3A_2511] : memref<128x50x128xf32, #tpu.memory_space<vmem>>, vector<1x50x128xf32>
    %swap3A_2513 = vector.shape_cast %swap3A_2512 : vector<1x50x128xf32> to vector<50x128xf32>
    %swap3A_2514 = vector.shape_cast %add3A_2508 : vector<50x128xf32> to vector<1x50x128xf32>
    tpu.vector_store %arg5[%swap3A_2509, %swap3A_2510, %swap3A_2511], %swap3A_2514 {strides = array<i32>} : memref<128x50x128xf32, #tpu.memory_space<vmem>>, vector<1x50x128xf32>,
    %get3A_2515 = arith.constant 90 : index
    %get3A_2516 = arith.constant 0 : index
    %get3A_2517 = arith.constant 0 : index
    %get3A_2518 = vector.load %arg1[%get3A_2515, %get3A_2516, %get3A_2517] : memref<128x50x128xf32, #tpu.memory_space<vmem>>, vector<1x50x128xf32>
    %get3A_2519 = vector.shape_cast %get3A_2518 : vector<1x50x128xf32> to vector<50x128xf32>
    %get3A_2520 = arith.constant 0 : index
    %get3A_2521 = arith.constant 0 : index
    %get3A_2522 = vector.load %arg4[%get3A_2520, %get3A_2521] : memref<128x128xf32, #tpu.memory_space<vmem>>, vector<128x128xf32>
    %dot_general3A_2523 = arith.constant dense<0.000000e+00> : vector<50x128xf32>
    %dot_general3A_2524 = tpu.matmul %get3A_2519, %get3A_2522, %dot_general3A_2523 {dimension_numbers = #tpu.dot_dimension_numbers<[1], [1], [0], [0], [0, 0, 1, 0], [], []>, transpose_lhs_hint = false} : vector<50x128xf32>, vector<128x128xf32>, vector<50x128xf32> -> vector<50x128xf32>
    %get3A_2525 = arith.constant 90 : index
    %get3A_2526 = arith.constant 0 : index
    %get3A_2527 = arith.constant 0 : index
    %get3A_2528 = vector.load %arg2[%get3A_2525, %get3A_2526, %get3A_2527] : memref<128x56x128xf32, #tpu.memory_space<vmem>>, vector<1x50x128xf32>
    %get3A_2529 = vector.shape_cast %get3A_2528 : vector<1x50x128xf32> to vector<50x128xf32>
    %get3A_2530 = arith.constant 90 : index
    %get3A_2531 = arith.constant 0 : index
    %get3A_2532 = arith.constant 0 : index
    %get3A_2533 = vector.load %arg3[%get3A_2530, %get3A_2531, %get3A_2532] : memref<128x56x128xf32, #tpu.memory_space<vmem>>, vector<1x50x128xf32>
    %get3A_2534 = vector.shape_cast %get3A_2533 : vector<1x50x128xf32> to vector<50x128xf32>
    %mul3A_2535 = arith.mulf %get3A_2534, %dot_general3A_2524 : vector<50x128xf32>
    %add3A_2536 = arith.addf %get3A_2529, %mul3A_2535 : vector<50x128xf32>
    %swap3A_2537 = arith.constant 90 : index
    %swap3A_2538 = arith.constant 0 : index
    %swap3A_2539 = arith.constant 0 : index
    %swap3A_2540 = vector.load %arg5[%swap3A_2537, %swap3A_2538, %swap3A_2539] : memref<128x50x128xf32, #tpu.memory_space<vmem>>, vector<1x50x128xf32>
    %swap3A_2541 = vector.shape_cast %swap3A_2540 : vector<1x50x128xf32> to vector<50x128xf32>
    %swap3A_2542 = vector.shape_cast %add3A_2536 : vector<50x128xf32> to vector<1x50x128xf32>
    tpu.vector_store %arg5[%swap3A_2537, %swap3A_2538, %swap3A_2539], %swap3A_2542 {strides = array<i32>} : memref<128x50x128xf32, #tpu.memory_space<vmem>>, vector<1x50x128xf32>,
    %get3A_2543 = arith.constant 91 : index
    %get3A_2544 = arith.constant 0 : index
    %get3A_2545 = arith.constant 0 : index
    %get3A_2546 = vector.load %arg1[%get3A_2543, %get3A_2544, %get3A_2545] : memref<128x50x128xf32, #tpu.memory_space<vmem>>, vector<1x50x128xf32>
    %get3A_2547 = vector.shape_cast %get3A_2546 : vector<1x50x128xf32> to vector<50x128xf32>
    %get3A_2548 = arith.constant 0 : index
    %get3A_2549 = arith.constant 0 : index
    %get3A_2550 = vector.load %arg4[%get3A_2548, %get3A_2549] : memref<128x128xf32, #tpu.memory_space<vmem>>, vector<128x128xf32>
    %dot_general3A_2551 = arith.constant dense<0.000000e+00> : vector<50x128xf32>
    %dot_general3A_2552 = tpu.matmul %get3A_2547, %get3A_2550, %dot_general3A_2551 {dimension_numbers = #tpu.dot_dimension_numbers<[1], [1], [0], [0], [0, 0, 1, 0], [], []>, transpose_lhs_hint = false} : vector<50x128xf32>, vector<128x128xf32>, vector<50x128xf32> -> vector<50x128xf32>
    %get3A_2553 = arith.constant 91 : index
    %get3A_2554 = arith.constant 0 : index
    %get3A_2555 = arith.constant 0 : index
    %get3A_2556 = vector.load %arg2[%get3A_2553, %get3A_2554, %get3A_2555] : memref<128x56x128xf32, #tpu.memory_space<vmem>>, vector<1x50x128xf32>
    %get3A_2557 = vector.shape_cast %get3A_2556 : vector<1x50x128xf32> to vector<50x128xf32>
    %get3A_2558 = arith.constant 91 : index
    %get3A_2559 = arith.constant 0 : index
    %get3A_2560 = arith.constant 0 : index
    %get3A_2561 = vector.load %arg3[%get3A_2558, %get3A_2559, %get3A_2560] : memref<128x56x128xf32, #tpu.memory_space<vmem>>, vector<1x50x128xf32>
    %get3A_2562 = vector.shape_cast %get3A_2561 : vector<1x50x128xf32> to vector<50x128xf32>
    %mul3A_2563 = arith.mulf %get3A_2562, %dot_general3A_2552 : vector<50x128xf32>
    %add3A_2564 = arith.addf %get3A_2557, %mul3A_2563 : vector<50x128xf32>
    %swap3A_2565 = arith.constant 91 : index
    %swap3A_2566 = arith.constant 0 : index
    %swap3A_2567 = arith.constant 0 : index
    %swap3A_2568 = vector.load %arg5[%swap3A_2565, %swap3A_2566, %swap3A_2567] : memref<128x50x128xf32, #tpu.memory_space<vmem>>, vector<1x50x128xf32>
    %swap3A_2569 = vector.shape_cast %swap3A_2568 : vector<1x50x128xf32> to vector<50x128xf32>
    %swap3A_2570 = vector.shape_cast %add3A_2564 : vector<50x128xf32> to vector<1x50x128xf32>
    tpu.vector_store %arg5[%swap3A_2565, %swap3A_2566, %swap3A_2567], %swap3A_2570 {strides = array<i32>} : memref<128x50x128xf32, #tpu.memory_space<vmem>>, vector<1x50x128xf32>,
    %get3A_2571 = arith.constant 92 : index
    %get3A_2572 = arith.constant 0 : index
    %get3A_2573 = arith.constant 0 : index
    %get3A_2574 = vector.load %arg1[%get3A_2571, %get3A_2572, %get3A_2573] : memref<128x50x128xf32, #tpu.memory_space<vmem>>, vector<1x50x128xf32>
    %get3A_2575 = vector.shape_cast %get3A_2574 : vector<1x50x128xf32> to vector<50x128xf32>
    %get3A_2576 = arith.constant 0 : index
    %get3A_2577 = arith.constant 0 : index
    %get3A_2578 = vector.load %arg4[%get3A_2576, %get3A_2577] : memref<128x128xf32, #tpu.memory_space<vmem>>, vector<128x128xf32>
    %dot_general3A_2579 = arith.constant dense<0.000000e+00> : vector<50x128xf32>
    %dot_general3A_2580 = tpu.matmul %get3A_2575, %get3A_2578, %dot_general3A_2579 {dimension_numbers = #tpu.dot_dimension_numbers<[1], [1], [0], [0], [0, 0, 1, 0], [], []>, transpose_lhs_hint = false} : vector<50x128xf32>, vector<128x128xf32>, vector<50x128xf32> -> vector<50x128xf32>
    %get3A_2581 = arith.constant 92 : index
    %get3A_2582 = arith.constant 0 : index
    %get3A_2583 = arith.constant 0 : index
    %get3A_2584 = vector.load %arg2[%get3A_2581, %get3A_2582, %get3A_2583] : memref<128x56x128xf32, #tpu.memory_space<vmem>>, vector<1x50x128xf32>
    %get3A_2585 = vector.shape_cast %get3A_2584 : vector<1x50x128xf32> to vector<50x128xf32>
    %get3A_2586 = arith.constant 92 : index
    %get3A_2587 = arith.constant 0 : index
    %get3A_2588 = arith.constant 0 : index
    %get3A_2589 = vector.load %arg3[%get3A_2586, %get3A_2587, %get3A_2588] : memref<128x56x128xf32, #tpu.memory_space<vmem>>, vector<1x50x128xf32>
    %get3A_2590 = vector.shape_cast %get3A_2589 : vector<1x50x128xf32> to vector<50x128xf32>
    %mul3A_2591 = arith.mulf %get3A_2590, %dot_general3A_2580 : vector<50x128xf32>
    %add3A_2592 = arith.addf %get3A_2585, %mul3A_2591 : vector<50x128xf32>
    %swap3A_2593 = arith.constant 92 : index
    %swap3A_2594 = arith.constant 0 : index
    %swap3A_2595 = arith.constant 0 : index
    %swap3A_2596 = vector.load %arg5[%swap3A_2593, %swap3A_2594, %swap3A_2595] : memref<128x50x128xf32, #tpu.memory_space<vmem>>, vector<1x50x128xf32>
    %swap3A_2597 = vector.shape_cast %swap3A_2596 : vector<1x50x128xf32> to vector<50x128xf32>
    %swap3A_2598 = vector.shape_cast %add3A_2592 : vector<50x128xf32> to vector<1x50x128xf32>
    tpu.vector_store %arg5[%swap3A_2593, %swap3A_2594, %swap3A_2595], %swap3A_2598 {strides = array<i32>} : memref<128x50x128xf32, #tpu.memory_space<vmem>>, vector<1x50x128xf32>,
    %get3A_2599 = arith.constant 93 : index
    %get3A_2600 = arith.constant 0 : index
    %get3A_2601 = arith.constant 0 : index
    %get3A_2602 = vector.load %arg1[%get3A_2599, %get3A_2600, %get3A_2601] : memref<128x50x128xf32, #tpu.memory_space<vmem>>, vector<1x50x128xf32>
    %get3A_2603 = vector.shape_cast %get3A_2602 : vector<1x50x128xf32> to vector<50x128xf32>
    %get3A_2604 = arith.constant 0 : index
    %get3A_2605 = arith.constant 0 : index
    %get3A_2606 = vector.load %arg4[%get3A_2604, %get3A_2605] : memref<128x128xf32, #tpu.memory_space<vmem>>, vector<128x128xf32>
    %dot_general3A_2607 = arith.constant dense<0.000000e+00> : vector<50x128xf32>
    %dot_general3A_2608 = tpu.matmul %get3A_2603, %get3A_2606, %dot_general3A_2607 {dimension_numbers = #tpu.dot_dimension_numbers<[1], [1], [0], [0], [0, 0, 1, 0], [], []>, transpose_lhs_hint = false} : vector<50x128xf32>, vector<128x128xf32>, vector<50x128xf32> -> vector<50x128xf32>
    %get3A_2609 = arith.constant 93 : index
    %get3A_2610 = arith.constant 0 : index
    %get3A_2611 = arith.constant 0 : index
    %get3A_2612 = vector.load %arg2[%get3A_2609, %get3A_2610, %get3A_2611] : memref<128x56x128xf32, #tpu.memory_space<vmem>>, vector<1x50x128xf32>
    %get3A_2613 = vector.shape_cast %get3A_2612 : vector<1x50x128xf32> to vector<50x128xf32>
    %get3A_2614 = arith.constant 93 : index
    %get3A_2615 = arith.constant 0 : index
    %get3A_2616 = arith.constant 0 : index
    %get3A_2617 = vector.load %arg3[%get3A_2614, %get3A_2615, %get3A_2616] : memref<128x56x128xf32, #tpu.memory_space<vmem>>, vector<1x50x128xf32>
    %get3A_2618 = vector.shape_cast %get3A_2617 : vector<1x50x128xf32> to vector<50x128xf32>
    %mul3A_2619 = arith.mulf %get3A_2618, %dot_general3A_2608 : vector<50x128xf32>
    %add3A_2620 = arith.addf %get3A_2613, %mul3A_2619 : vector<50x128xf32>
    %swap3A_2621 = arith.constant 93 : index
    %swap3A_2622 = arith.constant 0 : index
    %swap3A_2623 = arith.constant 0 : index
    %swap3A_2624 = vector.load %arg5[%swap3A_2621, %swap3A_2622, %swap3A_2623] : memref<128x50x128xf32, #tpu.memory_space<vmem>>, vector<1x50x128xf32>
    %swap3A_2625 = vector.shape_cast %swap3A_2624 : vector<1x50x128xf32> to vector<50x128xf32>
    %swap3A_2626 = vector.shape_cast %add3A_2620 : vector<50x128xf32> to vector<1x50x128xf32>
    tpu.vector_store %arg5[%swap3A_2621, %swap3A_2622, %swap3A_2623], %swap3A_2626 {strides = array<i32>} : memref<128x50x128xf32, #tpu.memory_space<vmem>>, vector<1x50x128xf32>,
    %get3A_2627 = arith.constant 94 : index
    %get3A_2628 = arith.constant 0 : index
    %get3A_2629 = arith.constant 0 : index
    %get3A_2630 = vector.load %arg1[%get3A_2627, %get3A_2628, %get3A_2629] : memref<128x50x128xf32, #tpu.memory_space<vmem>>, vector<1x50x128xf32>
    %get3A_2631 = vector.shape_cast %get3A_2630 : vector<1x50x128xf32> to vector<50x128xf32>
    %get3A_2632 = arith.constant 0 : index
    %get3A_2633 = arith.constant 0 : index
    %get3A_2634 = vector.load %arg4[%get3A_2632, %get3A_2633] : memref<128x128xf32, #tpu.memory_space<vmem>>, vector<128x128xf32>
    %dot_general3A_2635 = arith.constant dense<0.000000e+00> : vector<50x128xf32>
    %dot_general3A_2636 = tpu.matmul %get3A_2631, %get3A_2634, %dot_general3A_2635 {dimension_numbers = #tpu.dot_dimension_numbers<[1], [1], [0], [0], [0, 0, 1, 0], [], []>, transpose_lhs_hint = false} : vector<50x128xf32>, vector<128x128xf32>, vector<50x128xf32> -> vector<50x128xf32>
    %get3A_2637 = arith.constant 94 : index
    %get3A_2638 = arith.constant 0 : index
    %get3A_2639 = arith.constant 0 : index
    %get3A_2640 = vector.load %arg2[%get3A_2637, %get3A_2638, %get3A_2639] : memref<128x56x128xf32, #tpu.memory_space<vmem>>, vector<1x50x128xf32>
    %get3A_2641 = vector.shape_cast %get3A_2640 : vector<1x50x128xf32> to vector<50x128xf32>
    %get3A_2642 = arith.constant 94 : index
    %get3A_2643 = arith.constant 0 : index
    %get3A_2644 = arith.constant 0 : index
    %get3A_2645 = vector.load %arg3[%get3A_2642, %get3A_2643, %get3A_2644] : memref<128x56x128xf32, #tpu.memory_space<vmem>>, vector<1x50x128xf32>
    %get3A_2646 = vector.shape_cast %get3A_2645 : vector<1x50x128xf32> to vector<50x128xf32>
    %mul3A_2647 = arith.mulf %get3A_2646, %dot_general3A_2636 : vector<50x128xf32>
    %add3A_2648 = arith.addf %get3A_2641, %mul3A_2647 : vector<50x128xf32>
    %swap3A_2649 = arith.constant 94 : index
    %swap3A_2650 = arith.constant 0 : index
    %swap3A_2651 = arith.constant 0 : index
    %swap3A_2652 = vector.load %arg5[%swap3A_2649, %swap3A_2650, %swap3A_2651] : memref<128x50x128xf32, #tpu.memory_space<vmem>>, vector<1x50x128xf32>
    %swap3A_2653 = vector.shape_cast %swap3A_2652 : vector<1x50x128xf32> to vector<50x128xf32>
    %swap3A_2654 = vector.shape_cast %add3A_2648 : vector<50x128xf32> to vector<1x50x128xf32>
    tpu.vector_store %arg5[%swap3A_2649, %swap3A_2650, %swap3A_2651], %swap3A_2654 {strides = array<i32>} : memref<128x50x128xf32, #tpu.memory_space<vmem>>, vector<1x50x128xf32>,
    %get3A_2655 = arith.constant 95 : index
    %get3A_2656 = arith.constant 0 : index
    %get3A_2657 = arith.constant 0 : index
    %get3A_2658 = vector.load %arg1[%get3A_2655, %get3A_2656, %get3A_2657] : memref<128x50x128xf32, #tpu.memory_space<vmem>>, vector<1x50x128xf32>
    %get3A_2659 = vector.shape_cast %get3A_2658 : vector<1x50x128xf32> to vector<50x128xf32>
    %get3A_2660 = arith.constant 0 : index
    %get3A_2661 = arith.constant 0 : index
    %get3A_2662 = vector.load %arg4[%get3A_2660, %get3A_2661] : memref<128x128xf32, #tpu.memory_space<vmem>>, vector<128x128xf32>
    %dot_general3A_2663 = arith.constant dense<0.000000e+00> : vector<50x128xf32>
    %dot_general3A_2664 = tpu.matmul %get3A_2659, %get3A_2662, %dot_general3A_2663 {dimension_numbers = #tpu.dot_dimension_numbers<[1], [1], [0], [0], [0, 0, 1, 0], [], []>, transpose_lhs_hint = false} : vector<50x128xf32>, vector<128x128xf32>, vector<50x128xf32> -> vector<50x128xf32>
    %get3A_2665 = arith.constant 95 : index
    %get3A_2666 = arith.constant 0 : index
    %get3A_2667 = arith.constant 0 : index
    %get3A_2668 = vector.load %arg2[%get3A_2665, %get3A_2666, %get3A_2667] : memref<128x56x128xf32, #tpu.memory_space<vmem>>, vector<1x50x128xf32>
    %get3A_2669 = vector.shape_cast %get3A_2668 : vector<1x50x128xf32> to vector<50x128xf32>
    %get3A_2670 = arith.constant 95 : index
    %get3A_2671 = arith.constant 0 : index
    %get3A_2672 = arith.constant 0 : index
    %get3A_2673 = vector.load %arg3[%get3A_2670, %get3A_2671, %get3A_2672] : memref<128x56x128xf32, #tpu.memory_space<vmem>>, vector<1x50x128xf32>
    %get3A_2674 = vector.shape_cast %get3A_2673 : vector<1x50x128xf32> to vector<50x128xf32>
    %mul3A_2675 = arith.mulf %get3A_2674, %dot_general3A_2664 : vector<50x128xf32>
    %add3A_2676 = arith.addf %get3A_2669, %mul3A_2675 : vector<50x128xf32>
    %swap3A_2677 = arith.constant 95 : index
    %swap3A_2678 = arith.constant 0 : index
    %swap3A_2679 = arith.constant 0 : index
    %swap3A_2680 = vector.load %arg5[%swap3A_2677, %swap3A_2678, %swap3A_2679] : memref<128x50x128xf32, #tpu.memory_space<vmem>>, vector<1x50x128xf32>
    %swap3A_2681 = vector.shape_cast %swap3A_2680 : vector<1x50x128xf32> to vector<50x128xf32>
    %swap3A_2682 = vector.shape_cast %add3A_2676 : vector<50x128xf32> to vector<1x50x128xf32>
    tpu.vector_store %arg5[%swap3A_2677, %swap3A_2678, %swap3A_2679], %swap3A_2682 {strides = array<i32>} : memref<128x50x128xf32, #tpu.memory_space<vmem>>, vector<1x50x128xf32>,
    %get3A_2683 = arith.constant 96 : index
    %get3A_2684 = arith.constant 0 : index
    %get3A_2685 = arith.constant 0 : index
    %get3A_2686 = vector.load %arg1[%get3A_2683, %get3A_2684, %get3A_2685] : memref<128x50x128xf32, #tpu.memory_space<vmem>>, vector<1x50x128xf32>
    %get3A_2687 = vector.shape_cast %get3A_2686 : vector<1x50x128xf32> to vector<50x128xf32>
    %get3A_2688 = arith.constant 0 : index
    %get3A_2689 = arith.constant 0 : index
    %get3A_2690 = vector.load %arg4[%get3A_2688, %get3A_2689] : memref<128x128xf32, #tpu.memory_space<vmem>>, vector<128x128xf32>
    %dot_general3A_2691 = arith.constant dense<0.000000e+00> : vector<50x128xf32>
    %dot_general3A_2692 = tpu.matmul %get3A_2687, %get3A_2690, %dot_general3A_2691 {dimension_numbers = #tpu.dot_dimension_numbers<[1], [1], [0], [0], [0, 0, 1, 0], [], []>, transpose_lhs_hint = false} : vector<50x128xf32>, vector<128x128xf32>, vector<50x128xf32> -> vector<50x128xf32>
    %get3A_2693 = arith.constant 96 : index
    %get3A_2694 = arith.constant 0 : index
    %get3A_2695 = arith.constant 0 : index
    %get3A_2696 = vector.load %arg2[%get3A_2693, %get3A_2694, %get3A_2695] : memref<128x56x128xf32, #tpu.memory_space<vmem>>, vector<1x50x128xf32>
    %get3A_2697 = vector.shape_cast %get3A_2696 : vector<1x50x128xf32> to vector<50x128xf32>
    %get3A_2698 = arith.constant 96 : index
    %get3A_2699 = arith.constant 0 : index
    %get3A_2700 = arith.constant 0 : index
    %get3A_2701 = vector.load %arg3[%get3A_2698, %get3A_2699, %get3A_2700] : memref<128x56x128xf32, #tpu.memory_space<vmem>>, vector<1x50x128xf32>
    %get3A_2702 = vector.shape_cast %get3A_2701 : vector<1x50x128xf32> to vector<50x128xf32>
    %mul3A_2703 = arith.mulf %get3A_2702, %dot_general3A_2692 : vector<50x128xf32>
    %add3A_2704 = arith.addf %get3A_2697, %mul3A_2703 : vector<50x128xf32>
    %swap3A_2705 = arith.constant 96 : index
    %swap3A_2706 = arith.constant 0 : index
    %swap3A_2707 = arith.constant 0 : index
    %swap3A_2708 = vector.load %arg5[%swap3A_2705, %swap3A_2706, %swap3A_2707] : memref<128x50x128xf32, #tpu.memory_space<vmem>>, vector<1x50x128xf32>
    %swap3A_2709 = vector.shape_cast %swap3A_2708 : vector<1x50x128xf32> to vector<50x128xf32>
    %swap3A_2710 = vector.shape_cast %add3A_2704 : vector<50x128xf32> to vector<1x50x128xf32>
    tpu.vector_store %arg5[%swap3A_2705, %swap3A_2706, %swap3A_2707], %swap3A_2710 {strides = array<i32>} : memref<128x50x128xf32, #tpu.memory_space<vmem>>, vector<1x50x128xf32>,
    %get3A_2711 = arith.constant 97 : index
    %get3A_2712 = arith.constant 0 : index
    %get3A_2713 = arith.constant 0 : index
    %get3A_2714 = vector.load %arg1[%get3A_2711, %get3A_2712, %get3A_2713] : memref<128x50x128xf32, #tpu.memory_space<vmem>>, vector<1x50x128xf32>
    %get3A_2715 = vector.shape_cast %get3A_2714 : vector<1x50x128xf32> to vector<50x128xf32>
    %get3A_2716 = arith.constant 0 : index
    %get3A_2717 = arith.constant 0 : index
    %get3A_2718 = vector.load %arg4[%get3A_2716, %get3A_2717] : memref<128x128xf32, #tpu.memory_space<vmem>>, vector<128x128xf32>
    %dot_general3A_2719 = arith.constant dense<0.000000e+00> : vector<50x128xf32>
    %dot_general3A_2720 = tpu.matmul %get3A_2715, %get3A_2718, %dot_general3A_2719 {dimension_numbers = #tpu.dot_dimension_numbers<[1], [1], [0], [0], [0, 0, 1, 0], [], []>, transpose_lhs_hint = false} : vector<50x128xf32>, vector<128x128xf32>, vector<50x128xf32> -> vector<50x128xf32>
    %get3A_2721 = arith.constant 97 : index
    %get3A_2722 = arith.constant 0 : index
    %get3A_2723 = arith.constant 0 : index
    %get3A_2724 = vector.load %arg2[%get3A_2721, %get3A_2722, %get3A_2723] : memref<128x56x128xf32, #tpu.memory_space<vmem>>, vector<1x50x128xf32>
    %get3A_2725 = vector.shape_cast %get3A_2724 : vector<1x50x128xf32> to vector<50x128xf32>
    %get3A_2726 = arith.constant 97 : index
    %get3A_2727 = arith.constant 0 : index
    %get3A_2728 = arith.constant 0 : index
    %get3A_2729 = vector.load %arg3[%get3A_2726, %get3A_2727, %get3A_2728] : memref<128x56x128xf32, #tpu.memory_space<vmem>>, vector<1x50x128xf32>
    %get3A_2730 = vector.shape_cast %get3A_2729 : vector<1x50x128xf32> to vector<50x128xf32>
    %mul3A_2731 = arith.mulf %get3A_2730, %dot_general3A_2720 : vector<50x128xf32>
    %add3A_2732 = arith.addf %get3A_2725, %mul3A_2731 : vector<50x128xf32>
    %swap3A_2733 = arith.constant 97 : index
    %swap3A_2734 = arith.constant 0 : index
    %swap3A_2735 = arith.constant 0 : index
    %swap3A_2736 = vector.load %arg5[%swap3A_2733, %swap3A_2734, %swap3A_2735] : memref<128x50x128xf32, #tpu.memory_space<vmem>>, vector<1x50x128xf32>
    %swap3A_2737 = vector.shape_cast %swap3A_2736 : vector<1x50x128xf32> to vector<50x128xf32>
    %swap3A_2738 = vector.shape_cast %add3A_2732 : vector<50x128xf32> to vector<1x50x128xf32>
    tpu.vector_store %arg5[%swap3A_2733, %swap3A_2734, %swap3A_2735], %swap3A_2738 {strides = array<i32>} : memref<128x50x128xf32, #tpu.memory_space<vmem>>, vector<1x50x128xf32>,
    %get3A_2739 = arith.constant 98 : index
    %get3A_2740 = arith.constant 0 : index
    %get3A_2741 = arith.constant 0 : index
    %get3A_2742 = vector.load %arg1[%get3A_2739, %get3A_2740, %get3A_2741] : memref<128x50x128xf32, #tpu.memory_space<vmem>>, vector<1x50x128xf32>
    %get3A_2743 = vector.shape_cast %get3A_2742 : vector<1x50x128xf32> to vector<50x128xf32>
    %get3A_2744 = arith.constant 0 : index
    %get3A_2745 = arith.constant 0 : index
    %get3A_2746 = vector.load %arg4[%get3A_2744, %get3A_2745] : memref<128x128xf32, #tpu.memory_space<vmem>>, vector<128x128xf32>
    %dot_general3A_2747 = arith.constant dense<0.000000e+00> : vector<50x128xf32>
    %dot_general3A_2748 = tpu.matmul %get3A_2743, %get3A_2746, %dot_general3A_2747 {dimension_numbers = #tpu.dot_dimension_numbers<[1], [1], [0], [0], [0, 0, 1, 0], [], []>, transpose_lhs_hint = false} : vector<50x128xf32>, vector<128x128xf32>, vector<50x128xf32> -> vector<50x128xf32>
    %get3A_2749 = arith.constant 98 : index
    %get3A_2750 = arith.constant 0 : index
    %get3A_2751 = arith.constant 0 : index
    %get3A_2752 = vector.load %arg2[%get3A_2749, %get3A_2750, %get3A_2751] : memref<128x56x128xf32, #tpu.memory_space<vmem>>, vector<1x50x128xf32>
    %get3A_2753 = vector.shape_cast %get3A_2752 : vector<1x50x128xf32> to vector<50x128xf32>
    %get3A_2754 = arith.constant 98 : index
    %get3A_2755 = arith.constant 0 : index
    %get3A_2756 = arith.constant 0 : index
    %get3A_2757 = vector.load %arg3[%get3A_2754, %get3A_2755, %get3A_2756] : memref<128x56x128xf32, #tpu.memory_space<vmem>>, vector<1x50x128xf32>
    %get3A_2758 = vector.shape_cast %get3A_2757 : vector<1x50x128xf32> to vector<50x128xf32>
    %mul3A_2759 = arith.mulf %get3A_2758, %dot_general3A_2748 : vector<50x128xf32>
    %add3A_2760 = arith.addf %get3A_2753, %mul3A_2759 : vector<50x128xf32>
    %swap3A_2761 = arith.constant 98 : index
    %swap3A_2762 = arith.constant 0 : index
    %swap3A_2763 = arith.constant 0 : index
    %swap3A_2764 = vector.load %arg5[%swap3A_2761, %swap3A_2762, %swap3A_2763] : memref<128x50x128xf32, #tpu.memory_space<vmem>>, vector<1x50x128xf32>
    %swap3A_2765 = vector.shape_cast %swap3A_2764 : vector<1x50x128xf32> to vector<50x128xf32>
    %swap3A_2766 = vector.shape_cast %add3A_2760 : vector<50x128xf32> to vector<1x50x128xf32>
    tpu.vector_store %arg5[%swap3A_2761, %swap3A_2762, %swap3A_2763], %swap3A_2766 {strides = array<i32>} : memref<128x50x128xf32, #tpu.memory_space<vmem>>, vector<1x50x128xf32>,
    %get3A_2767 = arith.constant 99 : index
    %get3A_2768 = arith.constant 0 : index
    %get3A_2769 = arith.constant 0 : index
    %get3A_2770 = vector.load %arg1[%get3A_2767, %get3A_2768, %get3A_2769] : memref<128x50x128xf32, #tpu.memory_space<vmem>>, vector<1x50x128xf32>
    %get3A_2771 = vector.shape_cast %get3A_2770 : vector<1x50x128xf32> to vector<50x128xf32>
    %get3A_2772 = arith.constant 0 : index
    %get3A_2773 = arith.constant 0 : index
    %get3A_2774 = vector.load %arg4[%get3A_2772, %get3A_2773] : memref<128x128xf32, #tpu.memory_space<vmem>>, vector<128x128xf32>
    %dot_general3A_2775 = arith.constant dense<0.000000e+00> : vector<50x128xf32>
    %dot_general3A_2776 = tpu.matmul %get3A_2771, %get3A_2774, %dot_general3A_2775 {dimension_numbers = #tpu.dot_dimension_numbers<[1], [1], [0], [0], [0, 0, 1, 0], [], []>, transpose_lhs_hint = false} : vector<50x128xf32>, vector<128x128xf32>, vector<50x128xf32> -> vector<50x128xf32>
    %get3A_2777 = arith.constant 99 : index
    %get3A_2778 = arith.constant 0 : index
    %get3A_2779 = arith.constant 0 : index
    %get3A_2780 = vector.load %arg2[%get3A_2777, %get3A_2778, %get3A_2779] : memref<128x56x128xf32, #tpu.memory_space<vmem>>, vector<1x50x128xf32>
    %get3A_2781 = vector.shape_cast %get3A_2780 : vector<1x50x128xf32> to vector<50x128xf32>
    %get3A_2782 = arith.constant 99 : index
    %get3A_2783 = arith.constant 0 : index
    %get3A_2784 = arith.constant 0 : index
    %get3A_2785 = vector.load %arg3[%get3A_2782, %get3A_2783, %get3A_2784] : memref<128x56x128xf32, #tpu.memory_space<vmem>>, vector<1x50x128xf32>
    %get3A_2786 = vector.shape_cast %get3A_2785 : vector<1x50x128xf32> to vector<50x128xf32>
    %mul3A_2787 = arith.mulf %get3A_2786, %dot_general3A_2776 : vector<50x128xf32>
    %add3A_2788 = arith.addf %get3A_2781, %mul3A_2787 : vector<50x128xf32>
    %swap3A_2789 = arith.constant 99 : index
    %swap3A_2790 = arith.constant 0 : index
    %swap3A_2791 = arith.constant 0 : index
    %swap3A_2792 = vector.load %arg5[%swap3A_2789, %swap3A_2790, %swap3A_2791] : memref<128x50x128xf32, #tpu.memory_space<vmem>>, vector<1x50x128xf32>
    %swap3A_2793 = vector.shape_cast %swap3A_2792 : vector<1x50x128xf32> to vector<50x128xf32>
    %swap3A_2794 = vector.shape_cast %add3A_2788 : vector<50x128xf32> to vector<1x50x128xf32>
    tpu.vector_store %arg5[%swap3A_2789, %swap3A_2790, %swap3A_2791], %swap3A_2794 {strides = array<i32>} : memref<128x50x128xf32, #tpu.memory_space<vmem>>, vector<1x50x128xf32>,
    %get3A_2795 = arith.constant 100 : index
    %get3A_2796 = arith.constant 0 : index
    %get3A_2797 = arith.constant 0 : index
    %get3A_2798 = vector.load %arg1[%get3A_2795, %get3A_2796, %get3A_2797] : memref<128x50x128xf32, #tpu.memory_space<vmem>>, vector<1x50x128xf32>
    %get3A_2799 = vector.shape_cast %get3A_2798 : vector<1x50x128xf32> to vector<50x128xf32>
    %get3A_2800 = arith.constant 0 : index
    %get3A_2801 = arith.constant 0 : index
    %get3A_2802 = vector.load %arg4[%get3A_2800, %get3A_2801] : memref<128x128xf32, #tpu.memory_space<vmem>>, vector<128x128xf32>
    %dot_general3A_2803 = arith.constant dense<0.000000e+00> : vector<50x128xf32>
    %dot_general3A_2804 = tpu.matmul %get3A_2799, %get3A_2802, %dot_general3A_2803 {dimension_numbers = #tpu.dot_dimension_numbers<[1], [1], [0], [0], [0, 0, 1, 0], [], []>, transpose_lhs_hint = false} : vector<50x128xf32>, vector<128x128xf32>, vector<50x128xf32> -> vector<50x128xf32>
    %get3A_2805 = arith.constant 100 : index
    %get3A_2806 = arith.constant 0 : index
    %get3A_2807 = arith.constant 0 : index
    %get3A_2808 = vector.load %arg2[%get3A_2805, %get3A_2806, %get3A_2807] : memref<128x56x128xf32, #tpu.memory_space<vmem>>, vector<1x50x128xf32>
    %get3A_2809 = vector.shape_cast %get3A_2808 : vector<1x50x128xf32> to vector<50x128xf32>
    %get3A_2810 = arith.constant 100 : index
    %get3A_2811 = arith.constant 0 : index
    %get3A_2812 = arith.constant 0 : index
    %get3A_2813 = vector.load %arg3[%get3A_2810, %get3A_2811, %get3A_2812] : memref<128x56x128xf32, #tpu.memory_space<vmem>>, vector<1x50x128xf32>
    %get3A_2814 = vector.shape_cast %get3A_2813 : vector<1x50x128xf32> to vector<50x128xf32>
    %mul3A_2815 = arith.mulf %get3A_2814, %dot_general3A_2804 : vector<50x128xf32>
    %add3A_2816 = arith.addf %get3A_2809, %mul3A_2815 : vector<50x128xf32>
    %swap3A_2817 = arith.constant 100 : index
    %swap3A_2818 = arith.constant 0 : index
    %swap3A_2819 = arith.constant 0 : index
    %swap3A_2820 = vector.load %arg5[%swap3A_2817, %swap3A_2818, %swap3A_2819] : memref<128x50x128xf32, #tpu.memory_space<vmem>>, vector<1x50x128xf32>
    %swap3A_2821 = vector.shape_cast %swap3A_2820 : vector<1x50x128xf32> to vector<50x128xf32>
    %swap3A_2822 = vector.shape_cast %add3A_2816 : vector<50x128xf32> to vector<1x50x128xf32>
    tpu.vector_store %arg5[%swap3A_2817, %swap3A_2818, %swap3A_2819], %swap3A_2822 {strides = array<i32>} : memref<128x50x128xf32, #tpu.memory_space<vmem>>, vector<1x50x128xf32>,
    %get3A_2823 = arith.constant 101 : index
    %get3A_2824 = arith.constant 0 : index
    %get3A_2825 = arith.constant 0 : index
    %get3A_2826 = vector.load %arg1[%get3A_2823, %get3A_2824, %get3A_2825] : memref<128x50x128xf32, #tpu.memory_space<vmem>>, vector<1x50x128xf32>
    %get3A_2827 = vector.shape_cast %get3A_2826 : vector<1x50x128xf32> to vector<50x128xf32>
    %get3A_2828 = arith.constant 0 : index
    %get3A_2829 = arith.constant 0 : index
    %get3A_2830 = vector.load %arg4[%get3A_2828, %get3A_2829] : memref<128x128xf32, #tpu.memory_space<vmem>>, vector<128x128xf32>
    %dot_general3A_2831 = arith.constant dense<0.000000e+00> : vector<50x128xf32>
    %dot_general3A_2832 = tpu.matmul %get3A_2827, %get3A_2830, %dot_general3A_2831 {dimension_numbers = #tpu.dot_dimension_numbers<[1], [1], [0], [0], [0, 0, 1, 0], [], []>, transpose_lhs_hint = false} : vector<50x128xf32>, vector<128x128xf32>, vector<50x128xf32> -> vector<50x128xf32>
    %get3A_2833 = arith.constant 101 : index
    %get3A_2834 = arith.constant 0 : index
    %get3A_2835 = arith.constant 0 : index
    %get3A_2836 = vector.load %arg2[%get3A_2833, %get3A_2834, %get3A_2835] : memref<128x56x128xf32, #tpu.memory_space<vmem>>, vector<1x50x128xf32>
    %get3A_2837 = vector.shape_cast %get3A_2836 : vector<1x50x128xf32> to vector<50x128xf32>
    %get3A_2838 = arith.constant 101 : index
    %get3A_2839 = arith.constant 0 : index
    %get3A_2840 = arith.constant 0 : index
    %get3A_2841 = vector.load %arg3[%get3A_2838, %get3A_2839, %get3A_2840] : memref<128x56x128xf32, #tpu.memory_space<vmem>>, vector<1x50x128xf32>
    %get3A_2842 = vector.shape_cast %get3A_2841 : vector<1x50x128xf32> to vector<50x128xf32>
    %mul3A_2843 = arith.mulf %get3A_2842, %dot_general3A_2832 : vector<50x128xf32>
    %add3A_2844 = arith.addf %get3A_2837, %mul3A_2843 : vector<50x128xf32>
    %swap3A_2845 = arith.constant 101 : index
    %swap3A_2846 = arith.constant 0 : index
    %swap3A_2847 = arith.constant 0 : index
    %swap3A_2848 = vector.load %arg5[%swap3A_2845, %swap3A_2846, %swap3A_2847] : memref<128x50x128xf32, #tpu.memory_space<vmem>>, vector<1x50x128xf32>
    %swap3A_2849 = vector.shape_cast %swap3A_2848 : vector<1x50x128xf32> to vector<50x128xf32>
    %swap3A_2850 = vector.shape_cast %add3A_2844 : vector<50x128xf32> to vector<1x50x128xf32>
    tpu.vector_store %arg5[%swap3A_2845, %swap3A_2846, %swap3A_2847], %swap3A_2850 {strides = array<i32>} : memref<128x50x128xf32, #tpu.memory_space<vmem>>, vector<1x50x128xf32>,
    %get3A_2851 = arith.constant 102 : index
    %get3A_2852 = arith.constant 0 : index
    %get3A_2853 = arith.constant 0 : index
    %get3A_2854 = vector.load %arg1[%get3A_2851, %get3A_2852, %get3A_2853] : memref<128x50x128xf32, #tpu.memory_space<vmem>>, vector<1x50x128xf32>
    %get3A_2855 = vector.shape_cast %get3A_2854 : vector<1x50x128xf32> to vector<50x128xf32>
    %get3A_2856 = arith.constant 0 : index
    %get3A_2857 = arith.constant 0 : index
    %get3A_2858 = vector.load %arg4[%get3A_2856, %get3A_2857] : memref<128x128xf32, #tpu.memory_space<vmem>>, vector<128x128xf32>
    %dot_general3A_2859 = arith.constant dense<0.000000e+00> : vector<50x128xf32>
    %dot_general3A_2860 = tpu.matmul %get3A_2855, %get3A_2858, %dot_general3A_2859 {dimension_numbers = #tpu.dot_dimension_numbers<[1], [1], [0], [0], [0, 0, 1, 0], [], []>, transpose_lhs_hint = false} : vector<50x128xf32>, vector<128x128xf32>, vector<50x128xf32> -> vector<50x128xf32>
    %get3A_2861 = arith.constant 102 : index
    %get3A_2862 = arith.constant 0 : index
    %get3A_2863 = arith.constant 0 : index
    %get3A_2864 = vector.load %arg2[%get3A_2861, %get3A_2862, %get3A_2863] : memref<128x56x128xf32, #tpu.memory_space<vmem>>, vector<1x50x128xf32>
    %get3A_2865 = vector.shape_cast %get3A_2864 : vector<1x50x128xf32> to vector<50x128xf32>
    %get3A_2866 = arith.constant 102 : index
    %get3A_2867 = arith.constant 0 : index
    %get3A_2868 = arith.constant 0 : index
    %get3A_2869 = vector.load %arg3[%get3A_2866, %get3A_2867, %get3A_2868] : memref<128x56x128xf32, #tpu.memory_space<vmem>>, vector<1x50x128xf32>
    %get3A_2870 = vector.shape_cast %get3A_2869 : vector<1x50x128xf32> to vector<50x128xf32>
    %mul3A_2871 = arith.mulf %get3A_2870, %dot_general3A_2860 : vector<50x128xf32>
    %add3A_2872 = arith.addf %get3A_2865, %mul3A_2871 : vector<50x128xf32>
    %swap3A_2873 = arith.constant 102 : index
    %swap3A_2874 = arith.constant 0 : index
    %swap3A_2875 = arith.constant 0 : index
    %swap3A_2876 = vector.load %arg5[%swap3A_2873, %swap3A_2874, %swap3A_2875] : memref<128x50x128xf32, #tpu.memory_space<vmem>>, vector<1x50x128xf32>
    %swap3A_2877 = vector.shape_cast %swap3A_2876 : vector<1x50x128xf32> to vector<50x128xf32>
    %swap3A_2878 = vector.shape_cast %add3A_2872 : vector<50x128xf32> to vector<1x50x128xf32>
    tpu.vector_store %arg5[%swap3A_2873, %swap3A_2874, %swap3A_2875], %swap3A_2878 {strides = array<i32>} : memref<128x50x128xf32, #tpu.memory_space<vmem>>, vector<1x50x128xf32>,
    %get3A_2879 = arith.constant 103 : index
    %get3A_2880 = arith.constant 0 : index
    %get3A_2881 = arith.constant 0 : index
    %get3A_2882 = vector.load %arg1[%get3A_2879, %get3A_2880, %get3A_2881] : memref<128x50x128xf32, #tpu.memory_space<vmem>>, vector<1x50x128xf32>
    %get3A_2883 = vector.shape_cast %get3A_2882 : vector<1x50x128xf32> to vector<50x128xf32>
    %get3A_2884 = arith.constant 0 : index
    %get3A_2885 = arith.constant 0 : index
    %get3A_2886 = vector.load %arg4[%get3A_2884, %get3A_2885] : memref<128x128xf32, #tpu.memory_space<vmem>>, vector<128x128xf32>
    %dot_general3A_2887 = arith.constant dense<0.000000e+00> : vector<50x128xf32>
    %dot_general3A_2888 = tpu.matmul %get3A_2883, %get3A_2886, %dot_general3A_2887 {dimension_numbers = #tpu.dot_dimension_numbers<[1], [1], [0], [0], [0, 0, 1, 0], [], []>, transpose_lhs_hint = false} : vector<50x128xf32>, vector<128x128xf32>, vector<50x128xf32> -> vector<50x128xf32>
    %get3A_2889 = arith.constant 103 : index
    %get3A_2890 = arith.constant 0 : index
    %get3A_2891 = arith.constant 0 : index
    %get3A_2892 = vector.load %arg2[%get3A_2889, %get3A_2890, %get3A_2891] : memref<128x56x128xf32, #tpu.memory_space<vmem>>, vector<1x50x128xf32>
    %get3A_2893 = vector.shape_cast %get3A_2892 : vector<1x50x128xf32> to vector<50x128xf32>
    %get3A_2894 = arith.constant 103 : index
    %get3A_2895 = arith.constant 0 : index
    %get3A_2896 = arith.constant 0 : index
    %get3A_2897 = vector.load %arg3[%get3A_2894, %get3A_2895, %get3A_2896] : memref<128x56x128xf32, #tpu.memory_space<vmem>>, vector<1x50x128xf32>
    %get3A_2898 = vector.shape_cast %get3A_2897 : vector<1x50x128xf32> to vector<50x128xf32>
    %mul3A_2899 = arith.mulf %get3A_2898, %dot_general3A_2888 : vector<50x128xf32>
    %add3A_2900 = arith.addf %get3A_2893, %mul3A_2899 : vector<50x128xf32>
    %swap3A_2901 = arith.constant 103 : index
    %swap3A_2902 = arith.constant 0 : index
    %swap3A_2903 = arith.constant 0 : index
    %swap3A_2904 = vector.load %arg5[%swap3A_2901, %swap3A_2902, %swap3A_2903] : memref<128x50x128xf32, #tpu.memory_space<vmem>>, vector<1x50x128xf32>
    %swap3A_2905 = vector.shape_cast %swap3A_2904 : vector<1x50x128xf32> to vector<50x128xf32>
    %swap3A_2906 = vector.shape_cast %add3A_2900 : vector<50x128xf32> to vector<1x50x128xf32>
    tpu.vector_store %arg5[%swap3A_2901, %swap3A_2902, %swap3A_2903], %swap3A_2906 {strides = array<i32>} : memref<128x50x128xf32, #tpu.memory_space<vmem>>, vector<1x50x128xf32>,
    %get3A_2907 = arith.constant 104 : index
    %get3A_2908 = arith.constant 0 : index
    %get3A_2909 = arith.constant 0 : index
    %get3A_2910 = vector.load %arg1[%get3A_2907, %get3A_2908, %get3A_2909] : memref<128x50x128xf32, #tpu.memory_space<vmem>>, vector<1x50x128xf32>
    %get3A_2911 = vector.shape_cast %get3A_2910 : vector<1x50x128xf32> to vector<50x128xf32>
    %get3A_2912 = arith.constant 0 : index
    %get3A_2913 = arith.constant 0 : index
    %get3A_2914 = vector.load %arg4[%get3A_2912, %get3A_2913] : memref<128x128xf32, #tpu.memory_space<vmem>>, vector<128x128xf32>
    %dot_general3A_2915 = arith.constant dense<0.000000e+00> : vector<50x128xf32>
    %dot_general3A_2916 = tpu.matmul %get3A_2911, %get3A_2914, %dot_general3A_2915 {dimension_numbers = #tpu.dot_dimension_numbers<[1], [1], [0], [0], [0, 0, 1, 0], [], []>, transpose_lhs_hint = false} : vector<50x128xf32>, vector<128x128xf32>, vector<50x128xf32> -> vector<50x128xf32>
    %get3A_2917 = arith.constant 104 : index
    %get3A_2918 = arith.constant 0 : index
    %get3A_2919 = arith.constant 0 : index
    %get3A_2920 = vector.load %arg2[%get3A_2917, %get3A_2918, %get3A_2919] : memref<128x56x128xf32, #tpu.memory_space<vmem>>, vector<1x50x128xf32>
    %get3A_2921 = vector.shape_cast %get3A_2920 : vector<1x50x128xf32> to vector<50x128xf32>
    %get3A_2922 = arith.constant 104 : index
    %get3A_2923 = arith.constant 0 : index
    %get3A_2924 = arith.constant 0 : index
    %get3A_2925 = vector.load %arg3[%get3A_2922, %get3A_2923, %get3A_2924] : memref<128x56x128xf32, #tpu.memory_space<vmem>>, vector<1x50x128xf32>
    %get3A_2926 = vector.shape_cast %get3A_2925 : vector<1x50x128xf32> to vector<50x128xf32>
    %mul3A_2927 = arith.mulf %get3A_2926, %dot_general3A_2916 : vector<50x128xf32>
    %add3A_2928 = arith.addf %get3A_2921, %mul3A_2927 : vector<50x128xf32>
    %swap3A_2929 = arith.constant 104 : index
    %swap3A_2930 = arith.constant 0 : index
    %swap3A_2931 = arith.constant 0 : index
    %swap3A_2932 = vector.load %arg5[%swap3A_2929, %swap3A_2930, %swap3A_2931] : memref<128x50x128xf32, #tpu.memory_space<vmem>>, vector<1x50x128xf32>
    %swap3A_2933 = vector.shape_cast %swap3A_2932 : vector<1x50x128xf32> to vector<50x128xf32>
    %swap3A_2934 = vector.shape_cast %add3A_2928 : vector<50x128xf32> to vector<1x50x128xf32>
    tpu.vector_store %arg5[%swap3A_2929, %swap3A_2930, %swap3A_2931], %swap3A_2934 {strides = array<i32>} : memref<128x50x128xf32, #tpu.memory_space<vmem>>, vector<1x50x128xf32>,
    %get3A_2935 = arith.constant 105 : index
    %get3A_2936 = arith.constant 0 : index
    %get3A_2937 = arith.constant 0 : index
    %get3A_2938 = vector.load %arg1[%get3A_2935, %get3A_2936, %get3A_2937] : memref<128x50x128xf32, #tpu.memory_space<vmem>>, vector<1x50x128xf32>
    %get3A_2939 = vector.shape_cast %get3A_2938 : vector<1x50x128xf32> to vector<50x128xf32>
    %get3A_2940 = arith.constant 0 : index
    %get3A_2941 = arith.constant 0 : index
    %get3A_2942 = vector.load %arg4[%get3A_2940, %get3A_2941] : memref<128x128xf32, #tpu.memory_space<vmem>>, vector<128x128xf32>
    %dot_general3A_2943 = arith.constant dense<0.000000e+00> : vector<50x128xf32>
    %dot_general3A_2944 = tpu.matmul %get3A_2939, %get3A_2942, %dot_general3A_2943 {dimension_numbers = #tpu.dot_dimension_numbers<[1], [1], [0], [0], [0, 0, 1, 0], [], []>, transpose_lhs_hint = false} : vector<50x128xf32>, vector<128x128xf32>, vector<50x128xf32> -> vector<50x128xf32>
    %get3A_2945 = arith.constant 105 : index
    %get3A_2946 = arith.constant 0 : index
    %get3A_2947 = arith.constant 0 : index
    %get3A_2948 = vector.load %arg2[%get3A_2945, %get3A_2946, %get3A_2947] : memref<128x56x128xf32, #tpu.memory_space<vmem>>, vector<1x50x128xf32>
    %get3A_2949 = vector.shape_cast %get3A_2948 : vector<1x50x128xf32> to vector<50x128xf32>
    %get3A_2950 = arith.constant 105 : index
    %get3A_2951 = arith.constant 0 : index
    %get3A_2952 = arith.constant 0 : index
    %get3A_2953 = vector.load %arg3[%get3A_2950, %get3A_2951, %get3A_2952] : memref<128x56x128xf32, #tpu.memory_space<vmem>>, vector<1x50x128xf32>
    %get3A_2954 = vector.shape_cast %get3A_2953 : vector<1x50x128xf32> to vector<50x128xf32>
    %mul3A_2955 = arith.mulf %get3A_2954, %dot_general3A_2944 : vector<50x128xf32>
    %add3A_2956 = arith.addf %get3A_2949, %mul3A_2955 : vector<50x128xf32>
    %swap3A_2957 = arith.constant 105 : index
    %swap3A_2958 = arith.constant 0 : index
    %swap3A_2959 = arith.constant 0 : index
    %swap3A_2960 = vector.load %arg5[%swap3A_2957, %swap3A_2958, %swap3A_2959] : memref<128x50x128xf32, #tpu.memory_space<vmem>>, vector<1x50x128xf32>
    %swap3A_2961 = vector.shape_cast %swap3A_2960 : vector<1x50x128xf32> to vector<50x128xf32>
    %swap3A_2962 = vector.shape_cast %add3A_2956 : vector<50x128xf32> to vector<1x50x128xf32>
    tpu.vector_store %arg5[%swap3A_2957, %swap3A_2958, %swap3A_2959], %swap3A_2962 {strides = array<i32>} : memref<128x50x128xf32, #tpu.memory_space<vmem>>, vector<1x50x128xf32>,
    %get3A_2963 = arith.constant 106 : index
    %get3A_2964 = arith.constant 0 : index
    %get3A_2965 = arith.constant 0 : index
    %get3A_2966 = vector.load %arg1[%get3A_2963, %get3A_2964, %get3A_2965] : memref<128x50x128xf32, #tpu.memory_space<vmem>>, vector<1x50x128xf32>
    %get3A_2967 = vector.shape_cast %get3A_2966 : vector<1x50x128xf32> to vector<50x128xf32>
    %get3A_2968 = arith.constant 0 : index
    %get3A_2969 = arith.constant 0 : index
    %get3A_2970 = vector.load %arg4[%get3A_2968, %get3A_2969] : memref<128x128xf32, #tpu.memory_space<vmem>>, vector<128x128xf32>
    %dot_general3A_2971 = arith.constant dense<0.000000e+00> : vector<50x128xf32>
    %dot_general3A_2972 = tpu.matmul %get3A_2967, %get3A_2970, %dot_general3A_2971 {dimension_numbers = #tpu.dot_dimension_numbers<[1], [1], [0], [0], [0, 0, 1, 0], [], []>, transpose_lhs_hint = false} : vector<50x128xf32>, vector<128x128xf32>, vector<50x128xf32> -> vector<50x128xf32>
    %get3A_2973 = arith.constant 106 : index
    %get3A_2974 = arith.constant 0 : index
    %get3A_2975 = arith.constant 0 : index
    %get3A_2976 = vector.load %arg2[%get3A_2973, %get3A_2974, %get3A_2975] : memref<128x56x128xf32, #tpu.memory_space<vmem>>, vector<1x50x128xf32>
    %get3A_2977 = vector.shape_cast %get3A_2976 : vector<1x50x128xf32> to vector<50x128xf32>
    %get3A_2978 = arith.constant 106 : index
    %get3A_2979 = arith.constant 0 : index
    %get3A_2980 = arith.constant 0 : index
    %get3A_2981 = vector.load %arg3[%get3A_2978, %get3A_2979, %get3A_2980] : memref<128x56x128xf32, #tpu.memory_space<vmem>>, vector<1x50x128xf32>
    %get3A_2982 = vector.shape_cast %get3A_2981 : vector<1x50x128xf32> to vector<50x128xf32>
    %mul3A_2983 = arith.mulf %get3A_2982, %dot_general3A_2972 : vector<50x128xf32>
    %add3A_2984 = arith.addf %get3A_2977, %mul3A_2983 : vector<50x128xf32>
    %swap3A_2985 = arith.constant 106 : index
    %swap3A_2986 = arith.constant 0 : index
    %swap3A_2987 = arith.constant 0 : index
    %swap3A_2988 = vector.load %arg5[%swap3A_2985, %swap3A_2986, %swap3A_2987] : memref<128x50x128xf32, #tpu.memory_space<vmem>>, vector<1x50x128xf32>
    %swap3A_2989 = vector.shape_cast %swap3A_2988 : vector<1x50x128xf32> to vector<50x128xf32>
    %swap3A_2990 = vector.shape_cast %add3A_2984 : vector<50x128xf32> to vector<1x50x128xf32>
    tpu.vector_store %arg5[%swap3A_2985, %swap3A_2986, %swap3A_2987], %swap3A_2990 {strides = array<i32>} : memref<128x50x128xf32, #tpu.memory_space<vmem>>, vector<1x50x128xf32>,
    %get3A_2991 = arith.constant 107 : index
    %get3A_2992 = arith.constant 0 : index
    %get3A_2993 = arith.constant 0 : index
    %get3A_2994 = vector.load %arg1[%get3A_2991, %get3A_2992, %get3A_2993] : memref<128x50x128xf32, #tpu.memory_space<vmem>>, vector<1x50x128xf32>
    %get3A_2995 = vector.shape_cast %get3A_2994 : vector<1x50x128xf32> to vector<50x128xf32>
    %get3A_2996 = arith.constant 0 : index
    %get3A_2997 = arith.constant 0 : index
    %get3A_2998 = vector.load %arg4[%get3A_2996, %get3A_2997] : memref<128x128xf32, #tpu.memory_space<vmem>>, vector<128x128xf32>
    %dot_general3A_2999 = arith.constant dense<0.000000e+00> : vector<50x128xf32>
    %dot_general3A_3000 = tpu.matmul %get3A_2995, %get3A_2998, %dot_general3A_2999 {dimension_numbers = #tpu.dot_dimension_numbers<[1], [1], [0], [0], [0, 0, 1, 0], [], []>, transpose_lhs_hint = false} : vector<50x128xf32>, vector<128x128xf32>, vector<50x128xf32> -> vector<50x128xf32>
    %get3A_3001 = arith.constant 107 : index
    %get3A_3002 = arith.constant 0 : index
    %get3A_3003 = arith.constant 0 : index
    %get3A_3004 = vector.load %arg2[%get3A_3001, %get3A_3002, %get3A_3003] : memref<128x56x128xf32, #tpu.memory_space<vmem>>, vector<1x50x128xf32>
    %get3A_3005 = vector.shape_cast %get3A_3004 : vector<1x50x128xf32> to vector<50x128xf32>
    %get3A_3006 = arith.constant 107 : index
    %get3A_3007 = arith.constant 0 : index
    %get3A_3008 = arith.constant 0 : index
    %get3A_3009 = vector.load %arg3[%get3A_3006, %get3A_3007, %get3A_3008] : memref<128x56x128xf32, #tpu.memory_space<vmem>>, vector<1x50x128xf32>
    %get3A_3010 = vector.shape_cast %get3A_3009 : vector<1x50x128xf32> to vector<50x128xf32>
    %mul3A_3011 = arith.mulf %get3A_3010, %dot_general3A_3000 : vector<50x128xf32>
    %add3A_3012 = arith.addf %get3A_3005, %mul3A_3011 : vector<50x128xf32>
    %swap3A_3013 = arith.constant 107 : index
    %swap3A_3014 = arith.constant 0 : index
    %swap3A_3015 = arith.constant 0 : index
    %swap3A_3016 = vector.load %arg5[%swap3A_3013, %swap3A_3014, %swap3A_3015] : memref<128x50x128xf32, #tpu.memory_space<vmem>>, vector<1x50x128xf32>
    %swap3A_3017 = vector.shape_cast %swap3A_3016 : vector<1x50x128xf32> to vector<50x128xf32>
    %swap3A_3018 = vector.shape_cast %add3A_3012 : vector<50x128xf32> to vector<1x50x128xf32>
    tpu.vector_store %arg5[%swap3A_3013, %swap3A_3014, %swap3A_3015], %swap3A_3018 {strides = array<i32>} : memref<128x50x128xf32, #tpu.memory_space<vmem>>, vector<1x50x128xf32>,
    %get3A_3019 = arith.constant 108 : index
    %get3A_3020 = arith.constant 0 : index
    %get3A_3021 = arith.constant 0 : index
    %get3A_3022 = vector.load %arg1[%get3A_3019, %get3A_3020, %get3A_3021] : memref<128x50x128xf32, #tpu.memory_space<vmem>>, vector<1x50x128xf32>
    %get3A_3023 = vector.shape_cast %get3A_3022 : vector<1x50x128xf32> to vector<50x128xf32>
    %get3A_3024 = arith.constant 0 : index
    %get3A_3025 = arith.constant 0 : index
    %get3A_3026 = vector.load %arg4[%get3A_3024, %get3A_3025] : memref<128x128xf32, #tpu.memory_space<vmem>>, vector<128x128xf32>
    %dot_general3A_3027 = arith.constant dense<0.000000e+00> : vector<50x128xf32>
    %dot_general3A_3028 = tpu.matmul %get3A_3023, %get3A_3026, %dot_general3A_3027 {dimension_numbers = #tpu.dot_dimension_numbers<[1], [1], [0], [0], [0, 0, 1, 0], [], []>, transpose_lhs_hint = false} : vector<50x128xf32>, vector<128x128xf32>, vector<50x128xf32> -> vector<50x128xf32>
    %get3A_3029 = arith.constant 108 : index
    %get3A_3030 = arith.constant 0 : index
    %get3A_3031 = arith.constant 0 : index
    %get3A_3032 = vector.load %arg2[%get3A_3029, %get3A_3030, %get3A_3031] : memref<128x56x128xf32, #tpu.memory_space<vmem>>, vector<1x50x128xf32>
    %get3A_3033 = vector.shape_cast %get3A_3032 : vector<1x50x128xf32> to vector<50x128xf32>
    %get3A_3034 = arith.constant 108 : index
    %get3A_3035 = arith.constant 0 : index
    %get3A_3036 = arith.constant 0 : index
    %get3A_3037 = vector.load %arg3[%get3A_3034, %get3A_3035, %get3A_3036] : memref<128x56x128xf32, #tpu.memory_space<vmem>>, vector<1x50x128xf32>
    %get3A_3038 = vector.shape_cast %get3A_3037 : vector<1x50x128xf32> to vector<50x128xf32>
    %mul3A_3039 = arith.mulf %get3A_3038, %dot_general3A_3028 : vector<50x128xf32>
    %add3A_3040 = arith.addf %get3A_3033, %mul3A_3039 : vector<50x128xf32>
    %swap3A_3041 = arith.constant 108 : index
    %swap3A_3042 = arith.constant 0 : index
    %swap3A_3043 = arith.constant 0 : index
    %swap3A_3044 = vector.load %arg5[%swap3A_3041, %swap3A_3042, %swap3A_3043] : memref<128x50x128xf32, #tpu.memory_space<vmem>>, vector<1x50x128xf32>
    %swap3A_3045 = vector.shape_cast %swap3A_3044 : vector<1x50x128xf32> to vector<50x128xf32>
    %swap3A_3046 = vector.shape_cast %add3A_3040 : vector<50x128xf32> to vector<1x50x128xf32>
    tpu.vector_store %arg5[%swap3A_3041, %swap3A_3042, %swap3A_3043], %swap3A_3046 {strides = array<i32>} : memref<128x50x128xf32, #tpu.memory_space<vmem>>, vector<1x50x128xf32>,
    %get3A_3047 = arith.constant 109 : index
    %get3A_3048 = arith.constant 0 : index
    %get3A_3049 = arith.constant 0 : index
    %get3A_3050 = vector.load %arg1[%get3A_3047, %get3A_3048, %get3A_3049] : memref<128x50x128xf32, #tpu.memory_space<vmem>>, vector<1x50x128xf32>
    %get3A_3051 = vector.shape_cast %get3A_3050 : vector<1x50x128xf32> to vector<50x128xf32>
    %get3A_3052 = arith.constant 0 : index
    %get3A_3053 = arith.constant 0 : index
    %get3A_3054 = vector.load %arg4[%get3A_3052, %get3A_3053] : memref<128x128xf32, #tpu.memory_space<vmem>>, vector<128x128xf32>
    %dot_general3A_3055 = arith.constant dense<0.000000e+00> : vector<50x128xf32>
    %dot_general3A_3056 = tpu.matmul %get3A_3051, %get3A_3054, %dot_general3A_3055 {dimension_numbers = #tpu.dot_dimension_numbers<[1], [1], [0], [0], [0, 0, 1, 0], [], []>, transpose_lhs_hint = false} : vector<50x128xf32>, vector<128x128xf32>, vector<50x128xf32> -> vector<50x128xf32>
    %get3A_3057 = arith.constant 109 : index
    %get3A_3058 = arith.constant 0 : index
    %get3A_3059 = arith.constant 0 : index
    %get3A_3060 = vector.load %arg2[%get3A_3057, %get3A_3058, %get3A_3059] : memref<128x56x128xf32, #tpu.memory_space<vmem>>, vector<1x50x128xf32>
    %get3A_3061 = vector.shape_cast %get3A_3060 : vector<1x50x128xf32> to vector<50x128xf32>
    %get3A_3062 = arith.constant 109 : index
    %get3A_3063 = arith.constant 0 : index
    %get3A_3064 = arith.constant 0 : index
    %get3A_3065 = vector.load %arg3[%get3A_3062, %get3A_3063, %get3A_3064] : memref<128x56x128xf32, #tpu.memory_space<vmem>>, vector<1x50x128xf32>
    %get3A_3066 = vector.shape_cast %get3A_3065 : vector<1x50x128xf32> to vector<50x128xf32>
    %mul3A_3067 = arith.mulf %get3A_3066, %dot_general3A_3056 : vector<50x128xf32>
    %add3A_3068 = arith.addf %get3A_3061, %mul3A_3067 : vector<50x128xf32>
    %swap3A_3069 = arith.constant 109 : index
    %swap3A_3070 = arith.constant 0 : index
    %swap3A_3071 = arith.constant 0 : index
    %swap3A_3072 = vector.load %arg5[%swap3A_3069, %swap3A_3070, %swap3A_3071] : memref<128x50x128xf32, #tpu.memory_space<vmem>>, vector<1x50x128xf32>
    %swap3A_3073 = vector.shape_cast %swap3A_3072 : vector<1x50x128xf32> to vector<50x128xf32>
    %swap3A_3074 = vector.shape_cast %add3A_3068 : vector<50x128xf32> to vector<1x50x128xf32>
    tpu.vector_store %arg5[%swap3A_3069, %swap3A_3070, %swap3A_3071], %swap3A_3074 {strides = array<i32>} : memref<128x50x128xf32, #tpu.memory_space<vmem>>, vector<1x50x128xf32>,
    %get3A_3075 = arith.constant 110 : index
    %get3A_3076 = arith.constant 0 : index
    %get3A_3077 = arith.constant 0 : index
    %get3A_3078 = vector.load %arg1[%get3A_3075, %get3A_3076, %get3A_3077] : memref<128x50x128xf32, #tpu.memory_space<vmem>>, vector<1x50x128xf32>
    %get3A_3079 = vector.shape_cast %get3A_3078 : vector<1x50x128xf32> to vector<50x128xf32>
    %get3A_3080 = arith.constant 0 : index
    %get3A_3081 = arith.constant 0 : index
    %get3A_3082 = vector.load %arg4[%get3A_3080, %get3A_3081] : memref<128x128xf32, #tpu.memory_space<vmem>>, vector<128x128xf32>
    %dot_general3A_3083 = arith.constant dense<0.000000e+00> : vector<50x128xf32>
    %dot_general3A_3084 = tpu.matmul %get3A_3079, %get3A_3082, %dot_general3A_3083 {dimension_numbers = #tpu.dot_dimension_numbers<[1], [1], [0], [0], [0, 0, 1, 0], [], []>, transpose_lhs_hint = false} : vector<50x128xf32>, vector<128x128xf32>, vector<50x128xf32> -> vector<50x128xf32>
    %get3A_3085 = arith.constant 110 : index
    %get3A_3086 = arith.constant 0 : index
    %get3A_3087 = arith.constant 0 : index
    %get3A_3088 = vector.load %arg2[%get3A_3085, %get3A_3086, %get3A_3087] : memref<128x56x128xf32, #tpu.memory_space<vmem>>, vector<1x50x128xf32>
    %get3A_3089 = vector.shape_cast %get3A_3088 : vector<1x50x128xf32> to vector<50x128xf32>
    %get3A_3090 = arith.constant 110 : index
    %get3A_3091 = arith.constant 0 : index
    %get3A_3092 = arith.constant 0 : index
    %get3A_3093 = vector.load %arg3[%get3A_3090, %get3A_3091, %get3A_3092] : memref<128x56x128xf32, #tpu.memory_space<vmem>>, vector<1x50x128xf32>
    %get3A_3094 = vector.shape_cast %get3A_3093 : vector<1x50x128xf32> to vector<50x128xf32>
    %mul3A_3095 = arith.mulf %get3A_3094, %dot_general3A_3084 : vector<50x128xf32>
    %add3A_3096 = arith.addf %get3A_3089, %mul3A_3095 : vector<50x128xf32>
    %swap3A_3097 = arith.constant 110 : index
    %swap3A_3098 = arith.constant 0 : index
    %swap3A_3099 = arith.constant 0 : index
    %swap3A_3100 = vector.load %arg5[%swap3A_3097, %swap3A_3098, %swap3A_3099] : memref<128x50x128xf32, #tpu.memory_space<vmem>>, vector<1x50x128xf32>
    %swap3A_3101 = vector.shape_cast %swap3A_3100 : vector<1x50x128xf32> to vector<50x128xf32>
    %swap3A_3102 = vector.shape_cast %add3A_3096 : vector<50x128xf32> to vector<1x50x128xf32>
    tpu.vector_store %arg5[%swap3A_3097, %swap3A_3098, %swap3A_3099], %swap3A_3102 {strides = array<i32>} : memref<128x50x128xf32, #tpu.memory_space<vmem>>, vector<1x50x128xf32>,
    %get3A_3103 = arith.constant 111 : index
    %get3A_3104 = arith.constant 0 : index
    %get3A_3105 = arith.constant 0 : index
    %get3A_3106 = vector.load %arg1[%get3A_3103, %get3A_3104, %get3A_3105] : memref<128x50x128xf32, #tpu.memory_space<vmem>>, vector<1x50x128xf32>
    %get3A_3107 = vector.shape_cast %get3A_3106 : vector<1x50x128xf32> to vector<50x128xf32>
    %get3A_3108 = arith.constant 0 : index
    %get3A_3109 = arith.constant 0 : index
    %get3A_3110 = vector.load %arg4[%get3A_3108, %get3A_3109] : memref<128x128xf32, #tpu.memory_space<vmem>>, vector<128x128xf32>
    %dot_general3A_3111 = arith.constant dense<0.000000e+00> : vector<50x128xf32>
    %dot_general3A_3112 = tpu.matmul %get3A_3107, %get3A_3110, %dot_general3A_3111 {dimension_numbers = #tpu.dot_dimension_numbers<[1], [1], [0], [0], [0, 0, 1, 0], [], []>, transpose_lhs_hint = false} : vector<50x128xf32>, vector<128x128xf32>, vector<50x128xf32> -> vector<50x128xf32>
    %get3A_3113 = arith.constant 111 : index
    %get3A_3114 = arith.constant 0 : index
    %get3A_3115 = arith.constant 0 : index
    %get3A_3116 = vector.load %arg2[%get3A_3113, %get3A_3114, %get3A_3115] : memref<128x56x128xf32, #tpu.memory_space<vmem>>, vector<1x50x128xf32>
    %get3A_3117 = vector.shape_cast %get3A_3116 : vector<1x50x128xf32> to vector<50x128xf32>
    %get3A_3118 = arith.constant 111 : index
    %get3A_3119 = arith.constant 0 : index
    %get3A_3120 = arith.constant 0 : index
    %get3A_3121 = vector.load %arg3[%get3A_3118, %get3A_3119, %get3A_3120] : memref<128x56x128xf32, #tpu.memory_space<vmem>>, vector<1x50x128xf32>
    %get3A_3122 = vector.shape_cast %get3A_3121 : vector<1x50x128xf32> to vector<50x128xf32>
    %mul3A_3123 = arith.mulf %get3A_3122, %dot_general3A_3112 : vector<50x128xf32>
    %add3A_3124 = arith.addf %get3A_3117, %mul3A_3123 : vector<50x128xf32>
    %swap3A_3125 = arith.constant 111 : index
    %swap3A_3126 = arith.constant 0 : index
    %swap3A_3127 = arith.constant 0 : index
    %swap3A_3128 = vector.load %arg5[%swap3A_3125, %swap3A_3126, %swap3A_3127] : memref<128x50x128xf32, #tpu.memory_space<vmem>>, vector<1x50x128xf32>
    %swap3A_3129 = vector.shape_cast %swap3A_3128 : vector<1x50x128xf32> to vector<50x128xf32>
    %swap3A_3130 = vector.shape_cast %add3A_3124 : vector<50x128xf32> to vector<1x50x128xf32>
    tpu.vector_store %arg5[%swap3A_3125, %swap3A_3126, %swap3A_3127], %swap3A_3130 {strides = array<i32>} : memref<128x50x128xf32, #tpu.memory_space<vmem>>, vector<1x50x128xf32>,
    %get3A_3131 = arith.constant 112 : index
    %get3A_3132 = arith.constant 0 : index
    %get3A_3133 = arith.constant 0 : index
    %get3A_3134 = vector.load %arg1[%get3A_3131, %get3A_3132, %get3A_3133] : memref<128x50x128xf32, #tpu.memory_space<vmem>>, vector<1x50x128xf32>
    %get3A_3135 = vector.shape_cast %get3A_3134 : vector<1x50x128xf32> to vector<50x128xf32>
    %get3A_3136 = arith.constant 0 : index
    %get3A_3137 = arith.constant 0 : index
    %get3A_3138 = vector.load %arg4[%get3A_3136, %get3A_3137] : memref<128x128xf32, #tpu.memory_space<vmem>>, vector<128x128xf32>
    %dot_general3A_3139 = arith.constant dense<0.000000e+00> : vector<50x128xf32>
    %dot_general3A_3140 = tpu.matmul %get3A_3135, %get3A_3138, %dot_general3A_3139 {dimension_numbers = #tpu.dot_dimension_numbers<[1], [1], [0], [0], [0, 0, 1, 0], [], []>, transpose_lhs_hint = false} : vector<50x128xf32>, vector<128x128xf32>, vector<50x128xf32> -> vector<50x128xf32>
    %get3A_3141 = arith.constant 112 : index
    %get3A_3142 = arith.constant 0 : index
    %get3A_3143 = arith.constant 0 : index
    %get3A_3144 = vector.load %arg2[%get3A_3141, %get3A_3142, %get3A_3143] : memref<128x56x128xf32, #tpu.memory_space<vmem>>, vector<1x50x128xf32>
    %get3A_3145 = vector.shape_cast %get3A_3144 : vector<1x50x128xf32> to vector<50x128xf32>
    %get3A_3146 = arith.constant 112 : index
    %get3A_3147 = arith.constant 0 : index
    %get3A_3148 = arith.constant 0 : index
    %get3A_3149 = vector.load %arg3[%get3A_3146, %get3A_3147, %get3A_3148] : memref<128x56x128xf32, #tpu.memory_space<vmem>>, vector<1x50x128xf32>
    %get3A_3150 = vector.shape_cast %get3A_3149 : vector<1x50x128xf32> to vector<50x128xf32>
    %mul3A_3151 = arith.mulf %get3A_3150, %dot_general3A_3140 : vector<50x128xf32>
    %add3A_3152 = arith.addf %get3A_3145, %mul3A_3151 : vector<50x128xf32>
    %swap3A_3153 = arith.constant 112 : index
    %swap3A_3154 = arith.constant 0 : index
    %swap3A_3155 = arith.constant 0 : index
    %swap3A_3156 = vector.load %arg5[%swap3A_3153, %swap3A_3154, %swap3A_3155] : memref<128x50x128xf32, #tpu.memory_space<vmem>>, vector<1x50x128xf32>
    %swap3A_3157 = vector.shape_cast %swap3A_3156 : vector<1x50x128xf32> to vector<50x128xf32>
    %swap3A_3158 = vector.shape_cast %add3A_3152 : vector<50x128xf32> to vector<1x50x128xf32>
    tpu.vector_store %arg5[%swap3A_3153, %swap3A_3154, %swap3A_3155], %swap3A_3158 {strides = array<i32>} : memref<128x50x128xf32, #tpu.memory_space<vmem>>, vector<1x50x128xf32>,
    %get3A_3159 = arith.constant 113 : index
    %get3A_3160 = arith.constant 0 : index
    %get3A_3161 = arith.constant 0 : index
    %get3A_3162 = vector.load %arg1[%get3A_3159, %get3A_3160, %get3A_3161] : memref<128x50x128xf32, #tpu.memory_space<vmem>>, vector<1x50x128xf32>
    %get3A_3163 = vector.shape_cast %get3A_3162 : vector<1x50x128xf32> to vector<50x128xf32>
    %get3A_3164 = arith.constant 0 : index
    %get3A_3165 = arith.constant 0 : index
    %get3A_3166 = vector.load %arg4[%get3A_3164, %get3A_3165] : memref<128x128xf32, #tpu.memory_space<vmem>>, vector<128x128xf32>
    %dot_general3A_3167 = arith.constant dense<0.000000e+00> : vector<50x128xf32>
    %dot_general3A_3168 = tpu.matmul %get3A_3163, %get3A_3166, %dot_general3A_3167 {dimension_numbers = #tpu.dot_dimension_numbers<[1], [1], [0], [0], [0, 0, 1, 0], [], []>, transpose_lhs_hint = false} : vector<50x128xf32>, vector<128x128xf32>, vector<50x128xf32> -> vector<50x128xf32>
    %get3A_3169 = arith.constant 113 : index
    %get3A_3170 = arith.constant 0 : index
    %get3A_3171 = arith.constant 0 : index
    %get3A_3172 = vector.load %arg2[%get3A_3169, %get3A_3170, %get3A_3171] : memref<128x56x128xf32, #tpu.memory_space<vmem>>, vector<1x50x128xf32>
    %get3A_3173 = vector.shape_cast %get3A_3172 : vector<1x50x128xf32> to vector<50x128xf32>
    %get3A_3174 = arith.constant 113 : index
    %get3A_3175 = arith.constant 0 : index
    %get3A_3176 = arith.constant 0 : index
    %get3A_3177 = vector.load %arg3[%get3A_3174, %get3A_3175, %get3A_3176] : memref<128x56x128xf32, #tpu.memory_space<vmem>>, vector<1x50x128xf32>
    %get3A_3178 = vector.shape_cast %get3A_3177 : vector<1x50x128xf32> to vector<50x128xf32>
    %mul3A_3179 = arith.mulf %get3A_3178, %dot_general3A_3168 : vector<50x128xf32>
    %add3A_3180 = arith.addf %get3A_3173, %mul3A_3179 : vector<50x128xf32>
    %swap3A_3181 = arith.constant 113 : index
    %swap3A_3182 = arith.constant 0 : index
    %swap3A_3183 = arith.constant 0 : index
    %swap3A_3184 = vector.load %arg5[%swap3A_3181, %swap3A_3182, %swap3A_3183] : memref<128x50x128xf32, #tpu.memory_space<vmem>>, vector<1x50x128xf32>
    %swap3A_3185 = vector.shape_cast %swap3A_3184 : vector<1x50x128xf32> to vector<50x128xf32>
    %swap3A_3186 = vector.shape_cast %add3A_3180 : vector<50x128xf32> to vector<1x50x128xf32>
    tpu.vector_store %arg5[%swap3A_3181, %swap3A_3182, %swap3A_3183], %swap3A_3186 {strides = array<i32>} : memref<128x50x128xf32, #tpu.memory_space<vmem>>, vector<1x50x128xf32>,
    %get3A_3187 = arith.constant 114 : index
    %get3A_3188 = arith.constant 0 : index
    %get3A_3189 = arith.constant 0 : index
    %get3A_3190 = vector.load %arg1[%get3A_3187, %get3A_3188, %get3A_3189] : memref<128x50x128xf32, #tpu.memory_space<vmem>>, vector<1x50x128xf32>
    %get3A_3191 = vector.shape_cast %get3A_3190 : vector<1x50x128xf32> to vector<50x128xf32>
    %get3A_3192 = arith.constant 0 : index
    %get3A_3193 = arith.constant 0 : index
    %get3A_3194 = vector.load %arg4[%get3A_3192, %get3A_3193] : memref<128x128xf32, #tpu.memory_space<vmem>>, vector<128x128xf32>
    %dot_general3A_3195 = arith.constant dense<0.000000e+00> : vector<50x128xf32>
    %dot_general3A_3196 = tpu.matmul %get3A_3191, %get3A_3194, %dot_general3A_3195 {dimension_numbers = #tpu.dot_dimension_numbers<[1], [1], [0], [0], [0, 0, 1, 0], [], []>, transpose_lhs_hint = false} : vector<50x128xf32>, vector<128x128xf32>, vector<50x128xf32> -> vector<50x128xf32>
    %get3A_3197 = arith.constant 114 : index
    %get3A_3198 = arith.constant 0 : index
    %get3A_3199 = arith.constant 0 : index
    %get3A_3200 = vector.load %arg2[%get3A_3197, %get3A_3198, %get3A_3199] : memref<128x56x128xf32, #tpu.memory_space<vmem>>, vector<1x50x128xf32>
    %get3A_3201 = vector.shape_cast %get3A_3200 : vector<1x50x128xf32> to vector<50x128xf32>
    %get3A_3202 = arith.constant 114 : index
    %get3A_3203 = arith.constant 0 : index
    %get3A_3204 = arith.constant 0 : index
    %get3A_3205 = vector.load %arg3[%get3A_3202, %get3A_3203, %get3A_3204] : memref<128x56x128xf32, #tpu.memory_space<vmem>>, vector<1x50x128xf32>
    %get3A_3206 = vector.shape_cast %get3A_3205 : vector<1x50x128xf32> to vector<50x128xf32>
    %mul3A_3207 = arith.mulf %get3A_3206, %dot_general3A_3196 : vector<50x128xf32>
    %add3A_3208 = arith.addf %get3A_3201, %mul3A_3207 : vector<50x128xf32>
    %swap3A_3209 = arith.constant 114 : index
    %swap3A_3210 = arith.constant 0 : index
    %swap3A_3211 = arith.constant 0 : index
    %swap3A_3212 = vector.load %arg5[%swap3A_3209, %swap3A_3210, %swap3A_3211] : memref<128x50x128xf32, #tpu.memory_space<vmem>>, vector<1x50x128xf32>
    %swap3A_3213 = vector.shape_cast %swap3A_3212 : vector<1x50x128xf32> to vector<50x128xf32>
    %swap3A_3214 = vector.shape_cast %add3A_3208 : vector<50x128xf32> to vector<1x50x128xf32>
    tpu.vector_store %arg5[%swap3A_3209, %swap3A_3210, %swap3A_3211], %swap3A_3214 {strides = array<i32>} : memref<128x50x128xf32, #tpu.memory_space<vmem>>, vector<1x50x128xf32>,
    %get3A_3215 = arith.constant 115 : index
    %get3A_3216 = arith.constant 0 : index
    %get3A_3217 = arith.constant 0 : index
    %get3A_3218 = vector.load %arg1[%get3A_3215, %get3A_3216, %get3A_3217] : memref<128x50x128xf32, #tpu.memory_space<vmem>>, vector<1x50x128xf32>
    %get3A_3219 = vector.shape_cast %get3A_3218 : vector<1x50x128xf32> to vector<50x128xf32>
    %get3A_3220 = arith.constant 0 : index
    %get3A_3221 = arith.constant 0 : index
    %get3A_3222 = vector.load %arg4[%get3A_3220, %get3A_3221] : memref<128x128xf32, #tpu.memory_space<vmem>>, vector<128x128xf32>
    %dot_general3A_3223 = arith.constant dense<0.000000e+00> : vector<50x128xf32>
    %dot_general3A_3224 = tpu.matmul %get3A_3219, %get3A_3222, %dot_general3A_3223 {dimension_numbers = #tpu.dot_dimension_numbers<[1], [1], [0], [0], [0, 0, 1, 0], [], []>, transpose_lhs_hint = false} : vector<50x128xf32>, vector<128x128xf32>, vector<50x128xf32> -> vector<50x128xf32>
    %get3A_3225 = arith.constant 115 : index
    %get3A_3226 = arith.constant 0 : index
    %get3A_3227 = arith.constant 0 : index
    %get3A_3228 = vector.load %arg2[%get3A_3225, %get3A_3226, %get3A_3227] : memref<128x56x128xf32, #tpu.memory_space<vmem>>, vector<1x50x128xf32>
    %get3A_3229 = vector.shape_cast %get3A_3228 : vector<1x50x128xf32> to vector<50x128xf32>
    %get3A_3230 = arith.constant 115 : index
    %get3A_3231 = arith.constant 0 : index
    %get3A_3232 = arith.constant 0 : index
    %get3A_3233 = vector.load %arg3[%get3A_3230, %get3A_3231, %get3A_3232] : memref<128x56x128xf32, #tpu.memory_space<vmem>>, vector<1x50x128xf32>
    %get3A_3234 = vector.shape_cast %get3A_3233 : vector<1x50x128xf32> to vector<50x128xf32>
    %mul3A_3235 = arith.mulf %get3A_3234, %dot_general3A_3224 : vector<50x128xf32>
    %add3A_3236 = arith.addf %get3A_3229, %mul3A_3235 : vector<50x128xf32>
    %swap3A_3237 = arith.constant 115 : index
    %swap3A_3238 = arith.constant 0 : index
    %swap3A_3239 = arith.constant 0 : index
    %swap3A_3240 = vector.load %arg5[%swap3A_3237, %swap3A_3238, %swap3A_3239] : memref<128x50x128xf32, #tpu.memory_space<vmem>>, vector<1x50x128xf32>
    %swap3A_3241 = vector.shape_cast %swap3A_3240 : vector<1x50x128xf32> to vector<50x128xf32>
    %swap3A_3242 = vector.shape_cast %add3A_3236 : vector<50x128xf32> to vector<1x50x128xf32>
    tpu.vector_store %arg5[%swap3A_3237, %swap3A_3238, %swap3A_3239], %swap3A_3242 {strides = array<i32>} : memref<128x50x128xf32, #tpu.memory_space<vmem>>, vector<1x50x128xf32>,
    %get3A_3243 = arith.constant 116 : index
    %get3A_3244 = arith.constant 0 : index
    %get3A_3245 = arith.constant 0 : index
    %get3A_3246 = vector.load %arg1[%get3A_3243, %get3A_3244, %get3A_3245] : memref<128x50x128xf32, #tpu.memory_space<vmem>>, vector<1x50x128xf32>
    %get3A_3247 = vector.shape_cast %get3A_3246 : vector<1x50x128xf32> to vector<50x128xf32>
    %get3A_3248 = arith.constant 0 : index
    %get3A_3249 = arith.constant 0 : index
    %get3A_3250 = vector.load %arg4[%get3A_3248, %get3A_3249] : memref<128x128xf32, #tpu.memory_space<vmem>>, vector<128x128xf32>
    %dot_general3A_3251 = arith.constant dense<0.000000e+00> : vector<50x128xf32>
    %dot_general3A_3252 = tpu.matmul %get3A_3247, %get3A_3250, %dot_general3A_3251 {dimension_numbers = #tpu.dot_dimension_numbers<[1], [1], [0], [0], [0, 0, 1, 0], [], []>, transpose_lhs_hint = false} : vector<50x128xf32>, vector<128x128xf32>, vector<50x128xf32> -> vector<50x128xf32>
    %get3A_3253 = arith.constant 116 : index
    %get3A_3254 = arith.constant 0 : index
    %get3A_3255 = arith.constant 0 : index
    %get3A_3256 = vector.load %arg2[%get3A_3253, %get3A_3254, %get3A_3255] : memref<128x56x128xf32, #tpu.memory_space<vmem>>, vector<1x50x128xf32>
    %get3A_3257 = vector.shape_cast %get3A_3256 : vector<1x50x128xf32> to vector<50x128xf32>
    %get3A_3258 = arith.constant 116 : index
    %get3A_3259 = arith.constant 0 : index
    %get3A_3260 = arith.constant 0 : index
    %get3A_3261 = vector.load %arg3[%get3A_3258, %get3A_3259, %get3A_3260] : memref<128x56x128xf32, #tpu.memory_space<vmem>>, vector<1x50x128xf32>
    %get3A_3262 = vector.shape_cast %get3A_3261 : vector<1x50x128xf32> to vector<50x128xf32>
    %mul3A_3263 = arith.mulf %get3A_3262, %dot_general3A_3252 : vector<50x128xf32>
    %add3A_3264 = arith.addf %get3A_3257, %mul3A_3263 : vector<50x128xf32>
    %swap3A_3265 = arith.constant 116 : index
    %swap3A_3266 = arith.constant 0 : index
    %swap3A_3267 = arith.constant 0 : index
    %swap3A_3268 = vector.load %arg5[%swap3A_3265, %swap3A_3266, %swap3A_3267] : memref<128x50x128xf32, #tpu.memory_space<vmem>>, vector<1x50x128xf32>
    %swap3A_3269 = vector.shape_cast %swap3A_3268 : vector<1x50x128xf32> to vector<50x128xf32>
    %swap3A_3270 = vector.shape_cast %add3A_3264 : vector<50x128xf32> to vector<1x50x128xf32>
    tpu.vector_store %arg5[%swap3A_3265, %swap3A_3266, %swap3A_3267], %swap3A_3270 {strides = array<i32>} : memref<128x50x128xf32, #tpu.memory_space<vmem>>, vector<1x50x128xf32>,
    %get3A_3271 = arith.constant 117 : index
    %get3A_3272 = arith.constant 0 : index
    %get3A_3273 = arith.constant 0 : index
    %get3A_3274 = vector.load %arg1[%get3A_3271, %get3A_3272, %get3A_3273] : memref<128x50x128xf32, #tpu.memory_space<vmem>>, vector<1x50x128xf32>
    %get3A_3275 = vector.shape_cast %get3A_3274 : vector<1x50x128xf32> to vector<50x128xf32>
    %get3A_3276 = arith.constant 0 : index
    %get3A_3277 = arith.constant 0 : index
    %get3A_3278 = vector.load %arg4[%get3A_3276, %get3A_3277] : memref<128x128xf32, #tpu.memory_space<vmem>>, vector<128x128xf32>
    %dot_general3A_3279 = arith.constant dense<0.000000e+00> : vector<50x128xf32>
    %dot_general3A_3280 = tpu.matmul %get3A_3275, %get3A_3278, %dot_general3A_3279 {dimension_numbers = #tpu.dot_dimension_numbers<[1], [1], [0], [0], [0, 0, 1, 0], [], []>, transpose_lhs_hint = false} : vector<50x128xf32>, vector<128x128xf32>, vector<50x128xf32> -> vector<50x128xf32>
    %get3A_3281 = arith.constant 117 : index
    %get3A_3282 = arith.constant 0 : index
    %get3A_3283 = arith.constant 0 : index
    %get3A_3284 = vector.load %arg2[%get3A_3281, %get3A_3282, %get3A_3283] : memref<128x56x128xf32, #tpu.memory_space<vmem>>, vector<1x50x128xf32>
    %get3A_3285 = vector.shape_cast %get3A_3284 : vector<1x50x128xf32> to vector<50x128xf32>
    %get3A_3286 = arith.constant 117 : index
    %get3A_3287 = arith.constant 0 : index
    %get3A_3288 = arith.constant 0 : index
    %get3A_3289 = vector.load %arg3[%get3A_3286, %get3A_3287, %get3A_3288] : memref<128x56x128xf32, #tpu.memory_space<vmem>>, vector<1x50x128xf32>
    %get3A_3290 = vector.shape_cast %get3A_3289 : vector<1x50x128xf32> to vector<50x128xf32>
    %mul3A_3291 = arith.mulf %get3A_3290, %dot_general3A_3280 : vector<50x128xf32>
    %add3A_3292 = arith.addf %get3A_3285, %mul3A_3291 : vector<50x128xf32>
    %swap3A_3293 = arith.constant 117 : index
    %swap3A_3294 = arith.constant 0 : index
    %swap3A_3295 = arith.constant 0 : index
    %swap3A_3296 = vector.load %arg5[%swap3A_3293, %swap3A_3294, %swap3A_3295] : memref<128x50x128xf32, #tpu.memory_space<vmem>>, vector<1x50x128xf32>
    %swap3A_3297 = vector.shape_cast %swap3A_3296 : vector<1x50x128xf32> to vector<50x128xf32>
    %swap3A_3298 = vector.shape_cast %add3A_3292 : vector<50x128xf32> to vector<1x50x128xf32>
    tpu.vector_store %arg5[%swap3A_3293, %swap3A_3294, %swap3A_3295], %swap3A_3298 {strides = array<i32>} : memref<128x50x128xf32, #tpu.memory_space<vmem>>, vector<1x50x128xf32>,
    %get3A_3299 = arith.constant 118 : index
    %get3A_3300 = arith.constant 0 : index
    %get3A_3301 = arith.constant 0 : index
    %get3A_3302 = vector.load %arg1[%get3A_3299, %get3A_3300, %get3A_3301] : memref<128x50x128xf32, #tpu.memory_space<vmem>>, vector<1x50x128xf32>
    %get3A_3303 = vector.shape_cast %get3A_3302 : vector<1x50x128xf32> to vector<50x128xf32>
    %get3A_3304 = arith.constant 0 : index
    %get3A_3305 = arith.constant 0 : index
    %get3A_3306 = vector.load %arg4[%get3A_3304, %get3A_3305] : memref<128x128xf32, #tpu.memory_space<vmem>>, vector<128x128xf32>
    %dot_general3A_3307 = arith.constant dense<0.000000e+00> : vector<50x128xf32>
    %dot_general3A_3308 = tpu.matmul %get3A_3303, %get3A_3306, %dot_general3A_3307 {dimension_numbers = #tpu.dot_dimension_numbers<[1], [1], [0], [0], [0, 0, 1, 0], [], []>, transpose_lhs_hint = false} : vector<50x128xf32>, vector<128x128xf32>, vector<50x128xf32> -> vector<50x128xf32>
    %get3A_3309 = arith.constant 118 : index
    %get3A_3310 = arith.constant 0 : index
    %get3A_3311 = arith.constant 0 : index
    %get3A_3312 = vector.load %arg2[%get3A_3309, %get3A_3310, %get3A_3311] : memref<128x56x128xf32, #tpu.memory_space<vmem>>, vector<1x50x128xf32>
    %get3A_3313 = vector.shape_cast %get3A_3312 : vector<1x50x128xf32> to vector<50x128xf32>
    %get3A_3314 = arith.constant 118 : index
    %get3A_3315 = arith.constant 0 : index
    %get3A_3316 = arith.constant 0 : index
    %get3A_3317 = vector.load %arg3[%get3A_3314, %get3A_3315, %get3A_3316] : memref<128x56x128xf32, #tpu.memory_space<vmem>>, vector<1x50x128xf32>
    %get3A_3318 = vector.shape_cast %get3A_3317 : vector<1x50x128xf32> to vector<50x128xf32>
    %mul3A_3319 = arith.mulf %get3A_3318, %dot_general3A_3308 : vector<50x128xf32>
    %add3A_3320 = arith.addf %get3A_3313, %mul3A_3319 : vector<50x128xf32>
    %swap3A_3321 = arith.constant 118 : index
    %swap3A_3322 = arith.constant 0 : index
    %swap3A_3323 = arith.constant 0 : index
    %swap3A_3324 = vector.load %arg5[%swap3A_3321, %swap3A_3322, %swap3A_3323] : memref<128x50x128xf32, #tpu.memory_space<vmem>>, vector<1x50x128xf32>
    %swap3A_3325 = vector.shape_cast %swap3A_3324 : vector<1x50x128xf32> to vector<50x128xf32>
    %swap3A_3326 = vector.shape_cast %add3A_3320 : vector<50x128xf32> to vector<1x50x128xf32>
    tpu.vector_store %arg5[%swap3A_3321, %swap3A_3322, %swap3A_3323], %swap3A_3326 {strides = array<i32>} : memref<128x50x128xf32, #tpu.memory_space<vmem>>, vector<1x50x128xf32>,
    %get3A_3327 = arith.constant 119 : index
    %get3A_3328 = arith.constant 0 : index
    %get3A_3329 = arith.constant 0 : index
    %get3A_3330 = vector.load %arg1[%get3A_3327, %get3A_3328, %get3A_3329] : memref<128x50x128xf32, #tpu.memory_space<vmem>>, vector<1x50x128xf32>
    %get3A_3331 = vector.shape_cast %get3A_3330 : vector<1x50x128xf32> to vector<50x128xf32>
    %get3A_3332 = arith.constant 0 : index
    %get3A_3333 = arith.constant 0 : index
    %get3A_3334 = vector.load %arg4[%get3A_3332, %get3A_3333] : memref<128x128xf32, #tpu.memory_space<vmem>>, vector<128x128xf32>
    %dot_general3A_3335 = arith.constant dense<0.000000e+00> : vector<50x128xf32>
    %dot_general3A_3336 = tpu.matmul %get3A_3331, %get3A_3334, %dot_general3A_3335 {dimension_numbers = #tpu.dot_dimension_numbers<[1], [1], [0], [0], [0, 0, 1, 0], [], []>, transpose_lhs_hint = false} : vector<50x128xf32>, vector<128x128xf32>, vector<50x128xf32> -> vector<50x128xf32>
    %get3A_3337 = arith.constant 119 : index
    %get3A_3338 = arith.constant 0 : index
    %get3A_3339 = arith.constant 0 : index
    %get3A_3340 = vector.load %arg2[%get3A_3337, %get3A_3338, %get3A_3339] : memref<128x56x128xf32, #tpu.memory_space<vmem>>, vector<1x50x128xf32>
    %get3A_3341 = vector.shape_cast %get3A_3340 : vector<1x50x128xf32> to vector<50x128xf32>
    %get3A_3342 = arith.constant 119 : index
    %get3A_3343 = arith.constant 0 : index
    %get3A_3344 = arith.constant 0 : index
    %get3A_3345 = vector.load %arg3[%get3A_3342, %get3A_3343, %get3A_3344] : memref<128x56x128xf32, #tpu.memory_space<vmem>>, vector<1x50x128xf32>
    %get3A_3346 = vector.shape_cast %get3A_3345 : vector<1x50x128xf32> to vector<50x128xf32>
    %mul3A_3347 = arith.mulf %get3A_3346, %dot_general3A_3336 : vector<50x128xf32>
    %add3A_3348 = arith.addf %get3A_3341, %mul3A_3347 : vector<50x128xf32>
    %swap3A_3349 = arith.constant 119 : index
    %swap3A_3350 = arith.constant 0 : index
    %swap3A_3351 = arith.constant 0 : index
    %swap3A_3352 = vector.load %arg5[%swap3A_3349, %swap3A_3350, %swap3A_3351] : memref<128x50x128xf32, #tpu.memory_space<vmem>>, vector<1x50x128xf32>
    %swap3A_3353 = vector.shape_cast %swap3A_3352 : vector<1x50x128xf32> to vector<50x128xf32>
    %swap3A_3354 = vector.shape_cast %add3A_3348 : vector<50x128xf32> to vector<1x50x128xf32>
    tpu.vector_store %arg5[%swap3A_3349, %swap3A_3350, %swap3A_3351], %swap3A_3354 {strides = array<i32>} : memref<128x50x128xf32, #tpu.memory_space<vmem>>, vector<1x50x128xf32>,
    %get3A_3355 = arith.constant 120 : index
    %get3A_3356 = arith.constant 0 : index
    %get3A_3357 = arith.constant 0 : index
    %get3A_3358 = vector.load %arg1[%get3A_3355, %get3A_3356, %get3A_3357] : memref<128x50x128xf32, #tpu.memory_space<vmem>>, vector<1x50x128xf32>
    %get3A_3359 = vector.shape_cast %get3A_3358 : vector<1x50x128xf32> to vector<50x128xf32>
    %get3A_3360 = arith.constant 0 : index
    %get3A_3361 = arith.constant 0 : index
    %get3A_3362 = vector.load %arg4[%get3A_3360, %get3A_3361] : memref<128x128xf32, #tpu.memory_space<vmem>>, vector<128x128xf32>
    %dot_general3A_3363 = arith.constant dense<0.000000e+00> : vector<50x128xf32>
    %dot_general3A_3364 = tpu.matmul %get3A_3359, %get3A_3362, %dot_general3A_3363 {dimension_numbers = #tpu.dot_dimension_numbers<[1], [1], [0], [0], [0, 0, 1, 0], [], []>, transpose_lhs_hint = false} : vector<50x128xf32>, vector<128x128xf32>, vector<50x128xf32> -> vector<50x128xf32>
    %get3A_3365 = arith.constant 120 : index
    %get3A_3366 = arith.constant 0 : index
    %get3A_3367 = arith.constant 0 : index
    %get3A_3368 = vector.load %arg2[%get3A_3365, %get3A_3366, %get3A_3367] : memref<128x56x128xf32, #tpu.memory_space<vmem>>, vector<1x50x128xf32>
    %get3A_3369 = vector.shape_cast %get3A_3368 : vector<1x50x128xf32> to vector<50x128xf32>
    %get3A_3370 = arith.constant 120 : index
    %get3A_3371 = arith.constant 0 : index
    %get3A_3372 = arith.constant 0 : index
    %get3A_3373 = vector.load %arg3[%get3A_3370, %get3A_3371, %get3A_3372] : memref<128x56x128xf32, #tpu.memory_space<vmem>>, vector<1x50x128xf32>
    %get3A_3374 = vector.shape_cast %get3A_3373 : vector<1x50x128xf32> to vector<50x128xf32>
    %mul3A_3375 = arith.mulf %get3A_3374, %dot_general3A_3364 : vector<50x128xf32>
    %add3A_3376 = arith.addf %get3A_3369, %mul3A_3375 : vector<50x128xf32>
    %swap3A_3377 = arith.constant 120 : index
    %swap3A_3378 = arith.constant 0 : index
    %swap3A_3379 = arith.constant 0 : index
    %swap3A_3380 = vector.load %arg5[%swap3A_3377, %swap3A_3378, %swap3A_3379] : memref<128x50x128xf32, #tpu.memory_space<vmem>>, vector<1x50x128xf32>
    %swap3A_3381 = vector.shape_cast %swap3A_3380 : vector<1x50x128xf32> to vector<50x128xf32>
    %swap3A_3382 = vector.shape_cast %add3A_3376 : vector<50x128xf32> to vector<1x50x128xf32>
    tpu.vector_store %arg5[%swap3A_3377, %swap3A_3378, %swap3A_3379], %swap3A_3382 {strides = array<i32>} : memref<128x50x128xf32, #tpu.memory_space<vmem>>, vector<1x50x128xf32>,
    %get3A_3383 = arith.constant 121 : index
    %get3A_3384 = arith.constant 0 : index
    %get3A_3385 = arith.constant 0 : index
    %get3A_3386 = vector.load %arg1[%get3A_3383, %get3A_3384, %get3A_3385] : memref<128x50x128xf32, #tpu.memory_space<vmem>>, vector<1x50x128xf32>
    %get3A_3387 = vector.shape_cast %get3A_3386 : vector<1x50x128xf32> to vector<50x128xf32>
    %get3A_3388 = arith.constant 0 : index
    %get3A_3389 = arith.constant 0 : index
    %get3A_3390 = vector.load %arg4[%get3A_3388, %get3A_3389] : memref<128x128xf32, #tpu.memory_space<vmem>>, vector<128x128xf32>
    %dot_general3A_3391 = arith.constant dense<0.000000e+00> : vector<50x128xf32>
    %dot_general3A_3392 = tpu.matmul %get3A_3387, %get3A_3390, %dot_general3A_3391 {dimension_numbers = #tpu.dot_dimension_numbers<[1], [1], [0], [0], [0, 0, 1, 0], [], []>, transpose_lhs_hint = false} : vector<50x128xf32>, vector<128x128xf32>, vector<50x128xf32> -> vector<50x128xf32>
    %get3A_3393 = arith.constant 121 : index
    %get3A_3394 = arith.constant 0 : index
    %get3A_3395 = arith.constant 0 : index
    %get3A_3396 = vector.load %arg2[%get3A_3393, %get3A_3394, %get3A_3395] : memref<128x56x128xf32, #tpu.memory_space<vmem>>, vector<1x50x128xf32>
    %get3A_3397 = vector.shape_cast %get3A_3396 : vector<1x50x128xf32> to vector<50x128xf32>
    %get3A_3398 = arith.constant 121 : index
    %get3A_3399 = arith.constant 0 : index
    %get3A_3400 = arith.constant 0 : index
    %get3A_3401 = vector.load %arg3[%get3A_3398, %get3A_3399, %get3A_3400] : memref<128x56x128xf32, #tpu.memory_space<vmem>>, vector<1x50x128xf32>
    %get3A_3402 = vector.shape_cast %get3A_3401 : vector<1x50x128xf32> to vector<50x128xf32>
    %mul3A_3403 = arith.mulf %get3A_3402, %dot_general3A_3392 : vector<50x128xf32>
    %add3A_3404 = arith.addf %get3A_3397, %mul3A_3403 : vector<50x128xf32>
    %swap3A_3405 = arith.constant 121 : index
    %swap3A_3406 = arith.constant 0 : index
    %swap3A_3407 = arith.constant 0 : index
    %swap3A_3408 = vector.load %arg5[%swap3A_3405, %swap3A_3406, %swap3A_3407] : memref<128x50x128xf32, #tpu.memory_space<vmem>>, vector<1x50x128xf32>
    %swap3A_3409 = vector.shape_cast %swap3A_3408 : vector<1x50x128xf32> to vector<50x128xf32>
    %swap3A_3410 = vector.shape_cast %add3A_3404 : vector<50x128xf32> to vector<1x50x128xf32>
    tpu.vector_store %arg5[%swap3A_3405, %swap3A_3406, %swap3A_3407], %swap3A_3410 {strides = array<i32>} : memref<128x50x128xf32, #tpu.memory_space<vmem>>, vector<1x50x128xf32>,
    %get3A_3411 = arith.constant 122 : index
    %get3A_3412 = arith.constant 0 : index
    %get3A_3413 = arith.constant 0 : index
    %get3A_3414 = vector.load %arg1[%get3A_3411, %get3A_3412, %get3A_3413] : memref<128x50x128xf32, #tpu.memory_space<vmem>>, vector<1x50x128xf32>
    %get3A_3415 = vector.shape_cast %get3A_3414 : vector<1x50x128xf32> to vector<50x128xf32>
    %get3A_3416 = arith.constant 0 : index
    %get3A_3417 = arith.constant 0 : index
    %get3A_3418 = vector.load %arg4[%get3A_3416, %get3A_3417] : memref<128x128xf32, #tpu.memory_space<vmem>>, vector<128x128xf32>
    %dot_general3A_3419 = arith.constant dense<0.000000e+00> : vector<50x128xf32>
    %dot_general3A_3420 = tpu.matmul %get3A_3415, %get3A_3418, %dot_general3A_3419 {dimension_numbers = #tpu.dot_dimension_numbers<[1], [1], [0], [0], [0, 0, 1, 0], [], []>, transpose_lhs_hint = false} : vector<50x128xf32>, vector<128x128xf32>, vector<50x128xf32> -> vector<50x128xf32>
    %get3A_3421 = arith.constant 122 : index
    %get3A_3422 = arith.constant 0 : index
    %get3A_3423 = arith.constant 0 : index
    %get3A_3424 = vector.load %arg2[%get3A_3421, %get3A_3422, %get3A_3423] : memref<128x56x128xf32, #tpu.memory_space<vmem>>, vector<1x50x128xf32>
    %get3A_3425 = vector.shape_cast %get3A_3424 : vector<1x50x128xf32> to vector<50x128xf32>
    %get3A_3426 = arith.constant 122 : index
    %get3A_3427 = arith.constant 0 : index
    %get3A_3428 = arith.constant 0 : index
    %get3A_3429 = vector.load %arg3[%get3A_3426, %get3A_3427, %get3A_3428] : memref<128x56x128xf32, #tpu.memory_space<vmem>>, vector<1x50x128xf32>
    %get3A_3430 = vector.shape_cast %get3A_3429 : vector<1x50x128xf32> to vector<50x128xf32>
    %mul3A_3431 = arith.mulf %get3A_3430, %dot_general3A_3420 : vector<50x128xf32>
    %add3A_3432 = arith.addf %get3A_3425, %mul3A_3431 : vector<50x128xf32>
    %swap3A_3433 = arith.constant 122 : index
    %swap3A_3434 = arith.constant 0 : index
    %swap3A_3435 = arith.constant 0 : index
    %swap3A_3436 = vector.load %arg5[%swap3A_3433, %swap3A_3434, %swap3A_3435] : memref<128x50x128xf32, #tpu.memory_space<vmem>>, vector<1x50x128xf32>
    %swap3A_3437 = vector.shape_cast %swap3A_3436 : vector<1x50x128xf32> to vector<50x128xf32>
    %swap3A_3438 = vector.shape_cast %add3A_3432 : vector<50x128xf32> to vector<1x50x128xf32>
    tpu.vector_store %arg5[%swap3A_3433, %swap3A_3434, %swap3A_3435], %swap3A_3438 {strides = array<i32>} : memref<128x50x128xf32, #tpu.memory_space<vmem>>, vector<1x50x128xf32>,
    %get3A_3439 = arith.constant 123 : index
    %get3A_3440 = arith.constant 0 : index
    %get3A_3441 = arith.constant 0 : index
    %get3A_3442 = vector.load %arg1[%get3A_3439, %get3A_3440, %get3A_3441] : memref<128x50x128xf32, #tpu.memory_space<vmem>>, vector<1x50x128xf32>
    %get3A_3443 = vector.shape_cast %get3A_3442 : vector<1x50x128xf32> to vector<50x128xf32>
    %get3A_3444 = arith.constant 0 : index
    %get3A_3445 = arith.constant 0 : index
    %get3A_3446 = vector.load %arg4[%get3A_3444, %get3A_3445] : memref<128x128xf32, #tpu.memory_space<vmem>>, vector<128x128xf32>
    %dot_general3A_3447 = arith.constant dense<0.000000e+00> : vector<50x128xf32>
    %dot_general3A_3448 = tpu.matmul %get3A_3443, %get3A_3446, %dot_general3A_3447 {dimension_numbers = #tpu.dot_dimension_numbers<[1], [1], [0], [0], [0, 0, 1, 0], [], []>, transpose_lhs_hint = false} : vector<50x128xf32>, vector<128x128xf32>, vector<50x128xf32> -> vector<50x128xf32>
    %get3A_3449 = arith.constant 123 : index
    %get3A_3450 = arith.constant 0 : index
    %get3A_3451 = arith.constant 0 : index
    %get3A_3452 = vector.load %arg2[%get3A_3449, %get3A_3450, %get3A_3451] : memref<128x56x128xf32, #tpu.memory_space<vmem>>, vector<1x50x128xf32>
    %get3A_3453 = vector.shape_cast %get3A_3452 : vector<1x50x128xf32> to vector<50x128xf32>
    %get3A_3454 = arith.constant 123 : index
    %get3A_3455 = arith.constant 0 : index
    %get3A_3456 = arith.constant 0 : index
    %get3A_3457 = vector.load %arg3[%get3A_3454, %get3A_3455, %get3A_3456] : memref<128x56x128xf32, #tpu.memory_space<vmem>>, vector<1x50x128xf32>
    %get3A_3458 = vector.shape_cast %get3A_3457 : vector<1x50x128xf32> to vector<50x128xf32>
    %mul3A_3459 = arith.mulf %get3A_3458, %dot_general3A_3448 : vector<50x128xf32>
    %add3A_3460 = arith.addf %get3A_3453, %mul3A_3459 : vector<50x128xf32>
    %swap3A_3461 = arith.constant 123 : index
    %swap3A_3462 = arith.constant 0 : index
    %swap3A_3463 = arith.constant 0 : index
    %swap3A_3464 = vector.load %arg5[%swap3A_3461, %swap3A_3462, %swap3A_3463] : memref<128x50x128xf32, #tpu.memory_space<vmem>>, vector<1x50x128xf32>
    %swap3A_3465 = vector.shape_cast %swap3A_3464 : vector<1x50x128xf32> to vector<50x128xf32>
    %swap3A_3466 = vector.shape_cast %add3A_3460 : vector<50x128xf32> to vector<1x50x128xf32>
    tpu.vector_store %arg5[%swap3A_3461, %swap3A_3462, %swap3A_3463], %swap3A_3466 {strides = array<i32>} : memref<128x50x128xf32, #tpu.memory_space<vmem>>, vector<1x50x128xf32>,
    %get3A_3467 = arith.constant 124 : index
    %get3A_3468 = arith.constant 0 : index
    %get3A_3469 = arith.constant 0 : index
    %get3A_3470 = vector.load %arg1[%get3A_3467, %get3A_3468, %get3A_3469] : memref<128x50x128xf32, #tpu.memory_space<vmem>>, vector<1x50x128xf32>
    %get3A_3471 = vector.shape_cast %get3A_3470 : vector<1x50x128xf32> to vector<50x128xf32>
    %get3A_3472 = arith.constant 0 : index
    %get3A_3473 = arith.constant 0 : index
    %get3A_3474 = vector.load %arg4[%get3A_3472, %get3A_3473] : memref<128x128xf32, #tpu.memory_space<vmem>>, vector<128x128xf32>
    %dot_general3A_3475 = arith.constant dense<0.000000e+00> : vector<50x128xf32>
    %dot_general3A_3476 = tpu.matmul %get3A_3471, %get3A_3474, %dot_general3A_3475 {dimension_numbers = #tpu.dot_dimension_numbers<[1], [1], [0], [0], [0, 0, 1, 0], [], []>, transpose_lhs_hint = false} : vector<50x128xf32>, vector<128x128xf32>, vector<50x128xf32> -> vector<50x128xf32>
    %get3A_3477 = arith.constant 124 : index
    %get3A_3478 = arith.constant 0 : index
    %get3A_3479 = arith.constant 0 : index
    %get3A_3480 = vector.load %arg2[%get3A_3477, %get3A_3478, %get3A_3479] : memref<128x56x128xf32, #tpu.memory_space<vmem>>, vector<1x50x128xf32>
    %get3A_3481 = vector.shape_cast %get3A_3480 : vector<1x50x128xf32> to vector<50x128xf32>
    %get3A_3482 = arith.constant 124 : index
    %get3A_3483 = arith.constant 0 : index
    %get3A_3484 = arith.constant 0 : index
    %get3A_3485 = vector.load %arg3[%get3A_3482, %get3A_3483, %get3A_3484] : memref<128x56x128xf32, #tpu.memory_space<vmem>>, vector<1x50x128xf32>
    %get3A_3486 = vector.shape_cast %get3A_3485 : vector<1x50x128xf32> to vector<50x128xf32>
    %mul3A_3487 = arith.mulf %get3A_3486, %dot_general3A_3476 : vector<50x128xf32>
    %add3A_3488 = arith.addf %get3A_3481, %mul3A_3487 : vector<50x128xf32>
    %swap3A_3489 = arith.constant 124 : index
    %swap3A_3490 = arith.constant 0 : index
    %swap3A_3491 = arith.constant 0 : index
    %swap3A_3492 = vector.load %arg5[%swap3A_3489, %swap3A_3490, %swap3A_3491] : memref<128x50x128xf32, #tpu.memory_space<vmem>>, vector<1x50x128xf32>
    %swap3A_3493 = vector.shape_cast %swap3A_3492 : vector<1x50x128xf32> to vector<50x128xf32>
    %swap3A_3494 = vector.shape_cast %add3A_3488 : vector<50x128xf32> to vector<1x50x128xf32>
    tpu.vector_store %arg5[%swap3A_3489, %swap3A_3490, %swap3A_3491], %swap3A_3494 {strides = array<i32>} : memref<128x50x128xf32, #tpu.memory_space<vmem>>, vector<1x50x128xf32>,
    %get3A_3495 = arith.constant 125 : index
    %get3A_3496 = arith.constant 0 : index
    %get3A_3497 = arith.constant 0 : index
    %get3A_3498 = vector.load %arg1[%get3A_3495, %get3A_3496, %get3A_3497] : memref<128x50x128xf32, #tpu.memory_space<vmem>>, vector<1x50x128xf32>
    %get3A_3499 = vector.shape_cast %get3A_3498 : vector<1x50x128xf32> to vector<50x128xf32>
    %get3A_3500 = arith.constant 0 : index
    %get3A_3501 = arith.constant 0 : index
    %get3A_3502 = vector.load %arg4[%get3A_3500, %get3A_3501] : memref<128x128xf32, #tpu.memory_space<vmem>>, vector<128x128xf32>
    %dot_general3A_3503 = arith.constant dense<0.000000e+00> : vector<50x128xf32>
    %dot_general3A_3504 = tpu.matmul %get3A_3499, %get3A_3502, %dot_general3A_3503 {dimension_numbers = #tpu.dot_dimension_numbers<[1], [1], [0], [0], [0, 0, 1, 0], [], []>, transpose_lhs_hint = false} : vector<50x128xf32>, vector<128x128xf32>, vector<50x128xf32> -> vector<50x128xf32>
    %get3A_3505 = arith.constant 125 : index
    %get3A_3506 = arith.constant 0 : index
    %get3A_3507 = arith.constant 0 : index
    %get3A_3508 = vector.load %arg2[%get3A_3505, %get3A_3506, %get3A_3507] : memref<128x56x128xf32, #tpu.memory_space<vmem>>, vector<1x50x128xf32>
    %get3A_3509 = vector.shape_cast %get3A_3508 : vector<1x50x128xf32> to vector<50x128xf32>
    %get3A_3510 = arith.constant 125 : index
    %get3A_3511 = arith.constant 0 : index
    %get3A_3512 = arith.constant 0 : index
    %get3A_3513 = vector.load %arg3[%get3A_3510, %get3A_3511, %get3A_3512] : memref<128x56x128xf32, #tpu.memory_space<vmem>>, vector<1x50x128xf32>
    %get3A_3514 = vector.shape_cast %get3A_3513 : vector<1x50x128xf32> to vector<50x128xf32>
    %mul3A_3515 = arith.mulf %get3A_3514, %dot_general3A_3504 : vector<50x128xf32>
    %add3A_3516 = arith.addf %get3A_3509, %mul3A_3515 : vector<50x128xf32>
    %swap3A_3517 = arith.constant 125 : index
    %swap3A_3518 = arith.constant 0 : index
    %swap3A_3519 = arith.constant 0 : index
    %swap3A_3520 = vector.load %arg5[%swap3A_3517, %swap3A_3518, %swap3A_3519] : memref<128x50x128xf32, #tpu.memory_space<vmem>>, vector<1x50x128xf32>
    %swap3A_3521 = vector.shape_cast %swap3A_3520 : vector<1x50x128xf32> to vector<50x128xf32>
    %swap3A_3522 = vector.shape_cast %add3A_3516 : vector<50x128xf32> to vector<1x50x128xf32>
    tpu.vector_store %arg5[%swap3A_3517, %swap3A_3518, %swap3A_3519], %swap3A_3522 {strides = array<i32>} : memref<128x50x128xf32, #tpu.memory_space<vmem>>, vector<1x50x128xf32>,
    %get3A_3523 = arith.constant 126 : index
    %get3A_3524 = arith.constant 0 : index
    %get3A_3525 = arith.constant 0 : index
    %get3A_3526 = vector.load %arg1[%get3A_3523, %get3A_3524, %get3A_3525] : memref<128x50x128xf32, #tpu.memory_space<vmem>>, vector<1x50x128xf32>
    %get3A_3527 = vector.shape_cast %get3A_3526 : vector<1x50x128xf32> to vector<50x128xf32>
    %get3A_3528 = arith.constant 0 : index
    %get3A_3529 = arith.constant 0 : index
    %get3A_3530 = vector.load %arg4[%get3A_3528, %get3A_3529] : memref<128x128xf32, #tpu.memory_space<vmem>>, vector<128x128xf32>
    %dot_general3A_3531 = arith.constant dense<0.000000e+00> : vector<50x128xf32>
    %dot_general3A_3532 = tpu.matmul %get3A_3527, %get3A_3530, %dot_general3A_3531 {dimension_numbers = #tpu.dot_dimension_numbers<[1], [1], [0], [0], [0, 0, 1, 0], [], []>, transpose_lhs_hint = false} : vector<50x128xf32>, vector<128x128xf32>, vector<50x128xf32> -> vector<50x128xf32>
    %get3A_3533 = arith.constant 126 : index
    %get3A_3534 = arith.constant 0 : index
    %get3A_3535 = arith.constant 0 : index
    %get3A_3536 = vector.load %arg2[%get3A_3533, %get3A_3534, %get3A_3535] : memref<128x56x128xf32, #tpu.memory_space<vmem>>, vector<1x50x128xf32>
    %get3A_3537 = vector.shape_cast %get3A_3536 : vector<1x50x128xf32> to vector<50x128xf32>
    %get3A_3538 = arith.constant 126 : index
    %get3A_3539 = arith.constant 0 : index
    %get3A_3540 = arith.constant 0 : index
    %get3A_3541 = vector.load %arg3[%get3A_3538, %get3A_3539, %get3A_3540] : memref<128x56x128xf32, #tpu.memory_space<vmem>>, vector<1x50x128xf32>
    %get3A_3542 = vector.shape_cast %get3A_3541 : vector<1x50x128xf32> to vector<50x128xf32>
    %mul3A_3543 = arith.mulf %get3A_3542, %dot_general3A_3532 : vector<50x128xf32>
    %add3A_3544 = arith.addf %get3A_3537, %mul3A_3543 : vector<50x128xf32>
    %swap3A_3545 = arith.constant 126 : index
    %swap3A_3546 = arith.constant 0 : index
    %swap3A_3547 = arith.constant 0 : index
    %swap3A_3548 = vector.load %arg5[%swap3A_3545, %swap3A_3546, %swap3A_3547] : memref<128x50x128xf32, #tpu.memory_space<vmem>>, vector<1x50x128xf32>
    %swap3A_3549 = vector.shape_cast %swap3A_3548 : vector<1x50x128xf32> to vector<50x128xf32>
    %swap3A_3550 = vector.shape_cast %add3A_3544 : vector<50x128xf32> to vector<1x50x128xf32>
    tpu.vector_store %arg5[%swap3A_3545, %swap3A_3546, %swap3A_3547], %swap3A_3550 {strides = array<i32>} : memref<128x50x128xf32, #tpu.memory_space<vmem>>, vector<1x50x128xf32>,
    %get3A_3551 = arith.constant 127 : index
    %get3A_3552 = arith.constant 0 : index
    %get3A_3553 = arith.constant 0 : index
    %get3A_3554 = vector.load %arg1[%get3A_3551, %get3A_3552, %get3A_3553] : memref<128x50x128xf32, #tpu.memory_space<vmem>>, vector<1x50x128xf32>
    %get3A_3555 = vector.shape_cast %get3A_3554 : vector<1x50x128xf32> to vector<50x128xf32>
    %get3A_3556 = arith.constant 0 : index
    %get3A_3557 = arith.constant 0 : index
    %get3A_3558 = vector.load %arg4[%get3A_3556, %get3A_3557] : memref<128x128xf32, #tpu.memory_space<vmem>>, vector<128x128xf32>
    %dot_general3A_3559 = arith.constant dense<0.000000e+00> : vector<50x128xf32>
    %dot_general3A_3560 = tpu.matmul %get3A_3555, %get3A_3558, %dot_general3A_3559 {dimension_numbers = #tpu.dot_dimension_numbers<[1], [1], [0], [0], [0, 0, 1, 0], [], []>, transpose_lhs_hint = false} : vector<50x128xf32>, vector<128x128xf32>, vector<50x128xf32> -> vector<50x128xf32>
    %get3A_3561 = arith.constant 127 : index
    %get3A_3562 = arith.constant 0 : index
    %get3A_3563 = arith.constant 0 : index
    %get3A_3564 = vector.load %arg2[%get3A_3561, %get3A_3562, %get3A_3563] : memref<128x56x128xf32, #tpu.memory_space<vmem>>, vector<1x50x128xf32>
    %get3A_3565 = vector.shape_cast %get3A_3564 : vector<1x50x128xf32> to vector<50x128xf32>
    %get3A_3566 = arith.constant 127 : index
    %get3A_3567 = arith.constant 0 : index
    %get3A_3568 = arith.constant 0 : index
    %get3A_3569 = vector.load %arg3[%get3A_3566, %get3A_3567, %get3A_3568] : memref<128x56x128xf32, #tpu.memory_space<vmem>>, vector<1x50x128xf32>
    %get3A_3570 = vector.shape_cast %get3A_3569 : vector<1x50x128xf32> to vector<50x128xf32>
    %mul3A_3571 = arith.mulf %get3A_3570, %dot_general3A_3560 : vector<50x128xf32>
    %add3A_3572 = arith.addf %get3A_3565, %mul3A_3571 : vector<50x128xf32>
    %swap3A_3573 = arith.constant 127 : index
    %swap3A_3574 = arith.constant 0 : index
    %swap3A_3575 = arith.constant 0 : index
    %swap3A_3576 = vector.load %arg5[%swap3A_3573, %swap3A_3574, %swap3A_3575] : memref<128x50x128xf32, #tpu.memory_space<vmem>>, vector<1x50x128xf32>
    %swap3A_3577 = vector.shape_cast %swap3A_3576 : vector<1x50x128xf32> to vector<50x128xf32>
    %swap3A_3578 = vector.shape_cast %add3A_3572 : vector<50x128xf32> to vector<1x50x128xf32>
    tpu.vector_store %arg5[%swap3A_3573, %swap3A_3574, %swap3A_3575], %swap3A_3578 {strides = array<i32>} : memref<128x50x128xf32, #tpu.memory_space<vmem>>, vector<1x50x128xf32>,
    return
  }
  func.func @transform_0(%arg0: i32) -> (i32, i32, i32) {
    %c0_i32 = arith.constant 0 : i32
    %c0_i32_0 = arith.constant 0 : i32
    %c0_i32_1 = arith.constant 0 : i32
    return %arg0, %c0_i32, %c0_i32_0 : i32, i32, i32
  }
  func.func @transform_1(%arg0: i32) -> (i32, i32, i32) {
    %c0_i32 = arith.constant 0 : i32
    %c0_i32_0 = arith.constant 0 : i32
    %c0_i32_1 = arith.constant 0 : i32
    return %arg0, %c0_i32, %c0_i32_0 : i32, i32, i32
  }
  func.func @transform_2(%arg0: i32) -> (i32, i32, i32) {
    %c0_i32 = arith.constant 0 : i32
    %c0_i32_0 = arith.constant 0 : i32
    %c0_i32_1 = arith.constant 0 : i32
    return %arg0, %c0_i32, %c0_i32_0 : i32, i32, i32
  }
  func.func @transform_3(%arg0: i32) -> (i32, i32) {
    %c0_i32 = arith.constant 0 : i32
    %c0_i32_0 = arith.constant 0 : i32
    %c0_i32_1 = arith.constant 0 : i32
    return %c0_i32, %c0_i32_0 : i32, i32
  }
  func.func @transform_4(%arg0: i32) -> (i32, i32, i32) {
    %c0_i32 = arith.constant 0 : i32
    %c0_i32_0 = arith.constant 0 : i32
    %c0_i32_1 = arith.constant 0 : i32
    return %arg0, %c0_i32, %c0_i32_0 : i32, i32, i32
  }
}

</mosaic_0001>

<sc_bundles>
// kernel: kernel.4.cloned.1.call-start
scs
__scs_entry_jumppad:
0x0: {  	(pc) =	sbr.rel $0x88, $3  }
0x1: {  	(tag) =	ssettag $0x0;
	lr =	simm.s32 $0x1  }
0x2: {  	[smem:$0x3F9C] =	sst lr;
	_ =	strace $0xD0000000  }
0x3: {  	_ = 	snop  }
0x4: {  	_ = 	snop  }
0x5: {  	_ = 	snop  }
0x6: {  	_ = 	snop  }
0x7: {  	_ = 	snop  }
__scs_overlays_trampoline_lowered:
0x8: {  	[smem:$0x3FAB] =	sst s0  }
0x9: {  	[smem:$0x3FAC] =	sst s1  }
0xa: {  	[smem:$0x3FAD] =	sst s2  }
0xb: {  	[smem:$0x3FAE] =	sst s3  }
0xc: {  	[smem:$0x3FAF] =	sst s4  }
0xd: {  	[smem:$0x3FB0] =	sst s5  }
0xe: {  	[smem:$0x3FB1] =	sst s6  }
0xf: {  	[smem:$0x3FB2] =	sst s7  }
0x10: {  	[smem:$0x3FB3] =	sst s8  }
0x11: {  	[smem:$0x3FB4] =	sst s9;
	s0 =	simm.s32 @!p0 $0x0  }
0x12: {  	s1 =	sld [smem:$0x3F9A];
	s0 =	simm.s32 @p0 $0x1  }
0x13: {  	[smem:$0x3FB5] =	sst s0;
	s0 =	simm.s32 @!p1 $0x0  }
0x14: {  	s2 =	sld [smem:$0x3F99];
	s0 =	simm.s32 @p1 $0x1  }
0x15: {  	[smem:$0x3FB6] =	sst s0;
	s0 =	simm.s32 @!p2 $0x0  }
0x16: {  	s3 =	sld [smem:$0x3FDB];
	s0 =	simm.s32 @p2 $0x1  }
0x17: {  	s4 =	simm.s32 $0x1BF5;
	[smem:$0x3FB8] =	sst s0  }
0x18: {  	s0 =	sld [smem:$0x3F9B];
	_ =	swait.ge [sflag:s4], $0x0  }
0x19: {  	s7 =	sld [smem:$0x3F9C]  }
0x1a: {  	s8 =	sadd.s32 $0xFFFFE003, lr  }
0x1b: {  	s9 =	sadd.s32 $0xFFFFFEF7, lr;
	s5 =	simm.s32 $0xFFFFFFFF;
	p2 =	slt.u32 s8, $0xFFFFF086  }
0x1c: {  	p1 =	slt.u32 s9, $0xF7A;
	s5 =	simm.s32 @!p2 $0x0  }
0x1d: {  	s5 =	simm.s32 @p1 $0x1;
	p0 =	seq.s32 s7, s2  }
0x1e: {  	s7 =	smul.u32 @!p0 $0xF7A, s2;
	p2 =	seq.s32 @!p0 s5, $0x0  }
0x1f: {  	s9 =	smul.u32 $0xF7A, s1;
	s8 =	simm.s32 @!p0 $0x1BF5;
	p2 =	por !p2, p0  }
0x20: {  	[sflag:s8] =	ssyncset.s32 @!p0 $0xFFFFF086;
	s6 =	sadd.s32 @!p0 s3, s7;
	s7 =	simm.s32 @!p0 $0x108  }
0x21: {  	s3 =	sadd.s32 s3, s9;
	s6 =	sadd.s32 @!p0 $0x88, s6;
	s7 =	simm.s32 @p2 $0x1082  }
0x22: {  	[simem:s7], [sflag:s8] =	dma.local @!p0 [hbm:s6], $0xF7A  }
0x23: {  	s9 =	sor.u32 $0xD0000000, s2;
	s6 =	simm.s32 $0x108;
	_ =	swait.ge @!p0 [sflag:s8], $0x0  }
0x24: {  	s3 =	sadd.s32 $0x88, s3;
	s6 =	simm.s32 @!p1 $0x1082;
	[sflag:s4] =	ssyncset.s32 $0xFFFFF086  }
0x25: {  	[simem:s6], [sflag:s4] =	dma.local [hbm:s3], $0xF7A  }
0x26: {  	[smem:$0x3F9C] =	sst s1;
	(tag) =	ssettag s2;
	_ =	strace s9  }
0x27: {  	s1 =	sld [smem:$0x3FAC]  }
0x28: {  	s2 =	sld [smem:$0x3FAD]  }
0x29: {  	s4 =	sld [smem:$0x3FAF]  }
0x2a: {  	p0 =	seq.s32 s5, $0x0;
	s5 =	sld [smem:$0x3FB0]  }
0x2b: {  	s6 =	sld [smem:$0x3FB1]  }
0x2c: {  	s7 =	sld [smem:$0x3FB2]  }
0x2d: {  	s3 =	simm.s32 $0x108;
	s8 =	sld [smem:$0x3FB3]  }
0x2e: {  	s3 =	simm.s32 @!p0 $0x1082;
	s9 =	sld [smem:$0x3FB4]  }
0x2f: {  	lr =	sadd.s32 s0, s3;
	s0 =	sld [smem:$0x3FAB]  }
0x30: {  	s3 =	sld [smem:$0x3FAE]  }
0x31: {  	[smem:$0x3FB7] =	sst s10  }
0x32: {  	s10 =	sld [smem:$0x3FB5];
	_ =	sdelay $0x3  }
0x33: {  	p0 =	seq.s32 s10, $0x1;
	s10 =	sld [smem:$0x3FB7];
	_ =	sdelay $0x3  }
0x34: {  	[smem:$0x3FB7] =	sst s10  }
0x35: {  	s10 =	sld [smem:$0x3FB6];
	_ =	sdelay $0x3  }
0x36: {  	p1 =	seq.s32 s10, $0x1;
	s10 =	sld [smem:$0x3FB7];
	_ =	sdelay $0x3  }
0x37: {  	[smem:$0x3FB7] =	sst s10  }
0x38: {  	s10 =	sld [smem:$0x3FB8]  }
0x39: {  	_ = 	snop;
	(pc) =	sbr.ind lr, $3  }
0x3a: {  	_ = 	snop  }
0x3b: {  	_ = 	snop  }
0x3c: {  	p2 =	seq.s32 s10, $0x1;
	s10 =	sld [smem:$0x3FB7]  }
0x3d: {  	_ =	shalt  }
0x3e: {  	_ =	shalt  }
0x3f: {  	_ =	shalt  }
0x40: {  	_ =	shalt  }
0x41: {  	_ =	shalt  }
0x42: {  	_ =	shalt  }
0x43: {  	_ =	shalt  }
0x44: {  	_ =	shalt  }
0x45: {  	_ =	shalt  }
0x46: {  	_ =	shalt  }
0x47: {  	_ =	shalt  }
0x48: {  	_ =	shalt  }
0x49: {  	_ =	shalt  }
0x4a: {  	_ =	shalt  }
0x4b: {  	_ =	shalt  }
0x4c: {  	_ =	shalt  }
0x4d: {  	_ =	shalt  }
0x4e: {  	_ =	shalt  }
0x4f: {  	_ =	shalt  }
0x50: {  	_ =	shalt  }
0x51: {  	_ =	shalt  }
0x52: {  	_ =	shalt  }
0x53: {  	_ =	shalt  }
0x54: {  	_ =	shalt  }
0x55: {  	_ =	shalt  }
0x56: {  	_ =	shalt  }
0x57: {  	_ =	shalt  }
0x58: {  	_ =	shalt  }
0x59: {  	_ =	shalt  }
0x5a: {  	_ =	shalt  }
0x5b: {  	_ =	shalt  }
0x5c: {  	_ =	shalt  }
0x5d: {  	_ =	shalt  }
0x5e: {  	_ =	shalt  }
0x5f: {  	_ =	shalt  }
0x60: {  	_ =	shalt  }
0x61: {  	_ =	shalt  }
0x62: {  	_ =	shalt  }
0x63: {  	_ =	shalt  }
0x64: {  	_ =	shalt  }
0x65: {  	_ =	shalt  }
0x66: {  	_ =	shalt  }
0x67: {  	_ =	shalt  }
0x68: {  	_ =	shalt  }
0x69: {  	_ =	shalt  }
0x6a: {  	_ =	shalt  }
0x6b: {  	_ =	shalt  }
0x6c: {  	_ =	shalt  }
0x6d: {  	_ =	shalt  }
0x6e: {  	_ =	shalt  }
0x6f: {  	_ =	shalt  }
0x70: {  	_ =	shalt  }
0x71: {  	_ =	shalt  }
0x72: {  	_ =	shalt  }
0x73: {  	_ =	shalt  }
0x74: {  	_ =	shalt  }
0x75: {  	_ =	shalt  }
0x76: {  	_ =	shalt  }
0x77: {  	_ =	shalt  }
0x78: {  	_ =	shalt  }
0x79: {  	_ =	shalt  }
0x7a: {  	_ =	shalt  }
0x7b: {  	_ =	shalt  }
0x7c: {  	_ =	shalt  }
0x7d: {  	_ =	shalt  }
0x7e: {  	_ =	shalt  }
0x7f: {  	_ =	shalt  }
0x80: {  	_ =	shalt  }
0x81: {  	_ =	shalt  }
0x82: {  	_ =	shalt  }
0x83: {  	_ =	shalt  }
0x84: {  	_ =	shalt  }
0x85: {  	_ =	shalt  }
0x86: {  	_ =	shalt  }
0x87: {  	_ =	shalt  }
.Lfunc_end0:
.L_simem_size_0:
called_computation_lowered:
.L_overlay_start_0:
0x88: {  	s2 =	sld [smem:$0x3FD9]  }
0x89: {  	s3 =	sld [smem:$0x3FFE];
	_ =	sdelay $0x1  }
0x8a: {  	s1 =	srdreg.scid  }
0x8b: {  	s0 =	sand.u32 $0x1, s1  }
0x8c: {  	s17 =	sshll.u32 s0, $0xA;
	s2 =	sadd.s32 s3, s2  }
0x8d: {  	s2 =	sadd.s32 s2, s17  }
0x8e: {  	[smem:$0x3FC3] =	sst s2  }
0x8f: {  	_ = 	snop  }
0x90: {  	s2 =	sld [smem:$0x3FC7]  }
0x91: {  	s18 =	sld [smem:$0x3FC6]  }
0x92: {  	s4 =	sld [smem:$0x3FD0];
	(tm) =	ssettm $0x1  }
0x93: {  	s5 =	sld [smem:$0x3FFB];
	_ =	sdelay $0x3  }
0x94: {  	_ =	strace s5  }
0x95: {  	s5 =	sld [smem:$0x3FFC];
	_ =	sdelay $0x3  }
0x96: {  	_ =	strace s5  }
0x97: {  	s5 =	sld [smem:$0x3FFD];
	_ =	sdelay $0x3  }
0x98: {  	_ =	strace s5  }
0x99: {  	_ =	strace $0x8FFFFFFF  }
0x9a: {  	s19 =	sld [smem:$0x3FDB];
	_ =	sdelay $0x1  }
0x9b: {  	s6 =	simm.s32 $_scs_section_size  }
0x9c: {  	s7 =	simm.s32 $_size__tile_overlayer_lowered;
	s8 =	simm.s32 $_tile_overlayer_lowered  }
0x9d: {  	s22 =	simm.s32 $0x1BFF;
	s21 =	sshll.u32 s8, $0x1;
	s5 =	sadd.s32 s6, s19  }
0x9e: {  	s9 =	simm.s32 $0x0;
	s20 =	sshll.u32 s7, $0x1;
	s7 =	sadd.s32 s21, s5  }
0x9f: {  	[timem:s9], [sflag:s22] =	dma.local [hbm:s7], s20  }
0xa0: {  	_ =	swait.ge [sflag:s22], s20  }
0xa1: {  	s6 =	ssub.s32 $0x0, s20;
	[sflag:s22] =	ssyncset.done $0x0  }
0xa2: {  	[sflag:s22] =	ssyncadd.s32 s6;
	_ =	sdelay $0x1  }
0xa3: {  	s23 =	simm.s32 $0x1B8B  }
0xa4: {  	_ =	swait.ge [sflag:s23], $0x1  }
0xa5: {  	[sflag:s23] =	ssyncset.done $0x0  }
0xa6: {  	s25 =	simm.s32 $0x1B8E;
	s24 =	sld [smem:$0x3FFE];
	[sflag:s23] =	ssyncadd.s32 $0xFFFFFFFF  }
0xa7: {  	s26 =	simm.s32 $execute0_lowered;
	[smem:$0x3FD2] =	sst s25  }
0xa8: {  	s7 =	sshll.u32 s26, $0x1;
	_ =	strace $0x80000046;
	[dreg:$0x1] =	wrdreg $0xFFFFFFFF  }
0xa9: {  	s28 =	simm.s32 $_size_execute0_lowered;
	s5 =	sadd.s32 s5, s7;
	[dreg:$0x0] =	wrdreg $0x0  }
0xaa: {  	s7 =	sshll.u32 s28, $0x1;
	[dreg:$0x2] =	wrdreg s5  }
0xab: {  	[dreg:$0x3] =	wrdreg s7  }
0xac: {  	[dreg:$0x4] =	wrdreg $0xC0  }
0xad: {  	_ =	task [dreg:s9], $0x5FFFF  }
0xae: {  	[dreg:$0x1] =	wrdreg $0xFFFFFFFF  }
0xaf: {  	[dreg:$0x0] =	wrdreg $0x60  }
0xb0: {  	[dreg:$0x2] =	wrdreg s4  }
0xb1: {  	[dreg:$0x3] =	wrdreg s2  }
0xb2: {  	[dreg:$0x4] =	wrdreg s18  }
0xb3: {  	[dreg:$0x5] =	wrdreg s24  }
0xb4: {  	[dreg:$0x6] =	wrdreg $0x9  }
0xb5: {  	_ =	task.clear_ibuf [dreg:s9], $0x7FFFF;
	_ =	strace $0x90000046  }
0xb6: {  	s29 =	simm.s32 $0x9;
	_ =	strace $0x80000048  }
0xb7: {  	_ =	swait.ge [sflag:s29], $0x1  }
0xb8: {  	[sflag:s29] =	ssyncadd.s32 $0xFFFFFFFF  }
0xb9: {  	_ =	strace $0x90000048  }
0xba: {  	_ =	sfence  }
0xbb: {  	s30 =	sld [smem:$0x0];
	_ =	sdelay $0x2  }
0xbc: {  	s31 =	sshll.u32 s1, $0xD;
	s1 =	sshrl.u32 s1, $0x2  }
0xbd: {  	s3 =	sand.u32 $0x4000, s31;
	s1 =	sadd.s32 s1, s30  }
0xbe: {  	s0 =	sor.u32 s3, s0;
	s1 =	sshll.u32 s1, $0x11  }
0xbf: {  	s0 =	sor.u32 s1, s0  }
0xc0: {  	s0 =	sadd.s32 $0x8F2B, s0  }
0xc1: {  	[sflag:s0] =	ssyncadd.remote.s32 $0x1  }
0xc2: {  	_ =	sfence.sel $0xFFFF  }
0xc3: {  	[dreg:$0x0] =	wrdreg $0xFFFFFFFF;
	(pc) =	sbr.abs _section_cstart, $3  }
0xc4: {  	[dreg:$0x1] =	wrdreg $0xFFFFFFFF  }
0xc5: {  	_ =	task.clear_ibuf [dreg:s9], $0x2FFFF;
	_ =	strace $0x9FFFFFFF  }
0xc6: {  	(tm) =	ssettm $0x7FFFFFFF  }
0xc7: {  	_ =	shalt  }
tec
execute0_lowered:
.L_overlay_start_1:
0x0: {  	(tag) =	ssettag $0x1  }
0x1: {  	s0 =	rddreg [dreg:$0x0]  }
0x2: {  	s1 =	rddreg [dreg:$0x1]  }
0x3: {  	s2 =	rddreg [dreg:$0x2]  }
0x4: {  	s3 =	rddreg [dreg:$0x3];
	s4 =	simm.s32 $0x0  }
0x5: {  	s5 =	srdreg.scid;
	s12 =	stileid.u32;
	s16 =	simm.s32 $0x70  }
0x6: {  	s28 =	simm.s32 $0x5;
	s13 =	simm.s32 $0xF;
	s14 =	simm.s32 $0x10  }
0x7: {  	s30 =	simm.s32 $0x8C00;
	s31 =	simm.s32 $0xC400;
	[smem:$0x7FF] =	sst s4  }
0x8: {  	s5 =	sand.u32 $0x1, s5;
	s6 =	sshll.u32 s12, $0x1;
	s22 =	smul.u32 $0x38000, s12  }
0x9: {  	s6 =	sor.u32 s5, s6;
	s8 =	ssub.s32 $0x2, s5;
	s5 =	smul.u32 $0x1C000, s5  }
0xa: {  	s7 =	sadd.s32 $0xA00, s3;
	s3 =	sadd.s32 $0x380A00, s3;
	s9 =	smul.u32 $0x1C00, s6  }
0xb: {  	s12 =	simm.s32 $0xC;
	_ =	strace $0x80000047;
	s11 =	smul.u32 $0x1C000, s6  }
0xc: {  	s10 =	sshrl.u32 s8, $0x1;
	s6 =	smul.u32 $0xE0000, s6;
	s25 =	sadd.s32 s22, s7  }
0xd: {  	s8 =	ssub.s32 s8, s10;
	s10 =	simm.s32 $0x8;
	s9 =	sshrl.u32 s9, $0x3  }
0xe: {  	s17 =	sadd.s32 s7, s11;
	s18 =	sor.u32 $0x700, s11;
	s19 =	sadd.s32 s3, s11  }
0xf: {  	s6 =	sshrl.u32 s6, $0x3;
	s26 =	smax.u32 s8, $0x1;
	[dreg:$0x8] =	wrdreg s17  }
0x10: {  	s8 =	simm.s32 $0xE;
	s11 =	simm.s32 $0xB;
	[dreg:$0x9] =	wrdreg s19  }
0x11: {  	s0 =	sadd.s32 s0, s9;
	s20 =	sadd.s32 s7, s18;
	[dreg:$0x10] =	wrdreg s26  }
0x12: {  	s21 =	sadd.s32 $0x1B200, s6;
	s6 =	sadd.s32 $0x1B900, s6;
	[dreg:$0x7] =	wrdreg s0  }
0x13: {  	s19 =	simm.s32 $0x1C00;
	[dreg:$0xa] =	wrdreg s20;
	s0 =	sadd.s32 s3, s18  }
0x14: {  	s9 =	simm.s32 $0x7;
	s23 =	sadd.s32 s7, s21;
	[dreg:$0xb] =	wrdreg s0  }
0x15: {  	s24 =	sadd.s32 s7, s6;
	s6 =	sadd.s32 s3, s6;
	[dreg:$0xc] =	wrdreg s23  }
0x16: {  	s20 =	simm.s32 $0x5400;
	s7 =	simm.s32 $0xD;
	[dreg:$0xe] =	wrdreg s24  }
0x17: {  	s0 =	sadd.s32 s3, s21;
	[dreg:$0xf] =	wrdreg s6;
	s3 =	sadd.s32 s22, s3  }
0x18: {  	s23 =	simm.s32 $0x8C00;
	s24 =	simm.s32 $0xC400;
	s22 =	simm.s32 $0x1  }
0x19: {  	s6 =	simm.s32 $0x4;
	[dreg:$0xd] =	wrdreg s0;
	s0 =	sadd.s32 s5, s25  }
0x1a: {  	s29 =	sadd.s32 s5, s3;
	s25 =	simm.s32 $0x2;
	[dreg:$0x5] =	wrdreg s0  }
0x1b: {  	s3 =	simm.s32 $0x0;
	[dreg:$0x6] =	wrdreg s29;
	s0 =	simm.s32 $0x6  }
.LBB2_1:
0x1c: {  	[dreg:$0x11] =	wrdreg s3  }
0x1d: {  	s15 =	rddreg [dreg:$0x7];
	s3 =	simm.s32 $0x11  }
0x1e: {  	[tilespmem:s4], [sflag:$0x11] =	stream.linear.gather [hbm4b:s15+s4], $0x1C00, $0x38;
	[tilespmem:$0x1DC00] =	vst v63  }
0x1f: {  	_ =	swait.ge [sflag:s3], $0x1C00  }
0x20: {  	[sflag:s3] =	ssyncset.done $0x0  }
0x21: {  	[sflag:s3] =	ssyncadd.s32 $0xFFFFE400  }
0x22: {  	[tilespmem:s19], [sflag:$0x1] =	stream.indirect.gather [hbm4b:s1+s16], $0x80, s4, s16, $0xb8;
	[tilespmem:$0x1DC00] =	vst v63  }
0x23: {  	_ = 	snop  }
0x24: {  	[tilespmem:s20], [sflag:$0x2] =	stream.indirect.gather [hbm4b:s2+s16], $0x80, s4, s16, $0xb8;
	[tilespmem:$0x1DC00] =	vst v63  }
0x25: {  	_ = 	snop  }
0x26: {  	[tilespmem:s23], [sflag:$0x5] =	stream.indirect.gather [hbm4b:s1+s16], $0x80, s16, s16, $0xb8;
	[tilespmem:$0x1DC00] =	vst v63  }
0x27: {  	_ = 	snop  }
0x28: {  	[tilespmem:s24], [sflag:$0x6] =	stream.indirect.gather [hbm4b:s2+s16], $0x80, s16, s16, $0xb8;
	[tilespmem:$0x1DC00] =	vst v63  }
0x29: {  	_ =	swait.ge [sflag:s22], $0x3800  }
0x2a: {  	[sflag:s22] =	ssyncset.done $0x0  }
0x2b: {  	[sflag:s22] =	ssyncadd.s32 $0xFFFFC800  }
0x2c: {  	_ =	swait.ge [sflag:s25], $0x3800  }
0x2d: {  	[sflag:s25] =	ssyncset.done $0x0  }
0x2e: {  	s5 =	rddreg [dreg:$0x8];
	[sflag:s25] =	ssyncadd.s32 $0xFFFFC800  }
0x2f: {  	[hbm4b:s5+s4] =	stream.linear.scatter [tilespmem:s19], [sflag:$0x3], $0x3800, $0x38;
	[tilespmem:$0x1DC00] =	vst v63  }
0x30: {  	s17 =	rddreg [dreg:$0x9]  }
0x31: {  	[hbm4b:s17+s4] =	stream.linear.scatter [tilespmem:s20], [sflag:$0x4], $0x3800, $0x38;
	[tilespmem:$0x1DC00] =	vst v63  }
0x32: {  	s18 =	simm.s32 $0xE0;
	s21 =	simm.s32 $0xFC00  }
0x33: {  	[tilespmem:s21], [sflag:$0x9] =	stream.indirect.gather [hbm4b:s1+s16], $0x80, s18, s16, $0xb8;
	[tilespmem:$0x1DC00] =	vst v63  }
0x34: {  	s26 =	simm.s32 $0x13400  }
0x35: {  	[tilespmem:s26], [sflag:$0xA] =	stream.indirect.gather [hbm4b:s2+s16], $0x80, s18, s16, $0xb8;
	[tilespmem:$0x1DC00] =	vst v63  }
0x36: {  	_ =	swait.ge [sflag:s28], $0x3800  }
0x37: {  	[sflag:s28] =	ssyncset.done $0x0  }
0x38: {  	[sflag:s28] =	ssyncadd.s32 $0xFFFFC800  }
0x39: {  	_ =	swait.ge [sflag:s0], $0x3800  }
0x3a: {  	[sflag:s0] =	ssyncset.done $0x0  }
0x3b: {  	s3 =	rddreg [dreg:$0xa];
	[sflag:s0] =	ssyncadd.s32 $0xFFFFC800  }
0x3c: {  	[hbm4b:s3+s4] =	stream.linear.scatter [tilespmem:s23], [sflag:$0x7], $0x3800, $0x38;
	[tilespmem:$0x1DC00] =	vst v63  }
0x3d: {  	s5 =	rddreg [dreg:$0xb]  }
0x3e: {  	[hbm4b:s5+s4] =	stream.linear.scatter [tilespmem:s24], [sflag:$0x8], $0x3800, $0x38;
	[tilespmem:$0x1DC00] =	vst v63  }
0x3f: {  	s17 =	simm.s32 $0x150;
	s3 =	simm.s32 $0x16C00  }
0x40: {  	[tilespmem:s3], [sflag:$0xD] =	stream.indirect.gather [hbm4b:s1+s16], $0x80, s17, s16, $0xb8;
	[tilespmem:$0x1DC00] =	vst v63  }
0x41: {  	s18 =	simm.s32 $0x9;
	s5 =	simm.s32 $0x1A400  }
0x42: {  	[tilespmem:s5], [sflag:$0xE] =	stream.indirect.gather [hbm4b:s2+s16], $0x80, s17, s16, $0xb8;
	[tilespmem:$0x1DC00] =	vst v63  }
0x43: {  	_ =	swait.ge [sflag:s18], $0x3800  }
0x44: {  	[sflag:s18] =	ssyncset.done $0x0  }
0x45: {  	[sflag:s18] =	ssyncadd.s32 $0xFFFFC800;
	s18 =	simm.s32 $0xA  }
0x46: {  	_ =	swait.ge [sflag:s18], $0x3800  }
0x47: {  	s15 =	rddreg [dreg:$0x5]  }
0x48: {  	s17 =	rddreg [dreg:$0x6];
	[sflag:s18] =	ssyncset.done $0x0;
	s15 =	sadd.s32 $0x0, s15  }
0x49: {  	[sflag:s18] =	ssyncadd.s32 $0xFFFFC800;
	s17 =	sadd.s32 $0x0, s17;
	s18 =	sadd.s32 $0xE00, s15  }
0x4a: {  	[hbm4b:s18+s4] =	stream.linear.scatter [tilespmem:s21], [sflag:$0xB], $0x3800, $0x38;
	[tilespmem:$0x1DC00] =	vst v63  }
0x4b: {  	s18 =	sadd.s32 $0xE00, s17  }
0x4c: {  	[hbm4b:s18+s4] =	stream.linear.scatter [tilespmem:s26], [sflag:$0xC], $0x3800, $0x38;
	[tilespmem:$0x1DC00] =	vst v63  }
0x4d: {  	s18 =	simm.s32 $0x3  }
0x4e: {  	_ =	swait.ge [sflag:s18], $0x3800  }
0x4f: {  	[sflag:s18] =	ssyncset.done $0x0  }
0x50: {  	[sflag:s18] =	ssyncadd.s32 $0xFFFFC800  }
0x51: {  	_ =	swait.ge [sflag:s6], $0x3800  }
0x52: {  	[sflag:s6] =	ssyncset.done $0x0  }
0x53: {  	s18 =	simm.s32 $0x1C0;
	[sflag:s6] =	ssyncadd.s32 $0xFFFFC800  }
0x54: {  	[tilespmem:s19], [sflag:$0x1] =	stream.indirect.gather [hbm4b:s1+s16], $0x80, s18, s16, $0xb8;
	[tilespmem:$0x1DC00] =	vst v63  }
0x55: {  	_ = 	snop  }
0x56: {  	[tilespmem:s20], [sflag:$0x2] =	stream.indirect.gather [hbm4b:s2+s16], $0x80, s18, s16, $0xb8;
	[tilespmem:$0x1DC00] =	vst v63  }
0x57: {  	_ =	swait.ge [sflag:s7], $0x3800  }
0x58: {  	[sflag:s7] =	ssyncset.done $0x0  }
0x59: {  	[sflag:s7] =	ssyncadd.s32 $0xFFFFC800  }
0x5a: {  	_ =	swait.ge [sflag:s8], $0x3800  }
0x5b: {  	[sflag:s8] =	ssyncset.done $0x0  }
0x5c: {  	s18 =	sadd.s32 $0x1500, s15;
	[sflag:s8] =	ssyncadd.s32 $0xFFFFC800  }
0x5d: {  	[hbm4b:s18+s4] =	stream.linear.scatter [tilespmem:s3], [sflag:$0xF], $0x3800, $0x38;
	[tilespmem:$0x1DC00] =	vst v63  }
0x5e: {  	s18 =	sadd.s32 $0x1500, s17  }
0x5f: {  	[hbm4b:s18+s4] =	stream.linear.scatter [tilespmem:s5], [sflag:$0x10], $0x3800, $0x38;
	[tilespmem:$0x1DC00] =	vst v63  }
0x60: {  	_ =	swait.ge [sflag:s9], $0x3800  }
0x61: {  	[sflag:s9] =	ssyncset.done $0x0  }
0x62: {  	[sflag:s9] =	ssyncadd.s32 $0xFFFFC800  }
0x63: {  	_ =	swait.ge [sflag:s10], $0x3800  }
0x64: {  	[sflag:s10] =	ssyncset.done $0x0  }
0x65: {  	s5 =	simm.s32 $0x230;
	[sflag:s10] =	ssyncadd.s32 $0xFFFFC800  }
0x66: {  	[tilespmem:s23], [sflag:$0x5] =	stream.indirect.gather [hbm4b:s1+s16], $0x80, s5, s16, $0xb8;
	[tilespmem:$0x1DC00] =	vst v63  }
0x67: {  	_ = 	snop  }
0x68: {  	[tilespmem:s24], [sflag:$0x6] =	stream.indirect.gather [hbm4b:s2+s16], $0x80, s5, s16, $0xb8;
	[tilespmem:$0x1DC00] =	vst v63  }
0x69: {  	_ =	swait.ge [sflag:s22], $0x3800  }
0x6a: {  	[sflag:s22] =	ssyncset.done $0x0  }
0x6b: {  	[sflag:s22] =	ssyncadd.s32 $0xFFFFC800  }
0x6c: {  	_ =	swait.ge [sflag:s25], $0x3800  }
0x6d: {  	[sflag:s25] =	ssyncset.done $0x0  }
0x6e: {  	s5 =	sadd.s32 $0x1C00, s15;
	[sflag:s25] =	ssyncadd.s32 $0xFFFFC800  }
0x6f: {  	[hbm4b:s5+s4] =	stream.linear.scatter [tilespmem:s19], [sflag:$0x3], $0x3800, $0x38;
	[tilespmem:$0x1DC00] =	vst v63  }
0x70: {  	s22 =	sadd.s32 $0x1C00, s17  }
0x71: {  	[hbm4b:s22+s4] =	stream.linear.scatter [tilespmem:s20], [sflag:$0x4], $0x3800, $0x38;
	[tilespmem:$0x1DC00] =	vst v63  }
0x72: {  	_ =	swait.ge [sflag:s11], $0x3800  }
0x73: {  	[sflag:s11] =	ssyncset.done $0x0  }
0x74: {  	[sflag:s11] =	ssyncadd.s32 $0xFFFFC800  }
0x75: {  	_ =	swait.ge [sflag:s12], $0x3800  }
0x76: {  	[sflag:s12] =	ssyncset.done $0x0  }
0x77: {  	s25 =	simm.s32 $0x2A0;
	[sflag:s12] =	ssyncadd.s32 $0xFFFFC800  }
0x78: {  	[tilespmem:s21], [sflag:$0x9] =	stream.indirect.gather [hbm4b:s1+s16], $0x80, s25, s16, $0xb8;
	[tilespmem:$0x1DC00] =	vst v63  }
0x79: {  	_ = 	snop  }
0x7a: {  	[tilespmem:s26], [sflag:$0xA] =	stream.indirect.gather [hbm4b:s2+s16], $0x80, s25, s16, $0xb8;
	[tilespmem:$0x1DC00] =	vst v63  }
0x7b: {  	_ =	swait.ge [sflag:s28], $0x3800  }
0x7c: {  	[sflag:s28] =	ssyncset.done $0x0  }
0x7d: {  	[sflag:s28] =	ssyncadd.s32 $0xFFFFC800  }
0x7e: {  	_ =	swait.ge [sflag:s0], $0x3800  }
0x7f: {  	[sflag:s0] =	ssyncset.done $0x0  }
0x80: {  	s15 =	sadd.s32 $0x2300, s15;
	[sflag:s0] =	ssyncadd.s32 $0xFFFFC800  }
0x81: {  	[hbm4b:s15+s4] =	stream.linear.scatter [tilespmem:s23], [sflag:$0x7], $0x3800, $0x38;
	[tilespmem:$0x1DC00] =	vst v63  }
0x82: {  	s28 =	sadd.s32 $0x2300, s17  }
0x83: {  	[hbm4b:s28+s4] =	stream.linear.scatter [tilespmem:s24], [sflag:$0x8], $0x3800, $0x38;
	[tilespmem:$0x1DC00] =	vst v63  }
0x84: {  	_ =	swait.ge [sflag:s13], $0x3800  }
0x85: {  	[sflag:s13] =	ssyncset.done $0x0  }
0x86: {  	s29 =	simm.s32 $0x310;
	s22 =	simm.s32 $0x1;
	[sflag:s13] =	ssyncadd.s32 $0xFFFFC800  }
0x87: {  	s26 =	simm.s32 $0x2;
	s25 =	simm.s32 $0x5400;
	_ =	swait.ge [sflag:s14], $0x3800  }
0x88: {  	s0 =	simm.s32 $0x6;
	s15 =	simm.s32 $0x1C00;
	[sflag:s14] =	ssyncset.done $0x0  }
0x89: {  	s23 =	simm.s32 $0x310;
	s24 =	simm.s32 $0x1C00;
	[sflag:s14] =	ssyncadd.s32 $0xFFFFC800  }
0x8a: {  	[tilespmem:s3], [sflag:$0xD] =	stream.indirect.gather [hbm4b:s1+s16], $0x80, s29, s16, $0xb8;
	[tilespmem:$0x1DC00] =	vst v63  }
.LBB2_2:
0x8b: {  	s5 =	simm.s32 $0x1A400;
	s3 =	simm.s32 $0x9  }
0x8c: {  	[tilespmem:s5], [sflag:$0xE] =	stream.indirect.gather [hbm4b:s2+s16], $0x80, s23, s16, $0xb8;
	[tilespmem:$0x1DC00] =	vst v63  }
0x8d: {  	_ =	swait.ge [sflag:s3], $0x3800  }
0x8e: {  	[sflag:s3] =	ssyncset.done $0x0  }
0x8f: {  	s21 =	simm.s32 $0xA;
	[sflag:s3] =	ssyncadd.s32 $0xFFFFC800  }
0x90: {  	_ =	swait.ge [sflag:s21], $0x3800  }
0x91: {  	s18 =	smov.u32 s15;
	s17 =	rddreg [dreg:$0x5];
	[sflag:s21] =	ssyncset.done $0x0  }
0x92: {  	s19 =	rddreg [dreg:$0x6];
	[sflag:s21] =	ssyncadd.s32 $0xFFFFC800;
	s17 =	sadd.s32 s18, s17  }
0x93: {  	s18 =	sadd.s32 s18, s19;
	s21 =	simm.s32 $0xFC00;
	s20 =	sadd.s32 $0xE00, s17  }
0x94: {  	[hbm4b:s20+s4] =	stream.linear.scatter [tilespmem:s21], [sflag:$0xB], $0x3800, $0x38;
	[tilespmem:$0x1DC00] =	vst v63  }
0x95: {  	s28 =	simm.s32 $0x13400;
	s19 =	sadd.s32 $0xE00, s18;
	s20 =	simm.s32 $0x3  }
0x96: {  	[hbm4b:s19+s4] =	stream.linear.scatter [tilespmem:s28], [sflag:$0xC], $0x3800, $0x38;
	[tilespmem:$0x1DC00] =	vst v63  }
0x97: {  	_ =	swait.ge [sflag:s20], $0x3800  }
0x98: {  	[sflag:s20] =	ssyncset.done $0x0  }
0x99: {  	[sflag:s20] =	ssyncadd.s32 $0xFFFFC800  }
0x9a: {  	_ =	swait.ge [sflag:s6], $0x3800  }
0x9b: {  	s29 =	sadd.s32 $0x1C0, s29;
	[sflag:s6] =	ssyncset.done $0x0  }
0x9c: {  	s3 =	sadd.s32 $0xFFFFFEB0, s29;
	[sflag:s6] =	ssyncadd.s32 $0xFFFFC800  }
0x9d: {  	[tilespmem:s24], [sflag:$0x1] =	stream.indirect.gather [hbm4b:s1+s16], $0x80, s3, s16, $0xb8;
	[tilespmem:$0x1DC00] =	vst v63  }
0x9e: {  	_ = 	snop  }
0x9f: {  	[tilespmem:s25], [sflag:$0x2] =	stream.indirect.gather [hbm4b:s2+s16], $0x80, s3, s16, $0xb8;
	[tilespmem:$0x1DC00] =	vst v63  }
0xa0: {  	_ =	swait.ge [sflag:s7], $0x3800  }
0xa1: {  	[sflag:s7] =	ssyncset.done $0x0  }
0xa2: {  	[sflag:s7] =	ssyncadd.s32 $0xFFFFC800  }
0xa3: {  	_ =	swait.ge [sflag:s8], $0x3800  }
0xa4: {  	[sflag:s8] =	ssyncset.done $0x0  }
0xa5: {  	s19 =	sadd.s32 $0x1500, s17;
	s3 =	simm.s32 $0x16C00;
	[sflag:s8] =	ssyncadd.s32 $0xFFFFC800  }
0xa6: {  	[hbm4b:s19+s4] =	stream.linear.scatter [tilespmem:s3], [sflag:$0xF], $0x3800, $0x38;
	[tilespmem:$0x1DC00] =	vst v63  }
0xa7: {  	s20 =	sadd.s32 $0x1500, s18  }
0xa8: {  	[hbm4b:s20+s4] =	stream.linear.scatter [tilespmem:s5], [sflag:$0x10], $0x3800, $0x38;
	[tilespmem:$0x1DC00] =	vst v63  }
0xa9: {  	_ =	swait.ge [sflag:s9], $0x3800  }
0xaa: {  	[sflag:s9] =	ssyncset.done $0x0  }
0xab: {  	[sflag:s9] =	ssyncadd.s32 $0xFFFFC800  }
0xac: {  	_ =	swait.ge [sflag:s10], $0x3800  }
0xad: {  	[sflag:s10] =	ssyncset.done $0x0  }
0xae: {  	s5 =	sadd.s32 $0xFFFFFF20, s29;
	[sflag:s10] =	ssyncadd.s32 $0xFFFFC800  }
0xaf: {  	[tilespmem:s30], [sflag:$0x5] =	stream.indirect.gather [hbm4b:s1+s16], $0x80, s5, s16, $0xb8;
	[tilespmem:$0x1DC00] =	vst v63  }
0xb0: {  	_ = 	snop  }
0xb1: {  	[tilespmem:s31], [sflag:$0x6] =	stream.indirect.gather [hbm4b:s2+s16], $0x80, s5, s16, $0xb8;
	[tilespmem:$0x1DC00] =	vst v63  }
0xb2: {  	_ =	swait.ge [sflag:s22], $0x3800  }
0xb3: {  	[sflag:s22] =	ssyncset.done $0x0  }
0xb4: {  	[sflag:s22] =	ssyncadd.s32 $0xFFFFC800  }
0xb5: {  	_ =	swait.ge [sflag:s26], $0x3800  }
0xb6: {  	[sflag:s26] =	ssyncset.done $0x0  }
0xb7: {  	s20 =	sadd.s32 $0x1C00, s17;
	[sflag:s26] =	ssyncadd.s32 $0xFFFFC800  }
0xb8: {  	[hbm4b:s20+s4] =	stream.linear.scatter [tilespmem:s24], [sflag:$0x3], $0x3800, $0x38;
	[tilespmem:$0x1DC00] =	vst v63  }
0xb9: {  	s5 =	sadd.s32 $0x1C00, s18  }
0xba: {  	[hbm4b:s5+s4] =	stream.linear.scatter [tilespmem:s25], [sflag:$0x4], $0x3800, $0x38;
	[tilespmem:$0x1DC00] =	vst v63  }
0xbb: {  	_ =	swait.ge [sflag:s11], $0x3800  }
0xbc: {  	[sflag:s11] =	ssyncset.done $0x0  }
0xbd: {  	[sflag:s11] =	ssyncadd.s32 $0xFFFFC800  }
0xbe: {  	_ =	swait.ge [sflag:s12], $0x3800  }
0xbf: {  	[sflag:s12] =	ssyncset.done $0x0  }
0xc0: {  	s5 =	sadd.s32 $0xFFFFFF90, s29;
	[sflag:s12] =	ssyncadd.s32 $0xFFFFC800  }
0xc1: {  	[tilespmem:s21], [sflag:$0x9] =	stream.indirect.gather [hbm4b:s1+s16], $0x80, s5, s16, $0xb8;
	[tilespmem:$0x1DC00] =	vst v63  }
0xc2: {  	_ = 	snop  }
0xc3: {  	[tilespmem:s28], [sflag:$0xA] =	stream.indirect.gather [hbm4b:s2+s16], $0x80, s5, s16, $0xb8;
	[tilespmem:$0x1DC00] =	vst v63  }
0xc4: {  	s28 =	simm.s32 $0x5  }
0xc5: {  	_ =	swait.ge [sflag:s28], $0x3800  }
0xc6: {  	[sflag:s28] =	ssyncset.done $0x0  }
0xc7: {  	[sflag:s28] =	ssyncadd.s32 $0xFFFFC800  }
0xc8: {  	_ =	swait.ge [sflag:s0], $0x3800  }
0xc9: {  	[sflag:s0] =	ssyncset.done $0x0  }
0xca: {  	s17 =	sadd.s32 $0x2300, s17;
	[sflag:s0] =	ssyncadd.s32 $0xFFFFC800  }
0xcb: {  	[hbm4b:s17+s4] =	stream.linear.scatter [tilespmem:s30], [sflag:$0x7], $0x3800, $0x38;
	[tilespmem:$0x1DC00] =	vst v63  }
0xcc: {  	s18 =	sadd.s32 $0x2300, s18  }
0xcd: {  	[hbm4b:s18+s4] =	stream.linear.scatter [tilespmem:s31], [sflag:$0x8], $0x3800, $0x38;
	[tilespmem:$0x1DC00] =	vst v63  }
0xce: {  	_ =	swait.ge [sflag:s13], $0x3800  }
0xcf: {  	p0 =	sne.s32 s15, $0x18800;
	[sflag:s13] =	ssyncset.done $0x0  }
.Ltmp0:
0xd0: {  	[sflag:s13] =	ssyncadd.s32 $0xFFFFC800;
	(pc) =	sbr.rel @p0 .LBB2_2-.Ltmp0, $4  }
0xd1: {  	s15 =	sadd.s32 $0x1C00, s15;
	_ =	swait.ge [sflag:s14], $0x3800  }
0xd2: {  	s23 =	smov.u32 s29;
	s20 =	simm.s32 $0xFC00;
	[sflag:s14] =	ssyncset.done $0x0  }
0xd3: {  	s21 =	simm.s32 $0x13400;
	s17 =	simm.s32 $0x16C00;
	[sflag:s14] =	ssyncadd.s32 $0xFFFFC800  }
0xd4: {  	[tilespmem:s3], [sflag:$0xD] =	stream.indirect.gather [hbm4b:s1+s16], $0x80, s29, s16, $0xb8;
	[tilespmem:$0x1DC00] =	vst v63  }
0xd5: {  	s3 =	simm.s32 $0x1A400;
	s0 =	simm.s32 $0x9  }
0xd6: {  	[tilespmem:s3], [sflag:$0xE] =	stream.indirect.gather [hbm4b:s2+s16], $0x80, s23, s16, $0xb8;
	[tilespmem:$0x1DC00] =	vst v63  }
0xd7: {  	_ =	swait.ge [sflag:s0], $0x3800  }
0xd8: {  	[sflag:s0] =	ssyncset.done $0x0  }
0xd9: {  	s19 =	simm.s32 $0xA;
	[sflag:s0] =	ssyncadd.s32 $0xFFFFC800  }
0xda: {  	_ =	swait.ge [sflag:s19], $0x3800  }
0xdb: {  	[sflag:s19] =	ssyncset.done $0x0  }
0xdc: {  	s15 =	rddreg [dreg:$0xc];
	[sflag:s19] =	ssyncadd.s32 $0xFFFFC800  }
0xdd: {  	[hbm4b:s15+s4] =	stream.linear.scatter [tilespmem:s20], [sflag:$0xB], $0x3800, $0x38;
	[tilespmem:$0x1DC00] =	vst v63  }
0xde: {  	s23 =	simm.s32 $0x3;
	s22 =	rddreg [dreg:$0xd]  }
0xdf: {  	[hbm4b:s22+s4] =	stream.linear.scatter [tilespmem:s21], [sflag:$0xC], $0x3800, $0x38;
	[tilespmem:$0x1DC00] =	vst v63  }
0xe0: {  	_ =	swait.ge [sflag:s23], $0x3800  }
0xe1: {  	[sflag:s23] =	ssyncset.done $0x0  }
0xe2: {  	[sflag:s23] =	ssyncadd.s32 $0xFFFFC800  }
0xe3: {  	_ =	swait.ge [sflag:s6], $0x3800  }
0xe4: {  	[sflag:s6] =	ssyncset.done $0x0  }
0xe5: {  	[sflag:s6] =	ssyncadd.s32 $0xFFFFC800  }
0xe6: {  	_ =	swait.ge [sflag:s7], $0x3800  }
0xe7: {  	[sflag:s7] =	ssyncset.done $0x0  }
0xe8: {  	[sflag:s7] =	ssyncadd.s32 $0xFFFFC800  }
0xe9: {  	_ =	swait.ge [sflag:s8], $0x3800  }
0xea: {  	[sflag:s8] =	ssyncset.done $0x0  }
0xeb: {  	s24 =	rddreg [dreg:$0xe];
	[sflag:s8] =	ssyncadd.s32 $0xFFFFC800  }
0xec: {  	[hbm4b:s24+s4] =	stream.linear.scatter [tilespmem:s17], [sflag:$0xF], $0x3800, $0x38;
	[tilespmem:$0x1DC00] =	vst v63  }
0xed: {  	s25 =	rddreg [dreg:$0xf]  }
0xee: {  	[hbm4b:s25+s4] =	stream.linear.scatter [tilespmem:s3], [sflag:$0x10], $0x3800, $0x38;
	[tilespmem:$0x1DC00] =	vst v63  }
0xef: {  	_ =	swait.ge [sflag:s9], $0x3800  }
0xf0: {  	[sflag:s9] =	ssyncset.done $0x0  }
0xf1: {  	[sflag:s9] =	ssyncadd.s32 $0xFFFFC800  }
0xf2: {  	_ =	swait.ge [sflag:s10], $0x3800  }
0xf3: {  	[sflag:s10] =	ssyncset.done $0x0  }
0xf4: {  	[sflag:s10] =	ssyncadd.s32 $0xFFFFC800  }
0xf5: {  	_ =	swait.ge [sflag:s11], $0x3800  }
0xf6: {  	[sflag:s11] =	ssyncset.done $0x0  }
0xf7: {  	[sflag:s11] =	ssyncadd.s32 $0xFFFFC800  }
0xf8: {  	_ =	swait.ge [sflag:s12], $0x3800  }
0xf9: {  	[sflag:s12] =	ssyncset.done $0x0  }
0xfa: {  	[sflag:s12] =	ssyncadd.s32 $0xFFFFC800  }
0xfb: {  	_ =	swait.ge [sflag:s13], $0x3800  }
0xfc: {  	[sflag:s13] =	ssyncset.done $0x0  }
0xfd: {  	[sflag:s13] =	ssyncadd.s32 $0xFFFFC800  }
0xfe: {  	_ =	swait.ge [sflag:s14], $0x3800  }
0xff: {  	s26 =	rddreg [dreg:$0x11]  }
0x100: {  	s29 =	rddreg [dreg:$0x10];
	s3 =	sadd.s32 $0x1, s26  }
0x101: {  	p0 =	sne.s32 s3, s29  }
.Ltmp1:
0x102: {  	_ = 	snop;
	(pc) =	sbr.rel @p0 .LBB2_1-.Ltmp1, $4  }
0x103: {  	_ = 	snop  }
0x104: {  	s0 =	simm.s32 $0x6;
	s19 =	simm.s32 $0x1C00;
	s20 =	simm.s32 $0x5400  }
0x105: {  	s22 =	simm.s32 $0x1;
	s23 =	simm.s32 $0x8C00;
	[sflag:s14] =	ssyncset.done $0x0  }
0x106: {  	s24 =	simm.s32 $0xC400;
	s25 =	simm.s32 $0x2;
	[sflag:s14] =	ssyncadd.s32 $0xFFFFC800  }
0x107: {  	_ =	sfence.sel $0x180000  }
0x108: {  	[bflag:$0x0] =	sbarrier.arrive $0xFFFF  }
0x109: {  	_ =	strace $0x90000047  }
0x10a: {  	s0 =	stileid.u32;
	[bflag:$0x2] =	sbarrier.arrive $0xFFFF  }
0x10b: {  	p0 =	sne.s32 s0, $0x0;
	s0 =	rddreg [dreg:$0x4]  }
0x10c: {  	s0 =	sadd.s32 @!p0 $0x100000, s0  }
0x10d: {  	[sflag:s0] =	ssyncadd.tile.s32 @!p0 $0x1;
	_ =	shalt  }
.Lfunc_end2:
_tile_overlayer_lowered:
.L_overlay_start_2:
0x10e: {  	(tag) =	ssettag $0x2  }
0x10f: {  	s0 =	rddreg [dreg:$0x0];
	s2 =	stileid.u32  }
0x110: {  	s1 =	rddreg [dreg:$0x1];
	p0 =	sne.s32 s2, $0x0  }
0x111: {  	s3 =	rddreg [dreg:$0x2];
	[bflag:$0x3] =	sbarrier.arrive $0xFFFF;
	s2 =	simm.s32 @!p0 $0x1C11  }
0x112: {  	[timem:s3], [sflag:s2] =	dma.local @!p0 [hbm:s0], s1  }
0x113: {  	s0 =	simm.s32 @!p0 $0x11  }
0x114: {  	_ =	swait.ge @!p0 [sflag:s0], s1  }
0x115: {  	s1 =	ssub.s32 @!p0 $0x0, s1;
	[sflag:s0] =	ssyncset.done @!p0 $0x0  }
0x116: {  	[sflag:s0] =	ssyncadd.s32 @!p0 s1  }
0x117: {  	[bflag:$0x3] =	sbarrier.arrive $0xFFFF  }
0x118: {  	_ =	shalt  }

</sc_bundles>
